<compile_context>
chip_gen: v7x
topology: tpu7x:2x2x1
jax: 0.10.2.dev20260603
libtpu: 0.0.44.dev20260713+nightly
codegen_flags: <defaults>
</compile_context>

<pallas_src>
import functools

import jax
import jax.numpy as jnp
from jax import lax
from jax.experimental import pallas as pl
from jax.experimental.pallas import tpu as pltpu
from jax.experimental.pallas import tpu_sc as plsc

_N = 10000
_E = 320000
_D = 128
_H = 128
_OUT = 64
_G = 64
_EPS = 1e-5

_NC = 2
_NS = 16
_HH = _H // _NC
_K = 128
_CH2 = 160
_CH = _CH2 // _NC
_EP = _NS * _CH2 * _K
_NB = 4
_NPAD = 10112
_SEG = _NPAD // _NS


def _sc_mesh():
    return plsc.VectorSubcoreMesh(
        core_axis_name="c", subcore_axis_name="s",
        num_cores=_NC, num_subcores=_NS)


@functools.partial(
    pl.kernel,
    out_type=jax.ShapeDtypeStruct((_NC * _NPAD,), jnp.float32),
    mesh=_sc_mesh(),
    scratch_types=[
        pltpu.VMEM((_CH, _K), jnp.int32),
        pltpu.VMEM((_K,), jnp.float32),
        pltpu.VMEM((640,), jnp.float32),
        pltpu.VMEM_SHARED((_NPAD,), jnp.float32),
        pltpu.SemaphoreType.DMA,
    ],
)
def _sc_degree(c_hbm, out_hbm, idx_v, ones_v, zbuf, deg_sh, sem):
    cid = lax.axis_index("c")
    sid = lax.axis_index("s")

    @pl.loop(0, 40)
    def _fill_z(i):
        zbuf[pl.ds(pl.multiple_of(i * 16, 16), 16)] = jnp.zeros((16,), jnp.float32)

    @pl.loop(0, 8)
    def _fill_1(i):
        ones_v[pl.ds(pl.multiple_of(i * 16, 16), 16)] = jnp.ones((16,), jnp.float32)

    off = pl.multiple_of(sid * _SEG, 8)
    pltpu.sync_copy(zbuf.at[pl.ds(0, _SEG)], deg_sh.at[pl.ds(off, _SEG)])
    pltpu.sync_copy(c_hbm.at[sid, pl.ds(pl.multiple_of(cid * _CH, 8), _CH)],
                    idx_v)
    plsc.subcore_barrier()

    @pl.loop(0, _CH, step=8)
    def _chunks(j):
        descs = [
            pltpu.async_copy(ones_v, deg_sh.at[idx_v.at[j + b]], sem, add=True)
            for b in range(8)
        ]
        for d in descs:
            d.wait()

    plsc.subcore_barrier()
    out_off = pl.multiple_of(cid * _NPAD + sid * _SEG, 8)
    pltpu.sync_copy(deg_sh.at[pl.ds(off, _SEG)], zbuf.at[pl.ds(0, _SEG)])
    pltpu.sync_copy(zbuf.at[pl.ds(0, _SEG)], out_hbm.at[pl.ds(out_off, _SEG)])


@functools.partial(
    pl.kernel,
    out_type=jax.ShapeDtypeStruct((_NC, _NPAD, _HH), jnp.float32),
    mesh=_sc_mesh(),
    scratch_types=[
        pltpu.VMEM((_CH2, _K), jnp.int32),
        pltpu.VMEM((_CH2, _K), jnp.int32),
        pltpu.VMEM((_NB, _K, _HH), jnp.float32),
        pltpu.VMEM_SHARED((_NPAD, _HH), jnp.float32),
        [pltpu.SemaphoreType.DMA] * _NB,
        [pltpu.SemaphoreType.DMA] * _NB,
    ],
    compiler_params=pltpu.CompilerParams(use_tc_tiling_on_sc=False),
)
def _sc_msg(y_hbm, r_hbm, c_hbm, out_hbm,
            r_v, c_v, ring, agg_sh, sg, ss):
    cid = lax.axis_index("c")
    sid = lax.axis_index("s")
    base = pl.multiple_of(sid * _SEG, 8)
    ytab = y_hbm.at[cid]
    g = [ring.at[b] for b in range(_NB)]

    @pl.loop(0, _K)
    def _fill_z(i):
        for t in range(_HH // 16):
            ring[0, i, pl.ds(t * 16, 16)] = jnp.zeros((16,), jnp.float32)

    for t in range(4):
        pltpu.sync_copy(g[0], agg_sh.at[pl.ds(base + t * _K, _K)])
    pltpu.sync_copy(g[0].at[pl.ds(0, _SEG - 4 * _K)],
                    agg_sh.at[pl.ds(base + 4 * _K, _SEG - 4 * _K)])
    pltpu.sync_copy(r_hbm.at[sid], r_v)
    pltpu.sync_copy(c_hbm.at[sid], c_v)
    plsc.subcore_barrier()

    def wait_g(b, jj):
        pltpu.make_async_copy(ytab.at[r_v.at[jj]], g[b], sg[b]).wait()

    def wait_s(b, jj):
        pltpu.make_async_copy(g[b], agg_sh.at[c_v.at[jj]], ss[b]).wait()

    _LOOK = _NB // 2
    for b in range(_LOOK):
        pltpu.async_copy(ytab.at[r_v.at[b]], g[b], sg[b])
    for jj in range(_LOOK):
        wait_g(jj, jj)
        pltpu.async_copy(g[jj], agg_sh.at[c_v.at[jj]], ss[jj], add=True)
        bf = jj + _LOOK
        pltpu.async_copy(ytab.at[r_v.at[bf]], g[bf], sg[bf])

    @pl.loop(_LOOK, _CH2 - _LOOK, step=_NB)
    def _chunks(j):
        for b8 in range(_NB):
            jj = j + b8
            b = (b8 + _LOOK) % _NB
            wait_g(b, jj)
            pltpu.async_copy(g[b], agg_sh.at[c_v.at[jj]], ss[b], add=True)
            bf = (b + _LOOK) % _NB
            wait_s(bf, jj - _LOOK)
            pltpu.async_copy(ytab.at[r_v.at[jj + _LOOK]], g[bf], sg[bf])

    for t in range(_LOOK):
        jj = _CH2 - _LOOK + t
        b = jj % _NB
        wait_g(b, jj)
        pltpu.async_copy(g[b], agg_sh.at[c_v.at[jj]], ss[b], add=True)
    for t in range(_NB):
        jj = _CH2 - _NB + t
        wait_s(jj % _NB, jj)

    plsc.subcore_barrier()
    tail = _SEG - 4 * _K
    pltpu.sync_copy(agg_sh.at[pl.ds(base, _K)], g[0])
    for t in range(5):
        cur = g[t % 2]
        nxt = g[(t + 1) % 2]
        if t < 3:
            pltpu.async_copy(agg_sh.at[pl.ds(base + (t + 1) * _K, _K)],
                             nxt, sg[(t + 1) % 2])
        elif t == 3:
            pltpu.async_copy(agg_sh.at[pl.ds(base + 4 * _K, tail)],
                             nxt.at[pl.ds(0, tail)], sg[(t + 1) % 2])
        if t < 4:
            pltpu.sync_copy(cur, out_hbm.at[cid, pl.ds(base + t * _K, _K)])
        else:
            pltpu.sync_copy(cur.at[pl.ds(0, tail)],
                            out_hbm.at[cid, pl.ds(base + 4 * _K, tail)])
        if t < 3:
            pltpu.make_async_copy(agg_sh.at[pl.ds(base, _K)], nxt,
                                  sg[(t + 1) % 2]).wait()
        elif t == 3:
            pltpu.make_async_copy(agg_sh.at[pl.ds(base, tail)],
                                  nxt.at[pl.ds(0, tail)],
                                  sg[(t + 1) % 2]).wait()


def _tc_pre(x, W1, deg3):
    def body(x_ref, w_ref, deg_ref, xw_ref, y_ref, dinv_ref):
        deg = deg_ref[0] + deg_ref[1] + 1.0
        dinv = lax.rsqrt(deg)
        xw = jnp.dot(x_ref[...], w_ref[...], preferred_element_type=jnp.float32,
                     precision=lax.Precision.HIGHEST)
        xw_ref[...] = xw
        y = xw * dinv
        y_ref[0] = y[:, :_HH]
        y_ref[1] = y[:, _HH:]
        dinv_ref[...] = dinv

    return pl.pallas_call(
        body,
        out_shape=[
            jax.ShapeDtypeStruct((_N, _H), jnp.float32),
            jax.ShapeDtypeStruct((_NC, _N, _HH), jnp.float32),
            jax.ShapeDtypeStruct((_N, 1), jnp.float32),
        ],
        compiler_params=pltpu.CompilerParams(
            vmem_limit_bytes=100 * 1024 * 1024),
    )(x, W1, deg3)


def _tc_mid(agg, xw, dinv, b, g, be, W2):
    def body(a_ref, xw_ref, dinv_ref, b_ref, g_ref, be_ref, w_ref,
             xw2_ref, y2_ref):
        dinv = dinv_ref[...]
        edge = jnp.concatenate([a_ref[0, :_N], a_ref[1, :_N]], axis=1)
        t = edge * dinv + xw_ref[...] * (dinv * dinv) + b_ref[...]
        mu = jnp.mean(t, axis=0, keepdims=True)
        var = jnp.mean((t - mu) ** 2, axis=0, keepdims=True)
        h = jnp.maximum((t - mu) * lax.rsqrt(var + _EPS) * g_ref[...]
                        + be_ref[...], 0.0)
        xw2 = jnp.dot(h, w_ref[...], preferred_element_type=jnp.float32,
                     precision=lax.Precision.HIGHEST)
        xw2_ref[...] = xw2
        y2 = xw2 * dinv
        y2_ref[0] = y2[:, :_HH]
        y2_ref[1] = y2[:, _HH:]

    return pl.pallas_call(
        body,
        out_shape=[
            jax.ShapeDtypeStruct((_N, _H), jnp.float32),
            jax.ShapeDtypeStruct((_NC, _N, _HH), jnp.float32),
        ],
        compiler_params=pltpu.CompilerParams(
            vmem_limit_bytes=100 * 1024 * 1024),
    )(agg, xw, dinv, b, g, be, W2)


def _tc_post(agg, xw, dinv, b, g, be, batch_row, Wfc, bfc):
    def body(a_ref, xw_ref, dinv_ref, b_ref, g_ref, be_ref, batch_ref,
             wfc_ref, bfc_ref, out_ref):
        dinv = dinv_ref[...]
        edge = jnp.concatenate([a_ref[0, :_N], a_ref[1, :_N]], axis=1)
        t = edge * dinv + xw_ref[...] * (dinv * dinv) + b_ref[...]
        mu = jnp.mean(t, axis=0, keepdims=True)
        var = jnp.mean((t - mu) ** 2, axis=0, keepdims=True)
        h = jnp.maximum((t - mu) * lax.rsqrt(var + _EPS) * g_ref[...]
                        + be_ref[...], 0.0)
        gi = lax.broadcasted_iota(jnp.int32, (_G, _N), 0)
        oh = (gi == batch_ref[...]).astype(jnp.float32)
        sums = jnp.dot(oh, h, preferred_element_type=jnp.float32,
                     precision=lax.Precision.HIGHEST)
        cnt = jnp.sum(oh, axis=1, keepdims=True)
        pooled = sums / jnp.maximum(cnt, 1.0)
        out_ref[...] = (jnp.dot(pooled, wfc_ref[...],
                                preferred_element_type=jnp.float32,
                     precision=lax.Precision.HIGHEST)
                        + bfc_ref[...])

    return pl.pallas_call(
        body,
        out_shape=jax.ShapeDtypeStruct((_G, _OUT), jnp.float32),
        compiler_params=pltpu.CompilerParams(
            vmem_limit_bytes=100 * 1024 * 1024),
    )(agg, xw, dinv, b, g, be, batch_row, Wfc, bfc)


def kernel(x, edge_index, batch, W1, b1, g1, be1, W2, b2, g2, be2, Wfc, bfc):
    r = edge_index[0]
    c = edge_index[1]
    pad = jnp.arange(_EP - _E, dtype=jnp.int32)
    r3 = jnp.concatenate([r, pad % _N]).reshape(_NS, _CH2, _K)
    c3 = jnp.concatenate(
        [c, _N + pad % (_NPAD - _N)]).reshape(_NS, _CH2, _K)

    deg_parts = _sc_degree(c3)
    deg3 = deg_parts.reshape(_NC, _NPAD)[:, :_N].reshape(_NC, _N, 1)
    xw1, y1s, dinv = _tc_pre(x, W1, deg3)
    agg1 = _sc_msg(y1s, r3, c3)
    xw2, y2s = _tc_mid(agg1, xw1, dinv,
                       b1.reshape(1, _H), g1.reshape(1, _H), be1.reshape(1, _H),
                       W2)
    agg2 = _sc_msg(y2s, r3, c3)
    out = _tc_post(agg2, xw2, dinv,
                   b2.reshape(1, _H), g2.reshape(1, _H), be2.reshape(1, _H),
                   batch.reshape(1, _N), Wfc, bfc.reshape(1, _OUT))
    return out

# --- scband reference (transcript-rebuilt; emitter-appended) ---
"""Pipeline reference for scband-gnn-62294205661278 (READ-ONLY COPY).

The authoritative reference and input builder live on the scoring server;
editing this copy changes nothing except your own understanding.
"""

import jax, jax.numpy as jnp
import numpy as np

N = 10000
E = 320000
D = 128
H = 128
OUT = 64
G = 64
EPS = 1e-5

def setup_inputs(seed: int = 0):
    key = jax.random.key(seed)
    ks = jax.random.split(key, 12)
    x = jax.random.normal(ks[0], (N, D), dtype=jnp.float32)
    edge_index = jax.random.randint(ks[1], (2, E), 0, N, dtype=jnp.int32)
    batch = jnp.sort(jax.random.randint(ks[2], (N,), 0, G, dtype=jnp.int32))
    W1 = jax.random.normal(ks[3], (D, H), dtype=jnp.float32) * (1.0 / np.sqrt(D))
    b1 = jnp.zeros((H,), dtype=jnp.float32)
    g1 = jnp.ones((H,), dtype=jnp.float32)
    be1 = jnp.zeros((H,), dtype=jnp.float32)
    W2 = jax.random.normal(ks[4], (H, H), dtype=jnp.float32) * (1.0 / np.sqrt(H))
    b2 = jnp.zeros((H,), dtype=jnp.float32)
    g2 = jnp.ones((H,), dtype=jnp.float32)
    be2 = jnp.zeros((H,), dtype=jnp.float32)
    Wfc = jax.random.normal(ks[5], (H, OUT), dtype=jnp.float32) * (1.0 / np.sqrt(H))
    bfc = jnp.zeros((OUT,), dtype=jnp.float32)
    return {"x": x, "edge_index": edge_index, "batch": batch,
            "W1": W1, "b1": b1, "g1": g1, "be1": be1,
            "W2": W2, "b2": b2, "g2": g2, "be2": be2,
            "Wfc": Wfc, "bfc": bfc}

def _gcn_conv(x, edge_index, W, b):
    # PyG GCNConv: x' = D^{-1/2} (A + I) D^{-1/2} X W + b, deg over dst (col) with self-loops
    xw = x @ W
    row = edge_index[0]
    col = edge_index[1]
    loop = jnp.arange(N, dtype=row.dtype)
    r = jnp.concatenate([row, loop])
    c = jnp.concatenate([col, loop])
    deg = jax.ops.segment_sum(jnp.ones(r.shape[0], dtype=xw.dtype), c, num_segments=N)
    dinv = jnp.where(deg > 0, 1.0 / jnp.sqrt(deg), 0.0)
    norm = dinv[r] * dinv[c]
    agg = jax.ops.segment_sum(xw[r] * norm[:, None], c, num_segments=N)
    return agg + b

def _bn(x, g, be):
    # BatchNorm1d in training mode: batch statistics, biased variance
    mu = jnp.mean(x, axis=0)
    var = jnp.mean((x - mu) ** 2, axis=0)
    return (x - mu) / jnp.sqrt(var + EPS) * g + be

def reference(x, edge_index, batch, W1, b1, g1, be1, W2, b2, g2, be2, Wfc, bfc):
    h = jax.nn.relu(_bn(_gcn_conv(x, edge_index, W1, b1), g1, be1))
    h = jax.nn.relu(_bn(_gcn_conv(h, edge_index, W2, b2), g2, be2))
    sums = jax.ops.segment_sum(h, batch, num_segments=G)
    cnt = jax.ops.segment_sum(jnp.ones((N,), dtype=h.dtype), batch, num_segments=G)
    pooled = sums / jnp.clip(cnt, 1.0)[:, None]
    return pooled @ Wfc + bfc

if __name__ == "__main__":
    import jax
    _d = setup_inputs()
    print(jax.jit(kernel)(*tuple(_d.values())))

</pallas_src>

<mosaic_0001>
#map = affine_map<(d0, d1) -> (0, 0, 0)>
#map1 = affine_map<(d0, d1) -> (0)>
module attributes {stable_mosaic.version = 14 : i64} {
  func.func @_sc_degree(%arg0: i32, %arg1: i32, %arg2: memref<16x160x128xi32, #tpu.memory_space<hbm>>, %arg3: memref<20224xf32, #tpu.memory_space<hbm>>, %arg4: memref<80x128xi32, #tpu.memory_space<vmem>>, %arg5: memref<128xf32, #tpu.memory_space<vmem>>, %arg6: memref<640xf32, #tpu.memory_space<vmem>>, %arg7: memref<10112xf32, #tpu.memory_space<vmem_shared>>, %arg8: memref<!tpu.dma_semaphore, #tpu.memory_space<semaphore_mem>>) attributes {dimension_semantics = [#tpu.dimension_semantics<core_parallel>, #tpu.dimension_semantics<subcore_parallel>], iteration_bounds = array<i64: 2, 16>, scalar_prefetch = 0 : i64, scratch_operands = 5 : i64, tpu.core_type = #tpu.core_type<sc_vector_subcore>, window_params = [{transform_indices = #map}, {transform_indices = #map1}]} {
    %scan3A = arith.constant 0 : i32
    %scan3A_0 = arith.constant 40 : i32
    %scan3A_1 = arith.addi %scan3A, %scan3A_0 : i32
    %scan3A_2 = arith.constant 1 : i32
    scf.for %scan3A_24 = %scan3A to %scan3A_1 step %scan3A_2  : i32 {
      %mul3A_25 = arith.constant 1 : i32
      %mul3A_26 = arith.muli %scan3A_24, %mul3A_25 : i32
      %add3A_27 = arith.constant 0 : i32
      %add3A_28 = arith.addi %add3A_27, %mul3A_26 : i32
      %broadcast_in_dim3A = arith.constant 0.000000e+00 : f32
      %broadcast_in_dim3A_29 = vector.broadcast %broadcast_in_dim3A : f32 to vector<16xf32>
      %mul3A_30 = arith.constant 16 : i32
      %mul3A_31 = arith.muli %add3A_28, %mul3A_30 : i32
      %multiple_of3A_32 = tpu.assume_multiple %mul3A_31, 16 : i32
      %swap3A = arith.index_cast %multiple_of3A_32 : i32 to index
      %swap3A_33 = tpu.vector_load %arg6[%swap3A] {strides = array<i32>} : memref<640xf32, #tpu.memory_space<vmem>>, vector<16xf32>,
      %swap3A_34 = vector.shape_cast %swap3A_33 : vector<16xf32> to vector<16xf32>
      %swap3A_35 = vector.shape_cast %broadcast_in_dim3A_29 : vector<16xf32> to vector<16xf32>
      tpu.vector_store %arg6[%swap3A], %swap3A_35 {strides = array<i32>} : memref<640xf32, #tpu.memory_space<vmem>>, vector<16xf32>,
    }
    %scan3A_3 = arith.constant 40 : i32
    %scan3A_4 = arith.constant 0 : i32
    %scan3A_5 = arith.constant 8 : i32
    %scan3A_6 = arith.addi %scan3A_4, %scan3A_5 : i32
    %scan3A_7 = arith.constant 1 : i32
    scf.for %scan3A_24 = %scan3A_4 to %scan3A_6 step %scan3A_7  : i32 {
      %mul3A_25 = arith.constant 1 : i32
      %mul3A_26 = arith.muli %scan3A_24, %mul3A_25 : i32
      %add3A_27 = arith.constant 0 : i32
      %add3A_28 = arith.addi %add3A_27, %mul3A_26 : i32
      %broadcast_in_dim3A = arith.constant 1.000000e+00 : f32
      %broadcast_in_dim3A_29 = vector.broadcast %broadcast_in_dim3A : f32 to vector<16xf32>
      %mul3A_30 = arith.constant 16 : i32
      %mul3A_31 = arith.muli %add3A_28, %mul3A_30 : i32
      %multiple_of3A_32 = tpu.assume_multiple %mul3A_31, 16 : i32
      %swap3A = arith.index_cast %multiple_of3A_32 : i32 to index
      %swap3A_33 = tpu.vector_load %arg5[%swap3A] {strides = array<i32>} : memref<128xf32, #tpu.memory_space<vmem>>, vector<16xf32>,
      %swap3A_34 = vector.shape_cast %swap3A_33 : vector<16xf32> to vector<16xf32>
      %swap3A_35 = vector.shape_cast %broadcast_in_dim3A_29 : vector<16xf32> to vector<16xf32>
      tpu.vector_store %arg5[%swap3A], %swap3A_35 {strides = array<i32>} : memref<128xf32, #tpu.memory_space<vmem>>, vector<16xf32>,
    }
    %scan3A_8 = arith.constant 8 : i32
    %mul3A = arith.constant 632 : i32
    %mul3A_9 = arith.muli %arg1, %mul3A : i32
    %multiple_of3A = tpu.assume_multiple %mul3A_9, 8 : i32
    "tpu.region"() ({
      %run_scoped3A = tpu.sem_alloc : memref<!tpu.dma_semaphore, #tpu.memory_space<semaphore_mem>>
      %dma_start3A = arith.constant 0 : i32
      %dma_start3A_24 = tpu.memref_slice %arg6[%dma_start3A] : memref<640xf32, #tpu.memory_space<vmem>> -> memref<632xf32, #tpu.memory_space<vmem>>
      %dma_start3A_25 = tpu.memref_slice %arg7[%multiple_of3A] : memref<10112xf32, #tpu.memory_space<vmem_shared>> -> memref<632xf32, #tpu.memory_space<vmem_shared>>
      %dma_start3A_26 = tpu.memref_slice %arg7[%multiple_of3A] : memref<10112xf32, #tpu.memory_space<vmem_shared>> -> memref<632xf32, #tpu.memory_space<vmem_shared>>
      %dma_start3A_27 = arith.constant 0 : i32
      %dma_start3A_28 = tpu.memref_slice %arg6[%dma_start3A_27] : memref<640xf32, #tpu.memory_space<vmem>> -> memref<632xf32, #tpu.memory_space<vmem>>
      tpu.enqueue_dma source(%dma_start3A_28 : memref<632xf32, #tpu.memory_space<vmem>>) target(%dma_start3A_26 : memref<632xf32, #tpu.memory_space<vmem_shared>>) target_semaphore(%run_scoped3A : memref<!tpu.dma_semaphore, #tpu.memory_space<semaphore_mem>>)
      %dma_wait3A = arith.constant 0 : i32
      %dma_wait3A_29 = tpu.memref_slice %arg6[%dma_wait3A] : memref<640xf32, #tpu.memory_space<vmem>> -> memref<632xf32, #tpu.memory_space<vmem>>
      %dma_wait3A_30 = tpu.memref_slice %arg7[%multiple_of3A] : memref<10112xf32, #tpu.memory_space<vmem_shared>> -> memref<632xf32, #tpu.memory_space<vmem_shared>>
      %dma_wait3A_31 = tpu.memref_slice %arg7[%multiple_of3A] : memref<10112xf32, #tpu.memory_space<vmem_shared>> -> memref<632xf32, #tpu.memory_space<vmem_shared>>
      %dma_wait3A_32 = arith.constant 0 : i32
      %dma_wait3A_33 = tpu.memref_slice %arg6[%dma_wait3A_32] : memref<640xf32, #tpu.memory_space<vmem>> -> memref<632xf32, #tpu.memory_space<vmem>>
      tpu.wait_dma2 semaphore(%run_scoped3A : memref<!tpu.dma_semaphore, #tpu.memory_space<semaphore_mem>>) src(%dma_wait3A_33 : memref<632xf32, #tpu.memory_space<vmem>>) dst(%dma_wait3A_31 : memref<632xf32, #tpu.memory_space<vmem_shared>>)
      tpu.yield
    }) : () -> ()
    %mul3A_10 = arith.constant 80 : i32
    %mul3A_11 = arith.muli %arg0, %mul3A_10 : i32
    %multiple_of3A_12 = tpu.assume_multiple %mul3A_11, 8 : i32
    "tpu.region"() ({
      %run_scoped3A = tpu.sem_alloc : memref<!tpu.dma_semaphore, #tpu.memory_space<semaphore_mem>>
      %dma_start3A = arith.constant 0 : i32
      %dma_start3A_24 = tpu.memref_slice %arg2[%arg1, %multiple_of3A_12, %dma_start3A] : memref<16x160x128xi32, #tpu.memory_space<hbm>> -> memref<1x80x128xi32, #tpu.memory_space<hbm>>
      %dma_start3A_25 = tpu.memref_squeeze %dma_start3A_24 : memref<1x80x128xi32, #tpu.memory_space<hbm>> -> memref<80x128xi32, #tpu.memory_space<hbm>>
      %dma_start3A_26 = arith.constant 0 : i32
      %dma_start3A_27 = tpu.memref_slice %arg2[%arg1, %multiple_of3A_12, %dma_start3A_26] : memref<16x160x128xi32, #tpu.memory_space<hbm>> -> memref<1x80x128xi32, #tpu.memory_space<hbm>>
      %dma_start3A_28 = tpu.memref_squeeze %dma_start3A_27 : memref<1x80x128xi32, #tpu.memory_space<hbm>> -> memref<80x128xi32, #tpu.memory_space<hbm>>
      tpu.enqueue_dma source(%dma_start3A_28 : memref<80x128xi32, #tpu.memory_space<hbm>>) target(%arg4 : memref<80x128xi32, #tpu.memory_space<vmem>>) target_semaphore(%run_scoped3A : memref<!tpu.dma_semaphore, #tpu.memory_space<semaphore_mem>>)
      %dma_wait3A = arith.constant 0 : i32
      %dma_wait3A_29 = tpu.memref_slice %arg2[%arg1, %multiple_of3A_12, %dma_wait3A] : memref<16x160x128xi32, #tpu.memory_space<hbm>> -> memref<1x80x128xi32, #tpu.memory_space<hbm>>
      %dma_wait3A_30 = tpu.memref_squeeze %dma_wait3A_29 : memref<1x80x128xi32, #tpu.memory_space<hbm>> -> memref<80x128xi32, #tpu.memory_space<hbm>>
      %dma_wait3A_31 = arith.constant 0 : i32
      %dma_wait3A_32 = tpu.memref_slice %arg2[%arg1, %multiple_of3A_12, %dma_wait3A_31] : memref<16x160x128xi32, #tpu.memory_space<hbm>> -> memref<1x80x128xi32, #tpu.memory_space<hbm>>
      %dma_wait3A_33 = tpu.memref_squeeze %dma_wait3A_32 : memref<1x80x128xi32, #tpu.memory_space<hbm>> -> memref<80x128xi32, #tpu.memory_space<hbm>>
      tpu.wait_dma2 semaphore(%run_scoped3A : memref<!tpu.dma_semaphore, #tpu.memory_space<semaphore_mem>>) src(%dma_wait3A_33 : memref<80x128xi32, #tpu.memory_space<hbm>>) dst(%arg4 : memref<80x128xi32, #tpu.memory_space<vmem>>)
      tpu.yield
    }) : () -> ()
    %barrier3A = arith.constant 0 : index
    tpu.barrier barrier_id(%barrier3A)
    %scan3A_13 = arith.constant 0 : i32
    %scan3A_14 = arith.constant 10 : i32
    %scan3A_15 = arith.addi %scan3A_13, %scan3A_14 : i32
    %scan3A_16 = arith.constant 1 : i32
    scf.for %scan3A_24 = %scan3A_13 to %scan3A_15 step %scan3A_16  : i32 {
      %mul3A_25 = arith.constant 8 : i32
      %mul3A_26 = arith.muli %scan3A_24, %mul3A_25 : i32
      %add3A_27 = arith.constant 0 : i32
      %add3A_28 = arith.addi %add3A_27, %mul3A_26 : i32
      %add3A_29 = arith.constant 0 : i32
      %add3A_30 = arith.addi %add3A_28, %add3A_29 : i32
      %dma_start3A = arith.constant 0 : i32
      %dma_start3A_31 = tpu.memref_slice %arg4[%add3A_30, %dma_start3A] : memref<80x128xi32, #tpu.memory_space<vmem>> -> memref<1x128xi32, #tpu.memory_space<vmem>>
      %dma_start3A_32 = tpu.memref_squeeze %dma_start3A_31 : memref<1x128xi32, #tpu.memory_space<vmem>> -> memref<128xi32, #tpu.memory_space<vmem>>
      %dma_start3A_33 = arith.constant 0 : i32
      %dma_start3A_34 = tpu.memref_slice %arg7[%dma_start3A_33] : memref<10112xf32, #tpu.memory_space<vmem_shared>> -> memref<10112xf32, #tpu.memory_space<vmem_shared>>
      tpu.enqueue_indirect_dma source(%arg5 : memref<128xf32, #tpu.memory_space<vmem>>) target(%dma_start3A_34 : memref<10112xf32, #tpu.memory_space<vmem_shared>>) offsets(%dma_start3A_32 : memref<128xi32, #tpu.memory_space<vmem>>) semaphore(%arg8 : memref<!tpu.dma_semaphore, #tpu.memory_space<semaphore_mem>>) {add = true}
      %add3A_35 = arith.constant 1 : i32
      %add3A_36 = arith.addi %add3A_28, %add3A_35 : i32
      %dma_start3A_37 = arith.constant 0 : i32
      %dma_start3A_38 = tpu.memref_slice %arg4[%add3A_36, %dma_start3A_37] : memref<80x128xi32, #tpu.memory_space<vmem>> -> memref<1x128xi32, #tpu.memory_space<vmem>>
      %dma_start3A_39 = tpu.memref_squeeze %dma_start3A_38 : memref<1x128xi32, #tpu.memory_space<vmem>> -> memref<128xi32, #tpu.memory_space<vmem>>
      %dma_start3A_40 = arith.constant 0 : i32
      %dma_start3A_41 = tpu.memref_slice %arg7[%dma_start3A_40] : memref<10112xf32, #tpu.memory_space<vmem_shared>> -> memref<10112xf32, #tpu.memory_space<vmem_shared>>
      tpu.enqueue_indirect_dma source(%arg5 : memref<128xf32, #tpu.memory_space<vmem>>) target(%dma_start3A_41 : memref<10112xf32, #tpu.memory_space<vmem_shared>>) offsets(%dma_start3A_39 : memref<128xi32, #tpu.memory_space<vmem>>) semaphore(%arg8 : memref<!tpu.dma_semaphore, #tpu.memory_space<semaphore_mem>>) {add = true}
      %add3A_42 = arith.constant 2 : i32
      %add3A_43 = arith.addi %add3A_28, %add3A_42 : i32
      %dma_start3A_44 = arith.constant 0 : i32
      %dma_start3A_45 = tpu.memref_slice %arg4[%add3A_43, %dma_start3A_44] : memref<80x128xi32, #tpu.memory_space<vmem>> -> memref<1x128xi32, #tpu.memory_space<vmem>>
      %dma_start3A_46 = tpu.memref_squeeze %dma_start3A_45 : memref<1x128xi32, #tpu.memory_space<vmem>> -> memref<128xi32, #tpu.memory_space<vmem>>
      %dma_start3A_47 = arith.constant 0 : i32
      %dma_start3A_48 = tpu.memref_slice %arg7[%dma_start3A_47] : memref<10112xf32, #tpu.memory_space<vmem_shared>> -> memref<10112xf32, #tpu.memory_space<vmem_shared>>
      tpu.enqueue_indirect_dma source(%arg5 : memref<128xf32, #tpu.memory_space<vmem>>) target(%dma_start3A_48 : memref<10112xf32, #tpu.memory_space<vmem_shared>>) offsets(%dma_start3A_46 : memref<128xi32, #tpu.memory_space<vmem>>) semaphore(%arg8 : memref<!tpu.dma_semaphore, #tpu.memory_space<semaphore_mem>>) {add = true}
      %add3A_49 = arith.constant 3 : i32
      %add3A_50 = arith.addi %add3A_28, %add3A_49 : i32
      %dma_start3A_51 = arith.constant 0 : i32
      %dma_start3A_52 = tpu.memref_slice %arg4[%add3A_50, %dma_start3A_51] : memref<80x128xi32, #tpu.memory_space<vmem>> -> memref<1x128xi32, #tpu.memory_space<vmem>>
      %dma_start3A_53 = tpu.memref_squeeze %dma_start3A_52 : memref<1x128xi32, #tpu.memory_space<vmem>> -> memref<128xi32, #tpu.memory_space<vmem>>
      %dma_start3A_54 = arith.constant 0 : i32
      %dma_start3A_55 = tpu.memref_slice %arg7[%dma_start3A_54] : memref<10112xf32, #tpu.memory_space<vmem_shared>> -> memref<10112xf32, #tpu.memory_space<vmem_shared>>
      tpu.enqueue_indirect_dma source(%arg5 : memref<128xf32, #tpu.memory_space<vmem>>) target(%dma_start3A_55 : memref<10112xf32, #tpu.memory_space<vmem_shared>>) offsets(%dma_start3A_53 : memref<128xi32, #tpu.memory_space<vmem>>) semaphore(%arg8 : memref<!tpu.dma_semaphore, #tpu.memory_space<semaphore_mem>>) {add = true}
      %add3A_56 = arith.constant 4 : i32
      %add3A_57 = arith.addi %add3A_28, %add3A_56 : i32
      %dma_start3A_58 = arith.constant 0 : i32
      %dma_start3A_59 = tpu.memref_slice %arg4[%add3A_57, %dma_start3A_58] : memref<80x128xi32, #tpu.memory_space<vmem>> -> memref<1x128xi32, #tpu.memory_space<vmem>>
      %dma_start3A_60 = tpu.memref_squeeze %dma_start3A_59 : memref<1x128xi32, #tpu.memory_space<vmem>> -> memref<128xi32, #tpu.memory_space<vmem>>
      %dma_start3A_61 = arith.constant 0 : i32
      %dma_start3A_62 = tpu.memref_slice %arg7[%dma_start3A_61] : memref<10112xf32, #tpu.memory_space<vmem_shared>> -> memref<10112xf32, #tpu.memory_space<vmem_shared>>
      tpu.enqueue_indirect_dma source(%arg5 : memref<128xf32, #tpu.memory_space<vmem>>) target(%dma_start3A_62 : memref<10112xf32, #tpu.memory_space<vmem_shared>>) offsets(%dma_start3A_60 : memref<128xi32, #tpu.memory_space<vmem>>) semaphore(%arg8 : memref<!tpu.dma_semaphore, #tpu.memory_space<semaphore_mem>>) {add = true}
      %add3A_63 = arith.constant 5 : i32
      %add3A_64 = arith.addi %add3A_28, %add3A_63 : i32
      %dma_start3A_65 = arith.constant 0 : i32
      %dma_start3A_66 = tpu.memref_slice %arg4[%add3A_64, %dma_start3A_65] : memref<80x128xi32, #tpu.memory_space<vmem>> -> memref<1x128xi32, #tpu.memory_space<vmem>>
      %dma_start3A_67 = tpu.memref_squeeze %dma_start3A_66 : memref<1x128xi32, #tpu.memory_space<vmem>> -> memref<128xi32, #tpu.memory_space<vmem>>
      %dma_start3A_68 = arith.constant 0 : i32
      %dma_start3A_69 = tpu.memref_slice %arg7[%dma_start3A_68] : memref<10112xf32, #tpu.memory_space<vmem_shared>> -> memref<10112xf32, #tpu.memory_space<vmem_shared>>
      tpu.enqueue_indirect_dma source(%arg5 : memref<128xf32, #tpu.memory_space<vmem>>) target(%dma_start3A_69 : memref<10112xf32, #tpu.memory_space<vmem_shared>>) offsets(%dma_start3A_67 : memref<128xi32, #tpu.memory_space<vmem>>) semaphore(%arg8 : memref<!tpu.dma_semaphore, #tpu.memory_space<semaphore_mem>>) {add = true}
      %add3A_70 = arith.constant 6 : i32
      %add3A_71 = arith.addi %add3A_28, %add3A_70 : i32
      %dma_start3A_72 = arith.constant 0 : i32
      %dma_start3A_73 = tpu.memref_slice %arg4[%add3A_71, %dma_start3A_72] : memref<80x128xi32, #tpu.memory_space<vmem>> -> memref<1x128xi32, #tpu.memory_space<vmem>>
      %dma_start3A_74 = tpu.memref_squeeze %dma_start3A_73 : memref<1x128xi32, #tpu.memory_space<vmem>> -> memref<128xi32, #tpu.memory_space<vmem>>
      %dma_start3A_75 = arith.constant 0 : i32
      %dma_start3A_76 = tpu.memref_slice %arg7[%dma_start3A_75] : memref<10112xf32, #tpu.memory_space<vmem_shared>> -> memref<10112xf32, #tpu.memory_space<vmem_shared>>
      tpu.enqueue_indirect_dma source(%arg5 : memref<128xf32, #tpu.memory_space<vmem>>) target(%dma_start3A_76 : memref<10112xf32, #tpu.memory_space<vmem_shared>>) offsets(%dma_start3A_74 : memref<128xi32, #tpu.memory_space<vmem>>) semaphore(%arg8 : memref<!tpu.dma_semaphore, #tpu.memory_space<semaphore_mem>>) {add = true}
      %add3A_77 = arith.constant 7 : i32
      %add3A_78 = arith.addi %add3A_28, %add3A_77 : i32
      %dma_start3A_79 = arith.constant 0 : i32
      %dma_start3A_80 = tpu.memref_slice %arg4[%add3A_78, %dma_start3A_79] : memref<80x128xi32, #tpu.memory_space<vmem>> -> memref<1x128xi32, #tpu.memory_space<vmem>>
      %dma_start3A_81 = tpu.memref_squeeze %dma_start3A_80 : memref<1x128xi32, #tpu.memory_space<vmem>> -> memref<128xi32, #tpu.memory_space<vmem>>
      %dma_start3A_82 = arith.constant 0 : i32
      %dma_start3A_83 = tpu.memref_slice %arg7[%dma_start3A_82] : memref<10112xf32, #tpu.memory_space<vmem_shared>> -> memref<10112xf32, #tpu.memory_space<vmem_shared>>
      tpu.enqueue_indirect_dma source(%arg5 : memref<128xf32, #tpu.memory_space<vmem>>) target(%dma_start3A_83 : memref<10112xf32, #tpu.memory_space<vmem_shared>>) offsets(%dma_start3A_81 : memref<128xi32, #tpu.memory_space<vmem>>) semaphore(%arg8 : memref<!tpu.dma_semaphore, #tpu.memory_space<semaphore_mem>>) {add = true}
      %dma_wait3A = arith.constant 0 : i32
      %dma_wait3A_84 = tpu.memref_slice %arg4[%add3A_30, %dma_wait3A] : memref<80x128xi32, #tpu.memory_space<vmem>> -> memref<1x128xi32, #tpu.memory_space<vmem>>
      %dma_wait3A_85 = tpu.memref_squeeze %dma_wait3A_84 : memref<1x128xi32, #tpu.memory_space<vmem>> -> memref<128xi32, #tpu.memory_space<vmem>>
      %dma_wait3A_86 = arith.constant 0 : i32
      %dma_wait3A_87 = tpu.memref_slice %arg7[%dma_wait3A_86] : memref<10112xf32, #tpu.memory_space<vmem_shared>> -> memref<10112xf32, #tpu.memory_space<vmem_shared>>
      tpu.wait_indirect_dma semaphore(%arg8 : memref<!tpu.dma_semaphore, #tpu.memory_space<semaphore_mem>>) src(%arg5 : memref<128xf32, #tpu.memory_space<vmem>>) dst(%dma_wait3A_87 : memref<10112xf32, #tpu.memory_space<vmem_shared>>)
      %dma_wait3A_88 = arith.constant 0 : i32
      %dma_wait3A_89 = tpu.memref_slice %arg4[%add3A_36, %dma_wait3A_88] : memref<80x128xi32, #tpu.memory_space<vmem>> -> memref<1x128xi32, #tpu.memory_space<vmem>>
      %dma_wait3A_90 = tpu.memref_squeeze %dma_wait3A_89 : memref<1x128xi32, #tpu.memory_space<vmem>> -> memref<128xi32, #tpu.memory_space<vmem>>
      %dma_wait3A_91 = arith.constant 0 : i32
      %dma_wait3A_92 = tpu.memref_slice %arg7[%dma_wait3A_91] : memref<10112xf32, #tpu.memory_space<vmem_shared>> -> memref<10112xf32, #tpu.memory_space<vmem_shared>>
      tpu.wait_indirect_dma semaphore(%arg8 : memref<!tpu.dma_semaphore, #tpu.memory_space<semaphore_mem>>) src(%arg5 : memref<128xf32, #tpu.memory_space<vmem>>) dst(%dma_wait3A_92 : memref<10112xf32, #tpu.memory_space<vmem_shared>>)
      %dma_wait3A_93 = arith.constant 0 : i32
      %dma_wait3A_94 = tpu.memref_slice %arg4[%add3A_43, %dma_wait3A_93] : memref<80x128xi32, #tpu.memory_space<vmem>> -> memref<1x128xi32, #tpu.memory_space<vmem>>
      %dma_wait3A_95 = tpu.memref_squeeze %dma_wait3A_94 : memref<1x128xi32, #tpu.memory_space<vmem>> -> memref<128xi32, #tpu.memory_space<vmem>>
      %dma_wait3A_96 = arith.constant 0 : i32
      %dma_wait3A_97 = tpu.memref_slice %arg7[%dma_wait3A_96] : memref<10112xf32, #tpu.memory_space<vmem_shared>> -> memref<10112xf32, #tpu.memory_space<vmem_shared>>
      tpu.wait_indirect_dma semaphore(%arg8 : memref<!tpu.dma_semaphore, #tpu.memory_space<semaphore_mem>>) src(%arg5 : memref<128xf32, #tpu.memory_space<vmem>>) dst(%dma_wait3A_97 : memref<10112xf32, #tpu.memory_space<vmem_shared>>)
      %dma_wait3A_98 = arith.constant 0 : i32
      %dma_wait3A_99 = tpu.memref_slice %arg4[%add3A_50, %dma_wait3A_98] : memref<80x128xi32, #tpu.memory_space<vmem>> -> memref<1x128xi32, #tpu.memory_space<vmem>>
      %dma_wait3A_100 = tpu.memref_squeeze %dma_wait3A_99 : memref<1x128xi32, #tpu.memory_space<vmem>> -> memref<128xi32, #tpu.memory_space<vmem>>
      %dma_wait3A_101 = arith.constant 0 : i32
      %dma_wait3A_102 = tpu.memref_slice %arg7[%dma_wait3A_101] : memref<10112xf32, #tpu.memory_space<vmem_shared>> -> memref<10112xf32, #tpu.memory_space<vmem_shared>>
      tpu.wait_indirect_dma semaphore(%arg8 : memref<!tpu.dma_semaphore, #tpu.memory_space<semaphore_mem>>) src(%arg5 : memref<128xf32, #tpu.memory_space<vmem>>) dst(%dma_wait3A_102 : memref<10112xf32, #tpu.memory_space<vmem_shared>>)
      %dma_wait3A_103 = arith.constant 0 : i32
      %dma_wait3A_104 = tpu.memref_slice %arg4[%add3A_57, %dma_wait3A_103] : memref<80x128xi32, #tpu.memory_space<vmem>> -> memref<1x128xi32, #tpu.memory_space<vmem>>
      %dma_wait3A_105 = tpu.memref_squeeze %dma_wait3A_104 : memref<1x128xi32, #tpu.memory_space<vmem>> -> memref<128xi32, #tpu.memory_space<vmem>>
      %dma_wait3A_106 = arith.constant 0 : i32
      %dma_wait3A_107 = tpu.memref_slice %arg7[%dma_wait3A_106] : memref<10112xf32, #tpu.memory_space<vmem_shared>> -> memref<10112xf32, #tpu.memory_space<vmem_shared>>
      tpu.wait_indirect_dma semaphore(%arg8 : memref<!tpu.dma_semaphore, #tpu.memory_space<semaphore_mem>>) src(%arg5 : memref<128xf32, #tpu.memory_space<vmem>>) dst(%dma_wait3A_107 : memref<10112xf32, #tpu.memory_space<vmem_shared>>)
      %dma_wait3A_108 = arith.constant 0 : i32
      %dma_wait3A_109 = tpu.memref_slice %arg4[%add3A_64, %dma_wait3A_108] : memref<80x128xi32, #tpu.memory_space<vmem>> -> memref<1x128xi32, #tpu.memory_space<vmem>>
      %dma_wait3A_110 = tpu.memref_squeeze %dma_wait3A_109 : memref<1x128xi32, #tpu.memory_space<vmem>> -> memref<128xi32, #tpu.memory_space<vmem>>
      %dma_wait3A_111 = arith.constant 0 : i32
      %dma_wait3A_112 = tpu.memref_slice %arg7[%dma_wait3A_111] : memref<10112xf32, #tpu.memory_space<vmem_shared>> -> memref<10112xf32, #tpu.memory_space<vmem_shared>>
      tpu.wait_indirect_dma semaphore(%arg8 : memref<!tpu.dma_semaphore, #tpu.memory_space<semaphore_mem>>) src(%arg5 : memref<128xf32, #tpu.memory_space<vmem>>) dst(%dma_wait3A_112 : memref<10112xf32, #tpu.memory_space<vmem_shared>>)
      %dma_wait3A_113 = arith.constant 0 : i32
      %dma_wait3A_114 = tpu.memref_slice %arg4[%add3A_71, %dma_wait3A_113] : memref<80x128xi32, #tpu.memory_space<vmem>> -> memref<1x128xi32, #tpu.memory_space<vmem>>
      %dma_wait3A_115 = tpu.memref_squeeze %dma_wait3A_114 : memref<1x128xi32, #tpu.memory_space<vmem>> -> memref<128xi32, #tpu.memory_space<vmem>>
      %dma_wait3A_116 = arith.constant 0 : i32
      %dma_wait3A_117 = tpu.memref_slice %arg7[%dma_wait3A_116] : memref<10112xf32, #tpu.memory_space<vmem_shared>> -> memref<10112xf32, #tpu.memory_space<vmem_shared>>
      tpu.wait_indirect_dma semaphore(%arg8 : memref<!tpu.dma_semaphore, #tpu.memory_space<semaphore_mem>>) src(%arg5 : memref<128xf32, #tpu.memory_space<vmem>>) dst(%dma_wait3A_117 : memref<10112xf32, #tpu.memory_space<vmem_shared>>)
      %dma_wait3A_118 = arith.constant 0 : i32
      %dma_wait3A_119 = tpu.memref_slice %arg4[%add3A_78, %dma_wait3A_118] : memref<80x128xi32, #tpu.memory_space<vmem>> -> memref<1x128xi32, #tpu.memory_space<vmem>>
      %dma_wait3A_120 = tpu.memref_squeeze %dma_wait3A_119 : memref<1x128xi32, #tpu.memory_space<vmem>> -> memref<128xi32, #tpu.memory_space<vmem>>
      %dma_wait3A_121 = arith.constant 0 : i32
      %dma_wait3A_122 = tpu.memref_slice %arg7[%dma_wait3A_121] : memref<10112xf32, #tpu.memory_space<vmem_shared>> -> memref<10112xf32, #tpu.memory_space<vmem_shared>>
      tpu.wait_indirect_dma semaphore(%arg8 : memref<!tpu.dma_semaphore, #tpu.memory_space<semaphore_mem>>) src(%arg5 : memref<128xf32, #tpu.memory_space<vmem>>) dst(%dma_wait3A_122 : memref<10112xf32, #tpu.memory_space<vmem_shared>>)
    }
    %scan3A_17 = arith.constant 10 : i32
    %barrier3A_18 = arith.constant 0 : index
    tpu.barrier barrier_id(%barrier3A_18)
    %mul3A_19 = arith.constant 10112 : i32
    %mul3A_20 = arith.muli %arg0, %mul3A_19 : i32
    %mul3A_21 = arith.constant 632 : i32
    %mul3A_22 = arith.muli %arg1, %mul3A_21 : i32
    %add3A = arith.addi %mul3A_20, %mul3A_22 : i32
    %multiple_of3A_23 = tpu.assume_multiple %add3A, 8 : i32
    "tpu.region"() ({
      %run_scoped3A = tpu.sem_alloc : memref<!tpu.dma_semaphore, #tpu.memory_space<semaphore_mem>>
      %dma_start3A = arith.constant 0 : i32
      %dma_start3A_24 = tpu.memref_slice %arg6[%dma_start3A] : memref<640xf32, #tpu.memory_space<vmem>> -> memref<632xf32, #tpu.memory_space<vmem>>
      %dma_start3A_25 = tpu.memref_slice %arg7[%multiple_of3A] : memref<10112xf32, #tpu.memory_space<vmem_shared>> -> memref<632xf32, #tpu.memory_space<vmem_shared>>
      %dma_start3A_26 = arith.constant 0 : i32
      %dma_start3A_27 = tpu.memref_slice %arg6[%dma_start3A_26] : memref<640xf32, #tpu.memory_space<vmem>> -> memref<632xf32, #tpu.memory_space<vmem>>
      %dma_start3A_28 = tpu.memref_slice %arg7[%multiple_of3A] : memref<10112xf32, #tpu.memory_space<vmem_shared>> -> memref<632xf32, #tpu.memory_space<vmem_shared>>
      tpu.enqueue_dma source(%dma_start3A_28 : memref<632xf32, #tpu.memory_space<vmem_shared>>) target(%dma_start3A_27 : memref<632xf32, #tpu.memory_space<vmem>>) target_semaphore(%run_scoped3A : memref<!tpu.dma_semaphore, #tpu.memory_space<semaphore_mem>>)
      %dma_wait3A = arith.constant 0 : i32
      %dma_wait3A_29 = tpu.memref_slice %arg6[%dma_wait3A] : memref<640xf32, #tpu.memory_space<vmem>> -> memref<632xf32, #tpu.memory_space<vmem>>
      %dma_wait3A_30 = tpu.memref_slice %arg7[%multiple_of3A] : memref<10112xf32, #tpu.memory_space<vmem_shared>> -> memref<632xf32, #tpu.memory_space<vmem_shared>>
      %dma_wait3A_31 = arith.constant 0 : i32
      %dma_wait3A_32 = tpu.memref_slice %arg6[%dma_wait3A_31] : memref<640xf32, #tpu.memory_space<vmem>> -> memref<632xf32, #tpu.memory_space<vmem>>
      %dma_wait3A_33 = tpu.memref_slice %arg7[%multiple_of3A] : memref<10112xf32, #tpu.memory_space<vmem_shared>> -> memref<632xf32, #tpu.memory_space<vmem_shared>>
      tpu.wait_dma2 semaphore(%run_scoped3A : memref<!tpu.dma_semaphore, #tpu.memory_space<semaphore_mem>>) src(%dma_wait3A_33 : memref<632xf32, #tpu.memory_space<vmem_shared>>) dst(%dma_wait3A_32 : memref<632xf32, #tpu.memory_space<vmem>>)
      tpu.yield
    }) : () -> ()
    "tpu.region"() ({
      %run_scoped3A = tpu.sem_alloc : memref<!tpu.dma_semaphore, #tpu.memory_space<semaphore_mem>>
      %dma_start3A = arith.constant 0 : i32
      %dma_start3A_24 = tpu.memref_slice %arg6[%dma_start3A] : memref<640xf32, #tpu.memory_space<vmem>> -> memref<632xf32, #tpu.memory_space<vmem>>
      %dma_start3A_25 = tpu.memref_slice %arg3[%multiple_of3A_23] : memref<20224xf32, #tpu.memory_space<hbm>> -> memref<632xf32, #tpu.memory_space<hbm>>
      %dma_start3A_26 = tpu.memref_slice %arg3[%multiple_of3A_23] : memref<20224xf32, #tpu.memory_space<hbm>> -> memref<632xf32, #tpu.memory_space<hbm>>
      %dma_start3A_27 = arith.constant 0 : i32
      %dma_start3A_28 = tpu.memref_slice %arg6[%dma_start3A_27] : memref<640xf32, #tpu.memory_space<vmem>> -> memref<632xf32, #tpu.memory_space<vmem>>
      tpu.enqueue_dma source(%dma_start3A_28 : memref<632xf32, #tpu.memory_space<vmem>>) target(%dma_start3A_26 : memref<632xf32, #tpu.memory_space<hbm>>) target_semaphore(%run_scoped3A : memref<!tpu.dma_semaphore, #tpu.memory_space<semaphore_mem>>)
      %dma_wait3A = arith.constant 0 : i32
      %dma_wait3A_29 = tpu.memref_slice %arg6[%dma_wait3A] : memref<640xf32, #tpu.memory_space<vmem>> -> memref<632xf32, #tpu.memory_space<vmem>>
      %dma_wait3A_30 = tpu.memref_slice %arg3[%multiple_of3A_23] : memref<20224xf32, #tpu.memory_space<hbm>> -> memref<632xf32, #tpu.memory_space<hbm>>
      %dma_wait3A_31 = tpu.memref_slice %arg3[%multiple_of3A_23] : memref<20224xf32, #tpu.memory_space<hbm>> -> memref<632xf32, #tpu.memory_space<hbm>>
      %dma_wait3A_32 = arith.constant 0 : i32
      %dma_wait3A_33 = tpu.memref_slice %arg6[%dma_wait3A_32] : memref<640xf32, #tpu.memory_space<vmem>> -> memref<632xf32, #tpu.memory_space<vmem>>
      tpu.wait_dma2 semaphore(%run_scoped3A : memref<!tpu.dma_semaphore, #tpu.memory_space<semaphore_mem>>) src(%dma_wait3A_33 : memref<632xf32, #tpu.memory_space<vmem>>) dst(%dma_wait3A_31 : memref<632xf32, #tpu.memory_space<hbm>>)
      tpu.yield
    }) : () -> ()
    return
  }
}

#map = affine_map<(d0, d1) -> (0, 0, 0)>
module attributes {stable_mosaic.version = 14 : i64} {
  func.func @_sc_msg(%arg0: i32, %arg1: i32, %arg2: memref<2x10000x64xf32, #tpu.memory_space<hbm>>, %arg3: memref<16x160x128xi32, #tpu.memory_space<hbm>>, %arg4: memref<16x160x128xi32, #tpu.memory_space<hbm>>, %arg5: memref<2x10112x64xf32, #tpu.memory_space<hbm>>, %arg6: memref<160x128xi32, #tpu.memory_space<vmem>>, %arg7: memref<160x128xi32, #tpu.memory_space<vmem>>, %arg8: memref<4x128x64xf32, #tpu.memory_space<vmem>>, %arg9: memref<10112x64xf32, #tpu.memory_space<vmem_shared>>, %arg10: memref<!tpu.dma_semaphore, #tpu.memory_space<semaphore_mem>>, %arg11: memref<!tpu.dma_semaphore, #tpu.memory_space<semaphore_mem>>, %arg12: memref<!tpu.dma_semaphore, #tpu.memory_space<semaphore_mem>>, %arg13: memref<!tpu.dma_semaphore, #tpu.memory_space<semaphore_mem>>, %arg14: memref<!tpu.dma_semaphore, #tpu.memory_space<semaphore_mem>>, %arg15: memref<!tpu.dma_semaphore, #tpu.memory_space<semaphore_mem>>, %arg16: memref<!tpu.dma_semaphore, #tpu.memory_space<semaphore_mem>>, %arg17: memref<!tpu.dma_semaphore, #tpu.memory_space<semaphore_mem>>) attributes {dimension_semantics = [#tpu.dimension_semantics<core_parallel>, #tpu.dimension_semantics<subcore_parallel>], iteration_bounds = array<i64: 2, 16>, scalar_prefetch = 0 : i64, scratch_operands = 12 : i64, tpu.core_type = #tpu.core_type<sc_vector_subcore>, window_params = [{transform_indices = #map}, {transform_indices = #map}, {transform_indices = #map}, {transform_indices = #map}]} {
    %mul3A = arith.constant 632 : i32
    %mul3A_0 = arith.muli %arg1, %mul3A : i32
    %multiple_of3A = tpu.assume_multiple %mul3A_0, 8 : i32
    %scan3A = arith.constant 0 : i32
    %scan3A_1 = arith.constant 128 : i32
    %scan3A_2 = arith.addi %scan3A, %scan3A_1 : i32
    %scan3A_3 = arith.constant 1 : i32
    scf.for %scan3A_390 = %scan3A to %scan3A_2 step %scan3A_3  : i32 {
      %mul3A_391 = arith.constant 1 : i32
      %mul3A_392 = arith.muli %scan3A_390, %mul3A_391 : i32
      %add3A_393 = arith.constant 0 : i32
      %add3A_394 = arith.addi %add3A_393, %mul3A_392 : i32
      %broadcast_in_dim3A = arith.constant 0.000000e+00 : f32
      %broadcast_in_dim3A_395 = vector.broadcast %broadcast_in_dim3A : f32 to vector<16xf32>
      %swap3A = arith.constant 0 : i32
      %swap3A_396 = arith.index_cast %swap3A : i32 to index
      %swap3A_397 = arith.index_cast %add3A_394 : i32 to index
      %swap3A_398 = arith.constant 0 : index
      %swap3A_399 = tpu.vector_load %arg8[%swap3A_396, %swap3A_397, %swap3A_398] {strides = array<i32>} : memref<4x128x64xf32, #tpu.memory_space<vmem>>, vector<1x1x16xf32>,
      %swap3A_400 = vector.shape_cast %swap3A_399 : vector<1x1x16xf32> to vector<16xf32>
      %swap3A_401 = vector.shape_cast %broadcast_in_dim3A_395 : vector<16xf32> to vector<1x1x16xf32>
      tpu.vector_store %arg8[%swap3A_396, %swap3A_397, %swap3A_398], %swap3A_401 {strides = array<i32>} : memref<4x128x64xf32, #tpu.memory_space<vmem>>, vector<1x1x16xf32>,
      %broadcast_in_dim3A_402 = arith.constant 0.000000e+00 : f32
      %broadcast_in_dim3A_403 = vector.broadcast %broadcast_in_dim3A_402 : f32 to vector<16xf32>
      %swap3A_404 = arith.constant 0 : i32
      %swap3A_405 = arith.index_cast %swap3A_404 : i32 to index
      %swap3A_406 = arith.index_cast %add3A_394 : i32 to index
      %swap3A_407 = arith.constant 16 : index
      %swap3A_408 = tpu.vector_load %arg8[%swap3A_405, %swap3A_406, %swap3A_407] {strides = array<i32>} : memref<4x128x64xf32, #tpu.memory_space<vmem>>, vector<1x1x16xf32>,
      %swap3A_409 = vector.shape_cast %swap3A_408 : vector<1x1x16xf32> to vector<16xf32>
      %swap3A_410 = vector.shape_cast %broadcast_in_dim3A_403 : vector<16xf32> to vector<1x1x16xf32>
      tpu.vector_store %arg8[%swap3A_405, %swap3A_406, %swap3A_407], %swap3A_410 {strides = array<i32>} : memref<4x128x64xf32, #tpu.memory_space<vmem>>, vector<1x1x16xf32>,
      %broadcast_in_dim3A_411 = arith.constant 0.000000e+00 : f32
      %broadcast_in_dim3A_412 = vector.broadcast %broadcast_in_dim3A_411 : f32 to vector<16xf32>
      %swap3A_413 = arith.constant 0 : i32
      %swap3A_414 = arith.index_cast %swap3A_413 : i32 to index
      %swap3A_415 = arith.index_cast %add3A_394 : i32 to index
      %swap3A_416 = arith.constant 32 : index
      %swap3A_417 = tpu.vector_load %arg8[%swap3A_414, %swap3A_415, %swap3A_416] {strides = array<i32>} : memref<4x128x64xf32, #tpu.memory_space<vmem>>, vector<1x1x16xf32>,
      %swap3A_418 = vector.shape_cast %swap3A_417 : vector<1x1x16xf32> to vector<16xf32>
      %swap3A_419 = vector.shape_cast %broadcast_in_dim3A_412 : vector<16xf32> to vector<1x1x16xf32>
      tpu.vector_store %arg8[%swap3A_414, %swap3A_415, %swap3A_416], %swap3A_419 {strides = array<i32>} : memref<4x128x64xf32, #tpu.memory_space<vmem>>, vector<1x1x16xf32>,
      %broadcast_in_dim3A_420 = arith.constant 0.000000e+00 : f32
      %broadcast_in_dim3A_421 = vector.broadcast %broadcast_in_dim3A_420 : f32 to vector<16xf32>
      %swap3A_422 = arith.constant 0 : i32
      %swap3A_423 = arith.index_cast %swap3A_422 : i32 to index
      %swap3A_424 = arith.index_cast %add3A_394 : i32 to index
      %swap3A_425 = arith.constant 48 : index
      %swap3A_426 = tpu.vector_load %arg8[%swap3A_423, %swap3A_424, %swap3A_425] {strides = array<i32>} : memref<4x128x64xf32, #tpu.memory_space<vmem>>, vector<1x1x16xf32>,
      %swap3A_427 = vector.shape_cast %swap3A_426 : vector<1x1x16xf32> to vector<16xf32>
      %swap3A_428 = vector.shape_cast %broadcast_in_dim3A_421 : vector<16xf32> to vector<1x1x16xf32>
      tpu.vector_store %arg8[%swap3A_423, %swap3A_424, %swap3A_425], %swap3A_428 {strides = array<i32>} : memref<4x128x64xf32, #tpu.memory_space<vmem>>, vector<1x1x16xf32>,
    }
    %scan3A_4 = arith.constant 128 : i32
    %add3A = arith.constant 0 : i32
    %add3A_5 = arith.addi %multiple_of3A, %add3A : i32
    %run_scoped3A = arith.constant 0 : i32
    "tpu.region"() ({
      %run_scoped3A_390 = tpu.sem_alloc : memref<!tpu.dma_semaphore, #tpu.memory_space<semaphore_mem>>
      %dma_start3A_391 = arith.constant 0 : i32
      %dma_start3A_392 = arith.constant 0 : i32
      %dma_start3A_393 = tpu.memref_slice %arg8[%run_scoped3A, %dma_start3A_391, %dma_start3A_392] : memref<4x128x64xf32, #tpu.memory_space<vmem>> -> memref<1x128x64xf32, #tpu.memory_space<vmem>>
      %dma_start3A_394 = tpu.memref_squeeze %dma_start3A_393 : memref<1x128x64xf32, #tpu.memory_space<vmem>> -> memref<128x64xf32, #tpu.memory_space<vmem>>
      %dma_start3A_395 = arith.constant 0 : i32
      %dma_start3A_396 = tpu.memref_slice %arg9[%add3A_5, %dma_start3A_395] : memref<10112x64xf32, #tpu.memory_space<vmem_shared>> -> memref<128x64xf32, #tpu.memory_space<vmem_shared>>
      %dma_start3A_397 = arith.constant 0 : i32
      %dma_start3A_398 = tpu.memref_slice %arg9[%add3A_5, %dma_start3A_397] : memref<10112x64xf32, #tpu.memory_space<vmem_shared>> -> memref<128x64xf32, #tpu.memory_space<vmem_shared>>
      %dma_start3A_399 = arith.constant 0 : i32
      %dma_start3A_400 = arith.constant 0 : i32
      %dma_start3A_401 = tpu.memref_slice %arg8[%run_scoped3A, %dma_start3A_399, %dma_start3A_400] : memref<4x128x64xf32, #tpu.memory_space<vmem>> -> memref<1x128x64xf32, #tpu.memory_space<vmem>>
      %dma_start3A_402 = tpu.memref_squeeze %dma_start3A_401 : memref<1x128x64xf32, #tpu.memory_space<vmem>> -> memref<128x64xf32, #tpu.memory_space<vmem>>
      tpu.enqueue_dma source(%dma_start3A_402 : memref<128x64xf32, #tpu.memory_space<vmem>>) target(%dma_start3A_398 : memref<128x64xf32, #tpu.memory_space<vmem_shared>>) target_semaphore(%run_scoped3A_390 : memref<!tpu.dma_semaphore, #tpu.memory_space<semaphore_mem>>)
      %dma_wait3A_403 = arith.constant 0 : i32
      %dma_wait3A_404 = arith.constant 0 : i32
      %dma_wait3A_405 = tpu.memref_slice %arg8[%run_scoped3A, %dma_wait3A_403, %dma_wait3A_404] : memref<4x128x64xf32, #tpu.memory_space<vmem>> -> memref<1x128x64xf32, #tpu.memory_space<vmem>>
      %dma_wait3A_406 = tpu.memref_squeeze %dma_wait3A_405 : memref<1x128x64xf32, #tpu.memory_space<vmem>> -> memref<128x64xf32, #tpu.memory_space<vmem>>
      %dma_wait3A_407 = arith.constant 0 : i32
      %dma_wait3A_408 = tpu.memref_slice %arg9[%add3A_5, %dma_wait3A_407] : memref<10112x64xf32, #tpu.memory_space<vmem_shared>> -> memref<128x64xf32, #tpu.memory_space<vmem_shared>>
      %dma_wait3A_409 = arith.constant 0 : i32
      %dma_wait3A_410 = tpu.memref_slice %arg9[%add3A_5, %dma_wait3A_409] : memref<10112x64xf32, #tpu.memory_space<vmem_shared>> -> memref<128x64xf32, #tpu.memory_space<vmem_shared>>
      %dma_wait3A_411 = arith.constant 0 : i32
      %dma_wait3A_412 = arith.constant 0 : i32
      %dma_wait3A_413 = tpu.memref_slice %arg8[%run_scoped3A, %dma_wait3A_411, %dma_wait3A_412] : memref<4x128x64xf32, #tpu.memory_space<vmem>> -> memref<1x128x64xf32, #tpu.memory_space<vmem>>
      %dma_wait3A_414 = tpu.memref_squeeze %dma_wait3A_413 : memref<1x128x64xf32, #tpu.memory_space<vmem>> -> memref<128x64xf32, #tpu.memory_space<vmem>>
      tpu.wait_dma2 semaphore(%run_scoped3A_390 : memref<!tpu.dma_semaphore, #tpu.memory_space<semaphore_mem>>) src(%dma_wait3A_414 : memref<128x64xf32, #tpu.memory_space<vmem>>) dst(%dma_wait3A_410 : memref<128x64xf32, #tpu.memory_space<vmem_shared>>)
      tpu.yield
    }) : () -> ()
    %add3A_6 = arith.constant 128 : i32
    %add3A_7 = arith.addi %multiple_of3A, %add3A_6 : i32
    %run_scoped3A_8 = arith.constant 0 : i32
    "tpu.region"() ({
      %run_scoped3A_390 = tpu.sem_alloc : memref<!tpu.dma_semaphore, #tpu.memory_space<semaphore_mem>>
      %dma_start3A_391 = arith.constant 0 : i32
      %dma_start3A_392 = arith.constant 0 : i32
      %dma_start3A_393 = tpu.memref_slice %arg8[%run_scoped3A_8, %dma_start3A_391, %dma_start3A_392] : memref<4x128x64xf32, #tpu.memory_space<vmem>> -> memref<1x128x64xf32, #tpu.memory_space<vmem>>
      %dma_start3A_394 = tpu.memref_squeeze %dma_start3A_393 : memref<1x128x64xf32, #tpu.memory_space<vmem>> -> memref<128x64xf32, #tpu.memory_space<vmem>>
      %dma_start3A_395 = arith.constant 0 : i32
      %dma_start3A_396 = tpu.memref_slice %arg9[%add3A_7, %dma_start3A_395] : memref<10112x64xf32, #tpu.memory_space<vmem_shared>> -> memref<128x64xf32, #tpu.memory_space<vmem_shared>>
      %dma_start3A_397 = arith.constant 0 : i32
      %dma_start3A_398 = tpu.memref_slice %arg9[%add3A_7, %dma_start3A_397] : memref<10112x64xf32, #tpu.memory_space<vmem_shared>> -> memref<128x64xf32, #tpu.memory_space<vmem_shared>>
      %dma_start3A_399 = arith.constant 0 : i32
      %dma_start3A_400 = arith.constant 0 : i32
      %dma_start3A_401 = tpu.memref_slice %arg8[%run_scoped3A_8, %dma_start3A_399, %dma_start3A_400] : memref<4x128x64xf32, #tpu.memory_space<vmem>> -> memref<1x128x64xf32, #tpu.memory_space<vmem>>
      %dma_start3A_402 = tpu.memref_squeeze %dma_start3A_401 : memref<1x128x64xf32, #tpu.memory_space<vmem>> -> memref<128x64xf32, #tpu.memory_space<vmem>>
      tpu.enqueue_dma source(%dma_start3A_402 : memref<128x64xf32, #tpu.memory_space<vmem>>) target(%dma_start3A_398 : memref<128x64xf32, #tpu.memory_space<vmem_shared>>) target_semaphore(%run_scoped3A_390 : memref<!tpu.dma_semaphore, #tpu.memory_space<semaphore_mem>>)
      %dma_wait3A_403 = arith.constant 0 : i32
      %dma_wait3A_404 = arith.constant 0 : i32
      %dma_wait3A_405 = tpu.memref_slice %arg8[%run_scoped3A_8, %dma_wait3A_403, %dma_wait3A_404] : memref<4x128x64xf32, #tpu.memory_space<vmem>> -> memref<1x128x64xf32, #tpu.memory_space<vmem>>
      %dma_wait3A_406 = tpu.memref_squeeze %dma_wait3A_405 : memref<1x128x64xf32, #tpu.memory_space<vmem>> -> memref<128x64xf32, #tpu.memory_space<vmem>>
      %dma_wait3A_407 = arith.constant 0 : i32
      %dma_wait3A_408 = tpu.memref_slice %arg9[%add3A_7, %dma_wait3A_407] : memref<10112x64xf32, #tpu.memory_space<vmem_shared>> -> memref<128x64xf32, #tpu.memory_space<vmem_shared>>
      %dma_wait3A_409 = arith.constant 0 : i32
      %dma_wait3A_410 = tpu.memref_slice %arg9[%add3A_7, %dma_wait3A_409] : memref<10112x64xf32, #tpu.memory_space<vmem_shared>> -> memref<128x64xf32, #tpu.memory_space<vmem_shared>>
      %dma_wait3A_411 = arith.constant 0 : i32
      %dma_wait3A_412 = arith.constant 0 : i32
      %dma_wait3A_413 = tpu.memref_slice %arg8[%run_scoped3A_8, %dma_wait3A_411, %dma_wait3A_412] : memref<4x128x64xf32, #tpu.memory_space<vmem>> -> memref<1x128x64xf32, #tpu.memory_space<vmem>>
      %dma_wait3A_414 = tpu.memref_squeeze %dma_wait3A_413 : memref<1x128x64xf32, #tpu.memory_space<vmem>> -> memref<128x64xf32, #tpu.memory_space<vmem>>
      tpu.wait_dma2 semaphore(%run_scoped3A_390 : memref<!tpu.dma_semaphore, #tpu.memory_space<semaphore_mem>>) src(%dma_wait3A_414 : memref<128x64xf32, #tpu.memory_space<vmem>>) dst(%dma_wait3A_410 : memref<128x64xf32, #tpu.memory_space<vmem_shared>>)
      tpu.yield
    }) : () -> ()
    %add3A_9 = arith.constant 256 : i32
    %add3A_10 = arith.addi %multiple_of3A, %add3A_9 : i32
    %run_scoped3A_11 = arith.constant 0 : i32
    "tpu.region"() ({
      %run_scoped3A_390 = tpu.sem_alloc : memref<!tpu.dma_semaphore, #tpu.memory_space<semaphore_mem>>
      %dma_start3A_391 = arith.constant 0 : i32
      %dma_start3A_392 = arith.constant 0 : i32
      %dma_start3A_393 = tpu.memref_slice %arg8[%run_scoped3A_11, %dma_start3A_391, %dma_start3A_392] : memref<4x128x64xf32, #tpu.memory_space<vmem>> -> memref<1x128x64xf32, #tpu.memory_space<vmem>>
      %dma_start3A_394 = tpu.memref_squeeze %dma_start3A_393 : memref<1x128x64xf32, #tpu.memory_space<vmem>> -> memref<128x64xf32, #tpu.memory_space<vmem>>
      %dma_start3A_395 = arith.constant 0 : i32
      %dma_start3A_396 = tpu.memref_slice %arg9[%add3A_10, %dma_start3A_395] : memref<10112x64xf32, #tpu.memory_space<vmem_shared>> -> memref<128x64xf32, #tpu.memory_space<vmem_shared>>
      %dma_start3A_397 = arith.constant 0 : i32
      %dma_start3A_398 = tpu.memref_slice %arg9[%add3A_10, %dma_start3A_397] : memref<10112x64xf32, #tpu.memory_space<vmem_shared>> -> memref<128x64xf32, #tpu.memory_space<vmem_shared>>
      %dma_start3A_399 = arith.constant 0 : i32
      %dma_start3A_400 = arith.constant 0 : i32
      %dma_start3A_401 = tpu.memref_slice %arg8[%run_scoped3A_11, %dma_start3A_399, %dma_start3A_400] : memref<4x128x64xf32, #tpu.memory_space<vmem>> -> memref<1x128x64xf32, #tpu.memory_space<vmem>>
      %dma_start3A_402 = tpu.memref_squeeze %dma_start3A_401 : memref<1x128x64xf32, #tpu.memory_space<vmem>> -> memref<128x64xf32, #tpu.memory_space<vmem>>
      tpu.enqueue_dma source(%dma_start3A_402 : memref<128x64xf32, #tpu.memory_space<vmem>>) target(%dma_start3A_398 : memref<128x64xf32, #tpu.memory_space<vmem_shared>>) target_semaphore(%run_scoped3A_390 : memref<!tpu.dma_semaphore, #tpu.memory_space<semaphore_mem>>)
      %dma_wait3A_403 = arith.constant 0 : i32
      %dma_wait3A_404 = arith.constant 0 : i32
      %dma_wait3A_405 = tpu.memref_slice %arg8[%run_scoped3A_11, %dma_wait3A_403, %dma_wait3A_404] : memref<4x128x64xf32, #tpu.memory_space<vmem>> -> memref<1x128x64xf32, #tpu.memory_space<vmem>>
      %dma_wait3A_406 = tpu.memref_squeeze %dma_wait3A_405 : memref<1x128x64xf32, #tpu.memory_space<vmem>> -> memref<128x64xf32, #tpu.memory_space<vmem>>
      %dma_wait3A_407 = arith.constant 0 : i32
      %dma_wait3A_408 = tpu.memref_slice %arg9[%add3A_10, %dma_wait3A_407] : memref<10112x64xf32, #tpu.memory_space<vmem_shared>> -> memref<128x64xf32, #tpu.memory_space<vmem_shared>>
      %dma_wait3A_409 = arith.constant 0 : i32
      %dma_wait3A_410 = tpu.memref_slice %arg9[%add3A_10, %dma_wait3A_409] : memref<10112x64xf32, #tpu.memory_space<vmem_shared>> -> memref<128x64xf32, #tpu.memory_space<vmem_shared>>
      %dma_wait3A_411 = arith.constant 0 : i32
      %dma_wait3A_412 = arith.constant 0 : i32
      %dma_wait3A_413 = tpu.memref_slice %arg8[%run_scoped3A_11, %dma_wait3A_411, %dma_wait3A_412] : memref<4x128x64xf32, #tpu.memory_space<vmem>> -> memref<1x128x64xf32, #tpu.memory_space<vmem>>
      %dma_wait3A_414 = tpu.memref_squeeze %dma_wait3A_413 : memref<1x128x64xf32, #tpu.memory_space<vmem>> -> memref<128x64xf32, #tpu.memory_space<vmem>>
      tpu.wait_dma2 semaphore(%run_scoped3A_390 : memref<!tpu.dma_semaphore, #tpu.memory_space<semaphore_mem>>) src(%dma_wait3A_414 : memref<128x64xf32, #tpu.memory_space<vmem>>) dst(%dma_wait3A_410 : memref<128x64xf32, #tpu.memory_space<vmem_shared>>)
      tpu.yield
    }) : () -> ()
    %add3A_12 = arith.constant 384 : i32
    %add3A_13 = arith.addi %multiple_of3A, %add3A_12 : i32
    %run_scoped3A_14 = arith.constant 0 : i32
    "tpu.region"() ({
      %run_scoped3A_390 = tpu.sem_alloc : memref<!tpu.dma_semaphore, #tpu.memory_space<semaphore_mem>>
      %dma_start3A_391 = arith.constant 0 : i32
      %dma_start3A_392 = arith.constant 0 : i32
      %dma_start3A_393 = tpu.memref_slice %arg8[%run_scoped3A_14, %dma_start3A_391, %dma_start3A_392] : memref<4x128x64xf32, #tpu.memory_space<vmem>> -> memref<1x128x64xf32, #tpu.memory_space<vmem>>
      %dma_start3A_394 = tpu.memref_squeeze %dma_start3A_393 : memref<1x128x64xf32, #tpu.memory_space<vmem>> -> memref<128x64xf32, #tpu.memory_space<vmem>>
      %dma_start3A_395 = arith.constant 0 : i32
      %dma_start3A_396 = tpu.memref_slice %arg9[%add3A_13, %dma_start3A_395] : memref<10112x64xf32, #tpu.memory_space<vmem_shared>> -> memref<128x64xf32, #tpu.memory_space<vmem_shared>>
      %dma_start3A_397 = arith.constant 0 : i32
      %dma_start3A_398 = tpu.memref_slice %arg9[%add3A_13, %dma_start3A_397] : memref<10112x64xf32, #tpu.memory_space<vmem_shared>> -> memref<128x64xf32, #tpu.memory_space<vmem_shared>>
      %dma_start3A_399 = arith.constant 0 : i32
      %dma_start3A_400 = arith.constant 0 : i32
      %dma_start3A_401 = tpu.memref_slice %arg8[%run_scoped3A_14, %dma_start3A_399, %dma_start3A_400] : memref<4x128x64xf32, #tpu.memory_space<vmem>> -> memref<1x128x64xf32, #tpu.memory_space<vmem>>
      %dma_start3A_402 = tpu.memref_squeeze %dma_start3A_401 : memref<1x128x64xf32, #tpu.memory_space<vmem>> -> memref<128x64xf32, #tpu.memory_space<vmem>>
      tpu.enqueue_dma source(%dma_start3A_402 : memref<128x64xf32, #tpu.memory_space<vmem>>) target(%dma_start3A_398 : memref<128x64xf32, #tpu.memory_space<vmem_shared>>) target_semaphore(%run_scoped3A_390 : memref<!tpu.dma_semaphore, #tpu.memory_space<semaphore_mem>>)
      %dma_wait3A_403 = arith.constant 0 : i32
      %dma_wait3A_404 = arith.constant 0 : i32
      %dma_wait3A_405 = tpu.memref_slice %arg8[%run_scoped3A_14, %dma_wait3A_403, %dma_wait3A_404] : memref<4x128x64xf32, #tpu.memory_space<vmem>> -> memref<1x128x64xf32, #tpu.memory_space<vmem>>
      %dma_wait3A_406 = tpu.memref_squeeze %dma_wait3A_405 : memref<1x128x64xf32, #tpu.memory_space<vmem>> -> memref<128x64xf32, #tpu.memory_space<vmem>>
      %dma_wait3A_407 = arith.constant 0 : i32
      %dma_wait3A_408 = tpu.memref_slice %arg9[%add3A_13, %dma_wait3A_407] : memref<10112x64xf32, #tpu.memory_space<vmem_shared>> -> memref<128x64xf32, #tpu.memory_space<vmem_shared>>
      %dma_wait3A_409 = arith.constant 0 : i32
      %dma_wait3A_410 = tpu.memref_slice %arg9[%add3A_13, %dma_wait3A_409] : memref<10112x64xf32, #tpu.memory_space<vmem_shared>> -> memref<128x64xf32, #tpu.memory_space<vmem_shared>>
      %dma_wait3A_411 = arith.constant 0 : i32
      %dma_wait3A_412 = arith.constant 0 : i32
      %dma_wait3A_413 = tpu.memref_slice %arg8[%run_scoped3A_14, %dma_wait3A_411, %dma_wait3A_412] : memref<4x128x64xf32, #tpu.memory_space<vmem>> -> memref<1x128x64xf32, #tpu.memory_space<vmem>>
      %dma_wait3A_414 = tpu.memref_squeeze %dma_wait3A_413 : memref<1x128x64xf32, #tpu.memory_space<vmem>> -> memref<128x64xf32, #tpu.memory_space<vmem>>
      tpu.wait_dma2 semaphore(%run_scoped3A_390 : memref<!tpu.dma_semaphore, #tpu.memory_space<semaphore_mem>>) src(%dma_wait3A_414 : memref<128x64xf32, #tpu.memory_space<vmem>>) dst(%dma_wait3A_410 : memref<128x64xf32, #tpu.memory_space<vmem_shared>>)
      tpu.yield
    }) : () -> ()
    %add3A_15 = arith.constant 512 : i32
    %add3A_16 = arith.addi %multiple_of3A, %add3A_15 : i32
    %run_scoped3A_17 = arith.constant 0 : i32
    "tpu.region"() ({
      %run_scoped3A_390 = tpu.sem_alloc : memref<!tpu.dma_semaphore, #tpu.memory_space<semaphore_mem>>
      %dma_start3A_391 = arith.constant 0 : i32
      %dma_start3A_392 = arith.constant 0 : i32
      %dma_start3A_393 = tpu.memref_slice %arg8[%run_scoped3A_17, %dma_start3A_391, %dma_start3A_392] : memref<4x128x64xf32, #tpu.memory_space<vmem>> -> memref<1x128x64xf32, #tpu.memory_space<vmem>>
      %dma_start3A_394 = tpu.memref_squeeze %dma_start3A_393 : memref<1x128x64xf32, #tpu.memory_space<vmem>> -> memref<128x64xf32, #tpu.memory_space<vmem>>
      %dma_start3A_395 = arith.constant 0 : i32
      %dma_start3A_396 = arith.constant 0 : i32
      %dma_start3A_397 = tpu.memref_slice %dma_start3A_394[%dma_start3A_395, %dma_start3A_396] : memref<128x64xf32, #tpu.memory_space<vmem>> -> memref<120x64xf32, #tpu.memory_space<vmem>>
      %dma_start3A_398 = arith.constant 0 : i32
      %dma_start3A_399 = tpu.memref_slice %arg9[%add3A_16, %dma_start3A_398] : memref<10112x64xf32, #tpu.memory_space<vmem_shared>> -> memref<120x64xf32, #tpu.memory_space<vmem_shared>>
      %dma_start3A_400 = arith.constant 0 : i32
      %dma_start3A_401 = tpu.memref_slice %arg9[%add3A_16, %dma_start3A_400] : memref<10112x64xf32, #tpu.memory_space<vmem_shared>> -> memref<120x64xf32, #tpu.memory_space<vmem_shared>>
      %dma_start3A_402 = arith.constant 0 : i32
      %dma_start3A_403 = arith.constant 0 : i32
      %dma_start3A_404 = tpu.memref_slice %arg8[%run_scoped3A_17, %dma_start3A_402, %dma_start3A_403] : memref<4x128x64xf32, #tpu.memory_space<vmem>> -> memref<1x128x64xf32, #tpu.memory_space<vmem>>
      %dma_start3A_405 = tpu.memref_squeeze %dma_start3A_404 : memref<1x128x64xf32, #tpu.memory_space<vmem>> -> memref<128x64xf32, #tpu.memory_space<vmem>>
      %dma_start3A_406 = arith.constant 0 : i32
      %dma_start3A_407 = arith.constant 0 : i32
      %dma_start3A_408 = tpu.memref_slice %dma_start3A_405[%dma_start3A_406, %dma_start3A_407] : memref<128x64xf32, #tpu.memory_space<vmem>> -> memref<120x64xf32, #tpu.memory_space<vmem>>
      tpu.enqueue_dma source(%dma_start3A_408 : memref<120x64xf32, #tpu.memory_space<vmem>>) target(%dma_start3A_401 : memref<120x64xf32, #tpu.memory_space<vmem_shared>>) target_semaphore(%run_scoped3A_390 : memref<!tpu.dma_semaphore, #tpu.memory_space<semaphore_mem>>)
      %dma_wait3A_409 = arith.constant 0 : i32
      %dma_wait3A_410 = arith.constant 0 : i32
      %dma_wait3A_411 = tpu.memref_slice %arg8[%run_scoped3A_17, %dma_wait3A_409, %dma_wait3A_410] : memref<4x128x64xf32, #tpu.memory_space<vmem>> -> memref<1x128x64xf32, #tpu.memory_space<vmem>>
      %dma_wait3A_412 = tpu.memref_squeeze %dma_wait3A_411 : memref<1x128x64xf32, #tpu.memory_space<vmem>> -> memref<128x64xf32, #tpu.memory_space<vmem>>
      %dma_wait3A_413 = arith.constant 0 : i32
      %dma_wait3A_414 = arith.constant 0 : i32
      %dma_wait3A_415 = tpu.memref_slice %dma_wait3A_412[%dma_wait3A_413, %dma_wait3A_414] : memref<128x64xf32, #tpu.memory_space<vmem>> -> memref<120x64xf32, #tpu.memory_space<vmem>>
      %dma_wait3A_416 = arith.constant 0 : i32
      %dma_wait3A_417 = tpu.memref_slice %arg9[%add3A_16, %dma_wait3A_416] : memref<10112x64xf32, #tpu.memory_space<vmem_shared>> -> memref<120x64xf32, #tpu.memory_space<vmem_shared>>
      %dma_wait3A_418 = arith.constant 0 : i32
      %dma_wait3A_419 = tpu.memref_slice %arg9[%add3A_16, %dma_wait3A_418] : memref<10112x64xf32, #tpu.memory_space<vmem_shared>> -> memref<120x64xf32, #tpu.memory_space<vmem_shared>>
      %dma_wait3A_420 = arith.constant 0 : i32
      %dma_wait3A_421 = arith.constant 0 : i32
      %dma_wait3A_422 = tpu.memref_slice %arg8[%run_scoped3A_17, %dma_wait3A_420, %dma_wait3A_421] : memref<4x128x64xf32, #tpu.memory_space<vmem>> -> memref<1x128x64xf32, #tpu.memory_space<vmem>>
      %dma_wait3A_423 = tpu.memref_squeeze %dma_wait3A_422 : memref<1x128x64xf32, #tpu.memory_space<vmem>> -> memref<128x64xf32, #tpu.memory_space<vmem>>
      %dma_wait3A_424 = arith.constant 0 : i32
      %dma_wait3A_425 = arith.constant 0 : i32
      %dma_wait3A_426 = tpu.memref_slice %dma_wait3A_423[%dma_wait3A_424, %dma_wait3A_425] : memref<128x64xf32, #tpu.memory_space<vmem>> -> memref<120x64xf32, #tpu.memory_space<vmem>>
      tpu.wait_dma2 semaphore(%run_scoped3A_390 : memref<!tpu.dma_semaphore, #tpu.memory_space<semaphore_mem>>) src(%dma_wait3A_426 : memref<120x64xf32, #tpu.memory_space<vmem>>) dst(%dma_wait3A_419 : memref<120x64xf32, #tpu.memory_space<vmem_shared>>)
      tpu.yield
    }) : () -> ()
    "tpu.region"() ({
      %run_scoped3A_390 = tpu.sem_alloc : memref<!tpu.dma_semaphore, #tpu.memory_space<semaphore_mem>>
      %dma_start3A_391 = arith.constant 0 : i32
      %dma_start3A_392 = arith.constant 0 : i32
      %dma_start3A_393 = tpu.memref_slice %arg3[%arg1, %dma_start3A_391, %dma_start3A_392] : memref<16x160x128xi32, #tpu.memory_space<hbm>> -> memref<1x160x128xi32, #tpu.memory_space<hbm>>
      %dma_start3A_394 = tpu.memref_squeeze %dma_start3A_393 : memref<1x160x128xi32, #tpu.memory_space<hbm>> -> memref<160x128xi32, #tpu.memory_space<hbm>>
      %dma_start3A_395 = arith.constant 0 : i32
      %dma_start3A_396 = arith.constant 0 : i32
      %dma_start3A_397 = tpu.memref_slice %arg3[%arg1, %dma_start3A_395, %dma_start3A_396] : memref<16x160x128xi32, #tpu.memory_space<hbm>> -> memref<1x160x128xi32, #tpu.memory_space<hbm>>
      %dma_start3A_398 = tpu.memref_squeeze %dma_start3A_397 : memref<1x160x128xi32, #tpu.memory_space<hbm>> -> memref<160x128xi32, #tpu.memory_space<hbm>>
      tpu.enqueue_dma source(%dma_start3A_398 : memref<160x128xi32, #tpu.memory_space<hbm>>) target(%arg6 : memref<160x128xi32, #tpu.memory_space<vmem>>) target_semaphore(%run_scoped3A_390 : memref<!tpu.dma_semaphore, #tpu.memory_space<semaphore_mem>>)
      %dma_wait3A_399 = arith.constant 0 : i32
      %dma_wait3A_400 = arith.constant 0 : i32
      %dma_wait3A_401 = tpu.memref_slice %arg3[%arg1, %dma_wait3A_399, %dma_wait3A_400] : memref<16x160x128xi32, #tpu.memory_space<hbm>> -> memref<1x160x128xi32, #tpu.memory_space<hbm>>
      %dma_wait3A_402 = tpu.memref_squeeze %dma_wait3A_401 : memref<1x160x128xi32, #tpu.memory_space<hbm>> -> memref<160x128xi32, #tpu.memory_space<hbm>>
      %dma_wait3A_403 = arith.constant 0 : i32
      %dma_wait3A_404 = arith.constant 0 : i32
      %dma_wait3A_405 = tpu.memref_slice %arg3[%arg1, %dma_wait3A_403, %dma_wait3A_404] : memref<16x160x128xi32, #tpu.memory_space<hbm>> -> memref<1x160x128xi32, #tpu.memory_space<hbm>>
      %dma_wait3A_406 = tpu.memref_squeeze %dma_wait3A_405 : memref<1x160x128xi32, #tpu.memory_space<hbm>> -> memref<160x128xi32, #tpu.memory_space<hbm>>
      tpu.wait_dma2 semaphore(%run_scoped3A_390 : memref<!tpu.dma_semaphore, #tpu.memory_space<semaphore_mem>>) src(%dma_wait3A_406 : memref<160x128xi32, #tpu.memory_space<hbm>>) dst(%arg6 : memref<160x128xi32, #tpu.memory_space<vmem>>)
      tpu.yield
    }) : () -> ()
    "tpu.region"() ({
      %run_scoped3A_390 = tpu.sem_alloc : memref<!tpu.dma_semaphore, #tpu.memory_space<semaphore_mem>>
      %dma_start3A_391 = arith.constant 0 : i32
      %dma_start3A_392 = arith.constant 0 : i32
      %dma_start3A_393 = tpu.memref_slice %arg4[%arg1, %dma_start3A_391, %dma_start3A_392] : memref<16x160x128xi32, #tpu.memory_space<hbm>> -> memref<1x160x128xi32, #tpu.memory_space<hbm>>
      %dma_start3A_394 = tpu.memref_squeeze %dma_start3A_393 : memref<1x160x128xi32, #tpu.memory_space<hbm>> -> memref<160x128xi32, #tpu.memory_space<hbm>>
      %dma_start3A_395 = arith.constant 0 : i32
      %dma_start3A_396 = arith.constant 0 : i32
      %dma_start3A_397 = tpu.memref_slice %arg4[%arg1, %dma_start3A_395, %dma_start3A_396] : memref<16x160x128xi32, #tpu.memory_space<hbm>> -> memref<1x160x128xi32, #tpu.memory_space<hbm>>
      %dma_start3A_398 = tpu.memref_squeeze %dma_start3A_397 : memref<1x160x128xi32, #tpu.memory_space<hbm>> -> memref<160x128xi32, #tpu.memory_space<hbm>>
      tpu.enqueue_dma source(%dma_start3A_398 : memref<160x128xi32, #tpu.memory_space<hbm>>) target(%arg7 : memref<160x128xi32, #tpu.memory_space<vmem>>) target_semaphore(%run_scoped3A_390 : memref<!tpu.dma_semaphore, #tpu.memory_space<semaphore_mem>>)
      %dma_wait3A_399 = arith.constant 0 : i32
      %dma_wait3A_400 = arith.constant 0 : i32
      %dma_wait3A_401 = tpu.memref_slice %arg4[%arg1, %dma_wait3A_399, %dma_wait3A_400] : memref<16x160x128xi32, #tpu.memory_space<hbm>> -> memref<1x160x128xi32, #tpu.memory_space<hbm>>
      %dma_wait3A_402 = tpu.memref_squeeze %dma_wait3A_401 : memref<1x160x128xi32, #tpu.memory_space<hbm>> -> memref<160x128xi32, #tpu.memory_space<hbm>>
      %dma_wait3A_403 = arith.constant 0 : i32
      %dma_wait3A_404 = arith.constant 0 : i32
      %dma_wait3A_405 = tpu.memref_slice %arg4[%arg1, %dma_wait3A_403, %dma_wait3A_404] : memref<16x160x128xi32, #tpu.memory_space<hbm>> -> memref<1x160x128xi32, #tpu.memory_space<hbm>>
      %dma_wait3A_406 = tpu.memref_squeeze %dma_wait3A_405 : memref<1x160x128xi32, #tpu.memory_space<hbm>> -> memref<160x128xi32, #tpu.memory_space<hbm>>
      tpu.wait_dma2 semaphore(%run_scoped3A_390 : memref<!tpu.dma_semaphore, #tpu.memory_space<semaphore_mem>>) src(%dma_wait3A_406 : memref<160x128xi32, #tpu.memory_space<hbm>>) dst(%arg7 : memref<160x128xi32, #tpu.memory_space<vmem>>)
      tpu.yield
    }) : () -> ()
    %barrier3A = arith.constant 0 : index
    tpu.barrier barrier_id(%barrier3A)
    %dma_start3A = arith.constant 0 : i32
    %dma_start3A_18 = arith.constant 0 : i32
    %dma_start3A_19 = arith.constant 0 : i32
    %dma_start3A_20 = arith.constant 0 : i32
    %dma_start3A_21 = tpu.memref_slice %arg8[%dma_start3A_18, %dma_start3A_19, %dma_start3A_20] : memref<4x128x64xf32, #tpu.memory_space<vmem>> -> memref<1x128x64xf32, #tpu.memory_space<vmem>>
    %dma_start3A_22 = tpu.memref_squeeze %dma_start3A_21 : memref<1x128x64xf32, #tpu.memory_space<vmem>> -> memref<128x64xf32, #tpu.memory_space<vmem>>
    %dma_start3A_23 = arith.constant 0 : i32
    %dma_start3A_24 = tpu.memref_slice %arg6[%dma_start3A, %dma_start3A_23] : memref<160x128xi32, #tpu.memory_space<vmem>> -> memref<1x128xi32, #tpu.memory_space<vmem>>
    %dma_start3A_25 = tpu.memref_squeeze %dma_start3A_24 : memref<1x128xi32, #tpu.memory_space<vmem>> -> memref<128xi32, #tpu.memory_space<vmem>>
    %dma_start3A_26 = arith.constant 0 : i32
    %dma_start3A_27 = arith.constant 0 : i32
    %dma_start3A_28 = tpu.memref_slice %arg2[%arg0, %dma_start3A_26, %dma_start3A_27] : memref<2x10000x64xf32, #tpu.memory_space<hbm>> -> memref<1x10000x64xf32, #tpu.memory_space<hbm>>
    %dma_start3A_29 = tpu.memref_squeeze %dma_start3A_28 : memref<1x10000x64xf32, #tpu.memory_space<hbm>> -> memref<10000x64xf32, #tpu.memory_space<hbm>>
    %dma_start3A_30 = arith.constant 0 : i32
    %dma_start3A_31 = arith.constant 0 : i32
    %dma_start3A_32 = tpu.memref_slice %dma_start3A_29[%dma_start3A_30, %dma_start3A_31] : memref<10000x64xf32, #tpu.memory_space<hbm>> -> memref<10000x64xf32, #tpu.memory_space<hbm>>
    tpu.enqueue_indirect_dma source(%dma_start3A_32 : memref<10000x64xf32, #tpu.memory_space<hbm>>) target(%dma_start3A_22 : memref<128x64xf32, #tpu.memory_space<vmem>>) offsets(%dma_start3A_25 : memref<128xi32, #tpu.memory_space<vmem>>) semaphore(%arg10 : memref<!tpu.dma_semaphore, #tpu.memory_space<semaphore_mem>>)
    %dma_start3A_33 = arith.constant 1 : i32
    %dma_start3A_34 = arith.constant 1 : i32
    %dma_start3A_35 = arith.constant 0 : i32
    %dma_start3A_36 = arith.constant 0 : i32
    %dma_start3A_37 = tpu.memref_slice %arg8[%dma_start3A_34, %dma_start3A_35, %dma_start3A_36] : memref<4x128x64xf32, #tpu.memory_space<vmem>> -> memref<1x128x64xf32, #tpu.memory_space<vmem>>
    %dma_start3A_38 = tpu.memref_squeeze %dma_start3A_37 : memref<1x128x64xf32, #tpu.memory_space<vmem>> -> memref<128x64xf32, #tpu.memory_space<vmem>>
    %dma_start3A_39 = arith.constant 0 : i32
    %dma_start3A_40 = tpu.memref_slice %arg6[%dma_start3A_33, %dma_start3A_39] : memref<160x128xi32, #tpu.memory_space<vmem>> -> memref<1x128xi32, #tpu.memory_space<vmem>>
    %dma_start3A_41 = tpu.memref_squeeze %dma_start3A_40 : memref<1x128xi32, #tpu.memory_space<vmem>> -> memref<128xi32, #tpu.memory_space<vmem>>
    %dma_start3A_42 = arith.constant 0 : i32
    %dma_start3A_43 = arith.constant 0 : i32
    %dma_start3A_44 = tpu.memref_slice %arg2[%arg0, %dma_start3A_42, %dma_start3A_43] : memref<2x10000x64xf32, #tpu.memory_space<hbm>> -> memref<1x10000x64xf32, #tpu.memory_space<hbm>>
    %dma_start3A_45 = tpu.memref_squeeze %dma_start3A_44 : memref<1x10000x64xf32, #tpu.memory_space<hbm>> -> memref<10000x64xf32, #tpu.memory_space<hbm>>
    %dma_start3A_46 = arith.constant 0 : i32
    %dma_start3A_47 = arith.constant 0 : i32
    %dma_start3A_48 = tpu.memref_slice %dma_start3A_45[%dma_start3A_46, %dma_start3A_47] : memref<10000x64xf32, #tpu.memory_space<hbm>> -> memref<10000x64xf32, #tpu.memory_space<hbm>>
    tpu.enqueue_indirect_dma source(%dma_start3A_48 : memref<10000x64xf32, #tpu.memory_space<hbm>>) target(%dma_start3A_38 : memref<128x64xf32, #tpu.memory_space<vmem>>) offsets(%dma_start3A_41 : memref<128xi32, #tpu.memory_space<vmem>>) semaphore(%arg11 : memref<!tpu.dma_semaphore, #tpu.memory_space<semaphore_mem>>)
    %dma_wait3A = arith.constant 0 : i32
    %dma_wait3A_49 = arith.constant 0 : i32
    %dma_wait3A_50 = arith.constant 0 : i32
    %dma_wait3A_51 = arith.constant 0 : i32
    %dma_wait3A_52 = tpu.memref_slice %arg8[%dma_wait3A_49, %dma_wait3A_50, %dma_wait3A_51] : memref<4x128x64xf32, #tpu.memory_space<vmem>> -> memref<1x128x64xf32, #tpu.memory_space<vmem>>
    %dma_wait3A_53 = tpu.memref_squeeze %dma_wait3A_52 : memref<1x128x64xf32, #tpu.memory_space<vmem>> -> memref<128x64xf32, #tpu.memory_space<vmem>>
    %dma_wait3A_54 = arith.constant 0 : i32
    %dma_wait3A_55 = tpu.memref_slice %arg6[%dma_wait3A, %dma_wait3A_54] : memref<160x128xi32, #tpu.memory_space<vmem>> -> memref<1x128xi32, #tpu.memory_space<vmem>>
    %dma_wait3A_56 = tpu.memref_squeeze %dma_wait3A_55 : memref<1x128xi32, #tpu.memory_space<vmem>> -> memref<128xi32, #tpu.memory_space<vmem>>
    %dma_wait3A_57 = arith.constant 0 : i32
    %dma_wait3A_58 = arith.constant 0 : i32
    %dma_wait3A_59 = tpu.memref_slice %arg2[%arg0, %dma_wait3A_57, %dma_wait3A_58] : memref<2x10000x64xf32, #tpu.memory_space<hbm>> -> memref<1x10000x64xf32, #tpu.memory_space<hbm>>
    %dma_wait3A_60 = tpu.memref_squeeze %dma_wait3A_59 : memref<1x10000x64xf32, #tpu.memory_space<hbm>> -> memref<10000x64xf32, #tpu.memory_space<hbm>>
    %dma_wait3A_61 = arith.constant 0 : i32
    %dma_wait3A_62 = arith.constant 0 : i32
    %dma_wait3A_63 = tpu.memref_slice %dma_wait3A_60[%dma_wait3A_61, %dma_wait3A_62] : memref<10000x64xf32, #tpu.memory_space<hbm>> -> memref<10000x64xf32, #tpu.memory_space<hbm>>
    tpu.wait_indirect_dma semaphore(%arg10 : memref<!tpu.dma_semaphore, #tpu.memory_space<semaphore_mem>>) src(%dma_wait3A_63 : memref<10000x64xf32, #tpu.memory_space<hbm>>) dst(%dma_wait3A_53 : memref<128x64xf32, #tpu.memory_space<vmem>>)
    %dma_start3A_64 = arith.constant 0 : i32
    %dma_start3A_65 = arith.constant 0 : i32
    %dma_start3A_66 = arith.constant 0 : i32
    %dma_start3A_67 = arith.constant 0 : i32
    %dma_start3A_68 = tpu.memref_slice %arg8[%dma_start3A_64, %dma_start3A_66, %dma_start3A_67] : memref<4x128x64xf32, #tpu.memory_space<vmem>> -> memref<1x128x64xf32, #tpu.memory_space<vmem>>
    %dma_start3A_69 = tpu.memref_squeeze %dma_start3A_68 : memref<1x128x64xf32, #tpu.memory_space<vmem>> -> memref<128x64xf32, #tpu.memory_space<vmem>>
    %dma_start3A_70 = arith.constant 0 : i32
    %dma_start3A_71 = tpu.memref_slice %arg7[%dma_start3A_65, %dma_start3A_70] : memref<160x128xi32, #tpu.memory_space<vmem>> -> memref<1x128xi32, #tpu.memory_space<vmem>>
    %dma_start3A_72 = tpu.memref_squeeze %dma_start3A_71 : memref<1x128xi32, #tpu.memory_space<vmem>> -> memref<128xi32, #tpu.memory_space<vmem>>
    %dma_start3A_73 = arith.constant 0 : i32
    %dma_start3A_74 = arith.constant 0 : i32
    %dma_start3A_75 = tpu.memref_slice %arg9[%dma_start3A_73, %dma_start3A_74] : memref<10112x64xf32, #tpu.memory_space<vmem_shared>> -> memref<10112x64xf32, #tpu.memory_space<vmem_shared>>
    tpu.enqueue_indirect_dma source(%dma_start3A_69 : memref<128x64xf32, #tpu.memory_space<vmem>>) target(%dma_start3A_75 : memref<10112x64xf32, #tpu.memory_space<vmem_shared>>) offsets(%dma_start3A_72 : memref<128xi32, #tpu.memory_space<vmem>>) semaphore(%arg14 : memref<!tpu.dma_semaphore, #tpu.memory_space<semaphore_mem>>) {add = true}
    %dma_start3A_76 = arith.constant 2 : i32
    %dma_start3A_77 = arith.constant 2 : i32
    %dma_start3A_78 = arith.constant 0 : i32
    %dma_start3A_79 = arith.constant 0 : i32
    %dma_start3A_80 = tpu.memref_slice %arg8[%dma_start3A_77, %dma_start3A_78, %dma_start3A_79] : memref<4x128x64xf32, #tpu.memory_space<vmem>> -> memref<1x128x64xf32, #tpu.memory_space<vmem>>
    %dma_start3A_81 = tpu.memref_squeeze %dma_start3A_80 : memref<1x128x64xf32, #tpu.memory_space<vmem>> -> memref<128x64xf32, #tpu.memory_space<vmem>>
    %dma_start3A_82 = arith.constant 0 : i32
    %dma_start3A_83 = tpu.memref_slice %arg6[%dma_start3A_76, %dma_start3A_82] : memref<160x128xi32, #tpu.memory_space<vmem>> -> memref<1x128xi32, #tpu.memory_space<vmem>>
    %dma_start3A_84 = tpu.memref_squeeze %dma_start3A_83 : memref<1x128xi32, #tpu.memory_space<vmem>> -> memref<128xi32, #tpu.memory_space<vmem>>
    %dma_start3A_85 = arith.constant 0 : i32
    %dma_start3A_86 = arith.constant 0 : i32
    %dma_start3A_87 = tpu.memref_slice %arg2[%arg0, %dma_start3A_85, %dma_start3A_86] : memref<2x10000x64xf32, #tpu.memory_space<hbm>> -> memref<1x10000x64xf32, #tpu.memory_space<hbm>>
    %dma_start3A_88 = tpu.memref_squeeze %dma_start3A_87 : memref<1x10000x64xf32, #tpu.memory_space<hbm>> -> memref<10000x64xf32, #tpu.memory_space<hbm>>
    %dma_start3A_89 = arith.constant 0 : i32
    %dma_start3A_90 = arith.constant 0 : i32
    %dma_start3A_91 = tpu.memref_slice %dma_start3A_88[%dma_start3A_89, %dma_start3A_90] : memref<10000x64xf32, #tpu.memory_space<hbm>> -> memref<10000x64xf32, #tpu.memory_space<hbm>>
    tpu.enqueue_indirect_dma source(%dma_start3A_91 : memref<10000x64xf32, #tpu.memory_space<hbm>>) target(%dma_start3A_81 : memref<128x64xf32, #tpu.memory_space<vmem>>) offsets(%dma_start3A_84 : memref<128xi32, #tpu.memory_space<vmem>>) semaphore(%arg12 : memref<!tpu.dma_semaphore, #tpu.memory_space<semaphore_mem>>)
    %dma_wait3A_92 = arith.constant 1 : i32
    %dma_wait3A_93 = arith.constant 1 : i32
    %dma_wait3A_94 = arith.constant 0 : i32
    %dma_wait3A_95 = arith.constant 0 : i32
    %dma_wait3A_96 = tpu.memref_slice %arg8[%dma_wait3A_93, %dma_wait3A_94, %dma_wait3A_95] : memref<4x128x64xf32, #tpu.memory_space<vmem>> -> memref<1x128x64xf32, #tpu.memory_space<vmem>>
    %dma_wait3A_97 = tpu.memref_squeeze %dma_wait3A_96 : memref<1x128x64xf32, #tpu.memory_space<vmem>> -> memref<128x64xf32, #tpu.memory_space<vmem>>
    %dma_wait3A_98 = arith.constant 0 : i32
    %dma_wait3A_99 = tpu.memref_slice %arg6[%dma_wait3A_92, %dma_wait3A_98] : memref<160x128xi32, #tpu.memory_space<vmem>> -> memref<1x128xi32, #tpu.memory_space<vmem>>
    %dma_wait3A_100 = tpu.memref_squeeze %dma_wait3A_99 : memref<1x128xi32, #tpu.memory_space<vmem>> -> memref<128xi32, #tpu.memory_space<vmem>>
    %dma_wait3A_101 = arith.constant 0 : i32
    %dma_wait3A_102 = arith.constant 0 : i32
    %dma_wait3A_103 = tpu.memref_slice %arg2[%arg0, %dma_wait3A_101, %dma_wait3A_102] : memref<2x10000x64xf32, #tpu.memory_space<hbm>> -> memref<1x10000x64xf32, #tpu.memory_space<hbm>>
    %dma_wait3A_104 = tpu.memref_squeeze %dma_wait3A_103 : memref<1x10000x64xf32, #tpu.memory_space<hbm>> -> memref<10000x64xf32, #tpu.memory_space<hbm>>
    %dma_wait3A_105 = arith.constant 0 : i32
    %dma_wait3A_106 = arith.constant 0 : i32
    %dma_wait3A_107 = tpu.memref_slice %dma_wait3A_104[%dma_wait3A_105, %dma_wait3A_106] : memref<10000x64xf32, #tpu.memory_space<hbm>> -> memref<10000x64xf32, #tpu.memory_space<hbm>>
    tpu.wait_indirect_dma semaphore(%arg11 : memref<!tpu.dma_semaphore, #tpu.memory_space<semaphore_mem>>) src(%dma_wait3A_107 : memref<10000x64xf32, #tpu.memory_space<hbm>>) dst(%dma_wait3A_97 : memref<128x64xf32, #tpu.memory_space<vmem>>)
    %dma_start3A_108 = arith.constant 1 : i32
    %dma_start3A_109 = arith.constant 1 : i32
    %dma_start3A_110 = arith.constant 0 : i32
    %dma_start3A_111 = arith.constant 0 : i32
    %dma_start3A_112 = tpu.memref_slice %arg8[%dma_start3A_108, %dma_start3A_110, %dma_start3A_111] : memref<4x128x64xf32, #tpu.memory_space<vmem>> -> memref<1x128x64xf32, #tpu.memory_space<vmem>>
    %dma_start3A_113 = tpu.memref_squeeze %dma_start3A_112 : memref<1x128x64xf32, #tpu.memory_space<vmem>> -> memref<128x64xf32, #tpu.memory_space<vmem>>
    %dma_start3A_114 = arith.constant 0 : i32
    %dma_start3A_115 = tpu.memref_slice %arg7[%dma_start3A_109, %dma_start3A_114] : memref<160x128xi32, #tpu.memory_space<vmem>> -> memref<1x128xi32, #tpu.memory_space<vmem>>
    %dma_start3A_116 = tpu.memref_squeeze %dma_start3A_115 : memref<1x128xi32, #tpu.memory_space<vmem>> -> memref<128xi32, #tpu.memory_space<vmem>>
    %dma_start3A_117 = arith.constant 0 : i32
    %dma_start3A_118 = arith.constant 0 : i32
    %dma_start3A_119 = tpu.memref_slice %arg9[%dma_start3A_117, %dma_start3A_118] : memref<10112x64xf32, #tpu.memory_space<vmem_shared>> -> memref<10112x64xf32, #tpu.memory_space<vmem_shared>>
    tpu.enqueue_indirect_dma source(%dma_start3A_113 : memref<128x64xf32, #tpu.memory_space<vmem>>) target(%dma_start3A_119 : memref<10112x64xf32, #tpu.memory_space<vmem_shared>>) offsets(%dma_start3A_116 : memref<128xi32, #tpu.memory_space<vmem>>) semaphore(%arg15 : memref<!tpu.dma_semaphore, #tpu.memory_space<semaphore_mem>>) {add = true}
    %dma_start3A_120 = arith.constant 3 : i32
    %dma_start3A_121 = arith.constant 3 : i32
    %dma_start3A_122 = arith.constant 0 : i32
    %dma_start3A_123 = arith.constant 0 : i32
    %dma_start3A_124 = tpu.memref_slice %arg8[%dma_start3A_121, %dma_start3A_122, %dma_start3A_123] : memref<4x128x64xf32, #tpu.memory_space<vmem>> -> memref<1x128x64xf32, #tpu.memory_space<vmem>>
    %dma_start3A_125 = tpu.memref_squeeze %dma_start3A_124 : memref<1x128x64xf32, #tpu.memory_space<vmem>> -> memref<128x64xf32, #tpu.memory_space<vmem>>
    %dma_start3A_126 = arith.constant 0 : i32
    %dma_start3A_127 = tpu.memref_slice %arg6[%dma_start3A_120, %dma_start3A_126] : memref<160x128xi32, #tpu.memory_space<vmem>> -> memref<1x128xi32, #tpu.memory_space<vmem>>
    %dma_start3A_128 = tpu.memref_squeeze %dma_start3A_127 : memref<1x128xi32, #tpu.memory_space<vmem>> -> memref<128xi32, #tpu.memory_space<vmem>>
    %dma_start3A_129 = arith.constant 0 : i32
    %dma_start3A_130 = arith.constant 0 : i32
    %dma_start3A_131 = tpu.memref_slice %arg2[%arg0, %dma_start3A_129, %dma_start3A_130] : memref<2x10000x64xf32, #tpu.memory_space<hbm>> -> memref<1x10000x64xf32, #tpu.memory_space<hbm>>
    %dma_start3A_132 = tpu.memref_squeeze %dma_start3A_131 : memref<1x10000x64xf32, #tpu.memory_space<hbm>> -> memref<10000x64xf32, #tpu.memory_space<hbm>>
    %dma_start3A_133 = arith.constant 0 : i32
    %dma_start3A_134 = arith.constant 0 : i32
    %dma_start3A_135 = tpu.memref_slice %dma_start3A_132[%dma_start3A_133, %dma_start3A_134] : memref<10000x64xf32, #tpu.memory_space<hbm>> -> memref<10000x64xf32, #tpu.memory_space<hbm>>
    tpu.enqueue_indirect_dma source(%dma_start3A_135 : memref<10000x64xf32, #tpu.memory_space<hbm>>) target(%dma_start3A_125 : memref<128x64xf32, #tpu.memory_space<vmem>>) offsets(%dma_start3A_128 : memref<128xi32, #tpu.memory_space<vmem>>) semaphore(%arg13 : memref<!tpu.dma_semaphore, #tpu.memory_space<semaphore_mem>>)
    %scan3A_136 = arith.constant 2 : i32
    %scan3A_137 = arith.constant 0 : i32
    %scan3A_138 = arith.constant 3 : i32
    %scan3A_139 = arith.constant 1 : i32
    %scan3A_140 = arith.constant 0 : i32
    %scan3A_141 = arith.constant 39 : i32
    %scan3A_142 = arith.addi %scan3A_140, %scan3A_141 : i32
    %scan3A_143 = arith.constant 1 : i32
    scf.for %scan3A_390 = %scan3A_140 to %scan3A_142 step %scan3A_143  : i32 {
      %mul3A_391 = arith.constant 4 : i32
      %mul3A_392 = arith.muli %scan3A_390, %mul3A_391 : i32
      %add3A_393 = arith.constant 2 : i32
      %add3A_394 = arith.addi %add3A_393, %mul3A_392 : i32
      %add3A_395 = arith.constant 0 : i32
      %add3A_396 = arith.addi %add3A_394, %add3A_395 : i32
      %dma_wait3A_397 = arith.constant 0 : i32
      %dma_wait3A_398 = arith.constant 0 : i32
      %dma_wait3A_399 = tpu.memref_slice %arg8[%scan3A_136, %dma_wait3A_397, %dma_wait3A_398] : memref<4x128x64xf32, #tpu.memory_space<vmem>> -> memref<1x128x64xf32, #tpu.memory_space<vmem>>
      %dma_wait3A_400 = tpu.memref_squeeze %dma_wait3A_399 : memref<1x128x64xf32, #tpu.memory_space<vmem>> -> memref<128x64xf32, #tpu.memory_space<vmem>>
      %dma_wait3A_401 = arith.constant 0 : i32
      %dma_wait3A_402 = tpu.memref_slice %arg6[%add3A_396, %dma_wait3A_401] : memref<160x128xi32, #tpu.memory_space<vmem>> -> memref<1x128xi32, #tpu.memory_space<vmem>>
      %dma_wait3A_403 = tpu.memref_squeeze %dma_wait3A_402 : memref<1x128xi32, #tpu.memory_space<vmem>> -> memref<128xi32, #tpu.memory_space<vmem>>
      %dma_wait3A_404 = arith.constant 0 : i32
      %dma_wait3A_405 = arith.constant 0 : i32
      %dma_wait3A_406 = tpu.memref_slice %arg2[%arg0, %dma_wait3A_404, %dma_wait3A_405] : memref<2x10000x64xf32, #tpu.memory_space<hbm>> -> memref<1x10000x64xf32, #tpu.memory_space<hbm>>
      %dma_wait3A_407 = tpu.memref_squeeze %dma_wait3A_406 : memref<1x10000x64xf32, #tpu.memory_space<hbm>> -> memref<10000x64xf32, #tpu.memory_space<hbm>>
      %dma_wait3A_408 = arith.constant 0 : i32
      %dma_wait3A_409 = arith.constant 0 : i32
      %dma_wait3A_410 = tpu.memref_slice %dma_wait3A_407[%dma_wait3A_408, %dma_wait3A_409] : memref<10000x64xf32, #tpu.memory_space<hbm>> -> memref<10000x64xf32, #tpu.memory_space<hbm>>
      tpu.wait_indirect_dma semaphore(%arg12 : memref<!tpu.dma_semaphore, #tpu.memory_space<semaphore_mem>>) src(%dma_wait3A_410 : memref<10000x64xf32, #tpu.memory_space<hbm>>) dst(%dma_wait3A_400 : memref<128x64xf32, #tpu.memory_space<vmem>>)
      %dma_start3A_411 = arith.constant 0 : i32
      %dma_start3A_412 = arith.constant 0 : i32
      %dma_start3A_413 = tpu.memref_slice %arg8[%scan3A_136, %dma_start3A_411, %dma_start3A_412] : memref<4x128x64xf32, #tpu.memory_space<vmem>> -> memref<1x128x64xf32, #tpu.memory_space<vmem>>
      %dma_start3A_414 = tpu.memref_squeeze %dma_start3A_413 : memref<1x128x64xf32, #tpu.memory_space<vmem>> -> memref<128x64xf32, #tpu.memory_space<vmem>>
      %dma_start3A_415 = arith.constant 0 : i32
      %dma_start3A_416 = tpu.memref_slice %arg7[%add3A_396, %dma_start3A_415] : memref<160x128xi32, #tpu.memory_space<vmem>> -> memref<1x128xi32, #tpu.memory_space<vmem>>
      %dma_start3A_417 = tpu.memref_squeeze %dma_start3A_416 : memref<1x128xi32, #tpu.memory_space<vmem>> -> memref<128xi32, #tpu.memory_space<vmem>>
      %dma_start3A_418 = arith.constant 0 : i32
      %dma_start3A_419 = arith.constant 0 : i32
      %dma_start3A_420 = tpu.memref_slice %arg9[%dma_start3A_418, %dma_start3A_419] : memref<10112x64xf32, #tpu.memory_space<vmem_shared>> -> memref<10112x64xf32, #tpu.memory_space<vmem_shared>>
      tpu.enqueue_indirect_dma source(%dma_start3A_414 : memref<128x64xf32, #tpu.memory_space<vmem>>) target(%dma_start3A_420 : memref<10112x64xf32, #tpu.memory_space<vmem_shared>>) offsets(%dma_start3A_417 : memref<128xi32, #tpu.memory_space<vmem>>) semaphore(%arg16 : memref<!tpu.dma_semaphore, #tpu.memory_space<semaphore_mem>>) {add = true}
      %sub3A = arith.constant 2 : i32
      %sub3A_421 = arith.subi %add3A_396, %sub3A : i32
      %dma_wait3A_422 = arith.constant 0 : i32
      %dma_wait3A_423 = arith.constant 0 : i32
      %dma_wait3A_424 = tpu.memref_slice %arg8[%scan3A_137, %dma_wait3A_422, %dma_wait3A_423] : memref<4x128x64xf32, #tpu.memory_space<vmem>> -> memref<1x128x64xf32, #tpu.memory_space<vmem>>
      %dma_wait3A_425 = tpu.memref_squeeze %dma_wait3A_424 : memref<1x128x64xf32, #tpu.memory_space<vmem>> -> memref<128x64xf32, #tpu.memory_space<vmem>>
      %dma_wait3A_426 = arith.constant 0 : i32
      %dma_wait3A_427 = tpu.memref_slice %arg7[%sub3A_421, %dma_wait3A_426] : memref<160x128xi32, #tpu.memory_space<vmem>> -> memref<1x128xi32, #tpu.memory_space<vmem>>
      %dma_wait3A_428 = tpu.memref_squeeze %dma_wait3A_427 : memref<1x128xi32, #tpu.memory_space<vmem>> -> memref<128xi32, #tpu.memory_space<vmem>>
      %dma_wait3A_429 = arith.constant 0 : i32
      %dma_wait3A_430 = arith.constant 0 : i32
      %dma_wait3A_431 = tpu.memref_slice %arg9[%dma_wait3A_429, %dma_wait3A_430] : memref<10112x64xf32, #tpu.memory_space<vmem_shared>> -> memref<10112x64xf32, #tpu.memory_space<vmem_shared>>
      tpu.wait_indirect_dma semaphore(%arg14 : memref<!tpu.dma_semaphore, #tpu.memory_space<semaphore_mem>>) src(%dma_wait3A_425 : memref<128x64xf32, #tpu.memory_space<vmem>>) dst(%dma_wait3A_431 : memref<10112x64xf32, #tpu.memory_space<vmem_shared>>)
      %add3A_432 = arith.constant 2 : i32
      %add3A_433 = arith.addi %add3A_396, %add3A_432 : i32
      %dma_start3A_434 = arith.constant 0 : i32
      %dma_start3A_435 = arith.constant 0 : i32
      %dma_start3A_436 = tpu.memref_slice %arg8[%scan3A_137, %dma_start3A_434, %dma_start3A_435] : memref<4x128x64xf32, #tpu.memory_space<vmem>> -> memref<1x128x64xf32, #tpu.memory_space<vmem>>
      %dma_start3A_437 = tpu.memref_squeeze %dma_start3A_436 : memref<1x128x64xf32, #tpu.memory_space<vmem>> -> memref<128x64xf32, #tpu.memory_space<vmem>>
      %dma_start3A_438 = arith.constant 0 : i32
      %dma_start3A_439 = tpu.memref_slice %arg6[%add3A_433, %dma_start3A_438] : memref<160x128xi32, #tpu.memory_space<vmem>> -> memref<1x128xi32, #tpu.memory_space<vmem>>
      %dma_start3A_440 = tpu.memref_squeeze %dma_start3A_439 : memref<1x128xi32, #tpu.memory_space<vmem>> -> memref<128xi32, #tpu.memory_space<vmem>>
      %dma_start3A_441 = arith.constant 0 : i32
      %dma_start3A_442 = arith.constant 0 : i32
      %dma_start3A_443 = tpu.memref_slice %arg2[%arg0, %dma_start3A_441, %dma_start3A_442] : memref<2x10000x64xf32, #tpu.memory_space<hbm>> -> memref<1x10000x64xf32, #tpu.memory_space<hbm>>
      %dma_start3A_444 = tpu.memref_squeeze %dma_start3A_443 : memref<1x10000x64xf32, #tpu.memory_space<hbm>> -> memref<10000x64xf32, #tpu.memory_space<hbm>>
      %dma_start3A_445 = arith.constant 0 : i32
      %dma_start3A_446 = arith.constant 0 : i32
      %dma_start3A_447 = tpu.memref_slice %dma_start3A_444[%dma_start3A_445, %dma_start3A_446] : memref<10000x64xf32, #tpu.memory_space<hbm>> -> memref<10000x64xf32, #tpu.memory_space<hbm>>
      tpu.enqueue_indirect_dma source(%dma_start3A_447 : memref<10000x64xf32, #tpu.memory_space<hbm>>) target(%dma_start3A_437 : memref<128x64xf32, #tpu.memory_space<vmem>>) offsets(%dma_start3A_440 : memref<128xi32, #tpu.memory_space<vmem>>) semaphore(%arg10 : memref<!tpu.dma_semaphore, #tpu.memory_space<semaphore_mem>>)
      %add3A_448 = arith.constant 1 : i32
      %add3A_449 = arith.addi %add3A_394, %add3A_448 : i32
      %dma_wait3A_450 = arith.constant 0 : i32
      %dma_wait3A_451 = arith.constant 0 : i32
      %dma_wait3A_452 = tpu.memref_slice %arg8[%scan3A_138, %dma_wait3A_450, %dma_wait3A_451] : memref<4x128x64xf32, #tpu.memory_space<vmem>> -> memref<1x128x64xf32, #tpu.memory_space<vmem>>
      %dma_wait3A_453 = tpu.memref_squeeze %dma_wait3A_452 : memref<1x128x64xf32, #tpu.memory_space<vmem>> -> memref<128x64xf32, #tpu.memory_space<vmem>>
      %dma_wait3A_454 = arith.constant 0 : i32
      %dma_wait3A_455 = tpu.memref_slice %arg6[%add3A_449, %dma_wait3A_454] : memref<160x128xi32, #tpu.memory_space<vmem>> -> memref<1x128xi32, #tpu.memory_space<vmem>>
      %dma_wait3A_456 = tpu.memref_squeeze %dma_wait3A_455 : memref<1x128xi32, #tpu.memory_space<vmem>> -> memref<128xi32, #tpu.memory_space<vmem>>
      %dma_wait3A_457 = arith.constant 0 : i32
      %dma_wait3A_458 = arith.constant 0 : i32
      %dma_wait3A_459 = tpu.memref_slice %arg2[%arg0, %dma_wait3A_457, %dma_wait3A_458] : memref<2x10000x64xf32, #tpu.memory_space<hbm>> -> memref<1x10000x64xf32, #tpu.memory_space<hbm>>
      %dma_wait3A_460 = tpu.memref_squeeze %dma_wait3A_459 : memref<1x10000x64xf32, #tpu.memory_space<hbm>> -> memref<10000x64xf32, #tpu.memory_space<hbm>>
      %dma_wait3A_461 = arith.constant 0 : i32
      %dma_wait3A_462 = arith.constant 0 : i32
      %dma_wait3A_463 = tpu.memref_slice %dma_wait3A_460[%dma_wait3A_461, %dma_wait3A_462] : memref<10000x64xf32, #tpu.memory_space<hbm>> -> memref<10000x64xf32, #tpu.memory_space<hbm>>
      tpu.wait_indirect_dma semaphore(%arg13 : memref<!tpu.dma_semaphore, #tpu.memory_space<semaphore_mem>>) src(%dma_wait3A_463 : memref<10000x64xf32, #tpu.memory_space<hbm>>) dst(%dma_wait3A_453 : memref<128x64xf32, #tpu.memory_space<vmem>>)
      %dma_start3A_464 = arith.constant 0 : i32
      %dma_start3A_465 = arith.constant 0 : i32
      %dma_start3A_466 = tpu.memref_slice %arg8[%scan3A_138, %dma_start3A_464, %dma_start3A_465] : memref<4x128x64xf32, #tpu.memory_space<vmem>> -> memref<1x128x64xf32, #tpu.memory_space<vmem>>
      %dma_start3A_467 = tpu.memref_squeeze %dma_start3A_466 : memref<1x128x64xf32, #tpu.memory_space<vmem>> -> memref<128x64xf32, #tpu.memory_space<vmem>>
      %dma_start3A_468 = arith.constant 0 : i32
      %dma_start3A_469 = tpu.memref_slice %arg7[%add3A_449, %dma_start3A_468] : memref<160x128xi32, #tpu.memory_space<vmem>> -> memref<1x128xi32, #tpu.memory_space<vmem>>
      %dma_start3A_470 = tpu.memref_squeeze %dma_start3A_469 : memref<1x128xi32, #tpu.memory_space<vmem>> -> memref<128xi32, #tpu.memory_space<vmem>>
      %dma_start3A_471 = arith.constant 0 : i32
      %dma_start3A_472 = arith.constant 0 : i32
      %dma_start3A_473 = tpu.memref_slice %arg9[%dma_start3A_471, %dma_start3A_472] : memref<10112x64xf32, #tpu.memory_space<vmem_shared>> -> memref<10112x64xf32, #tpu.memory_space<vmem_shared>>
      tpu.enqueue_indirect_dma source(%dma_start3A_467 : memref<128x64xf32, #tpu.memory_space<vmem>>) target(%dma_start3A_473 : memref<10112x64xf32, #tpu.memory_space<vmem_shared>>) offsets(%dma_start3A_470 : memref<128xi32, #tpu.memory_space<vmem>>) semaphore(%arg17 : memref<!tpu.dma_semaphore, #tpu.memory_space<semaphore_mem>>) {add = true}
      %sub3A_474 = arith.constant 2 : i32
      %sub3A_475 = arith.subi %add3A_449, %sub3A_474 : i32
      %dma_wait3A_476 = arith.constant 0 : i32
      %dma_wait3A_477 = arith.constant 0 : i32
      %dma_wait3A_478 = tpu.memref_slice %arg8[%scan3A_139, %dma_wait3A_476, %dma_wait3A_477] : memref<4x128x64xf32, #tpu.memory_space<vmem>> -> memref<1x128x64xf32, #tpu.memory_space<vmem>>
      %dma_wait3A_479 = tpu.memref_squeeze %dma_wait3A_478 : memref<1x128x64xf32, #tpu.memory_space<vmem>> -> memref<128x64xf32, #tpu.memory_space<vmem>>
      %dma_wait3A_480 = arith.constant 0 : i32
      %dma_wait3A_481 = tpu.memref_slice %arg7[%sub3A_475, %dma_wait3A_480] : memref<160x128xi32, #tpu.memory_space<vmem>> -> memref<1x128xi32, #tpu.memory_space<vmem>>
      %dma_wait3A_482 = tpu.memref_squeeze %dma_wait3A_481 : memref<1x128xi32, #tpu.memory_space<vmem>> -> memref<128xi32, #tpu.memory_space<vmem>>
      %dma_wait3A_483 = arith.constant 0 : i32
      %dma_wait3A_484 = arith.constant 0 : i32
      %dma_wait3A_485 = tpu.memref_slice %arg9[%dma_wait3A_483, %dma_wait3A_484] : memref<10112x64xf32, #tpu.memory_space<vmem_shared>> -> memref<10112x64xf32, #tpu.memory_space<vmem_shared>>
      tpu.wait_indirect_dma semaphore(%arg15 : memref<!tpu.dma_semaphore, #tpu.memory_space<semaphore_mem>>) src(%dma_wait3A_479 : memref<128x64xf32, #tpu.memory_space<vmem>>) dst(%dma_wait3A_485 : memref<10112x64xf32, #tpu.memory_space<vmem_shared>>)
      %add3A_486 = arith.constant 2 : i32
      %add3A_487 = arith.addi %add3A_449, %add3A_486 : i32
      %dma_start3A_488 = arith.constant 0 : i32
      %dma_start3A_489 = arith.constant 0 : i32
      %dma_start3A_490 = tpu.memref_slice %arg8[%scan3A_139, %dma_start3A_488, %dma_start3A_489] : memref<4x128x64xf32, #tpu.memory_space<vmem>> -> memref<1x128x64xf32, #tpu.memory_space<vmem>>
      %dma_start3A_491 = tpu.memref_squeeze %dma_start3A_490 : memref<1x128x64xf32, #tpu.memory_space<vmem>> -> memref<128x64xf32, #tpu.memory_space<vmem>>
      %dma_start3A_492 = arith.constant 0 : i32
      %dma_start3A_493 = tpu.memref_slice %arg6[%add3A_487, %dma_start3A_492] : memref<160x128xi32, #tpu.memory_space<vmem>> -> memref<1x128xi32, #tpu.memory_space<vmem>>
      %dma_start3A_494 = tpu.memref_squeeze %dma_start3A_493 : memref<1x128xi32, #tpu.memory_space<vmem>> -> memref<128xi32, #tpu.memory_space<vmem>>
      %dma_start3A_495 = arith.constant 0 : i32
      %dma_start3A_496 = arith.constant 0 : i32
      %dma_start3A_497 = tpu.memref_slice %arg2[%arg0, %dma_start3A_495, %dma_start3A_496] : memref<2x10000x64xf32, #tpu.memory_space<hbm>> -> memref<1x10000x64xf32, #tpu.memory_space<hbm>>
      %dma_start3A_498 = tpu.memref_squeeze %dma_start3A_497 : memref<1x10000x64xf32, #tpu.memory_space<hbm>> -> memref<10000x64xf32, #tpu.memory_space<hbm>>
      %dma_start3A_499 = arith.constant 0 : i32
      %dma_start3A_500 = arith.constant 0 : i32
      %dma_start3A_501 = tpu.memref_slice %dma_start3A_498[%dma_start3A_499, %dma_start3A_500] : memref<10000x64xf32, #tpu.memory_space<hbm>> -> memref<10000x64xf32, #tpu.memory_space<hbm>>
      tpu.enqueue_indirect_dma source(%dma_start3A_501 : memref<10000x64xf32, #tpu.memory_space<hbm>>) target(%dma_start3A_491 : memref<128x64xf32, #tpu.memory_space<vmem>>) offsets(%dma_start3A_494 : memref<128xi32, #tpu.memory_space<vmem>>) semaphore(%arg11 : memref<!tpu.dma_semaphore, #tpu.memory_space<semaphore_mem>>)
      %add3A_502 = arith.constant 2 : i32
      %add3A_503 = arith.addi %add3A_394, %add3A_502 : i32
      %dma_wait3A_504 = arith.constant 0 : i32
      %dma_wait3A_505 = arith.constant 0 : i32
      %dma_wait3A_506 = tpu.memref_slice %arg8[%scan3A_137, %dma_wait3A_504, %dma_wait3A_505] : memref<4x128x64xf32, #tpu.memory_space<vmem>> -> memref<1x128x64xf32, #tpu.memory_space<vmem>>
      %dma_wait3A_507 = tpu.memref_squeeze %dma_wait3A_506 : memref<1x128x64xf32, #tpu.memory_space<vmem>> -> memref<128x64xf32, #tpu.memory_space<vmem>>
      %dma_wait3A_508 = arith.constant 0 : i32
      %dma_wait3A_509 = tpu.memref_slice %arg6[%add3A_503, %dma_wait3A_508] : memref<160x128xi32, #tpu.memory_space<vmem>> -> memref<1x128xi32, #tpu.memory_space<vmem>>
      %dma_wait3A_510 = tpu.memref_squeeze %dma_wait3A_509 : memref<1x128xi32, #tpu.memory_space<vmem>> -> memref<128xi32, #tpu.memory_space<vmem>>
      %dma_wait3A_511 = arith.constant 0 : i32
      %dma_wait3A_512 = arith.constant 0 : i32
      %dma_wait3A_513 = tpu.memref_slice %arg2[%arg0, %dma_wait3A_511, %dma_wait3A_512] : memref<2x10000x64xf32, #tpu.memory_space<hbm>> -> memref<1x10000x64xf32, #tpu.memory_space<hbm>>
      %dma_wait3A_514 = tpu.memref_squeeze %dma_wait3A_513 : memref<1x10000x64xf32, #tpu.memory_space<hbm>> -> memref<10000x64xf32, #tpu.memory_space<hbm>>
      %dma_wait3A_515 = arith.constant 0 : i32
      %dma_wait3A_516 = arith.constant 0 : i32
      %dma_wait3A_517 = tpu.memref_slice %dma_wait3A_514[%dma_wait3A_515, %dma_wait3A_516] : memref<10000x64xf32, #tpu.memory_space<hbm>> -> memref<10000x64xf32, #tpu.memory_space<hbm>>
      tpu.wait_indirect_dma semaphore(%arg10 : memref<!tpu.dma_semaphore, #tpu.memory_space<semaphore_mem>>) src(%dma_wait3A_517 : memref<10000x64xf32, #tpu.memory_space<hbm>>) dst(%dma_wait3A_507 : memref<128x64xf32, #tpu.memory_space<vmem>>)
      %dma_start3A_518 = arith.constant 0 : i32
      %dma_start3A_519 = arith.constant 0 : i32
      %dma_start3A_520 = tpu.memref_slice %arg8[%scan3A_137, %dma_start3A_518, %dma_start3A_519] : memref<4x128x64xf32, #tpu.memory_space<vmem>> -> memref<1x128x64xf32, #tpu.memory_space<vmem>>
      %dma_start3A_521 = tpu.memref_squeeze %dma_start3A_520 : memref<1x128x64xf32, #tpu.memory_space<vmem>> -> memref<128x64xf32, #tpu.memory_space<vmem>>
      %dma_start3A_522 = arith.constant 0 : i32
      %dma_start3A_523 = tpu.memref_slice %arg7[%add3A_503, %dma_start3A_522] : memref<160x128xi32, #tpu.memory_space<vmem>> -> memref<1x128xi32, #tpu.memory_space<vmem>>
      %dma_start3A_524 = tpu.memref_squeeze %dma_start3A_523 : memref<1x128xi32, #tpu.memory_space<vmem>> -> memref<128xi32, #tpu.memory_space<vmem>>
      %dma_start3A_525 = arith.constant 0 : i32
      %dma_start3A_526 = arith.constant 0 : i32
      %dma_start3A_527 = tpu.memref_slice %arg9[%dma_start3A_525, %dma_start3A_526] : memref<10112x64xf32, #tpu.memory_space<vmem_shared>> -> memref<10112x64xf32, #tpu.memory_space<vmem_shared>>
      tpu.enqueue_indirect_dma source(%dma_start3A_521 : memref<128x64xf32, #tpu.memory_space<vmem>>) target(%dma_start3A_527 : memref<10112x64xf32, #tpu.memory_space<vmem_shared>>) offsets(%dma_start3A_524 : memref<128xi32, #tpu.memory_space<vmem>>) semaphore(%arg14 : memref<!tpu.dma_semaphore, #tpu.memory_space<semaphore_mem>>) {add = true}
      %sub3A_528 = arith.constant 2 : i32
      %sub3A_529 = arith.subi %add3A_503, %sub3A_528 : i32
      %dma_wait3A_530 = arith.constant 0 : i32
      %dma_wait3A_531 = arith.constant 0 : i32
      %dma_wait3A_532 = tpu.memref_slice %arg8[%scan3A_136, %dma_wait3A_530, %dma_wait3A_531] : memref<4x128x64xf32, #tpu.memory_space<vmem>> -> memref<1x128x64xf32, #tpu.memory_space<vmem>>
      %dma_wait3A_533 = tpu.memref_squeeze %dma_wait3A_532 : memref<1x128x64xf32, #tpu.memory_space<vmem>> -> memref<128x64xf32, #tpu.memory_space<vmem>>
      %dma_wait3A_534 = arith.constant 0 : i32
      %dma_wait3A_535 = tpu.memref_slice %arg7[%sub3A_529, %dma_wait3A_534] : memref<160x128xi32, #tpu.memory_space<vmem>> -> memref<1x128xi32, #tpu.memory_space<vmem>>
      %dma_wait3A_536 = tpu.memref_squeeze %dma_wait3A_535 : memref<1x128xi32, #tpu.memory_space<vmem>> -> memref<128xi32, #tpu.memory_space<vmem>>
      %dma_wait3A_537 = arith.constant 0 : i32
      %dma_wait3A_538 = arith.constant 0 : i32
      %dma_wait3A_539 = tpu.memref_slice %arg9[%dma_wait3A_537, %dma_wait3A_538] : memref<10112x64xf32, #tpu.memory_space<vmem_shared>> -> memref<10112x64xf32, #tpu.memory_space<vmem_shared>>
      tpu.wait_indirect_dma semaphore(%arg16 : memref<!tpu.dma_semaphore, #tpu.memory_space<semaphore_mem>>) src(%dma_wait3A_533 : memref<128x64xf32, #tpu.memory_space<vmem>>) dst(%dma_wait3A_539 : memref<10112x64xf32, #tpu.memory_space<vmem_shared>>)
      %add3A_540 = arith.constant 2 : i32
      %add3A_541 = arith.addi %add3A_503, %add3A_540 : i32
      %dma_start3A_542 = arith.constant 0 : i32
      %dma_start3A_543 = arith.constant 0 : i32
      %dma_start3A_544 = tpu.memref_slice %arg8[%scan3A_136, %dma_start3A_542, %dma_start3A_543] : memref<4x128x64xf32, #tpu.memory_space<vmem>> -> memref<1x128x64xf32, #tpu.memory_space<vmem>>
      %dma_start3A_545 = tpu.memref_squeeze %dma_start3A_544 : memref<1x128x64xf32, #tpu.memory_space<vmem>> -> memref<128x64xf32, #tpu.memory_space<vmem>>
      %dma_start3A_546 = arith.constant 0 : i32
      %dma_start3A_547 = tpu.memref_slice %arg6[%add3A_541, %dma_start3A_546] : memref<160x128xi32, #tpu.memory_space<vmem>> -> memref<1x128xi32, #tpu.memory_space<vmem>>
      %dma_start3A_548 = tpu.memref_squeeze %dma_start3A_547 : memref<1x128xi32, #tpu.memory_space<vmem>> -> memref<128xi32, #tpu.memory_space<vmem>>
      %dma_start3A_549 = arith.constant 0 : i32
      %dma_start3A_550 = arith.constant 0 : i32
      %dma_start3A_551 = tpu.memref_slice %arg2[%arg0, %dma_start3A_549, %dma_start3A_550] : memref<2x10000x64xf32, #tpu.memory_space<hbm>> -> memref<1x10000x64xf32, #tpu.memory_space<hbm>>
      %dma_start3A_552 = tpu.memref_squeeze %dma_start3A_551 : memref<1x10000x64xf32, #tpu.memory_space<hbm>> -> memref<10000x64xf32, #tpu.memory_space<hbm>>
      %dma_start3A_553 = arith.constant 0 : i32
      %dma_start3A_554 = arith.constant 0 : i32
      %dma_start3A_555 = tpu.memref_slice %dma_start3A_552[%dma_start3A_553, %dma_start3A_554] : memref<10000x64xf32, #tpu.memory_space<hbm>> -> memref<10000x64xf32, #tpu.memory_space<hbm>>
      tpu.enqueue_indirect_dma source(%dma_start3A_555 : memref<10000x64xf32, #tpu.memory_space<hbm>>) target(%dma_start3A_545 : memref<128x64xf32, #tpu.memory_space<vmem>>) offsets(%dma_start3A_548 : memref<128xi32, #tpu.memory_space<vmem>>) semaphore(%arg12 : memref<!tpu.dma_semaphore, #tpu.memory_space<semaphore_mem>>)
      %add3A_556 = arith.constant 3 : i32
      %add3A_557 = arith.addi %add3A_394, %add3A_556 : i32
      %dma_wait3A_558 = arith.constant 0 : i32
      %dma_wait3A_559 = arith.constant 0 : i32
      %dma_wait3A_560 = tpu.memref_slice %arg8[%scan3A_139, %dma_wait3A_558, %dma_wait3A_559] : memref<4x128x64xf32, #tpu.memory_space<vmem>> -> memref<1x128x64xf32, #tpu.memory_space<vmem>>
      %dma_wait3A_561 = tpu.memref_squeeze %dma_wait3A_560 : memref<1x128x64xf32, #tpu.memory_space<vmem>> -> memref<128x64xf32, #tpu.memory_space<vmem>>
      %dma_wait3A_562 = arith.constant 0 : i32
      %dma_wait3A_563 = tpu.memref_slice %arg6[%add3A_557, %dma_wait3A_562] : memref<160x128xi32, #tpu.memory_space<vmem>> -> memref<1x128xi32, #tpu.memory_space<vmem>>
      %dma_wait3A_564 = tpu.memref_squeeze %dma_wait3A_563 : memref<1x128xi32, #tpu.memory_space<vmem>> -> memref<128xi32, #tpu.memory_space<vmem>>
      %dma_wait3A_565 = arith.constant 0 : i32
      %dma_wait3A_566 = arith.constant 0 : i32
      %dma_wait3A_567 = tpu.memref_slice %arg2[%arg0, %dma_wait3A_565, %dma_wait3A_566] : memref<2x10000x64xf32, #tpu.memory_space<hbm>> -> memref<1x10000x64xf32, #tpu.memory_space<hbm>>
      %dma_wait3A_568 = tpu.memref_squeeze %dma_wait3A_567 : memref<1x10000x64xf32, #tpu.memory_space<hbm>> -> memref<10000x64xf32, #tpu.memory_space<hbm>>
      %dma_wait3A_569 = arith.constant 0 : i32
      %dma_wait3A_570 = arith.constant 0 : i32
      %dma_wait3A_571 = tpu.memref_slice %dma_wait3A_568[%dma_wait3A_569, %dma_wait3A_570] : memref<10000x64xf32, #tpu.memory_space<hbm>> -> memref<10000x64xf32, #tpu.memory_space<hbm>>
      tpu.wait_indirect_dma semaphore(%arg11 : memref<!tpu.dma_semaphore, #tpu.memory_space<semaphore_mem>>) src(%dma_wait3A_571 : memref<10000x64xf32, #tpu.memory_space<hbm>>) dst(%dma_wait3A_561 : memref<128x64xf32, #tpu.memory_space<vmem>>)
      %dma_start3A_572 = arith.constant 0 : i32
      %dma_start3A_573 = arith.constant 0 : i32
      %dma_start3A_574 = tpu.memref_slice %arg8[%scan3A_139, %dma_start3A_572, %dma_start3A_573] : memref<4x128x64xf32, #tpu.memory_space<vmem>> -> memref<1x128x64xf32, #tpu.memory_space<vmem>>
      %dma_start3A_575 = tpu.memref_squeeze %dma_start3A_574 : memref<1x128x64xf32, #tpu.memory_space<vmem>> -> memref<128x64xf32, #tpu.memory_space<vmem>>
      %dma_start3A_576 = arith.constant 0 : i32
      %dma_start3A_577 = tpu.memref_slice %arg7[%add3A_557, %dma_start3A_576] : memref<160x128xi32, #tpu.memory_space<vmem>> -> memref<1x128xi32, #tpu.memory_space<vmem>>
      %dma_start3A_578 = tpu.memref_squeeze %dma_start3A_577 : memref<1x128xi32, #tpu.memory_space<vmem>> -> memref<128xi32, #tpu.memory_space<vmem>>
      %dma_start3A_579 = arith.constant 0 : i32
      %dma_start3A_580 = arith.constant 0 : i32
      %dma_start3A_581 = tpu.memref_slice %arg9[%dma_start3A_579, %dma_start3A_580] : memref<10112x64xf32, #tpu.memory_space<vmem_shared>> -> memref<10112x64xf32, #tpu.memory_space<vmem_shared>>
      tpu.enqueue_indirect_dma source(%dma_start3A_575 : memref<128x64xf32, #tpu.memory_space<vmem>>) target(%dma_start3A_581 : memref<10112x64xf32, #tpu.memory_space<vmem_shared>>) offsets(%dma_start3A_578 : memref<128xi32, #tpu.memory_space<vmem>>) semaphore(%arg15 : memref<!tpu.dma_semaphore, #tpu.memory_space<semaphore_mem>>) {add = true}
      %sub3A_582 = arith.constant 2 : i32
      %sub3A_583 = arith.subi %add3A_557, %sub3A_582 : i32
      %dma_wait3A_584 = arith.constant 0 : i32
      %dma_wait3A_585 = arith.constant 0 : i32
      %dma_wait3A_586 = tpu.memref_slice %arg8[%scan3A_138, %dma_wait3A_584, %dma_wait3A_585] : memref<4x128x64xf32, #tpu.memory_space<vmem>> -> memref<1x128x64xf32, #tpu.memory_space<vmem>>
      %dma_wait3A_587 = tpu.memref_squeeze %dma_wait3A_586 : memref<1x128x64xf32, #tpu.memory_space<vmem>> -> memref<128x64xf32, #tpu.memory_space<vmem>>
      %dma_wait3A_588 = arith.constant 0 : i32
      %dma_wait3A_589 = tpu.memref_slice %arg7[%sub3A_583, %dma_wait3A_588] : memref<160x128xi32, #tpu.memory_space<vmem>> -> memref<1x128xi32, #tpu.memory_space<vmem>>
      %dma_wait3A_590 = tpu.memref_squeeze %dma_wait3A_589 : memref<1x128xi32, #tpu.memory_space<vmem>> -> memref<128xi32, #tpu.memory_space<vmem>>
      %dma_wait3A_591 = arith.constant 0 : i32
      %dma_wait3A_592 = arith.constant 0 : i32
      %dma_wait3A_593 = tpu.memref_slice %arg9[%dma_wait3A_591, %dma_wait3A_592] : memref<10112x64xf32, #tpu.memory_space<vmem_shared>> -> memref<10112x64xf32, #tpu.memory_space<vmem_shared>>
      tpu.wait_indirect_dma semaphore(%arg17 : memref<!tpu.dma_semaphore, #tpu.memory_space<semaphore_mem>>) src(%dma_wait3A_587 : memref<128x64xf32, #tpu.memory_space<vmem>>) dst(%dma_wait3A_593 : memref<10112x64xf32, #tpu.memory_space<vmem_shared>>)
      %add3A_594 = arith.constant 2 : i32
      %add3A_595 = arith.addi %add3A_557, %add3A_594 : i32
      %dma_start3A_596 = arith.constant 0 : i32
      %dma_start3A_597 = arith.constant 0 : i32
      %dma_start3A_598 = tpu.memref_slice %arg8[%scan3A_138, %dma_start3A_596, %dma_start3A_597] : memref<4x128x64xf32, #tpu.memory_space<vmem>> -> memref<1x128x64xf32, #tpu.memory_space<vmem>>
      %dma_start3A_599 = tpu.memref_squeeze %dma_start3A_598 : memref<1x128x64xf32, #tpu.memory_space<vmem>> -> memref<128x64xf32, #tpu.memory_space<vmem>>
      %dma_start3A_600 = arith.constant 0 : i32
      %dma_start3A_601 = tpu.memref_slice %arg6[%add3A_595, %dma_start3A_600] : memref<160x128xi32, #tpu.memory_space<vmem>> -> memref<1x128xi32, #tpu.memory_space<vmem>>
      %dma_start3A_602 = tpu.memref_squeeze %dma_start3A_601 : memref<1x128xi32, #tpu.memory_space<vmem>> -> memref<128xi32, #tpu.memory_space<vmem>>
      %dma_start3A_603 = arith.constant 0 : i32
      %dma_start3A_604 = arith.constant 0 : i32
      %dma_start3A_605 = tpu.memref_slice %arg2[%arg0, %dma_start3A_603, %dma_start3A_604] : memref<2x10000x64xf32, #tpu.memory_space<hbm>> -> memref<1x10000x64xf32, #tpu.memory_space<hbm>>
      %dma_start3A_606 = tpu.memref_squeeze %dma_start3A_605 : memref<1x10000x64xf32, #tpu.memory_space<hbm>> -> memref<10000x64xf32, #tpu.memory_space<hbm>>
      %dma_start3A_607 = arith.constant 0 : i32
      %dma_start3A_608 = arith.constant 0 : i32
      %dma_start3A_609 = tpu.memref_slice %dma_start3A_606[%dma_start3A_607, %dma_start3A_608] : memref<10000x64xf32, #tpu.memory_space<hbm>> -> memref<10000x64xf32, #tpu.memory_space<hbm>>
      tpu.enqueue_indirect_dma source(%dma_start3A_609 : memref<10000x64xf32, #tpu.memory_space<hbm>>) target(%dma_start3A_599 : memref<128x64xf32, #tpu.memory_space<vmem>>) offsets(%dma_start3A_602 : memref<128xi32, #tpu.memory_space<vmem>>) semaphore(%arg13 : memref<!tpu.dma_semaphore, #tpu.memory_space<semaphore_mem>>)
    }
    %scan3A_144 = arith.constant 39 : i32
    %dma_wait3A_145 = arith.constant 158 : i32
    %dma_wait3A_146 = arith.constant 2 : i32
    %dma_wait3A_147 = arith.constant 0 : i32
    %dma_wait3A_148 = arith.constant 0 : i32
    %dma_wait3A_149 = tpu.memref_slice %arg8[%dma_wait3A_146, %dma_wait3A_147, %dma_wait3A_148] : memref<4x128x64xf32, #tpu.memory_space<vmem>> -> memref<1x128x64xf32, #tpu.memory_space<vmem>>
    %dma_wait3A_150 = tpu.memref_squeeze %dma_wait3A_149 : memref<1x128x64xf32, #tpu.memory_space<vmem>> -> memref<128x64xf32, #tpu.memory_space<vmem>>
    %dma_wait3A_151 = arith.constant 0 : i32
    %dma_wait3A_152 = tpu.memref_slice %arg6[%dma_wait3A_145, %dma_wait3A_151] : memref<160x128xi32, #tpu.memory_space<vmem>> -> memref<1x128xi32, #tpu.memory_space<vmem>>
    %dma_wait3A_153 = tpu.memref_squeeze %dma_wait3A_152 : memref<1x128xi32, #tpu.memory_space<vmem>> -> memref<128xi32, #tpu.memory_space<vmem>>
    %dma_wait3A_154 = arith.constant 0 : i32
    %dma_wait3A_155 = arith.constant 0 : i32
    %dma_wait3A_156 = tpu.memref_slice %arg2[%arg0, %dma_wait3A_154, %dma_wait3A_155] : memref<2x10000x64xf32, #tpu.memory_space<hbm>> -> memref<1x10000x64xf32, #tpu.memory_space<hbm>>
    %dma_wait3A_157 = tpu.memref_squeeze %dma_wait3A_156 : memref<1x10000x64xf32, #tpu.memory_space<hbm>> -> memref<10000x64xf32, #tpu.memory_space<hbm>>
    %dma_wait3A_158 = arith.constant 0 : i32
    %dma_wait3A_159 = arith.constant 0 : i32
    %dma_wait3A_160 = tpu.memref_slice %dma_wait3A_157[%dma_wait3A_158, %dma_wait3A_159] : memref<10000x64xf32, #tpu.memory_space<hbm>> -> memref<10000x64xf32, #tpu.memory_space<hbm>>
    tpu.wait_indirect_dma semaphore(%arg12 : memref<!tpu.dma_semaphore, #tpu.memory_space<semaphore_mem>>) src(%dma_wait3A_160 : memref<10000x64xf32, #tpu.memory_space<hbm>>) dst(%dma_wait3A_150 : memref<128x64xf32, #tpu.memory_space<vmem>>)
    %dma_start3A_161 = arith.constant 2 : i32
    %dma_start3A_162 = arith.constant 158 : i32
    %dma_start3A_163 = arith.constant 0 : i32
    %dma_start3A_164 = arith.constant 0 : i32
    %dma_start3A_165 = tpu.memref_slice %arg8[%dma_start3A_161, %dma_start3A_163, %dma_start3A_164] : memref<4x128x64xf32, #tpu.memory_space<vmem>> -> memref<1x128x64xf32, #tpu.memory_space<vmem>>
    %dma_start3A_166 = tpu.memref_squeeze %dma_start3A_165 : memref<1x128x64xf32, #tpu.memory_space<vmem>> -> memref<128x64xf32, #tpu.memory_space<vmem>>
    %dma_start3A_167 = arith.constant 0 : i32
    %dma_start3A_168 = tpu.memref_slice %arg7[%dma_start3A_162, %dma_start3A_167] : memref<160x128xi32, #tpu.memory_space<vmem>> -> memref<1x128xi32, #tpu.memory_space<vmem>>
    %dma_start3A_169 = tpu.memref_squeeze %dma_start3A_168 : memref<1x128xi32, #tpu.memory_space<vmem>> -> memref<128xi32, #tpu.memory_space<vmem>>
    %dma_start3A_170 = arith.constant 0 : i32
    %dma_start3A_171 = arith.constant 0 : i32
    %dma_start3A_172 = tpu.memref_slice %arg9[%dma_start3A_170, %dma_start3A_171] : memref<10112x64xf32, #tpu.memory_space<vmem_shared>> -> memref<10112x64xf32, #tpu.memory_space<vmem_shared>>
    tpu.enqueue_indirect_dma source(%dma_start3A_166 : memref<128x64xf32, #tpu.memory_space<vmem>>) target(%dma_start3A_172 : memref<10112x64xf32, #tpu.memory_space<vmem_shared>>) offsets(%dma_start3A_169 : memref<128xi32, #tpu.memory_space<vmem>>) semaphore(%arg16 : memref<!tpu.dma_semaphore, #tpu.memory_space<semaphore_mem>>) {add = true}
    %dma_wait3A_173 = arith.constant 159 : i32
    %dma_wait3A_174 = arith.constant 3 : i32
    %dma_wait3A_175 = arith.constant 0 : i32
    %dma_wait3A_176 = arith.constant 0 : i32
    %dma_wait3A_177 = tpu.memref_slice %arg8[%dma_wait3A_174, %dma_wait3A_175, %dma_wait3A_176] : memref<4x128x64xf32, #tpu.memory_space<vmem>> -> memref<1x128x64xf32, #tpu.memory_space<vmem>>
    %dma_wait3A_178 = tpu.memref_squeeze %dma_wait3A_177 : memref<1x128x64xf32, #tpu.memory_space<vmem>> -> memref<128x64xf32, #tpu.memory_space<vmem>>
    %dma_wait3A_179 = arith.constant 0 : i32
    %dma_wait3A_180 = tpu.memref_slice %arg6[%dma_wait3A_173, %dma_wait3A_179] : memref<160x128xi32, #tpu.memory_space<vmem>> -> memref<1x128xi32, #tpu.memory_space<vmem>>
    %dma_wait3A_181 = tpu.memref_squeeze %dma_wait3A_180 : memref<1x128xi32, #tpu.memory_space<vmem>> -> memref<128xi32, #tpu.memory_space<vmem>>
    %dma_wait3A_182 = arith.constant 0 : i32
    %dma_wait3A_183 = arith.constant 0 : i32
    %dma_wait3A_184 = tpu.memref_slice %arg2[%arg0, %dma_wait3A_182, %dma_wait3A_183] : memref<2x10000x64xf32, #tpu.memory_space<hbm>> -> memref<1x10000x64xf32, #tpu.memory_space<hbm>>
    %dma_wait3A_185 = tpu.memref_squeeze %dma_wait3A_184 : memref<1x10000x64xf32, #tpu.memory_space<hbm>> -> memref<10000x64xf32, #tpu.memory_space<hbm>>
    %dma_wait3A_186 = arith.constant 0 : i32
    %dma_wait3A_187 = arith.constant 0 : i32
    %dma_wait3A_188 = tpu.memref_slice %dma_wait3A_185[%dma_wait3A_186, %dma_wait3A_187] : memref<10000x64xf32, #tpu.memory_space<hbm>> -> memref<10000x64xf32, #tpu.memory_space<hbm>>
    tpu.wait_indirect_dma semaphore(%arg13 : memref<!tpu.dma_semaphore, #tpu.memory_space<semaphore_mem>>) src(%dma_wait3A_188 : memref<10000x64xf32, #tpu.memory_space<hbm>>) dst(%dma_wait3A_178 : memref<128x64xf32, #tpu.memory_space<vmem>>)
    %dma_start3A_189 = arith.constant 3 : i32
    %dma_start3A_190 = arith.constant 159 : i32
    %dma_start3A_191 = arith.constant 0 : i32
    %dma_start3A_192 = arith.constant 0 : i32
    %dma_start3A_193 = tpu.memref_slice %arg8[%dma_start3A_189, %dma_start3A_191, %dma_start3A_192] : memref<4x128x64xf32, #tpu.memory_space<vmem>> -> memref<1x128x64xf32, #tpu.memory_space<vmem>>
    %dma_start3A_194 = tpu.memref_squeeze %dma_start3A_193 : memref<1x128x64xf32, #tpu.memory_space<vmem>> -> memref<128x64xf32, #tpu.memory_space<vmem>>
    %dma_start3A_195 = arith.constant 0 : i32
    %dma_start3A_196 = tpu.memref_slice %arg7[%dma_start3A_190, %dma_start3A_195] : memref<160x128xi32, #tpu.memory_space<vmem>> -> memref<1x128xi32, #tpu.memory_space<vmem>>
    %dma_start3A_197 = tpu.memref_squeeze %dma_start3A_196 : memref<1x128xi32, #tpu.memory_space<vmem>> -> memref<128xi32, #tpu.memory_space<vmem>>
    %dma_start3A_198 = arith.constant 0 : i32
    %dma_start3A_199 = arith.constant 0 : i32
    %dma_start3A_200 = tpu.memref_slice %arg9[%dma_start3A_198, %dma_start3A_199] : memref<10112x64xf32, #tpu.memory_space<vmem_shared>> -> memref<10112x64xf32, #tpu.memory_space<vmem_shared>>
    tpu.enqueue_indirect_dma source(%dma_start3A_194 : memref<128x64xf32, #tpu.memory_space<vmem>>) target(%dma_start3A_200 : memref<10112x64xf32, #tpu.memory_space<vmem_shared>>) offsets(%dma_start3A_197 : memref<128xi32, #tpu.memory_space<vmem>>) semaphore(%arg17 : memref<!tpu.dma_semaphore, #tpu.memory_space<semaphore_mem>>) {add = true}
    %dma_wait3A_201 = arith.constant 0 : i32
    %dma_wait3A_202 = arith.constant 156 : i32
    %dma_wait3A_203 = arith.constant 0 : i32
    %dma_wait3A_204 = arith.constant 0 : i32
    %dma_wait3A_205 = tpu.memref_slice %arg8[%dma_wait3A_201, %dma_wait3A_203, %dma_wait3A_204] : memref<4x128x64xf32, #tpu.memory_space<vmem>> -> memref<1x128x64xf32, #tpu.memory_space<vmem>>
    %dma_wait3A_206 = tpu.memref_squeeze %dma_wait3A_205 : memref<1x128x64xf32, #tpu.memory_space<vmem>> -> memref<128x64xf32, #tpu.memory_space<vmem>>
    %dma_wait3A_207 = arith.constant 0 : i32
    %dma_wait3A_208 = tpu.memref_slice %arg7[%dma_wait3A_202, %dma_wait3A_207] : memref<160x128xi32, #tpu.memory_space<vmem>> -> memref<1x128xi32, #tpu.memory_space<vmem>>
    %dma_wait3A_209 = tpu.memref_squeeze %dma_wait3A_208 : memref<1x128xi32, #tpu.memory_space<vmem>> -> memref<128xi32, #tpu.memory_space<vmem>>
    %dma_wait3A_210 = arith.constant 0 : i32
    %dma_wait3A_211 = arith.constant 0 : i32
    %dma_wait3A_212 = tpu.memref_slice %arg9[%dma_wait3A_210, %dma_wait3A_211] : memref<10112x64xf32, #tpu.memory_space<vmem_shared>> -> memref<10112x64xf32, #tpu.memory_space<vmem_shared>>
    tpu.wait_indirect_dma semaphore(%arg14 : memref<!tpu.dma_semaphore, #tpu.memory_space<semaphore_mem>>) src(%dma_wait3A_206 : memref<128x64xf32, #tpu.memory_space<vmem>>) dst(%dma_wait3A_212 : memref<10112x64xf32, #tpu.memory_space<vmem_shared>>)
    %dma_wait3A_213 = arith.constant 1 : i32
    %dma_wait3A_214 = arith.constant 157 : i32
    %dma_wait3A_215 = arith.constant 0 : i32
    %dma_wait3A_216 = arith.constant 0 : i32
    %dma_wait3A_217 = tpu.memref_slice %arg8[%dma_wait3A_213, %dma_wait3A_215, %dma_wait3A_216] : memref<4x128x64xf32, #tpu.memory_space<vmem>> -> memref<1x128x64xf32, #tpu.memory_space<vmem>>
    %dma_wait3A_218 = tpu.memref_squeeze %dma_wait3A_217 : memref<1x128x64xf32, #tpu.memory_space<vmem>> -> memref<128x64xf32, #tpu.memory_space<vmem>>
    %dma_wait3A_219 = arith.constant 0 : i32
    %dma_wait3A_220 = tpu.memref_slice %arg7[%dma_wait3A_214, %dma_wait3A_219] : memref<160x128xi32, #tpu.memory_space<vmem>> -> memref<1x128xi32, #tpu.memory_space<vmem>>
    %dma_wait3A_221 = tpu.memref_squeeze %dma_wait3A_220 : memref<1x128xi32, #tpu.memory_space<vmem>> -> memref<128xi32, #tpu.memory_space<vmem>>
    %dma_wait3A_222 = arith.constant 0 : i32
    %dma_wait3A_223 = arith.constant 0 : i32
    %dma_wait3A_224 = tpu.memref_slice %arg9[%dma_wait3A_222, %dma_wait3A_223] : memref<10112x64xf32, #tpu.memory_space<vmem_shared>> -> memref<10112x64xf32, #tpu.memory_space<vmem_shared>>
    tpu.wait_indirect_dma semaphore(%arg15 : memref<!tpu.dma_semaphore, #tpu.memory_space<semaphore_mem>>) src(%dma_wait3A_218 : memref<128x64xf32, #tpu.memory_space<vmem>>) dst(%dma_wait3A_224 : memref<10112x64xf32, #tpu.memory_space<vmem_shared>>)
    %dma_wait3A_225 = arith.constant 2 : i32
    %dma_wait3A_226 = arith.constant 158 : i32
    %dma_wait3A_227 = arith.constant 0 : i32
    %dma_wait3A_228 = arith.constant 0 : i32
    %dma_wait3A_229 = tpu.memref_slice %arg8[%dma_wait3A_225, %dma_wait3A_227, %dma_wait3A_228] : memref<4x128x64xf32, #tpu.memory_space<vmem>> -> memref<1x128x64xf32, #tpu.memory_space<vmem>>
    %dma_wait3A_230 = tpu.memref_squeeze %dma_wait3A_229 : memref<1x128x64xf32, #tpu.memory_space<vmem>> -> memref<128x64xf32, #tpu.memory_space<vmem>>
    %dma_wait3A_231 = arith.constant 0 : i32
    %dma_wait3A_232 = tpu.memref_slice %arg7[%dma_wait3A_226, %dma_wait3A_231] : memref<160x128xi32, #tpu.memory_space<vmem>> -> memref<1x128xi32, #tpu.memory_space<vmem>>
    %dma_wait3A_233 = tpu.memref_squeeze %dma_wait3A_232 : memref<1x128xi32, #tpu.memory_space<vmem>> -> memref<128xi32, #tpu.memory_space<vmem>>
    %dma_wait3A_234 = arith.constant 0 : i32
    %dma_wait3A_235 = arith.constant 0 : i32
    %dma_wait3A_236 = tpu.memref_slice %arg9[%dma_wait3A_234, %dma_wait3A_235] : memref<10112x64xf32, #tpu.memory_space<vmem_shared>> -> memref<10112x64xf32, #tpu.memory_space<vmem_shared>>
    tpu.wait_indirect_dma semaphore(%arg16 : memref<!tpu.dma_semaphore, #tpu.memory_space<semaphore_mem>>) src(%dma_wait3A_230 : memref<128x64xf32, #tpu.memory_space<vmem>>) dst(%dma_wait3A_236 : memref<10112x64xf32, #tpu.memory_space<vmem_shared>>)
    %dma_wait3A_237 = arith.constant 3 : i32
    %dma_wait3A_238 = arith.constant 159 : i32
    %dma_wait3A_239 = arith.constant 0 : i32
    %dma_wait3A_240 = arith.constant 0 : i32
    %dma_wait3A_241 = tpu.memref_slice %arg8[%dma_wait3A_237, %dma_wait3A_239, %dma_wait3A_240] : memref<4x128x64xf32, #tpu.memory_space<vmem>> -> memref<1x128x64xf32, #tpu.memory_space<vmem>>
    %dma_wait3A_242 = tpu.memref_squeeze %dma_wait3A_241 : memref<1x128x64xf32, #tpu.memory_space<vmem>> -> memref<128x64xf32, #tpu.memory_space<vmem>>
    %dma_wait3A_243 = arith.constant 0 : i32
    %dma_wait3A_244 = tpu.memref_slice %arg7[%dma_wait3A_238, %dma_wait3A_243] : memref<160x128xi32, #tpu.memory_space<vmem>> -> memref<1x128xi32, #tpu.memory_space<vmem>>
    %dma_wait3A_245 = tpu.memref_squeeze %dma_wait3A_244 : memref<1x128xi32, #tpu.memory_space<vmem>> -> memref<128xi32, #tpu.memory_space<vmem>>
    %dma_wait3A_246 = arith.constant 0 : i32
    %dma_wait3A_247 = arith.constant 0 : i32
    %dma_wait3A_248 = tpu.memref_slice %arg9[%dma_wait3A_246, %dma_wait3A_247] : memref<10112x64xf32, #tpu.memory_space<vmem_shared>> -> memref<10112x64xf32, #tpu.memory_space<vmem_shared>>
    tpu.wait_indirect_dma semaphore(%arg17 : memref<!tpu.dma_semaphore, #tpu.memory_space<semaphore_mem>>) src(%dma_wait3A_242 : memref<128x64xf32, #tpu.memory_space<vmem>>) dst(%dma_wait3A_248 : memref<10112x64xf32, #tpu.memory_space<vmem_shared>>)
    %barrier3A_249 = arith.constant 0 : index
    tpu.barrier barrier_id(%barrier3A_249)
    %run_scoped3A_250 = arith.constant 0 : i32
    "tpu.region"() ({
      %run_scoped3A_390 = tpu.sem_alloc : memref<!tpu.dma_semaphore, #tpu.memory_space<semaphore_mem>>
      %dma_start3A_391 = arith.constant 0 : i32
      %dma_start3A_392 = arith.constant 0 : i32
      %dma_start3A_393 = tpu.memref_slice %arg8[%run_scoped3A_250, %dma_start3A_391, %dma_start3A_392] : memref<4x128x64xf32, #tpu.memory_space<vmem>> -> memref<1x128x64xf32, #tpu.memory_space<vmem>>
      %dma_start3A_394 = tpu.memref_squeeze %dma_start3A_393 : memref<1x128x64xf32, #tpu.memory_space<vmem>> -> memref<128x64xf32, #tpu.memory_space<vmem>>
      %dma_start3A_395 = arith.constant 0 : i32
      %dma_start3A_396 = tpu.memref_slice %arg9[%multiple_of3A, %dma_start3A_395] : memref<10112x64xf32, #tpu.memory_space<vmem_shared>> -> memref<128x64xf32, #tpu.memory_space<vmem_shared>>
      %dma_start3A_397 = arith.constant 0 : i32
      %dma_start3A_398 = arith.constant 0 : i32
      %dma_start3A_399 = tpu.memref_slice %arg8[%run_scoped3A_250, %dma_start3A_397, %dma_start3A_398] : memref<4x128x64xf32, #tpu.memory_space<vmem>> -> memref<1x128x64xf32, #tpu.memory_space<vmem>>
      %dma_start3A_400 = tpu.memref_squeeze %dma_start3A_399 : memref<1x128x64xf32, #tpu.memory_space<vmem>> -> memref<128x64xf32, #tpu.memory_space<vmem>>
      %dma_start3A_401 = arith.constant 0 : i32
      %dma_start3A_402 = tpu.memref_slice %arg9[%multiple_of3A, %dma_start3A_401] : memref<10112x64xf32, #tpu.memory_space<vmem_shared>> -> memref<128x64xf32, #tpu.memory_space<vmem_shared>>
      tpu.enqueue_dma source(%dma_start3A_402 : memref<128x64xf32, #tpu.memory_space<vmem_shared>>) target(%dma_start3A_400 : memref<128x64xf32, #tpu.memory_space<vmem>>) target_semaphore(%run_scoped3A_390 : memref<!tpu.dma_semaphore, #tpu.memory_space<semaphore_mem>>)
      %dma_wait3A_403 = arith.constant 0 : i32
      %dma_wait3A_404 = arith.constant 0 : i32
      %dma_wait3A_405 = tpu.memref_slice %arg8[%run_scoped3A_250, %dma_wait3A_403, %dma_wait3A_404] : memref<4x128x64xf32, #tpu.memory_space<vmem>> -> memref<1x128x64xf32, #tpu.memory_space<vmem>>
      %dma_wait3A_406 = tpu.memref_squeeze %dma_wait3A_405 : memref<1x128x64xf32, #tpu.memory_space<vmem>> -> memref<128x64xf32, #tpu.memory_space<vmem>>
      %dma_wait3A_407 = arith.constant 0 : i32
      %dma_wait3A_408 = tpu.memref_slice %arg9[%multiple_of3A, %dma_wait3A_407] : memref<10112x64xf32, #tpu.memory_space<vmem_shared>> -> memref<128x64xf32, #tpu.memory_space<vmem_shared>>
      %dma_wait3A_409 = arith.constant 0 : i32
      %dma_wait3A_410 = arith.constant 0 : i32
      %dma_wait3A_411 = tpu.memref_slice %arg8[%run_scoped3A_250, %dma_wait3A_409, %dma_wait3A_410] : memref<4x128x64xf32, #tpu.memory_space<vmem>> -> memref<1x128x64xf32, #tpu.memory_space<vmem>>
      %dma_wait3A_412 = tpu.memref_squeeze %dma_wait3A_411 : memref<1x128x64xf32, #tpu.memory_space<vmem>> -> memref<128x64xf32, #tpu.memory_space<vmem>>
      %dma_wait3A_413 = arith.constant 0 : i32
      %dma_wait3A_414 = tpu.memref_slice %arg9[%multiple_of3A, %dma_wait3A_413] : memref<10112x64xf32, #tpu.memory_space<vmem_shared>> -> memref<128x64xf32, #tpu.memory_space<vmem_shared>>
      tpu.wait_dma2 semaphore(%run_scoped3A_390 : memref<!tpu.dma_semaphore, #tpu.memory_space<semaphore_mem>>) src(%dma_wait3A_414 : memref<128x64xf32, #tpu.memory_space<vmem_shared>>) dst(%dma_wait3A_412 : memref<128x64xf32, #tpu.memory_space<vmem>>)
      tpu.yield
    }) : () -> ()
    %add3A_251 = arith.constant 128 : i32
    %add3A_252 = arith.addi %multiple_of3A, %add3A_251 : i32
    %dma_start3A_253 = arith.constant 1 : i32
    %dma_start3A_254 = arith.constant 0 : i32
    %dma_start3A_255 = arith.constant 0 : i32
    %dma_start3A_256 = tpu.memref_slice %arg8[%dma_start3A_253, %dma_start3A_254, %dma_start3A_255] : memref<4x128x64xf32, #tpu.memory_space<vmem>> -> memref<1x128x64xf32, #tpu.memory_space<vmem>>
    %dma_start3A_257 = tpu.memref_squeeze %dma_start3A_256 : memref<1x128x64xf32, #tpu.memory_space<vmem>> -> memref<128x64xf32, #tpu.memory_space<vmem>>
    %dma_start3A_258 = arith.constant 0 : i32
    %dma_start3A_259 = tpu.memref_slice %arg9[%add3A_252, %dma_start3A_258] : memref<10112x64xf32, #tpu.memory_space<vmem_shared>> -> memref<128x64xf32, #tpu.memory_space<vmem_shared>>
    %dma_start3A_260 = arith.constant 0 : i32
    %dma_start3A_261 = arith.constant 0 : i32
    %dma_start3A_262 = tpu.memref_slice %arg8[%dma_start3A_253, %dma_start3A_260, %dma_start3A_261] : memref<4x128x64xf32, #tpu.memory_space<vmem>> -> memref<1x128x64xf32, #tpu.memory_space<vmem>>
    %dma_start3A_263 = tpu.memref_squeeze %dma_start3A_262 : memref<1x128x64xf32, #tpu.memory_space<vmem>> -> memref<128x64xf32, #tpu.memory_space<vmem>>
    %dma_start3A_264 = arith.constant 0 : i32
    %dma_start3A_265 = tpu.memref_slice %arg9[%add3A_252, %dma_start3A_264] : memref<10112x64xf32, #tpu.memory_space<vmem_shared>> -> memref<128x64xf32, #tpu.memory_space<vmem_shared>>
    tpu.enqueue_dma source(%dma_start3A_265 : memref<128x64xf32, #tpu.memory_space<vmem_shared>>) target(%dma_start3A_263 : memref<128x64xf32, #tpu.memory_space<vmem>>) target_semaphore(%arg11 : memref<!tpu.dma_semaphore, #tpu.memory_space<semaphore_mem>>)
    %add3A_266 = arith.constant 0 : i32
    %add3A_267 = arith.addi %multiple_of3A, %add3A_266 : i32
    %run_scoped3A_268 = arith.constant 0 : i32
    "tpu.region"() ({
      %run_scoped3A_390 = tpu.sem_alloc : memref<!tpu.dma_semaphore, #tpu.memory_space<semaphore_mem>>
      %dma_start3A_391 = arith.constant 0 : i32
      %dma_start3A_392 = arith.constant 0 : i32
      %dma_start3A_393 = tpu.memref_slice %arg8[%run_scoped3A_268, %dma_start3A_391, %dma_start3A_392] : memref<4x128x64xf32, #tpu.memory_space<vmem>> -> memref<1x128x64xf32, #tpu.memory_space<vmem>>
      %dma_start3A_394 = tpu.memref_squeeze %dma_start3A_393 : memref<1x128x64xf32, #tpu.memory_space<vmem>> -> memref<128x64xf32, #tpu.memory_space<vmem>>
      %dma_start3A_395 = arith.constant 0 : i32
      %dma_start3A_396 = tpu.memref_slice %arg5[%arg0, %add3A_267, %dma_start3A_395] : memref<2x10112x64xf32, #tpu.memory_space<hbm>> -> memref<1x128x64xf32, #tpu.memory_space<hbm>>
      %dma_start3A_397 = tpu.memref_squeeze %dma_start3A_396 : memref<1x128x64xf32, #tpu.memory_space<hbm>> -> memref<128x64xf32, #tpu.memory_space<hbm>>
      %dma_start3A_398 = arith.constant 0 : i32
      %dma_start3A_399 = tpu.memref_slice %arg5[%arg0, %add3A_267, %dma_start3A_398] : memref<2x10112x64xf32, #tpu.memory_space<hbm>> -> memref<1x128x64xf32, #tpu.memory_space<hbm>>
      %dma_start3A_400 = tpu.memref_squeeze %dma_start3A_399 : memref<1x128x64xf32, #tpu.memory_space<hbm>> -> memref<128x64xf32, #tpu.memory_space<hbm>>
      %dma_start3A_401 = arith.constant 0 : i32
      %dma_start3A_402 = arith.constant 0 : i32
      %dma_start3A_403 = tpu.memref_slice %arg8[%run_scoped3A_268, %dma_start3A_401, %dma_start3A_402] : memref<4x128x64xf32, #tpu.memory_space<vmem>> -> memref<1x128x64xf32, #tpu.memory_space<vmem>>
      %dma_start3A_404 = tpu.memref_squeeze %dma_start3A_403 : memref<1x128x64xf32, #tpu.memory_space<vmem>> -> memref<128x64xf32, #tpu.memory_space<vmem>>
      tpu.enqueue_dma source(%dma_start3A_404 : memref<128x64xf32, #tpu.memory_space<vmem>>) target(%dma_start3A_400 : memref<128x64xf32, #tpu.memory_space<hbm>>) target_semaphore(%run_scoped3A_390 : memref<!tpu.dma_semaphore, #tpu.memory_space<semaphore_mem>>)
      %dma_wait3A_405 = arith.constant 0 : i32
      %dma_wait3A_406 = arith.constant 0 : i32
      %dma_wait3A_407 = tpu.memref_slice %arg8[%run_scoped3A_268, %dma_wait3A_405, %dma_wait3A_406] : memref<4x128x64xf32, #tpu.memory_space<vmem>> -> memref<1x128x64xf32, #tpu.memory_space<vmem>>
      %dma_wait3A_408 = tpu.memref_squeeze %dma_wait3A_407 : memref<1x128x64xf32, #tpu.memory_space<vmem>> -> memref<128x64xf32, #tpu.memory_space<vmem>>
      %dma_wait3A_409 = arith.constant 0 : i32
      %dma_wait3A_410 = tpu.memref_slice %arg5[%arg0, %add3A_267, %dma_wait3A_409] : memref<2x10112x64xf32, #tpu.memory_space<hbm>> -> memref<1x128x64xf32, #tpu.memory_space<hbm>>
      %dma_wait3A_411 = tpu.memref_squeeze %dma_wait3A_410 : memref<1x128x64xf32, #tpu.memory_space<hbm>> -> memref<128x64xf32, #tpu.memory_space<hbm>>
      %dma_wait3A_412 = arith.constant 0 : i32
      %dma_wait3A_413 = tpu.memref_slice %arg5[%arg0, %add3A_267, %dma_wait3A_412] : memref<2x10112x64xf32, #tpu.memory_space<hbm>> -> memref<1x128x64xf32, #tpu.memory_space<hbm>>
      %dma_wait3A_414 = tpu.memref_squeeze %dma_wait3A_413 : memref<1x128x64xf32, #tpu.memory_space<hbm>> -> memref<128x64xf32, #tpu.memory_space<hbm>>
      %dma_wait3A_415 = arith.constant 0 : i32
      %dma_wait3A_416 = arith.constant 0 : i32
      %dma_wait3A_417 = tpu.memref_slice %arg8[%run_scoped3A_268, %dma_wait3A_415, %dma_wait3A_416] : memref<4x128x64xf32, #tpu.memory_space<vmem>> -> memref<1x128x64xf32, #tpu.memory_space<vmem>>
      %dma_wait3A_418 = tpu.memref_squeeze %dma_wait3A_417 : memref<1x128x64xf32, #tpu.memory_space<vmem>> -> memref<128x64xf32, #tpu.memory_space<vmem>>
      tpu.wait_dma2 semaphore(%run_scoped3A_390 : memref<!tpu.dma_semaphore, #tpu.memory_space<semaphore_mem>>) src(%dma_wait3A_418 : memref<128x64xf32, #tpu.memory_space<vmem>>) dst(%dma_wait3A_414 : memref<128x64xf32, #tpu.memory_space<hbm>>)
      tpu.yield
    }) : () -> ()
    %dma_wait3A_269 = arith.constant 1 : i32
    %dma_wait3A_270 = arith.constant 0 : i32
    %dma_wait3A_271 = arith.constant 0 : i32
    %dma_wait3A_272 = tpu.memref_slice %arg8[%dma_wait3A_269, %dma_wait3A_270, %dma_wait3A_271] : memref<4x128x64xf32, #tpu.memory_space<vmem>> -> memref<1x128x64xf32, #tpu.memory_space<vmem>>
    %dma_wait3A_273 = tpu.memref_squeeze %dma_wait3A_272 : memref<1x128x64xf32, #tpu.memory_space<vmem>> -> memref<128x64xf32, #tpu.memory_space<vmem>>
    %dma_wait3A_274 = arith.constant 0 : i32
    %dma_wait3A_275 = tpu.memref_slice %arg9[%multiple_of3A, %dma_wait3A_274] : memref<10112x64xf32, #tpu.memory_space<vmem_shared>> -> memref<128x64xf32, #tpu.memory_space<vmem_shared>>
    %dma_wait3A_276 = arith.constant 0 : i32
    %dma_wait3A_277 = arith.constant 0 : i32
    %dma_wait3A_278 = tpu.memref_slice %arg8[%dma_wait3A_269, %dma_wait3A_276, %dma_wait3A_277] : memref<4x128x64xf32, #tpu.memory_space<vmem>> -> memref<1x128x64xf32, #tpu.memory_space<vmem>>
    %dma_wait3A_279 = tpu.memref_squeeze %dma_wait3A_278 : memref<1x128x64xf32, #tpu.memory_space<vmem>> -> memref<128x64xf32, #tpu.memory_space<vmem>>
    %dma_wait3A_280 = arith.constant 0 : i32
    %dma_wait3A_281 = tpu.memref_slice %arg9[%multiple_of3A, %dma_wait3A_280] : memref<10112x64xf32, #tpu.memory_space<vmem_shared>> -> memref<128x64xf32, #tpu.memory_space<vmem_shared>>
    tpu.wait_dma2 semaphore(%arg11 : memref<!tpu.dma_semaphore, #tpu.memory_space<semaphore_mem>>) src(%dma_wait3A_281 : memref<128x64xf32, #tpu.memory_space<vmem_shared>>) dst(%dma_wait3A_279 : memref<128x64xf32, #tpu.memory_space<vmem>>)
    %add3A_282 = arith.constant 256 : i32
    %add3A_283 = arith.addi %multiple_of3A, %add3A_282 : i32
    %dma_start3A_284 = arith.constant 0 : i32
    %dma_start3A_285 = arith.constant 0 : i32
    %dma_start3A_286 = arith.constant 0 : i32
    %dma_start3A_287 = tpu.memref_slice %arg8[%dma_start3A_284, %dma_start3A_285, %dma_start3A_286] : memref<4x128x64xf32, #tpu.memory_space<vmem>> -> memref<1x128x64xf32, #tpu.memory_space<vmem>>
    %dma_start3A_288 = tpu.memref_squeeze %dma_start3A_287 : memref<1x128x64xf32, #tpu.memory_space<vmem>> -> memref<128x64xf32, #tpu.memory_space<vmem>>
    %dma_start3A_289 = arith.constant 0 : i32
    %dma_start3A_290 = tpu.memref_slice %arg9[%add3A_283, %dma_start3A_289] : memref<10112x64xf32, #tpu.memory_space<vmem_shared>> -> memref<128x64xf32, #tpu.memory_space<vmem_shared>>
    %dma_start3A_291 = arith.constant 0 : i32
    %dma_start3A_292 = arith.constant 0 : i32
    %dma_start3A_293 = tpu.memref_slice %arg8[%dma_start3A_284, %dma_start3A_291, %dma_start3A_292] : memref<4x128x64xf32, #tpu.memory_space<vmem>> -> memref<1x128x64xf32, #tpu.memory_space<vmem>>
    %dma_start3A_294 = tpu.memref_squeeze %dma_start3A_293 : memref<1x128x64xf32, #tpu.memory_space<vmem>> -> memref<128x64xf32, #tpu.memory_space<vmem>>
    %dma_start3A_295 = arith.constant 0 : i32
    %dma_start3A_296 = tpu.memref_slice %arg9[%add3A_283, %dma_start3A_295] : memref<10112x64xf32, #tpu.memory_space<vmem_shared>> -> memref<128x64xf32, #tpu.memory_space<vmem_shared>>
    tpu.enqueue_dma source(%dma_start3A_296 : memref<128x64xf32, #tpu.memory_space<vmem_shared>>) target(%dma_start3A_294 : memref<128x64xf32, #tpu.memory_space<vmem>>) target_semaphore(%arg10 : memref<!tpu.dma_semaphore, #tpu.memory_space<semaphore_mem>>)
    %add3A_297 = arith.constant 128 : i32
    %add3A_298 = arith.addi %multiple_of3A, %add3A_297 : i32
    %run_scoped3A_299 = arith.constant 1 : i32
    "tpu.region"() ({
      %run_scoped3A_390 = tpu.sem_alloc : memref<!tpu.dma_semaphore, #tpu.memory_space<semaphore_mem>>
      %dma_start3A_391 = arith.constant 0 : i32
      %dma_start3A_392 = arith.constant 0 : i32
      %dma_start3A_393 = tpu.memref_slice %arg8[%run_scoped3A_299, %dma_start3A_391, %dma_start3A_392] : memref<4x128x64xf32, #tpu.memory_space<vmem>> -> memref<1x128x64xf32, #tpu.memory_space<vmem>>
      %dma_start3A_394 = tpu.memref_squeeze %dma_start3A_393 : memref<1x128x64xf32, #tpu.memory_space<vmem>> -> memref<128x64xf32, #tpu.memory_space<vmem>>
      %dma_start3A_395 = arith.constant 0 : i32
      %dma_start3A_396 = tpu.memref_slice %arg5[%arg0, %add3A_298, %dma_start3A_395] : memref<2x10112x64xf32, #tpu.memory_space<hbm>> -> memref<1x128x64xf32, #tpu.memory_space<hbm>>
      %dma_start3A_397 = tpu.memref_squeeze %dma_start3A_396 : memref<1x128x64xf32, #tpu.memory_space<hbm>> -> memref<128x64xf32, #tpu.memory_space<hbm>>
      %dma_start3A_398 = arith.constant 0 : i32
      %dma_start3A_399 = tpu.memref_slice %arg5[%arg0, %add3A_298, %dma_start3A_398] : memref<2x10112x64xf32, #tpu.memory_space<hbm>> -> memref<1x128x64xf32, #tpu.memory_space<hbm>>
      %dma_start3A_400 = tpu.memref_squeeze %dma_start3A_399 : memref<1x128x64xf32, #tpu.memory_space<hbm>> -> memref<128x64xf32, #tpu.memory_space<hbm>>
      %dma_start3A_401 = arith.constant 0 : i32
      %dma_start3A_402 = arith.constant 0 : i32
      %dma_start3A_403 = tpu.memref_slice %arg8[%run_scoped3A_299, %dma_start3A_401, %dma_start3A_402] : memref<4x128x64xf32, #tpu.memory_space<vmem>> -> memref<1x128x64xf32, #tpu.memory_space<vmem>>
      %dma_start3A_404 = tpu.memref_squeeze %dma_start3A_403 : memref<1x128x64xf32, #tpu.memory_space<vmem>> -> memref<128x64xf32, #tpu.memory_space<vmem>>
      tpu.enqueue_dma source(%dma_start3A_404 : memref<128x64xf32, #tpu.memory_space<vmem>>) target(%dma_start3A_400 : memref<128x64xf32, #tpu.memory_space<hbm>>) target_semaphore(%run_scoped3A_390 : memref<!tpu.dma_semaphore, #tpu.memory_space<semaphore_mem>>)
      %dma_wait3A_405 = arith.constant 0 : i32
      %dma_wait3A_406 = arith.constant 0 : i32
      %dma_wait3A_407 = tpu.memref_slice %arg8[%run_scoped3A_299, %dma_wait3A_405, %dma_wait3A_406] : memref<4x128x64xf32, #tpu.memory_space<vmem>> -> memref<1x128x64xf32, #tpu.memory_space<vmem>>
      %dma_wait3A_408 = tpu.memref_squeeze %dma_wait3A_407 : memref<1x128x64xf32, #tpu.memory_space<vmem>> -> memref<128x64xf32, #tpu.memory_space<vmem>>
      %dma_wait3A_409 = arith.constant 0 : i32
      %dma_wait3A_410 = tpu.memref_slice %arg5[%arg0, %add3A_298, %dma_wait3A_409] : memref<2x10112x64xf32, #tpu.memory_space<hbm>> -> memref<1x128x64xf32, #tpu.memory_space<hbm>>
      %dma_wait3A_411 = tpu.memref_squeeze %dma_wait3A_410 : memref<1x128x64xf32, #tpu.memory_space<hbm>> -> memref<128x64xf32, #tpu.memory_space<hbm>>
      %dma_wait3A_412 = arith.constant 0 : i32
      %dma_wait3A_413 = tpu.memref_slice %arg5[%arg0, %add3A_298, %dma_wait3A_412] : memref<2x10112x64xf32, #tpu.memory_space<hbm>> -> memref<1x128x64xf32, #tpu.memory_space<hbm>>
      %dma_wait3A_414 = tpu.memref_squeeze %dma_wait3A_413 : memref<1x128x64xf32, #tpu.memory_space<hbm>> -> memref<128x64xf32, #tpu.memory_space<hbm>>
      %dma_wait3A_415 = arith.constant 0 : i32
      %dma_wait3A_416 = arith.constant 0 : i32
      %dma_wait3A_417 = tpu.memref_slice %arg8[%run_scoped3A_299, %dma_wait3A_415, %dma_wait3A_416] : memref<4x128x64xf32, #tpu.memory_space<vmem>> -> memref<1x128x64xf32, #tpu.memory_space<vmem>>
      %dma_wait3A_418 = tpu.memref_squeeze %dma_wait3A_417 : memref<1x128x64xf32, #tpu.memory_space<vmem>> -> memref<128x64xf32, #tpu.memory_space<vmem>>
      tpu.wait_dma2 semaphore(%run_scoped3A_390 : memref<!tpu.dma_semaphore, #tpu.memory_space<semaphore_mem>>) src(%dma_wait3A_418 : memref<128x64xf32, #tpu.memory_space<vmem>>) dst(%dma_wait3A_414 : memref<128x64xf32, #tpu.memory_space<hbm>>)
      tpu.yield
    }) : () -> ()
    %dma_wait3A_300 = arith.constant 0 : i32
    %dma_wait3A_301 = arith.constant 0 : i32
    %dma_wait3A_302 = arith.constant 0 : i32
    %dma_wait3A_303 = tpu.memref_slice %arg8[%dma_wait3A_300, %dma_wait3A_301, %dma_wait3A_302] : memref<4x128x64xf32, #tpu.memory_space<vmem>> -> memref<1x128x64xf32, #tpu.memory_space<vmem>>
    %dma_wait3A_304 = tpu.memref_squeeze %dma_wait3A_303 : memref<1x128x64xf32, #tpu.memory_space<vmem>> -> memref<128x64xf32, #tpu.memory_space<vmem>>
    %dma_wait3A_305 = arith.constant 0 : i32
    %dma_wait3A_306 = tpu.memref_slice %arg9[%multiple_of3A, %dma_wait3A_305] : memref<10112x64xf32, #tpu.memory_space<vmem_shared>> -> memref<128x64xf32, #tpu.memory_space<vmem_shared>>
    %dma_wait3A_307 = arith.constant 0 : i32
    %dma_wait3A_308 = arith.constant 0 : i32
    %dma_wait3A_309 = tpu.memref_slice %arg8[%dma_wait3A_300, %dma_wait3A_307, %dma_wait3A_308] : memref<4x128x64xf32, #tpu.memory_space<vmem>> -> memref<1x128x64xf32, #tpu.memory_space<vmem>>
    %dma_wait3A_310 = tpu.memref_squeeze %dma_wait3A_309 : memref<1x128x64xf32, #tpu.memory_space<vmem>> -> memref<128x64xf32, #tpu.memory_space<vmem>>
    %dma_wait3A_311 = arith.constant 0 : i32
    %dma_wait3A_312 = tpu.memref_slice %arg9[%multiple_of3A, %dma_wait3A_311] : memref<10112x64xf32, #tpu.memory_space<vmem_shared>> -> memref<128x64xf32, #tpu.memory_space<vmem_shared>>
    tpu.wait_dma2 semaphore(%arg10 : memref<!tpu.dma_semaphore, #tpu.memory_space<semaphore_mem>>) src(%dma_wait3A_312 : memref<128x64xf32, #tpu.memory_space<vmem_shared>>) dst(%dma_wait3A_310 : memref<128x64xf32, #tpu.memory_space<vmem>>)
    %add3A_313 = arith.constant 384 : i32
    %add3A_314 = arith.addi %multiple_of3A, %add3A_313 : i32
    %dma_start3A_315 = arith.constant 1 : i32
    %dma_start3A_316 = arith.constant 0 : i32
    %dma_start3A_317 = arith.constant 0 : i32
    %dma_start3A_318 = tpu.memref_slice %arg8[%dma_start3A_315, %dma_start3A_316, %dma_start3A_317] : memref<4x128x64xf32, #tpu.memory_space<vmem>> -> memref<1x128x64xf32, #tpu.memory_space<vmem>>
    %dma_start3A_319 = tpu.memref_squeeze %dma_start3A_318 : memref<1x128x64xf32, #tpu.memory_space<vmem>> -> memref<128x64xf32, #tpu.memory_space<vmem>>
    %dma_start3A_320 = arith.constant 0 : i32
    %dma_start3A_321 = tpu.memref_slice %arg9[%add3A_314, %dma_start3A_320] : memref<10112x64xf32, #tpu.memory_space<vmem_shared>> -> memref<128x64xf32, #tpu.memory_space<vmem_shared>>
    %dma_start3A_322 = arith.constant 0 : i32
    %dma_start3A_323 = arith.constant 0 : i32
    %dma_start3A_324 = tpu.memref_slice %arg8[%dma_start3A_315, %dma_start3A_322, %dma_start3A_323] : memref<4x128x64xf32, #tpu.memory_space<vmem>> -> memref<1x128x64xf32, #tpu.memory_space<vmem>>
    %dma_start3A_325 = tpu.memref_squeeze %dma_start3A_324 : memref<1x128x64xf32, #tpu.memory_space<vmem>> -> memref<128x64xf32, #tpu.memory_space<vmem>>
    %dma_start3A_326 = arith.constant 0 : i32
    %dma_start3A_327 = tpu.memref_slice %arg9[%add3A_314, %dma_start3A_326] : memref<10112x64xf32, #tpu.memory_space<vmem_shared>> -> memref<128x64xf32, #tpu.memory_space<vmem_shared>>
    tpu.enqueue_dma source(%dma_start3A_327 : memref<128x64xf32, #tpu.memory_space<vmem_shared>>) target(%dma_start3A_325 : memref<128x64xf32, #tpu.memory_space<vmem>>) target_semaphore(%arg11 : memref<!tpu.dma_semaphore, #tpu.memory_space<semaphore_mem>>)
    %add3A_328 = arith.constant 256 : i32
    %add3A_329 = arith.addi %multiple_of3A, %add3A_328 : i32
    %run_scoped3A_330 = arith.constant 0 : i32
    "tpu.region"() ({
      %run_scoped3A_390 = tpu.sem_alloc : memref<!tpu.dma_semaphore, #tpu.memory_space<semaphore_mem>>
      %dma_start3A_391 = arith.constant 0 : i32
      %dma_start3A_392 = arith.constant 0 : i32
      %dma_start3A_393 = tpu.memref_slice %arg8[%run_scoped3A_330, %dma_start3A_391, %dma_start3A_392] : memref<4x128x64xf32, #tpu.memory_space<vmem>> -> memref<1x128x64xf32, #tpu.memory_space<vmem>>
      %dma_start3A_394 = tpu.memref_squeeze %dma_start3A_393 : memref<1x128x64xf32, #tpu.memory_space<vmem>> -> memref<128x64xf32, #tpu.memory_space<vmem>>
      %dma_start3A_395 = arith.constant 0 : i32
      %dma_start3A_396 = tpu.memref_slice %arg5[%arg0, %add3A_329, %dma_start3A_395] : memref<2x10112x64xf32, #tpu.memory_space<hbm>> -> memref<1x128x64xf32, #tpu.memory_space<hbm>>
      %dma_start3A_397 = tpu.memref_squeeze %dma_start3A_396 : memref<1x128x64xf32, #tpu.memory_space<hbm>> -> memref<128x64xf32, #tpu.memory_space<hbm>>
      %dma_start3A_398 = arith.constant 0 : i32
      %dma_start3A_399 = tpu.memref_slice %arg5[%arg0, %add3A_329, %dma_start3A_398] : memref<2x10112x64xf32, #tpu.memory_space<hbm>> -> memref<1x128x64xf32, #tpu.memory_space<hbm>>
      %dma_start3A_400 = tpu.memref_squeeze %dma_start3A_399 : memref<1x128x64xf32, #tpu.memory_space<hbm>> -> memref<128x64xf32, #tpu.memory_space<hbm>>
      %dma_start3A_401 = arith.constant 0 : i32
      %dma_start3A_402 = arith.constant 0 : i32
      %dma_start3A_403 = tpu.memref_slice %arg8[%run_scoped3A_330, %dma_start3A_401, %dma_start3A_402] : memref<4x128x64xf32, #tpu.memory_space<vmem>> -> memref<1x128x64xf32, #tpu.memory_space<vmem>>
      %dma_start3A_404 = tpu.memref_squeeze %dma_start3A_403 : memref<1x128x64xf32, #tpu.memory_space<vmem>> -> memref<128x64xf32, #tpu.memory_space<vmem>>
      tpu.enqueue_dma source(%dma_start3A_404 : memref<128x64xf32, #tpu.memory_space<vmem>>) target(%dma_start3A_400 : memref<128x64xf32, #tpu.memory_space<hbm>>) target_semaphore(%run_scoped3A_390 : memref<!tpu.dma_semaphore, #tpu.memory_space<semaphore_mem>>)
      %dma_wait3A_405 = arith.constant 0 : i32
      %dma_wait3A_406 = arith.constant 0 : i32
      %dma_wait3A_407 = tpu.memref_slice %arg8[%run_scoped3A_330, %dma_wait3A_405, %dma_wait3A_406] : memref<4x128x64xf32, #tpu.memory_space<vmem>> -> memref<1x128x64xf32, #tpu.memory_space<vmem>>
      %dma_wait3A_408 = tpu.memref_squeeze %dma_wait3A_407 : memref<1x128x64xf32, #tpu.memory_space<vmem>> -> memref<128x64xf32, #tpu.memory_space<vmem>>
      %dma_wait3A_409 = arith.constant 0 : i32
      %dma_wait3A_410 = tpu.memref_slice %arg5[%arg0, %add3A_329, %dma_wait3A_409] : memref<2x10112x64xf32, #tpu.memory_space<hbm>> -> memref<1x128x64xf32, #tpu.memory_space<hbm>>
      %dma_wait3A_411 = tpu.memref_squeeze %dma_wait3A_410 : memref<1x128x64xf32, #tpu.memory_space<hbm>> -> memref<128x64xf32, #tpu.memory_space<hbm>>
      %dma_wait3A_412 = arith.constant 0 : i32
      %dma_wait3A_413 = tpu.memref_slice %arg5[%arg0, %add3A_329, %dma_wait3A_412] : memref<2x10112x64xf32, #tpu.memory_space<hbm>> -> memref<1x128x64xf32, #tpu.memory_space<hbm>>
      %dma_wait3A_414 = tpu.memref_squeeze %dma_wait3A_413 : memref<1x128x64xf32, #tpu.memory_space<hbm>> -> memref<128x64xf32, #tpu.memory_space<hbm>>
      %dma_wait3A_415 = arith.constant 0 : i32
      %dma_wait3A_416 = arith.constant 0 : i32
      %dma_wait3A_417 = tpu.memref_slice %arg8[%run_scoped3A_330, %dma_wait3A_415, %dma_wait3A_416] : memref<4x128x64xf32, #tpu.memory_space<vmem>> -> memref<1x128x64xf32, #tpu.memory_space<vmem>>
      %dma_wait3A_418 = tpu.memref_squeeze %dma_wait3A_417 : memref<1x128x64xf32, #tpu.memory_space<vmem>> -> memref<128x64xf32, #tpu.memory_space<vmem>>
      tpu.wait_dma2 semaphore(%run_scoped3A_390 : memref<!tpu.dma_semaphore, #tpu.memory_space<semaphore_mem>>) src(%dma_wait3A_418 : memref<128x64xf32, #tpu.memory_space<vmem>>) dst(%dma_wait3A_414 : memref<128x64xf32, #tpu.memory_space<hbm>>)
      tpu.yield
    }) : () -> ()
    %dma_wait3A_331 = arith.constant 1 : i32
    %dma_wait3A_332 = arith.constant 0 : i32
    %dma_wait3A_333 = arith.constant 0 : i32
    %dma_wait3A_334 = tpu.memref_slice %arg8[%dma_wait3A_331, %dma_wait3A_332, %dma_wait3A_333] : memref<4x128x64xf32, #tpu.memory_space<vmem>> -> memref<1x128x64xf32, #tpu.memory_space<vmem>>
    %dma_wait3A_335 = tpu.memref_squeeze %dma_wait3A_334 : memref<1x128x64xf32, #tpu.memory_space<vmem>> -> memref<128x64xf32, #tpu.memory_space<vmem>>
    %dma_wait3A_336 = arith.constant 0 : i32
    %dma_wait3A_337 = tpu.memref_slice %arg9[%multiple_of3A, %dma_wait3A_336] : memref<10112x64xf32, #tpu.memory_space<vmem_shared>> -> memref<128x64xf32, #tpu.memory_space<vmem_shared>>
    %dma_wait3A_338 = arith.constant 0 : i32
    %dma_wait3A_339 = arith.constant 0 : i32
    %dma_wait3A_340 = tpu.memref_slice %arg8[%dma_wait3A_331, %dma_wait3A_338, %dma_wait3A_339] : memref<4x128x64xf32, #tpu.memory_space<vmem>> -> memref<1x128x64xf32, #tpu.memory_space<vmem>>
    %dma_wait3A_341 = tpu.memref_squeeze %dma_wait3A_340 : memref<1x128x64xf32, #tpu.memory_space<vmem>> -> memref<128x64xf32, #tpu.memory_space<vmem>>
    %dma_wait3A_342 = arith.constant 0 : i32
    %dma_wait3A_343 = tpu.memref_slice %arg9[%multiple_of3A, %dma_wait3A_342] : memref<10112x64xf32, #tpu.memory_space<vmem_shared>> -> memref<128x64xf32, #tpu.memory_space<vmem_shared>>
    tpu.wait_dma2 semaphore(%arg11 : memref<!tpu.dma_semaphore, #tpu.memory_space<semaphore_mem>>) src(%dma_wait3A_343 : memref<128x64xf32, #tpu.memory_space<vmem_shared>>) dst(%dma_wait3A_341 : memref<128x64xf32, #tpu.memory_space<vmem>>)
    %add3A_344 = arith.constant 512 : i32
    %add3A_345 = arith.addi %multiple_of3A, %add3A_344 : i32
    %dma_start3A_346 = arith.constant 0 : i32
    %dma_start3A_347 = arith.constant 0 : i32
    %dma_start3A_348 = arith.constant 0 : i32
    %dma_start3A_349 = tpu.memref_slice %arg8[%dma_start3A_346, %dma_start3A_347, %dma_start3A_348] : memref<4x128x64xf32, #tpu.memory_space<vmem>> -> memref<1x128x64xf32, #tpu.memory_space<vmem>>
    %dma_start3A_350 = tpu.memref_squeeze %dma_start3A_349 : memref<1x128x64xf32, #tpu.memory_space<vmem>> -> memref<128x64xf32, #tpu.memory_space<vmem>>
    %dma_start3A_351 = arith.constant 0 : i32
    %dma_start3A_352 = arith.constant 0 : i32
    %dma_start3A_353 = tpu.memref_slice %dma_start3A_350[%dma_start3A_351, %dma_start3A_352] : memref<128x64xf32, #tpu.memory_space<vmem>> -> memref<120x64xf32, #tpu.memory_space<vmem>>
    %dma_start3A_354 = arith.constant 0 : i32
    %dma_start3A_355 = tpu.memref_slice %arg9[%add3A_345, %dma_start3A_354] : memref<10112x64xf32, #tpu.memory_space<vmem_shared>> -> memref<120x64xf32, #tpu.memory_space<vmem_shared>>
    %dma_start3A_356 = arith.constant 0 : i32
    %dma_start3A_357 = arith.constant 0 : i32
    %dma_start3A_358 = tpu.memref_slice %arg8[%dma_start3A_346, %dma_start3A_356, %dma_start3A_357] : memref<4x128x64xf32, #tpu.memory_space<vmem>> -> memref<1x128x64xf32, #tpu.memory_space<vmem>>
    %dma_start3A_359 = tpu.memref_squeeze %dma_start3A_358 : memref<1x128x64xf32, #tpu.memory_space<vmem>> -> memref<128x64xf32, #tpu.memory_space<vmem>>
    %dma_start3A_360 = arith.constant 0 : i32
    %dma_start3A_361 = arith.constant 0 : i32
    %dma_start3A_362 = tpu.memref_slice %dma_start3A_359[%dma_start3A_360, %dma_start3A_361] : memref<128x64xf32, #tpu.memory_space<vmem>> -> memref<120x64xf32, #tpu.memory_space<vmem>>
    %dma_start3A_363 = arith.constant 0 : i32
    %dma_start3A_364 = tpu.memref_slice %arg9[%add3A_345, %dma_start3A_363] : memref<10112x64xf32, #tpu.memory_space<vmem_shared>> -> memref<120x64xf32, #tpu.memory_space<vmem_shared>>
    tpu.enqueue_dma source(%dma_start3A_364 : memref<120x64xf32, #tpu.memory_space<vmem_shared>>) target(%dma_start3A_362 : memref<120x64xf32, #tpu.memory_space<vmem>>) target_semaphore(%arg10 : memref<!tpu.dma_semaphore, #tpu.memory_space<semaphore_mem>>)
    %add3A_365 = arith.constant 384 : i32
    %add3A_366 = arith.addi %multiple_of3A, %add3A_365 : i32
    %run_scoped3A_367 = arith.constant 1 : i32
    "tpu.region"() ({
      %run_scoped3A_390 = tpu.sem_alloc : memref<!tpu.dma_semaphore, #tpu.memory_space<semaphore_mem>>
      %dma_start3A_391 = arith.constant 0 : i32
      %dma_start3A_392 = arith.constant 0 : i32
      %dma_start3A_393 = tpu.memref_slice %arg8[%run_scoped3A_367, %dma_start3A_391, %dma_start3A_392] : memref<4x128x64xf32, #tpu.memory_space<vmem>> -> memref<1x128x64xf32, #tpu.memory_space<vmem>>
      %dma_start3A_394 = tpu.memref_squeeze %dma_start3A_393 : memref<1x128x64xf32, #tpu.memory_space<vmem>> -> memref<128x64xf32, #tpu.memory_space<vmem>>
      %dma_start3A_395 = arith.constant 0 : i32
      %dma_start3A_396 = tpu.memref_slice %arg5[%arg0, %add3A_366, %dma_start3A_395] : memref<2x10112x64xf32, #tpu.memory_space<hbm>> -> memref<1x128x64xf32, #tpu.memory_space<hbm>>
      %dma_start3A_397 = tpu.memref_squeeze %dma_start3A_396 : memref<1x128x64xf32, #tpu.memory_space<hbm>> -> memref<128x64xf32, #tpu.memory_space<hbm>>
      %dma_start3A_398 = arith.constant 0 : i32
      %dma_start3A_399 = tpu.memref_slice %arg5[%arg0, %add3A_366, %dma_start3A_398] : memref<2x10112x64xf32, #tpu.memory_space<hbm>> -> memref<1x128x64xf32, #tpu.memory_space<hbm>>
      %dma_start3A_400 = tpu.memref_squeeze %dma_start3A_399 : memref<1x128x64xf32, #tpu.memory_space<hbm>> -> memref<128x64xf32, #tpu.memory_space<hbm>>
      %dma_start3A_401 = arith.constant 0 : i32
      %dma_start3A_402 = arith.constant 0 : i32
      %dma_start3A_403 = tpu.memref_slice %arg8[%run_scoped3A_367, %dma_start3A_401, %dma_start3A_402] : memref<4x128x64xf32, #tpu.memory_space<vmem>> -> memref<1x128x64xf32, #tpu.memory_space<vmem>>
      %dma_start3A_404 = tpu.memref_squeeze %dma_start3A_403 : memref<1x128x64xf32, #tpu.memory_space<vmem>> -> memref<128x64xf32, #tpu.memory_space<vmem>>
      tpu.enqueue_dma source(%dma_start3A_404 : memref<128x64xf32, #tpu.memory_space<vmem>>) target(%dma_start3A_400 : memref<128x64xf32, #tpu.memory_space<hbm>>) target_semaphore(%run_scoped3A_390 : memref<!tpu.dma_semaphore, #tpu.memory_space<semaphore_mem>>)
      %dma_wait3A_405 = arith.constant 0 : i32
      %dma_wait3A_406 = arith.constant 0 : i32
      %dma_wait3A_407 = tpu.memref_slice %arg8[%run_scoped3A_367, %dma_wait3A_405, %dma_wait3A_406] : memref<4x128x64xf32, #tpu.memory_space<vmem>> -> memref<1x128x64xf32, #tpu.memory_space<vmem>>
      %dma_wait3A_408 = tpu.memref_squeeze %dma_wait3A_407 : memref<1x128x64xf32, #tpu.memory_space<vmem>> -> memref<128x64xf32, #tpu.memory_space<vmem>>
      %dma_wait3A_409 = arith.constant 0 : i32
      %dma_wait3A_410 = tpu.memref_slice %arg5[%arg0, %add3A_366, %dma_wait3A_409] : memref<2x10112x64xf32, #tpu.memory_space<hbm>> -> memref<1x128x64xf32, #tpu.memory_space<hbm>>
      %dma_wait3A_411 = tpu.memref_squeeze %dma_wait3A_410 : memref<1x128x64xf32, #tpu.memory_space<hbm>> -> memref<128x64xf32, #tpu.memory_space<hbm>>
      %dma_wait3A_412 = arith.constant 0 : i32
      %dma_wait3A_413 = tpu.memref_slice %arg5[%arg0, %add3A_366, %dma_wait3A_412] : memref<2x10112x64xf32, #tpu.memory_space<hbm>> -> memref<1x128x64xf32, #tpu.memory_space<hbm>>
      %dma_wait3A_414 = tpu.memref_squeeze %dma_wait3A_413 : memref<1x128x64xf32, #tpu.memory_space<hbm>> -> memref<128x64xf32, #tpu.memory_space<hbm>>
      %dma_wait3A_415 = arith.constant 0 : i32
      %dma_wait3A_416 = arith.constant 0 : i32
      %dma_wait3A_417 = tpu.memref_slice %arg8[%run_scoped3A_367, %dma_wait3A_415, %dma_wait3A_416] : memref<4x128x64xf32, #tpu.memory_space<vmem>> -> memref<1x128x64xf32, #tpu.memory_space<vmem>>
      %dma_wait3A_418 = tpu.memref_squeeze %dma_wait3A_417 : memref<1x128x64xf32, #tpu.memory_space<vmem>> -> memref<128x64xf32, #tpu.memory_space<vmem>>
      tpu.wait_dma2 semaphore(%run_scoped3A_390 : memref<!tpu.dma_semaphore, #tpu.memory_space<semaphore_mem>>) src(%dma_wait3A_418 : memref<128x64xf32, #tpu.memory_space<vmem>>) dst(%dma_wait3A_414 : memref<128x64xf32, #tpu.memory_space<hbm>>)
      tpu.yield
    }) : () -> ()
    %dma_wait3A_368 = arith.constant 0 : i32
    %dma_wait3A_369 = arith.constant 0 : i32
    %dma_wait3A_370 = arith.constant 0 : i32
    %dma_wait3A_371 = tpu.memref_slice %arg8[%dma_wait3A_368, %dma_wait3A_369, %dma_wait3A_370] : memref<4x128x64xf32, #tpu.memory_space<vmem>> -> memref<1x128x64xf32, #tpu.memory_space<vmem>>
    %dma_wait3A_372 = tpu.memref_squeeze %dma_wait3A_371 : memref<1x128x64xf32, #tpu.memory_space<vmem>> -> memref<128x64xf32, #tpu.memory_space<vmem>>
    %dma_wait3A_373 = arith.constant 0 : i32
    %dma_wait3A_374 = arith.constant 0 : i32
    %dma_wait3A_375 = tpu.memref_slice %dma_wait3A_372[%dma_wait3A_373, %dma_wait3A_374] : memref<128x64xf32, #tpu.memory_space<vmem>> -> memref<120x64xf32, #tpu.memory_space<vmem>>
    %dma_wait3A_376 = arith.constant 0 : i32
    %dma_wait3A_377 = tpu.memref_slice %arg9[%multiple_of3A, %dma_wait3A_376] : memref<10112x64xf32, #tpu.memory_space<vmem_shared>> -> memref<120x64xf32, #tpu.memory_space<vmem_shared>>
    %dma_wait3A_378 = arith.constant 0 : i32
    %dma_wait3A_379 = arith.constant 0 : i32
    %dma_wait3A_380 = tpu.memref_slice %arg8[%dma_wait3A_368, %dma_wait3A_378, %dma_wait3A_379] : memref<4x128x64xf32, #tpu.memory_space<vmem>> -> memref<1x128x64xf32, #tpu.memory_space<vmem>>
    %dma_wait3A_381 = tpu.memref_squeeze %dma_wait3A_380 : memref<1x128x64xf32, #tpu.memory_space<vmem>> -> memref<128x64xf32, #tpu.memory_space<vmem>>
    %dma_wait3A_382 = arith.constant 0 : i32
    %dma_wait3A_383 = arith.constant 0 : i32
    %dma_wait3A_384 = tpu.memref_slice %dma_wait3A_381[%dma_wait3A_382, %dma_wait3A_383] : memref<128x64xf32, #tpu.memory_space<vmem>> -> memref<120x64xf32, #tpu.memory_space<vmem>>
    %dma_wait3A_385 = arith.constant 0 : i32
    %dma_wait3A_386 = tpu.memref_slice %arg9[%multiple_of3A, %dma_wait3A_385] : memref<10112x64xf32, #tpu.memory_space<vmem_shared>> -> memref<120x64xf32, #tpu.memory_space<vmem_shared>>
    tpu.wait_dma2 semaphore(%arg10 : memref<!tpu.dma_semaphore, #tpu.memory_space<semaphore_mem>>) src(%dma_wait3A_386 : memref<120x64xf32, #tpu.memory_space<vmem_shared>>) dst(%dma_wait3A_384 : memref<120x64xf32, #tpu.memory_space<vmem>>)
    %add3A_387 = arith.constant 512 : i32
    %add3A_388 = arith.addi %multiple_of3A, %add3A_387 : i32
    %run_scoped3A_389 = arith.constant 0 : i32
    "tpu.region"() ({
      %run_scoped3A_390 = tpu.sem_alloc : memref<!tpu.dma_semaphore, #tpu.memory_space<semaphore_mem>>
      %dma_start3A_391 = arith.constant 0 : i32
      %dma_start3A_392 = arith.constant 0 : i32
      %dma_start3A_393 = tpu.memref_slice %arg8[%run_scoped3A_389, %dma_start3A_391, %dma_start3A_392] : memref<4x128x64xf32, #tpu.memory_space<vmem>> -> memref<1x128x64xf32, #tpu.memory_space<vmem>>
      %dma_start3A_394 = tpu.memref_squeeze %dma_start3A_393 : memref<1x128x64xf32, #tpu.memory_space<vmem>> -> memref<128x64xf32, #tpu.memory_space<vmem>>
      %dma_start3A_395 = arith.constant 0 : i32
      %dma_start3A_396 = arith.constant 0 : i32
      %dma_start3A_397 = tpu.memref_slice %dma_start3A_394[%dma_start3A_395, %dma_start3A_396] : memref<128x64xf32, #tpu.memory_space<vmem>> -> memref<120x64xf32, #tpu.memory_space<vmem>>
      %dma_start3A_398 = arith.constant 0 : i32
      %dma_start3A_399 = tpu.memref_slice %arg5[%arg0, %add3A_388, %dma_start3A_398] : memref<2x10112x64xf32, #tpu.memory_space<hbm>> -> memref<1x120x64xf32, #tpu.memory_space<hbm>>
      %dma_start3A_400 = tpu.memref_squeeze %dma_start3A_399 : memref<1x120x64xf32, #tpu.memory_space<hbm>> -> memref<120x64xf32, #tpu.memory_space<hbm>>
      %dma_start3A_401 = arith.constant 0 : i32
      %dma_start3A_402 = tpu.memref_slice %arg5[%arg0, %add3A_388, %dma_start3A_401] : memref<2x10112x64xf32, #tpu.memory_space<hbm>> -> memref<1x120x64xf32, #tpu.memory_space<hbm>>
      %dma_start3A_403 = tpu.memref_squeeze %dma_start3A_402 : memref<1x120x64xf32, #tpu.memory_space<hbm>> -> memref<120x64xf32, #tpu.memory_space<hbm>>
      %dma_start3A_404 = arith.constant 0 : i32
      %dma_start3A_405 = arith.constant 0 : i32
      %dma_start3A_406 = tpu.memref_slice %arg8[%run_scoped3A_389, %dma_start3A_404, %dma_start3A_405] : memref<4x128x64xf32, #tpu.memory_space<vmem>> -> memref<1x128x64xf32, #tpu.memory_space<vmem>>
      %dma_start3A_407 = tpu.memref_squeeze %dma_start3A_406 : memref<1x128x64xf32, #tpu.memory_space<vmem>> -> memref<128x64xf32, #tpu.memory_space<vmem>>
      %dma_start3A_408 = arith.constant 0 : i32
      %dma_start3A_409 = arith.constant 0 : i32
      %dma_start3A_410 = tpu.memref_slice %dma_start3A_407[%dma_start3A_408, %dma_start3A_409] : memref<128x64xf32, #tpu.memory_space<vmem>> -> memref<120x64xf32, #tpu.memory_space<vmem>>
      tpu.enqueue_dma source(%dma_start3A_410 : memref<120x64xf32, #tpu.memory_space<vmem>>) target(%dma_start3A_403 : memref<120x64xf32, #tpu.memory_space<hbm>>) target_semaphore(%run_scoped3A_390 : memref<!tpu.dma_semaphore, #tpu.memory_space<semaphore_mem>>)
      %dma_wait3A_411 = arith.constant 0 : i32
      %dma_wait3A_412 = arith.constant 0 : i32
      %dma_wait3A_413 = tpu.memref_slice %arg8[%run_scoped3A_389, %dma_wait3A_411, %dma_wait3A_412] : memref<4x128x64xf32, #tpu.memory_space<vmem>> -> memref<1x128x64xf32, #tpu.memory_space<vmem>>
      %dma_wait3A_414 = tpu.memref_squeeze %dma_wait3A_413 : memref<1x128x64xf32, #tpu.memory_space<vmem>> -> memref<128x64xf32, #tpu.memory_space<vmem>>
      %dma_wait3A_415 = arith.constant 0 : i32
      %dma_wait3A_416 = arith.constant 0 : i32
      %dma_wait3A_417 = tpu.memref_slice %dma_wait3A_414[%dma_wait3A_415, %dma_wait3A_416] : memref<128x64xf32, #tpu.memory_space<vmem>> -> memref<120x64xf32, #tpu.memory_space<vmem>>
      %dma_wait3A_418 = arith.constant 0 : i32
      %dma_wait3A_419 = tpu.memref_slice %arg5[%arg0, %add3A_388, %dma_wait3A_418] : memref<2x10112x64xf32, #tpu.memory_space<hbm>> -> memref<1x120x64xf32, #tpu.memory_space<hbm>>
      %dma_wait3A_420 = tpu.memref_squeeze %dma_wait3A_419 : memref<1x120x64xf32, #tpu.memory_space<hbm>> -> memref<120x64xf32, #tpu.memory_space<hbm>>
      %dma_wait3A_421 = arith.constant 0 : i32
      %dma_wait3A_422 = tpu.memref_slice %arg5[%arg0, %add3A_388, %dma_wait3A_421] : memref<2x10112x64xf32, #tpu.memory_space<hbm>> -> memref<1x120x64xf32, #tpu.memory_space<hbm>>
      %dma_wait3A_423 = tpu.memref_squeeze %dma_wait3A_422 : memref<1x120x64xf32, #tpu.memory_space<hbm>> -> memref<120x64xf32, #tpu.memory_space<hbm>>
      %dma_wait3A_424 = arith.constant 0 : i32
      %dma_wait3A_425 = arith.constant 0 : i32
      %dma_wait3A_426 = tpu.memref_slice %arg8[%run_scoped3A_389, %dma_wait3A_424, %dma_wait3A_425] : memref<4x128x64xf32, #tpu.memory_space<vmem>> -> memref<1x128x64xf32, #tpu.memory_space<vmem>>
      %dma_wait3A_427 = tpu.memref_squeeze %dma_wait3A_426 : memref<1x128x64xf32, #tpu.memory_space<vmem>> -> memref<128x64xf32, #tpu.memory_space<vmem>>
      %dma_wait3A_428 = arith.constant 0 : i32
      %dma_wait3A_429 = arith.constant 0 : i32
      %dma_wait3A_430 = tpu.memref_slice %dma_wait3A_427[%dma_wait3A_428, %dma_wait3A_429] : memref<128x64xf32, #tpu.memory_space<vmem>> -> memref<120x64xf32, #tpu.memory_space<vmem>>
      tpu.wait_dma2 semaphore(%run_scoped3A_390 : memref<!tpu.dma_semaphore, #tpu.memory_space<semaphore_mem>>) src(%dma_wait3A_430 : memref<120x64xf32, #tpu.memory_space<vmem>>) dst(%dma_wait3A_423 : memref<120x64xf32, #tpu.memory_space<hbm>>)
      tpu.yield
    }) : () -> ()
    return
  }
}

#map = affine_map<(d0, d1) -> (0, 0, 0)>
module attributes {stable_mosaic.version = 14 : i64} {
  func.func @_sc_msg(%arg0: i32, %arg1: i32, %arg2: memref<2x10000x64xf32, #tpu.memory_space<hbm>>, %arg3: memref<16x160x128xi32, #tpu.memory_space<hbm>>, %arg4: memref<16x160x128xi32, #tpu.memory_space<hbm>>, %arg5: memref<2x10112x64xf32, #tpu.memory_space<hbm>>, %arg6: memref<160x128xi32, #tpu.memory_space<vmem>>, %arg7: memref<160x128xi32, #tpu.memory_space<vmem>>, %arg8: memref<4x128x64xf32, #tpu.memory_space<vmem>>, %arg9: memref<10112x64xf32, #tpu.memory_space<vmem_shared>>, %arg10: memref<!tpu.dma_semaphore, #tpu.memory_space<semaphore_mem>>, %arg11: memref<!tpu.dma_semaphore, #tpu.memory_space<semaphore_mem>>, %arg12: memref<!tpu.dma_semaphore, #tpu.memory_space<semaphore_mem>>, %arg13: memref<!tpu.dma_semaphore, #tpu.memory_space<semaphore_mem>>, %arg14: memref<!tpu.dma_semaphore, #tpu.memory_space<semaphore_mem>>, %arg15: memref<!tpu.dma_semaphore, #tpu.memory_space<semaphore_mem>>, %arg16: memref<!tpu.dma_semaphore, #tpu.memory_space<semaphore_mem>>, %arg17: memref<!tpu.dma_semaphore, #tpu.memory_space<semaphore_mem>>) attributes {dimension_semantics = [#tpu.dimension_semantics<core_parallel>, #tpu.dimension_semantics<subcore_parallel>], iteration_bounds = array<i64: 2, 16>, scalar_prefetch = 0 : i64, scratch_operands = 12 : i64, tpu.core_type = #tpu.core_type<sc_vector_subcore>, window_params = [{transform_indices = #map}, {transform_indices = #map}, {transform_indices = #map}, {transform_indices = #map}]} {
    %mul3A = arith.constant 632 : i32
    %mul3A_0 = arith.muli %arg1, %mul3A : i32
    %multiple_of3A = tpu.assume_multiple %mul3A_0, 8 : i32
    %scan3A = arith.constant 0 : i32
    %scan3A_1 = arith.constant 128 : i32
    %scan3A_2 = arith.addi %scan3A, %scan3A_1 : i32
    %scan3A_3 = arith.constant 1 : i32
    scf.for %scan3A_390 = %scan3A to %scan3A_2 step %scan3A_3  : i32 {
      %mul3A_391 = arith.constant 1 : i32
      %mul3A_392 = arith.muli %scan3A_390, %mul3A_391 : i32
      %add3A_393 = arith.constant 0 : i32
      %add3A_394 = arith.addi %add3A_393, %mul3A_392 : i32
      %broadcast_in_dim3A = arith.constant 0.000000e+00 : f32
      %broadcast_in_dim3A_395 = vector.broadcast %broadcast_in_dim3A : f32 to vector<16xf32>
      %swap3A = arith.constant 0 : i32
      %swap3A_396 = arith.index_cast %swap3A : i32 to index
      %swap3A_397 = arith.index_cast %add3A_394 : i32 to index
      %swap3A_398 = arith.constant 0 : index
      %swap3A_399 = tpu.vector_load %arg8[%swap3A_396, %swap3A_397, %swap3A_398] {strides = array<i32>} : memref<4x128x64xf32, #tpu.memory_space<vmem>>, vector<1x1x16xf32>,
      %swap3A_400 = vector.shape_cast %swap3A_399 : vector<1x1x16xf32> to vector<16xf32>
      %swap3A_401 = vector.shape_cast %broadcast_in_dim3A_395 : vector<16xf32> to vector<1x1x16xf32>
      tpu.vector_store %arg8[%swap3A_396, %swap3A_397, %swap3A_398], %swap3A_401 {strides = array<i32>} : memref<4x128x64xf32, #tpu.memory_space<vmem>>, vector<1x1x16xf32>,
      %broadcast_in_dim3A_402 = arith.constant 0.000000e+00 : f32
      %broadcast_in_dim3A_403 = vector.broadcast %broadcast_in_dim3A_402 : f32 to vector<16xf32>
      %swap3A_404 = arith.constant 0 : i32
      %swap3A_405 = arith.index_cast %swap3A_404 : i32 to index
      %swap3A_406 = arith.index_cast %add3A_394 : i32 to index
      %swap3A_407 = arith.constant 16 : index
      %swap3A_408 = tpu.vector_load %arg8[%swap3A_405, %swap3A_406, %swap3A_407] {strides = array<i32>} : memref<4x128x64xf32, #tpu.memory_space<vmem>>, vector<1x1x16xf32>,
      %swap3A_409 = vector.shape_cast %swap3A_408 : vector<1x1x16xf32> to vector<16xf32>
      %swap3A_410 = vector.shape_cast %broadcast_in_dim3A_403 : vector<16xf32> to vector<1x1x16xf32>
      tpu.vector_store %arg8[%swap3A_405, %swap3A_406, %swap3A_407], %swap3A_410 {strides = array<i32>} : memref<4x128x64xf32, #tpu.memory_space<vmem>>, vector<1x1x16xf32>,
      %broadcast_in_dim3A_411 = arith.constant 0.000000e+00 : f32
      %broadcast_in_dim3A_412 = vector.broadcast %broadcast_in_dim3A_411 : f32 to vector<16xf32>
      %swap3A_413 = arith.constant 0 : i32
      %swap3A_414 = arith.index_cast %swap3A_413 : i32 to index
      %swap3A_415 = arith.index_cast %add3A_394 : i32 to index
      %swap3A_416 = arith.constant 32 : index
      %swap3A_417 = tpu.vector_load %arg8[%swap3A_414, %swap3A_415, %swap3A_416] {strides = array<i32>} : memref<4x128x64xf32, #tpu.memory_space<vmem>>, vector<1x1x16xf32>,
      %swap3A_418 = vector.shape_cast %swap3A_417 : vector<1x1x16xf32> to vector<16xf32>
      %swap3A_419 = vector.shape_cast %broadcast_in_dim3A_412 : vector<16xf32> to vector<1x1x16xf32>
      tpu.vector_store %arg8[%swap3A_414, %swap3A_415, %swap3A_416], %swap3A_419 {strides = array<i32>} : memref<4x128x64xf32, #tpu.memory_space<vmem>>, vector<1x1x16xf32>,
      %broadcast_in_dim3A_420 = arith.constant 0.000000e+00 : f32
      %broadcast_in_dim3A_421 = vector.broadcast %broadcast_in_dim3A_420 : f32 to vector<16xf32>
      %swap3A_422 = arith.constant 0 : i32
      %swap3A_423 = arith.index_cast %swap3A_422 : i32 to index
      %swap3A_424 = arith.index_cast %add3A_394 : i32 to index
      %swap3A_425 = arith.constant 48 : index
      %swap3A_426 = tpu.vector_load %arg8[%swap3A_423, %swap3A_424, %swap3A_425] {strides = array<i32>} : memref<4x128x64xf32, #tpu.memory_space<vmem>>, vector<1x1x16xf32>,
      %swap3A_427 = vector.shape_cast %swap3A_426 : vector<1x1x16xf32> to vector<16xf32>
      %swap3A_428 = vector.shape_cast %broadcast_in_dim3A_421 : vector<16xf32> to vector<1x1x16xf32>
      tpu.vector_store %arg8[%swap3A_423, %swap3A_424, %swap3A_425], %swap3A_428 {strides = array<i32>} : memref<4x128x64xf32, #tpu.memory_space<vmem>>, vector<1x1x16xf32>,
    }
    %scan3A_4 = arith.constant 128 : i32
    %add3A = arith.constant 0 : i32
    %add3A_5 = arith.addi %multiple_of3A, %add3A : i32
    %run_scoped3A = arith.constant 0 : i32
    "tpu.region"() ({
      %run_scoped3A_390 = tpu.sem_alloc : memref<!tpu.dma_semaphore, #tpu.memory_space<semaphore_mem>>
      %dma_start3A_391 = arith.constant 0 : i32
      %dma_start3A_392 = arith.constant 0 : i32
      %dma_start3A_393 = tpu.memref_slice %arg8[%run_scoped3A, %dma_start3A_391, %dma_start3A_392] : memref<4x128x64xf32, #tpu.memory_space<vmem>> -> memref<1x128x64xf32, #tpu.memory_space<vmem>>
      %dma_start3A_394 = tpu.memref_squeeze %dma_start3A_393 : memref<1x128x64xf32, #tpu.memory_space<vmem>> -> memref<128x64xf32, #tpu.memory_space<vmem>>
      %dma_start3A_395 = arith.constant 0 : i32
      %dma_start3A_396 = tpu.memref_slice %arg9[%add3A_5, %dma_start3A_395] : memref<10112x64xf32, #tpu.memory_space<vmem_shared>> -> memref<128x64xf32, #tpu.memory_space<vmem_shared>>
      %dma_start3A_397 = arith.constant 0 : i32
      %dma_start3A_398 = tpu.memref_slice %arg9[%add3A_5, %dma_start3A_397] : memref<10112x64xf32, #tpu.memory_space<vmem_shared>> -> memref<128x64xf32, #tpu.memory_space<vmem_shared>>
      %dma_start3A_399 = arith.constant 0 : i32
      %dma_start3A_400 = arith.constant 0 : i32
      %dma_start3A_401 = tpu.memref_slice %arg8[%run_scoped3A, %dma_start3A_399, %dma_start3A_400] : memref<4x128x64xf32, #tpu.memory_space<vmem>> -> memref<1x128x64xf32, #tpu.memory_space<vmem>>
      %dma_start3A_402 = tpu.memref_squeeze %dma_start3A_401 : memref<1x128x64xf32, #tpu.memory_space<vmem>> -> memref<128x64xf32, #tpu.memory_space<vmem>>
      tpu.enqueue_dma source(%dma_start3A_402 : memref<128x64xf32, #tpu.memory_space<vmem>>) target(%dma_start3A_398 : memref<128x64xf32, #tpu.memory_space<vmem_shared>>) target_semaphore(%run_scoped3A_390 : memref<!tpu.dma_semaphore, #tpu.memory_space<semaphore_mem>>)
      %dma_wait3A_403 = arith.constant 0 : i32
      %dma_wait3A_404 = arith.constant 0 : i32
      %dma_wait3A_405 = tpu.memref_slice %arg8[%run_scoped3A, %dma_wait3A_403, %dma_wait3A_404] : memref<4x128x64xf32, #tpu.memory_space<vmem>> -> memref<1x128x64xf32, #tpu.memory_space<vmem>>
      %dma_wait3A_406 = tpu.memref_squeeze %dma_wait3A_405 : memref<1x128x64xf32, #tpu.memory_space<vmem>> -> memref<128x64xf32, #tpu.memory_space<vmem>>
      %dma_wait3A_407 = arith.constant 0 : i32
      %dma_wait3A_408 = tpu.memref_slice %arg9[%add3A_5, %dma_wait3A_407] : memref<10112x64xf32, #tpu.memory_space<vmem_shared>> -> memref<128x64xf32, #tpu.memory_space<vmem_shared>>
      %dma_wait3A_409 = arith.constant 0 : i32
      %dma_wait3A_410 = tpu.memref_slice %arg9[%add3A_5, %dma_wait3A_409] : memref<10112x64xf32, #tpu.memory_space<vmem_shared>> -> memref<128x64xf32, #tpu.memory_space<vmem_shared>>
      %dma_wait3A_411 = arith.constant 0 : i32
      %dma_wait3A_412 = arith.constant 0 : i32
      %dma_wait3A_413 = tpu.memref_slice %arg8[%run_scoped3A, %dma_wait3A_411, %dma_wait3A_412] : memref<4x128x64xf32, #tpu.memory_space<vmem>> -> memref<1x128x64xf32, #tpu.memory_space<vmem>>
      %dma_wait3A_414 = tpu.memref_squeeze %dma_wait3A_413 : memref<1x128x64xf32, #tpu.memory_space<vmem>> -> memref<128x64xf32, #tpu.memory_space<vmem>>
      tpu.wait_dma2 semaphore(%run_scoped3A_390 : memref<!tpu.dma_semaphore, #tpu.memory_space<semaphore_mem>>) src(%dma_wait3A_414 : memref<128x64xf32, #tpu.memory_space<vmem>>) dst(%dma_wait3A_410 : memref<128x64xf32, #tpu.memory_space<vmem_shared>>)
      tpu.yield
    }) : () -> ()
    %add3A_6 = arith.constant 128 : i32
    %add3A_7 = arith.addi %multiple_of3A, %add3A_6 : i32
    %run_scoped3A_8 = arith.constant 0 : i32
    "tpu.region"() ({
      %run_scoped3A_390 = tpu.sem_alloc : memref<!tpu.dma_semaphore, #tpu.memory_space<semaphore_mem>>
      %dma_start3A_391 = arith.constant 0 : i32
      %dma_start3A_392 = arith.constant 0 : i32
      %dma_start3A_393 = tpu.memref_slice %arg8[%run_scoped3A_8, %dma_start3A_391, %dma_start3A_392] : memref<4x128x64xf32, #tpu.memory_space<vmem>> -> memref<1x128x64xf32, #tpu.memory_space<vmem>>
      %dma_start3A_394 = tpu.memref_squeeze %dma_start3A_393 : memref<1x128x64xf32, #tpu.memory_space<vmem>> -> memref<128x64xf32, #tpu.memory_space<vmem>>
      %dma_start3A_395 = arith.constant 0 : i32
      %dma_start3A_396 = tpu.memref_slice %arg9[%add3A_7, %dma_start3A_395] : memref<10112x64xf32, #tpu.memory_space<vmem_shared>> -> memref<128x64xf32, #tpu.memory_space<vmem_shared>>
      %dma_start3A_397 = arith.constant 0 : i32
      %dma_start3A_398 = tpu.memref_slice %arg9[%add3A_7, %dma_start3A_397] : memref<10112x64xf32, #tpu.memory_space<vmem_shared>> -> memref<128x64xf32, #tpu.memory_space<vmem_shared>>
      %dma_start3A_399 = arith.constant 0 : i32
      %dma_start3A_400 = arith.constant 0 : i32
      %dma_start3A_401 = tpu.memref_slice %arg8[%run_scoped3A_8, %dma_start3A_399, %dma_start3A_400] : memref<4x128x64xf32, #tpu.memory_space<vmem>> -> memref<1x128x64xf32, #tpu.memory_space<vmem>>
      %dma_start3A_402 = tpu.memref_squeeze %dma_start3A_401 : memref<1x128x64xf32, #tpu.memory_space<vmem>> -> memref<128x64xf32, #tpu.memory_space<vmem>>
      tpu.enqueue_dma source(%dma_start3A_402 : memref<128x64xf32, #tpu.memory_space<vmem>>) target(%dma_start3A_398 : memref<128x64xf32, #tpu.memory_space<vmem_shared>>) target_semaphore(%run_scoped3A_390 : memref<!tpu.dma_semaphore, #tpu.memory_space<semaphore_mem>>)
      %dma_wait3A_403 = arith.constant 0 : i32
      %dma_wait3A_404 = arith.constant 0 : i32
      %dma_wait3A_405 = tpu.memref_slice %arg8[%run_scoped3A_8, %dma_wait3A_403, %dma_wait3A_404] : memref<4x128x64xf32, #tpu.memory_space<vmem>> -> memref<1x128x64xf32, #tpu.memory_space<vmem>>
      %dma_wait3A_406 = tpu.memref_squeeze %dma_wait3A_405 : memref<1x128x64xf32, #tpu.memory_space<vmem>> -> memref<128x64xf32, #tpu.memory_space<vmem>>
      %dma_wait3A_407 = arith.constant 0 : i32
      %dma_wait3A_408 = tpu.memref_slice %arg9[%add3A_7, %dma_wait3A_407] : memref<10112x64xf32, #tpu.memory_space<vmem_shared>> -> memref<128x64xf32, #tpu.memory_space<vmem_shared>>
      %dma_wait3A_409 = arith.constant 0 : i32
      %dma_wait3A_410 = tpu.memref_slice %arg9[%add3A_7, %dma_wait3A_409] : memref<10112x64xf32, #tpu.memory_space<vmem_shared>> -> memref<128x64xf32, #tpu.memory_space<vmem_shared>>
      %dma_wait3A_411 = arith.constant 0 : i32
      %dma_wait3A_412 = arith.constant 0 : i32
      %dma_wait3A_413 = tpu.memref_slice %arg8[%run_scoped3A_8, %dma_wait3A_411, %dma_wait3A_412] : memref<4x128x64xf32, #tpu.memory_space<vmem>> -> memref<1x128x64xf32, #tpu.memory_space<vmem>>
      %dma_wait3A_414 = tpu.memref_squeeze %dma_wait3A_413 : memref<1x128x64xf32, #tpu.memory_space<vmem>> -> memref<128x64xf32, #tpu.memory_space<vmem>>
      tpu.wait_dma2 semaphore(%run_scoped3A_390 : memref<!tpu.dma_semaphore, #tpu.memory_space<semaphore_mem>>) src(%dma_wait3A_414 : memref<128x64xf32, #tpu.memory_space<vmem>>) dst(%dma_wait3A_410 : memref<128x64xf32, #tpu.memory_space<vmem_shared>>)
      tpu.yield
    }) : () -> ()
    %add3A_9 = arith.constant 256 : i32
    %add3A_10 = arith.addi %multiple_of3A, %add3A_9 : i32
    %run_scoped3A_11 = arith.constant 0 : i32
    "tpu.region"() ({
      %run_scoped3A_390 = tpu.sem_alloc : memref<!tpu.dma_semaphore, #tpu.memory_space<semaphore_mem>>
      %dma_start3A_391 = arith.constant 0 : i32
      %dma_start3A_392 = arith.constant 0 : i32
      %dma_start3A_393 = tpu.memref_slice %arg8[%run_scoped3A_11, %dma_start3A_391, %dma_start3A_392] : memref<4x128x64xf32, #tpu.memory_space<vmem>> -> memref<1x128x64xf32, #tpu.memory_space<vmem>>
      %dma_start3A_394 = tpu.memref_squeeze %dma_start3A_393 : memref<1x128x64xf32, #tpu.memory_space<vmem>> -> memref<128x64xf32, #tpu.memory_space<vmem>>
      %dma_start3A_395 = arith.constant 0 : i32
      %dma_start3A_396 = tpu.memref_slice %arg9[%add3A_10, %dma_start3A_395] : memref<10112x64xf32, #tpu.memory_space<vmem_shared>> -> memref<128x64xf32, #tpu.memory_space<vmem_shared>>
      %dma_start3A_397 = arith.constant 0 : i32
      %dma_start3A_398 = tpu.memref_slice %arg9[%add3A_10, %dma_start3A_397] : memref<10112x64xf32, #tpu.memory_space<vmem_shared>> -> memref<128x64xf32, #tpu.memory_space<vmem_shared>>
      %dma_start3A_399 = arith.constant 0 : i32
      %dma_start3A_400 = arith.constant 0 : i32
      %dma_start3A_401 = tpu.memref_slice %arg8[%run_scoped3A_11, %dma_start3A_399, %dma_start3A_400] : memref<4x128x64xf32, #tpu.memory_space<vmem>> -> memref<1x128x64xf32, #tpu.memory_space<vmem>>
      %dma_start3A_402 = tpu.memref_squeeze %dma_start3A_401 : memref<1x128x64xf32, #tpu.memory_space<vmem>> -> memref<128x64xf32, #tpu.memory_space<vmem>>
      tpu.enqueue_dma source(%dma_start3A_402 : memref<128x64xf32, #tpu.memory_space<vmem>>) target(%dma_start3A_398 : memref<128x64xf32, #tpu.memory_space<vmem_shared>>) target_semaphore(%run_scoped3A_390 : memref<!tpu.dma_semaphore, #tpu.memory_space<semaphore_mem>>)
      %dma_wait3A_403 = arith.constant 0 : i32
      %dma_wait3A_404 = arith.constant 0 : i32
      %dma_wait3A_405 = tpu.memref_slice %arg8[%run_scoped3A_11, %dma_wait3A_403, %dma_wait3A_404] : memref<4x128x64xf32, #tpu.memory_space<vmem>> -> memref<1x128x64xf32, #tpu.memory_space<vmem>>
      %dma_wait3A_406 = tpu.memref_squeeze %dma_wait3A_405 : memref<1x128x64xf32, #tpu.memory_space<vmem>> -> memref<128x64xf32, #tpu.memory_space<vmem>>
      %dma_wait3A_407 = arith.constant 0 : i32
      %dma_wait3A_408 = tpu.memref_slice %arg9[%add3A_10, %dma_wait3A_407] : memref<10112x64xf32, #tpu.memory_space<vmem_shared>> -> memref<128x64xf32, #tpu.memory_space<vmem_shared>>
      %dma_wait3A_409 = arith.constant 0 : i32
      %dma_wait3A_410 = tpu.memref_slice %arg9[%add3A_10, %dma_wait3A_409] : memref<10112x64xf32, #tpu.memory_space<vmem_shared>> -> memref<128x64xf32, #tpu.memory_space<vmem_shared>>
      %dma_wait3A_411 = arith.constant 0 : i32
      %dma_wait3A_412 = arith.constant 0 : i32
      %dma_wait3A_413 = tpu.memref_slice %arg8[%run_scoped3A_11, %dma_wait3A_411, %dma_wait3A_412] : memref<4x128x64xf32, #tpu.memory_space<vmem>> -> memref<1x128x64xf32, #tpu.memory_space<vmem>>
      %dma_wait3A_414 = tpu.memref_squeeze %dma_wait3A_413 : memref<1x128x64xf32, #tpu.memory_space<vmem>> -> memref<128x64xf32, #tpu.memory_space<vmem>>
      tpu.wait_dma2 semaphore(%run_scoped3A_390 : memref<!tpu.dma_semaphore, #tpu.memory_space<semaphore_mem>>) src(%dma_wait3A_414 : memref<128x64xf32, #tpu.memory_space<vmem>>) dst(%dma_wait3A_410 : memref<128x64xf32, #tpu.memory_space<vmem_shared>>)
      tpu.yield
    }) : () -> ()
    %add3A_12 = arith.constant 384 : i32
    %add3A_13 = arith.addi %multiple_of3A, %add3A_12 : i32
    %run_scoped3A_14 = arith.constant 0 : i32
    "tpu.region"() ({
      %run_scoped3A_390 = tpu.sem_alloc : memref<!tpu.dma_semaphore, #tpu.memory_space<semaphore_mem>>
      %dma_start3A_391 = arith.constant 0 : i32
      %dma_start3A_392 = arith.constant 0 : i32
      %dma_start3A_393 = tpu.memref_slice %arg8[%run_scoped3A_14, %dma_start3A_391, %dma_start3A_392] : memref<4x128x64xf32, #tpu.memory_space<vmem>> -> memref<1x128x64xf32, #tpu.memory_space<vmem>>
      %dma_start3A_394 = tpu.memref_squeeze %dma_start3A_393 : memref<1x128x64xf32, #tpu.memory_space<vmem>> -> memref<128x64xf32, #tpu.memory_space<vmem>>
      %dma_start3A_395 = arith.constant 0 : i32
      %dma_start3A_396 = tpu.memref_slice %arg9[%add3A_13, %dma_start3A_395] : memref<10112x64xf32, #tpu.memory_space<vmem_shared>> -> memref<128x64xf32, #tpu.memory_space<vmem_shared>>
      %dma_start3A_397 = arith.constant 0 : i32
      %dma_start3A_398 = tpu.memref_slice %arg9[%add3A_13, %dma_start3A_397] : memref<10112x64xf32, #tpu.memory_space<vmem_shared>> -> memref<128x64xf32, #tpu.memory_space<vmem_shared>>
      %dma_start3A_399 = arith.constant 0 : i32
      %dma_start3A_400 = arith.constant 0 : i32
      %dma_start3A_401 = tpu.memref_slice %arg8[%run_scoped3A_14, %dma_start3A_399, %dma_start3A_400] : memref<4x128x64xf32, #tpu.memory_space<vmem>> -> memref<1x128x64xf32, #tpu.memory_space<vmem>>
      %dma_start3A_402 = tpu.memref_squeeze %dma_start3A_401 : memref<1x128x64xf32, #tpu.memory_space<vmem>> -> memref<128x64xf32, #tpu.memory_space<vmem>>
      tpu.enqueue_dma source(%dma_start3A_402 : memref<128x64xf32, #tpu.memory_space<vmem>>) target(%dma_start3A_398 : memref<128x64xf32, #tpu.memory_space<vmem_shared>>) target_semaphore(%run_scoped3A_390 : memref<!tpu.dma_semaphore, #tpu.memory_space<semaphore_mem>>)
      %dma_wait3A_403 = arith.constant 0 : i32
      %dma_wait3A_404 = arith.constant 0 : i32
      %dma_wait3A_405 = tpu.memref_slice %arg8[%run_scoped3A_14, %dma_wait3A_403, %dma_wait3A_404] : memref<4x128x64xf32, #tpu.memory_space<vmem>> -> memref<1x128x64xf32, #tpu.memory_space<vmem>>
      %dma_wait3A_406 = tpu.memref_squeeze %dma_wait3A_405 : memref<1x128x64xf32, #tpu.memory_space<vmem>> -> memref<128x64xf32, #tpu.memory_space<vmem>>
      %dma_wait3A_407 = arith.constant 0 : i32
      %dma_wait3A_408 = tpu.memref_slice %arg9[%add3A_13, %dma_wait3A_407] : memref<10112x64xf32, #tpu.memory_space<vmem_shared>> -> memref<128x64xf32, #tpu.memory_space<vmem_shared>>
      %dma_wait3A_409 = arith.constant 0 : i32
      %dma_wait3A_410 = tpu.memref_slice %arg9[%add3A_13, %dma_wait3A_409] : memref<10112x64xf32, #tpu.memory_space<vmem_shared>> -> memref<128x64xf32, #tpu.memory_space<vmem_shared>>
      %dma_wait3A_411 = arith.constant 0 : i32
      %dma_wait3A_412 = arith.constant 0 : i32
      %dma_wait3A_413 = tpu.memref_slice %arg8[%run_scoped3A_14, %dma_wait3A_411, %dma_wait3A_412] : memref<4x128x64xf32, #tpu.memory_space<vmem>> -> memref<1x128x64xf32, #tpu.memory_space<vmem>>
      %dma_wait3A_414 = tpu.memref_squeeze %dma_wait3A_413 : memref<1x128x64xf32, #tpu.memory_space<vmem>> -> memref<128x64xf32, #tpu.memory_space<vmem>>
      tpu.wait_dma2 semaphore(%run_scoped3A_390 : memref<!tpu.dma_semaphore, #tpu.memory_space<semaphore_mem>>) src(%dma_wait3A_414 : memref<128x64xf32, #tpu.memory_space<vmem>>) dst(%dma_wait3A_410 : memref<128x64xf32, #tpu.memory_space<vmem_shared>>)
      tpu.yield
    }) : () -> ()
    %add3A_15 = arith.constant 512 : i32
    %add3A_16 = arith.addi %multiple_of3A, %add3A_15 : i32
    %run_scoped3A_17 = arith.constant 0 : i32
    "tpu.region"() ({
      %run_scoped3A_390 = tpu.sem_alloc : memref<!tpu.dma_semaphore, #tpu.memory_space<semaphore_mem>>
      %dma_start3A_391 = arith.constant 0 : i32
      %dma_start3A_392 = arith.constant 0 : i32
      %dma_start3A_393 = tpu.memref_slice %arg8[%run_scoped3A_17, %dma_start3A_391, %dma_start3A_392] : memref<4x128x64xf32, #tpu.memory_space<vmem>> -> memref<1x128x64xf32, #tpu.memory_space<vmem>>
      %dma_start3A_394 = tpu.memref_squeeze %dma_start3A_393 : memref<1x128x64xf32, #tpu.memory_space<vmem>> -> memref<128x64xf32, #tpu.memory_space<vmem>>
      %dma_start3A_395 = arith.constant 0 : i32
      %dma_start3A_396 = arith.constant 0 : i32
      %dma_start3A_397 = tpu.memref_slice %dma_start3A_394[%dma_start3A_395, %dma_start3A_396] : memref<128x64xf32, #tpu.memory_space<vmem>> -> memref<120x64xf32, #tpu.memory_space<vmem>>
      %dma_start3A_398 = arith.constant 0 : i32
      %dma_start3A_399 = tpu.memref_slice %arg9[%add3A_16, %dma_start3A_398] : memref<10112x64xf32, #tpu.memory_space<vmem_shared>> -> memref<120x64xf32, #tpu.memory_space<vmem_shared>>
      %dma_start3A_400 = arith.constant 0 : i32
      %dma_start3A_401 = tpu.memref_slice %arg9[%add3A_16, %dma_start3A_400] : memref<10112x64xf32, #tpu.memory_space<vmem_shared>> -> memref<120x64xf32, #tpu.memory_space<vmem_shared>>
      %dma_start3A_402 = arith.constant 0 : i32
      %dma_start3A_403 = arith.constant 0 : i32
      %dma_start3A_404 = tpu.memref_slice %arg8[%run_scoped3A_17, %dma_start3A_402, %dma_start3A_403] : memref<4x128x64xf32, #tpu.memory_space<vmem>> -> memref<1x128x64xf32, #tpu.memory_space<vmem>>
      %dma_start3A_405 = tpu.memref_squeeze %dma_start3A_404 : memref<1x128x64xf32, #tpu.memory_space<vmem>> -> memref<128x64xf32, #tpu.memory_space<vmem>>
      %dma_start3A_406 = arith.constant 0 : i32
      %dma_start3A_407 = arith.constant 0 : i32
      %dma_start3A_408 = tpu.memref_slice %dma_start3A_405[%dma_start3A_406, %dma_start3A_407] : memref<128x64xf32, #tpu.memory_space<vmem>> -> memref<120x64xf32, #tpu.memory_space<vmem>>
      tpu.enqueue_dma source(%dma_start3A_408 : memref<120x64xf32, #tpu.memory_space<vmem>>) target(%dma_start3A_401 : memref<120x64xf32, #tpu.memory_space<vmem_shared>>) target_semaphore(%run_scoped3A_390 : memref<!tpu.dma_semaphore, #tpu.memory_space<semaphore_mem>>)
      %dma_wait3A_409 = arith.constant 0 : i32
      %dma_wait3A_410 = arith.constant 0 : i32
      %dma_wait3A_411 = tpu.memref_slice %arg8[%run_scoped3A_17, %dma_wait3A_409, %dma_wait3A_410] : memref<4x128x64xf32, #tpu.memory_space<vmem>> -> memref<1x128x64xf32, #tpu.memory_space<vmem>>
      %dma_wait3A_412 = tpu.memref_squeeze %dma_wait3A_411 : memref<1x128x64xf32, #tpu.memory_space<vmem>> -> memref<128x64xf32, #tpu.memory_space<vmem>>
      %dma_wait3A_413 = arith.constant 0 : i32
      %dma_wait3A_414 = arith.constant 0 : i32
      %dma_wait3A_415 = tpu.memref_slice %dma_wait3A_412[%dma_wait3A_413, %dma_wait3A_414] : memref<128x64xf32, #tpu.memory_space<vmem>> -> memref<120x64xf32, #tpu.memory_space<vmem>>
      %dma_wait3A_416 = arith.constant 0 : i32
      %dma_wait3A_417 = tpu.memref_slice %arg9[%add3A_16, %dma_wait3A_416] : memref<10112x64xf32, #tpu.memory_space<vmem_shared>> -> memref<120x64xf32, #tpu.memory_space<vmem_shared>>
      %dma_wait3A_418 = arith.constant 0 : i32
      %dma_wait3A_419 = tpu.memref_slice %arg9[%add3A_16, %dma_wait3A_418] : memref<10112x64xf32, #tpu.memory_space<vmem_shared>> -> memref<120x64xf32, #tpu.memory_space<vmem_shared>>
      %dma_wait3A_420 = arith.constant 0 : i32
      %dma_wait3A_421 = arith.constant 0 : i32
      %dma_wait3A_422 = tpu.memref_slice %arg8[%run_scoped3A_17, %dma_wait3A_420, %dma_wait3A_421] : memref<4x128x64xf32, #tpu.memory_space<vmem>> -> memref<1x128x64xf32, #tpu.memory_space<vmem>>
      %dma_wait3A_423 = tpu.memref_squeeze %dma_wait3A_422 : memref<1x128x64xf32, #tpu.memory_space<vmem>> -> memref<128x64xf32, #tpu.memory_space<vmem>>
      %dma_wait3A_424 = arith.constant 0 : i32
      %dma_wait3A_425 = arith.constant 0 : i32
      %dma_wait3A_426 = tpu.memref_slice %dma_wait3A_423[%dma_wait3A_424, %dma_wait3A_425] : memref<128x64xf32, #tpu.memory_space<vmem>> -> memref<120x64xf32, #tpu.memory_space<vmem>>
      tpu.wait_dma2 semaphore(%run_scoped3A_390 : memref<!tpu.dma_semaphore, #tpu.memory_space<semaphore_mem>>) src(%dma_wait3A_426 : memref<120x64xf32, #tpu.memory_space<vmem>>) dst(%dma_wait3A_419 : memref<120x64xf32, #tpu.memory_space<vmem_shared>>)
      tpu.yield
    }) : () -> ()
    "tpu.region"() ({
      %run_scoped3A_390 = tpu.sem_alloc : memref<!tpu.dma_semaphore, #tpu.memory_space<semaphore_mem>>
      %dma_start3A_391 = arith.constant 0 : i32
      %dma_start3A_392 = arith.constant 0 : i32
      %dma_start3A_393 = tpu.memref_slice %arg3[%arg1, %dma_start3A_391, %dma_start3A_392] : memref<16x160x128xi32, #tpu.memory_space<hbm>> -> memref<1x160x128xi32, #tpu.memory_space<hbm>>
      %dma_start3A_394 = tpu.memref_squeeze %dma_start3A_393 : memref<1x160x128xi32, #tpu.memory_space<hbm>> -> memref<160x128xi32, #tpu.memory_space<hbm>>
      %dma_start3A_395 = arith.constant 0 : i32
      %dma_start3A_396 = arith.constant 0 : i32
      %dma_start3A_397 = tpu.memref_slice %arg3[%arg1, %dma_start3A_395, %dma_start3A_396] : memref<16x160x128xi32, #tpu.memory_space<hbm>> -> memref<1x160x128xi32, #tpu.memory_space<hbm>>
      %dma_start3A_398 = tpu.memref_squeeze %dma_start3A_397 : memref<1x160x128xi32, #tpu.memory_space<hbm>> -> memref<160x128xi32, #tpu.memory_space<hbm>>
      tpu.enqueue_dma source(%dma_start3A_398 : memref<160x128xi32, #tpu.memory_space<hbm>>) target(%arg6 : memref<160x128xi32, #tpu.memory_space<vmem>>) target_semaphore(%run_scoped3A_390 : memref<!tpu.dma_semaphore, #tpu.memory_space<semaphore_mem>>)
      %dma_wait3A_399 = arith.constant 0 : i32
      %dma_wait3A_400 = arith.constant 0 : i32
      %dma_wait3A_401 = tpu.memref_slice %arg3[%arg1, %dma_wait3A_399, %dma_wait3A_400] : memref<16x160x128xi32, #tpu.memory_space<hbm>> -> memref<1x160x128xi32, #tpu.memory_space<hbm>>
      %dma_wait3A_402 = tpu.memref_squeeze %dma_wait3A_401 : memref<1x160x128xi32, #tpu.memory_space<hbm>> -> memref<160x128xi32, #tpu.memory_space<hbm>>
      %dma_wait3A_403 = arith.constant 0 : i32
      %dma_wait3A_404 = arith.constant 0 : i32
      %dma_wait3A_405 = tpu.memref_slice %arg3[%arg1, %dma_wait3A_403, %dma_wait3A_404] : memref<16x160x128xi32, #tpu.memory_space<hbm>> -> memref<1x160x128xi32, #tpu.memory_space<hbm>>
      %dma_wait3A_406 = tpu.memref_squeeze %dma_wait3A_405 : memref<1x160x128xi32, #tpu.memory_space<hbm>> -> memref<160x128xi32, #tpu.memory_space<hbm>>
      tpu.wait_dma2 semaphore(%run_scoped3A_390 : memref<!tpu.dma_semaphore, #tpu.memory_space<semaphore_mem>>) src(%dma_wait3A_406 : memref<160x128xi32, #tpu.memory_space<hbm>>) dst(%arg6 : memref<160x128xi32, #tpu.memory_space<vmem>>)
      tpu.yield
    }) : () -> ()
    "tpu.region"() ({
      %run_scoped3A_390 = tpu.sem_alloc : memref<!tpu.dma_semaphore, #tpu.memory_space<semaphore_mem>>
      %dma_start3A_391 = arith.constant 0 : i32
      %dma_start3A_392 = arith.constant 0 : i32
      %dma_start3A_393 = tpu.memref_slice %arg4[%arg1, %dma_start3A_391, %dma_start3A_392] : memref<16x160x128xi32, #tpu.memory_space<hbm>> -> memref<1x160x128xi32, #tpu.memory_space<hbm>>
      %dma_start3A_394 = tpu.memref_squeeze %dma_start3A_393 : memref<1x160x128xi32, #tpu.memory_space<hbm>> -> memref<160x128xi32, #tpu.memory_space<hbm>>
      %dma_start3A_395 = arith.constant 0 : i32
      %dma_start3A_396 = arith.constant 0 : i32
      %dma_start3A_397 = tpu.memref_slice %arg4[%arg1, %dma_start3A_395, %dma_start3A_396] : memref<16x160x128xi32, #tpu.memory_space<hbm>> -> memref<1x160x128xi32, #tpu.memory_space<hbm>>
      %dma_start3A_398 = tpu.memref_squeeze %dma_start3A_397 : memref<1x160x128xi32, #tpu.memory_space<hbm>> -> memref<160x128xi32, #tpu.memory_space<hbm>>
      tpu.enqueue_dma source(%dma_start3A_398 : memref<160x128xi32, #tpu.memory_space<hbm>>) target(%arg7 : memref<160x128xi32, #tpu.memory_space<vmem>>) target_semaphore(%run_scoped3A_390 : memref<!tpu.dma_semaphore, #tpu.memory_space<semaphore_mem>>)
      %dma_wait3A_399 = arith.constant 0 : i32
      %dma_wait3A_400 = arith.constant 0 : i32
      %dma_wait3A_401 = tpu.memref_slice %arg4[%arg1, %dma_wait3A_399, %dma_wait3A_400] : memref<16x160x128xi32, #tpu.memory_space<hbm>> -> memref<1x160x128xi32, #tpu.memory_space<hbm>>
      %dma_wait3A_402 = tpu.memref_squeeze %dma_wait3A_401 : memref<1x160x128xi32, #tpu.memory_space<hbm>> -> memref<160x128xi32, #tpu.memory_space<hbm>>
      %dma_wait3A_403 = arith.constant 0 : i32
      %dma_wait3A_404 = arith.constant 0 : i32
      %dma_wait3A_405 = tpu.memref_slice %arg4[%arg1, %dma_wait3A_403, %dma_wait3A_404] : memref<16x160x128xi32, #tpu.memory_space<hbm>> -> memref<1x160x128xi32, #tpu.memory_space<hbm>>
      %dma_wait3A_406 = tpu.memref_squeeze %dma_wait3A_405 : memref<1x160x128xi32, #tpu.memory_space<hbm>> -> memref<160x128xi32, #tpu.memory_space<hbm>>
      tpu.wait_dma2 semaphore(%run_scoped3A_390 : memref<!tpu.dma_semaphore, #tpu.memory_space<semaphore_mem>>) src(%dma_wait3A_406 : memref<160x128xi32, #tpu.memory_space<hbm>>) dst(%arg7 : memref<160x128xi32, #tpu.memory_space<vmem>>)
      tpu.yield
    }) : () -> ()
    %barrier3A = arith.constant 0 : index
    tpu.barrier barrier_id(%barrier3A)
    %dma_start3A = arith.constant 0 : i32
    %dma_start3A_18 = arith.constant 0 : i32
    %dma_start3A_19 = arith.constant 0 : i32
    %dma_start3A_20 = arith.constant 0 : i32
    %dma_start3A_21 = tpu.memref_slice %arg8[%dma_start3A_18, %dma_start3A_19, %dma_start3A_20] : memref<4x128x64xf32, #tpu.memory_space<vmem>> -> memref<1x128x64xf32, #tpu.memory_space<vmem>>
    %dma_start3A_22 = tpu.memref_squeeze %dma_start3A_21 : memref<1x128x64xf32, #tpu.memory_space<vmem>> -> memref<128x64xf32, #tpu.memory_space<vmem>>
    %dma_start3A_23 = arith.constant 0 : i32
    %dma_start3A_24 = tpu.memref_slice %arg6[%dma_start3A, %dma_start3A_23] : memref<160x128xi32, #tpu.memory_space<vmem>> -> memref<1x128xi32, #tpu.memory_space<vmem>>
    %dma_start3A_25 = tpu.memref_squeeze %dma_start3A_24 : memref<1x128xi32, #tpu.memory_space<vmem>> -> memref<128xi32, #tpu.memory_space<vmem>>
    %dma_start3A_26 = arith.constant 0 : i32
    %dma_start3A_27 = arith.constant 0 : i32
    %dma_start3A_28 = tpu.memref_slice %arg2[%arg0, %dma_start3A_26, %dma_start3A_27] : memref<2x10000x64xf32, #tpu.memory_space<hbm>> -> memref<1x10000x64xf32, #tpu.memory_space<hbm>>
    %dma_start3A_29 = tpu.memref_squeeze %dma_start3A_28 : memref<1x10000x64xf32, #tpu.memory_space<hbm>> -> memref<10000x64xf32, #tpu.memory_space<hbm>>
    %dma_start3A_30 = arith.constant 0 : i32
    %dma_start3A_31 = arith.constant 0 : i32
    %dma_start3A_32 = tpu.memref_slice %dma_start3A_29[%dma_start3A_30, %dma_start3A_31] : memref<10000x64xf32, #tpu.memory_space<hbm>> -> memref<10000x64xf32, #tpu.memory_space<hbm>>
    tpu.enqueue_indirect_dma source(%dma_start3A_32 : memref<10000x64xf32, #tpu.memory_space<hbm>>) target(%dma_start3A_22 : memref<128x64xf32, #tpu.memory_space<vmem>>) offsets(%dma_start3A_25 : memref<128xi32, #tpu.memory_space<vmem>>) semaphore(%arg10 : memref<!tpu.dma_semaphore, #tpu.memory_space<semaphore_mem>>)
    %dma_start3A_33 = arith.constant 1 : i32
    %dma_start3A_34 = arith.constant 1 : i32
    %dma_start3A_35 = arith.constant 0 : i32
    %dma_start3A_36 = arith.constant 0 : i32
    %dma_start3A_37 = tpu.memref_slice %arg8[%dma_start3A_34, %dma_start3A_35, %dma_start3A_36] : memref<4x128x64xf32, #tpu.memory_space<vmem>> -> memref<1x128x64xf32, #tpu.memory_space<vmem>>
    %dma_start3A_38 = tpu.memref_squeeze %dma_start3A_37 : memref<1x128x64xf32, #tpu.memory_space<vmem>> -> memref<128x64xf32, #tpu.memory_space<vmem>>
    %dma_start3A_39 = arith.constant 0 : i32
    %dma_start3A_40 = tpu.memref_slice %arg6[%dma_start3A_33, %dma_start3A_39] : memref<160x128xi32, #tpu.memory_space<vmem>> -> memref<1x128xi32, #tpu.memory_space<vmem>>
    %dma_start3A_41 = tpu.memref_squeeze %dma_start3A_40 : memref<1x128xi32, #tpu.memory_space<vmem>> -> memref<128xi32, #tpu.memory_space<vmem>>
    %dma_start3A_42 = arith.constant 0 : i32
    %dma_start3A_43 = arith.constant 0 : i32
    %dma_start3A_44 = tpu.memref_slice %arg2[%arg0, %dma_start3A_42, %dma_start3A_43] : memref<2x10000x64xf32, #tpu.memory_space<hbm>> -> memref<1x10000x64xf32, #tpu.memory_space<hbm>>
    %dma_start3A_45 = tpu.memref_squeeze %dma_start3A_44 : memref<1x10000x64xf32, #tpu.memory_space<hbm>> -> memref<10000x64xf32, #tpu.memory_space<hbm>>
    %dma_start3A_46 = arith.constant 0 : i32
    %dma_start3A_47 = arith.constant 0 : i32
    %dma_start3A_48 = tpu.memref_slice %dma_start3A_45[%dma_start3A_46, %dma_start3A_47] : memref<10000x64xf32, #tpu.memory_space<hbm>> -> memref<10000x64xf32, #tpu.memory_space<hbm>>
    tpu.enqueue_indirect_dma source(%dma_start3A_48 : memref<10000x64xf32, #tpu.memory_space<hbm>>) target(%dma_start3A_38 : memref<128x64xf32, #tpu.memory_space<vmem>>) offsets(%dma_start3A_41 : memref<128xi32, #tpu.memory_space<vmem>>) semaphore(%arg11 : memref<!tpu.dma_semaphore, #tpu.memory_space<semaphore_mem>>)
    %dma_wait3A = arith.constant 0 : i32
    %dma_wait3A_49 = arith.constant 0 : i32
    %dma_wait3A_50 = arith.constant 0 : i32
    %dma_wait3A_51 = arith.constant 0 : i32
    %dma_wait3A_52 = tpu.memref_slice %arg8[%dma_wait3A_49, %dma_wait3A_50, %dma_wait3A_51] : memref<4x128x64xf32, #tpu.memory_space<vmem>> -> memref<1x128x64xf32, #tpu.memory_space<vmem>>
    %dma_wait3A_53 = tpu.memref_squeeze %dma_wait3A_52 : memref<1x128x64xf32, #tpu.memory_space<vmem>> -> memref<128x64xf32, #tpu.memory_space<vmem>>
    %dma_wait3A_54 = arith.constant 0 : i32
    %dma_wait3A_55 = tpu.memref_slice %arg6[%dma_wait3A, %dma_wait3A_54] : memref<160x128xi32, #tpu.memory_space<vmem>> -> memref<1x128xi32, #tpu.memory_space<vmem>>
    %dma_wait3A_56 = tpu.memref_squeeze %dma_wait3A_55 : memref<1x128xi32, #tpu.memory_space<vmem>> -> memref<128xi32, #tpu.memory_space<vmem>>
    %dma_wait3A_57 = arith.constant 0 : i32
    %dma_wait3A_58 = arith.constant 0 : i32
    %dma_wait3A_59 = tpu.memref_slice %arg2[%arg0, %dma_wait3A_57, %dma_wait3A_58] : memref<2x10000x64xf32, #tpu.memory_space<hbm>> -> memref<1x10000x64xf32, #tpu.memory_space<hbm>>
    %dma_wait3A_60 = tpu.memref_squeeze %dma_wait3A_59 : memref<1x10000x64xf32, #tpu.memory_space<hbm>> -> memref<10000x64xf32, #tpu.memory_space<hbm>>
    %dma_wait3A_61 = arith.constant 0 : i32
    %dma_wait3A_62 = arith.constant 0 : i32
    %dma_wait3A_63 = tpu.memref_slice %dma_wait3A_60[%dma_wait3A_61, %dma_wait3A_62] : memref<10000x64xf32, #tpu.memory_space<hbm>> -> memref<10000x64xf32, #tpu.memory_space<hbm>>
    tpu.wait_indirect_dma semaphore(%arg10 : memref<!tpu.dma_semaphore, #tpu.memory_space<semaphore_mem>>) src(%dma_wait3A_63 : memref<10000x64xf32, #tpu.memory_space<hbm>>) dst(%dma_wait3A_53 : memref<128x64xf32, #tpu.memory_space<vmem>>)
    %dma_start3A_64 = arith.constant 0 : i32
    %dma_start3A_65 = arith.constant 0 : i32
    %dma_start3A_66 = arith.constant 0 : i32
    %dma_start3A_67 = arith.constant 0 : i32
    %dma_start3A_68 = tpu.memref_slice %arg8[%dma_start3A_64, %dma_start3A_66, %dma_start3A_67] : memref<4x128x64xf32, #tpu.memory_space<vmem>> -> memref<1x128x64xf32, #tpu.memory_space<vmem>>
    %dma_start3A_69 = tpu.memref_squeeze %dma_start3A_68 : memref<1x128x64xf32, #tpu.memory_space<vmem>> -> memref<128x64xf32, #tpu.memory_space<vmem>>
    %dma_start3A_70 = arith.constant 0 : i32
    %dma_start3A_71 = tpu.memref_slice %arg7[%dma_start3A_65, %dma_start3A_70] : memref<160x128xi32, #tpu.memory_space<vmem>> -> memref<1x128xi32, #tpu.memory_space<vmem>>
    %dma_start3A_72 = tpu.memref_squeeze %dma_start3A_71 : memref<1x128xi32, #tpu.memory_space<vmem>> -> memref<128xi32, #tpu.memory_space<vmem>>
    %dma_start3A_73 = arith.constant 0 : i32
    %dma_start3A_74 = arith.constant 0 : i32
    %dma_start3A_75 = tpu.memref_slice %arg9[%dma_start3A_73, %dma_start3A_74] : memref<10112x64xf32, #tpu.memory_space<vmem_shared>> -> memref<10112x64xf32, #tpu.memory_space<vmem_shared>>
    tpu.enqueue_indirect_dma source(%dma_start3A_69 : memref<128x64xf32, #tpu.memory_space<vmem>>) target(%dma_start3A_75 : memref<10112x64xf32, #tpu.memory_space<vmem_shared>>) offsets(%dma_start3A_72 : memref<128xi32, #tpu.memory_space<vmem>>) semaphore(%arg14 : memref<!tpu.dma_semaphore, #tpu.memory_space<semaphore_mem>>) {add = true}
    %dma_start3A_76 = arith.constant 2 : i32
    %dma_start3A_77 = arith.constant 2 : i32
    %dma_start3A_78 = arith.constant 0 : i32
    %dma_start3A_79 = arith.constant 0 : i32
    %dma_start3A_80 = tpu.memref_slice %arg8[%dma_start3A_77, %dma_start3A_78, %dma_start3A_79] : memref<4x128x64xf32, #tpu.memory_space<vmem>> -> memref<1x128x64xf32, #tpu.memory_space<vmem>>
    %dma_start3A_81 = tpu.memref_squeeze %dma_start3A_80 : memref<1x128x64xf32, #tpu.memory_space<vmem>> -> memref<128x64xf32, #tpu.memory_space<vmem>>
    %dma_start3A_82 = arith.constant 0 : i32
    %dma_start3A_83 = tpu.memref_slice %arg6[%dma_start3A_76, %dma_start3A_82] : memref<160x128xi32, #tpu.memory_space<vmem>> -> memref<1x128xi32, #tpu.memory_space<vmem>>
    %dma_start3A_84 = tpu.memref_squeeze %dma_start3A_83 : memref<1x128xi32, #tpu.memory_space<vmem>> -> memref<128xi32, #tpu.memory_space<vmem>>
    %dma_start3A_85 = arith.constant 0 : i32
    %dma_start3A_86 = arith.constant 0 : i32
    %dma_start3A_87 = tpu.memref_slice %arg2[%arg0, %dma_start3A_85, %dma_start3A_86] : memref<2x10000x64xf32, #tpu.memory_space<hbm>> -> memref<1x10000x64xf32, #tpu.memory_space<hbm>>
    %dma_start3A_88 = tpu.memref_squeeze %dma_start3A_87 : memref<1x10000x64xf32, #tpu.memory_space<hbm>> -> memref<10000x64xf32, #tpu.memory_space<hbm>>
    %dma_start3A_89 = arith.constant 0 : i32
    %dma_start3A_90 = arith.constant 0 : i32
    %dma_start3A_91 = tpu.memref_slice %dma_start3A_88[%dma_start3A_89, %dma_start3A_90] : memref<10000x64xf32, #tpu.memory_space<hbm>> -> memref<10000x64xf32, #tpu.memory_space<hbm>>
    tpu.enqueue_indirect_dma source(%dma_start3A_91 : memref<10000x64xf32, #tpu.memory_space<hbm>>) target(%dma_start3A_81 : memref<128x64xf32, #tpu.memory_space<vmem>>) offsets(%dma_start3A_84 : memref<128xi32, #tpu.memory_space<vmem>>) semaphore(%arg12 : memref<!tpu.dma_semaphore, #tpu.memory_space<semaphore_mem>>)
    %dma_wait3A_92 = arith.constant 1 : i32
    %dma_wait3A_93 = arith.constant 1 : i32
    %dma_wait3A_94 = arith.constant 0 : i32
    %dma_wait3A_95 = arith.constant 0 : i32
    %dma_wait3A_96 = tpu.memref_slice %arg8[%dma_wait3A_93, %dma_wait3A_94, %dma_wait3A_95] : memref<4x128x64xf32, #tpu.memory_space<vmem>> -> memref<1x128x64xf32, #tpu.memory_space<vmem>>
    %dma_wait3A_97 = tpu.memref_squeeze %dma_wait3A_96 : memref<1x128x64xf32, #tpu.memory_space<vmem>> -> memref<128x64xf32, #tpu.memory_space<vmem>>
    %dma_wait3A_98 = arith.constant 0 : i32
    %dma_wait3A_99 = tpu.memref_slice %arg6[%dma_wait3A_92, %dma_wait3A_98] : memref<160x128xi32, #tpu.memory_space<vmem>> -> memref<1x128xi32, #tpu.memory_space<vmem>>
    %dma_wait3A_100 = tpu.memref_squeeze %dma_wait3A_99 : memref<1x128xi32, #tpu.memory_space<vmem>> -> memref<128xi32, #tpu.memory_space<vmem>>
    %dma_wait3A_101 = arith.constant 0 : i32
    %dma_wait3A_102 = arith.constant 0 : i32
    %dma_wait3A_103 = tpu.memref_slice %arg2[%arg0, %dma_wait3A_101, %dma_wait3A_102] : memref<2x10000x64xf32, #tpu.memory_space<hbm>> -> memref<1x10000x64xf32, #tpu.memory_space<hbm>>
    %dma_wait3A_104 = tpu.memref_squeeze %dma_wait3A_103 : memref<1x10000x64xf32, #tpu.memory_space<hbm>> -> memref<10000x64xf32, #tpu.memory_space<hbm>>
    %dma_wait3A_105 = arith.constant 0 : i32
    %dma_wait3A_106 = arith.constant 0 : i32
    %dma_wait3A_107 = tpu.memref_slice %dma_wait3A_104[%dma_wait3A_105, %dma_wait3A_106] : memref<10000x64xf32, #tpu.memory_space<hbm>> -> memref<10000x64xf32, #tpu.memory_space<hbm>>
    tpu.wait_indirect_dma semaphore(%arg11 : memref<!tpu.dma_semaphore, #tpu.memory_space<semaphore_mem>>) src(%dma_wait3A_107 : memref<10000x64xf32, #tpu.memory_space<hbm>>) dst(%dma_wait3A_97 : memref<128x64xf32, #tpu.memory_space<vmem>>)
    %dma_start3A_108 = arith.constant 1 : i32
    %dma_start3A_109 = arith.constant 1 : i32
    %dma_start3A_110 = arith.constant 0 : i32
    %dma_start3A_111 = arith.constant 0 : i32
    %dma_start3A_112 = tpu.memref_slice %arg8[%dma_start3A_108, %dma_start3A_110, %dma_start3A_111] : memref<4x128x64xf32, #tpu.memory_space<vmem>> -> memref<1x128x64xf32, #tpu.memory_space<vmem>>
    %dma_start3A_113 = tpu.memref_squeeze %dma_start3A_112 : memref<1x128x64xf32, #tpu.memory_space<vmem>> -> memref<128x64xf32, #tpu.memory_space<vmem>>
    %dma_start3A_114 = arith.constant 0 : i32
    %dma_start3A_115 = tpu.memref_slice %arg7[%dma_start3A_109, %dma_start3A_114] : memref<160x128xi32, #tpu.memory_space<vmem>> -> memref<1x128xi32, #tpu.memory_space<vmem>>
    %dma_start3A_116 = tpu.memref_squeeze %dma_start3A_115 : memref<1x128xi32, #tpu.memory_space<vmem>> -> memref<128xi32, #tpu.memory_space<vmem>>
    %dma_start3A_117 = arith.constant 0 : i32
    %dma_start3A_118 = arith.constant 0 : i32
    %dma_start3A_119 = tpu.memref_slice %arg9[%dma_start3A_117, %dma_start3A_118] : memref<10112x64xf32, #tpu.memory_space<vmem_shared>> -> memref<10112x64xf32, #tpu.memory_space<vmem_shared>>
    tpu.enqueue_indirect_dma source(%dma_start3A_113 : memref<128x64xf32, #tpu.memory_space<vmem>>) target(%dma_start3A_119 : memref<10112x64xf32, #tpu.memory_space<vmem_shared>>) offsets(%dma_start3A_116 : memref<128xi32, #tpu.memory_space<vmem>>) semaphore(%arg15 : memref<!tpu.dma_semaphore, #tpu.memory_space<semaphore_mem>>) {add = true}
    %dma_start3A_120 = arith.constant 3 : i32
    %dma_start3A_121 = arith.constant 3 : i32
    %dma_start3A_122 = arith.constant 0 : i32
    %dma_start3A_123 = arith.constant 0 : i32
    %dma_start3A_124 = tpu.memref_slice %arg8[%dma_start3A_121, %dma_start3A_122, %dma_start3A_123] : memref<4x128x64xf32, #tpu.memory_space<vmem>> -> memref<1x128x64xf32, #tpu.memory_space<vmem>>
    %dma_start3A_125 = tpu.memref_squeeze %dma_start3A_124 : memref<1x128x64xf32, #tpu.memory_space<vmem>> -> memref<128x64xf32, #tpu.memory_space<vmem>>
    %dma_start3A_126 = arith.constant 0 : i32
    %dma_start3A_127 = tpu.memref_slice %arg6[%dma_start3A_120, %dma_start3A_126] : memref<160x128xi32, #tpu.memory_space<vmem>> -> memref<1x128xi32, #tpu.memory_space<vmem>>
    %dma_start3A_128 = tpu.memref_squeeze %dma_start3A_127 : memref<1x128xi32, #tpu.memory_space<vmem>> -> memref<128xi32, #tpu.memory_space<vmem>>
    %dma_start3A_129 = arith.constant 0 : i32
    %dma_start3A_130 = arith.constant 0 : i32
    %dma_start3A_131 = tpu.memref_slice %arg2[%arg0, %dma_start3A_129, %dma_start3A_130] : memref<2x10000x64xf32, #tpu.memory_space<hbm>> -> memref<1x10000x64xf32, #tpu.memory_space<hbm>>
    %dma_start3A_132 = tpu.memref_squeeze %dma_start3A_131 : memref<1x10000x64xf32, #tpu.memory_space<hbm>> -> memref<10000x64xf32, #tpu.memory_space<hbm>>
    %dma_start3A_133 = arith.constant 0 : i32
    %dma_start3A_134 = arith.constant 0 : i32
    %dma_start3A_135 = tpu.memref_slice %dma_start3A_132[%dma_start3A_133, %dma_start3A_134] : memref<10000x64xf32, #tpu.memory_space<hbm>> -> memref<10000x64xf32, #tpu.memory_space<hbm>>
    tpu.enqueue_indirect_dma source(%dma_start3A_135 : memref<10000x64xf32, #tpu.memory_space<hbm>>) target(%dma_start3A_125 : memref<128x64xf32, #tpu.memory_space<vmem>>) offsets(%dma_start3A_128 : memref<128xi32, #tpu.memory_space<vmem>>) semaphore(%arg13 : memref<!tpu.dma_semaphore, #tpu.memory_space<semaphore_mem>>)
    %scan3A_136 = arith.constant 2 : i32
    %scan3A_137 = arith.constant 0 : i32
    %scan3A_138 = arith.constant 3 : i32
    %scan3A_139 = arith.constant 1 : i32
    %scan3A_140 = arith.constant 0 : i32
    %scan3A_141 = arith.constant 39 : i32
    %scan3A_142 = arith.addi %scan3A_140, %scan3A_141 : i32
    %scan3A_143 = arith.constant 1 : i32
    scf.for %scan3A_390 = %scan3A_140 to %scan3A_142 step %scan3A_143  : i32 {
      %mul3A_391 = arith.constant 4 : i32
      %mul3A_392 = arith.muli %scan3A_390, %mul3A_391 : i32
      %add3A_393 = arith.constant 2 : i32
      %add3A_394 = arith.addi %add3A_393, %mul3A_392 : i32
      %add3A_395 = arith.constant 0 : i32
      %add3A_396 = arith.addi %add3A_394, %add3A_395 : i32
      %dma_wait3A_397 = arith.constant 0 : i32
      %dma_wait3A_398 = arith.constant 0 : i32
      %dma_wait3A_399 = tpu.memref_slice %arg8[%scan3A_136, %dma_wait3A_397, %dma_wait3A_398] : memref<4x128x64xf32, #tpu.memory_space<vmem>> -> memref<1x128x64xf32, #tpu.memory_space<vmem>>
      %dma_wait3A_400 = tpu.memref_squeeze %dma_wait3A_399 : memref<1x128x64xf32, #tpu.memory_space<vmem>> -> memref<128x64xf32, #tpu.memory_space<vmem>>
      %dma_wait3A_401 = arith.constant 0 : i32
      %dma_wait3A_402 = tpu.memref_slice %arg6[%add3A_396, %dma_wait3A_401] : memref<160x128xi32, #tpu.memory_space<vmem>> -> memref<1x128xi32, #tpu.memory_space<vmem>>
      %dma_wait3A_403 = tpu.memref_squeeze %dma_wait3A_402 : memref<1x128xi32, #tpu.memory_space<vmem>> -> memref<128xi32, #tpu.memory_space<vmem>>
      %dma_wait3A_404 = arith.constant 0 : i32
      %dma_wait3A_405 = arith.constant 0 : i32
      %dma_wait3A_406 = tpu.memref_slice %arg2[%arg0, %dma_wait3A_404, %dma_wait3A_405] : memref<2x10000x64xf32, #tpu.memory_space<hbm>> -> memref<1x10000x64xf32, #tpu.memory_space<hbm>>
      %dma_wait3A_407 = tpu.memref_squeeze %dma_wait3A_406 : memref<1x10000x64xf32, #tpu.memory_space<hbm>> -> memref<10000x64xf32, #tpu.memory_space<hbm>>
      %dma_wait3A_408 = arith.constant 0 : i32
      %dma_wait3A_409 = arith.constant 0 : i32
      %dma_wait3A_410 = tpu.memref_slice %dma_wait3A_407[%dma_wait3A_408, %dma_wait3A_409] : memref<10000x64xf32, #tpu.memory_space<hbm>> -> memref<10000x64xf32, #tpu.memory_space<hbm>>
      tpu.wait_indirect_dma semaphore(%arg12 : memref<!tpu.dma_semaphore, #tpu.memory_space<semaphore_mem>>) src(%dma_wait3A_410 : memref<10000x64xf32, #tpu.memory_space<hbm>>) dst(%dma_wait3A_400 : memref<128x64xf32, #tpu.memory_space<vmem>>)
      %dma_start3A_411 = arith.constant 0 : i32
      %dma_start3A_412 = arith.constant 0 : i32
      %dma_start3A_413 = tpu.memref_slice %arg8[%scan3A_136, %dma_start3A_411, %dma_start3A_412] : memref<4x128x64xf32, #tpu.memory_space<vmem>> -> memref<1x128x64xf32, #tpu.memory_space<vmem>>
      %dma_start3A_414 = tpu.memref_squeeze %dma_start3A_413 : memref<1x128x64xf32, #tpu.memory_space<vmem>> -> memref<128x64xf32, #tpu.memory_space<vmem>>
      %dma_start3A_415 = arith.constant 0 : i32
      %dma_start3A_416 = tpu.memref_slice %arg7[%add3A_396, %dma_start3A_415] : memref<160x128xi32, #tpu.memory_space<vmem>> -> memref<1x128xi32, #tpu.memory_space<vmem>>
      %dma_start3A_417 = tpu.memref_squeeze %dma_start3A_416 : memref<1x128xi32, #tpu.memory_space<vmem>> -> memref<128xi32, #tpu.memory_space<vmem>>
      %dma_start3A_418 = arith.constant 0 : i32
      %dma_start3A_419 = arith.constant 0 : i32
      %dma_start3A_420 = tpu.memref_slice %arg9[%dma_start3A_418, %dma_start3A_419] : memref<10112x64xf32, #tpu.memory_space<vmem_shared>> -> memref<10112x64xf32, #tpu.memory_space<vmem_shared>>
      tpu.enqueue_indirect_dma source(%dma_start3A_414 : memref<128x64xf32, #tpu.memory_space<vmem>>) target(%dma_start3A_420 : memref<10112x64xf32, #tpu.memory_space<vmem_shared>>) offsets(%dma_start3A_417 : memref<128xi32, #tpu.memory_space<vmem>>) semaphore(%arg16 : memref<!tpu.dma_semaphore, #tpu.memory_space<semaphore_mem>>) {add = true}
      %sub3A = arith.constant 2 : i32
      %sub3A_421 = arith.subi %add3A_396, %sub3A : i32
      %dma_wait3A_422 = arith.constant 0 : i32
      %dma_wait3A_423 = arith.constant 0 : i32
      %dma_wait3A_424 = tpu.memref_slice %arg8[%scan3A_137, %dma_wait3A_422, %dma_wait3A_423] : memref<4x128x64xf32, #tpu.memory_space<vmem>> -> memref<1x128x64xf32, #tpu.memory_space<vmem>>
      %dma_wait3A_425 = tpu.memref_squeeze %dma_wait3A_424 : memref<1x128x64xf32, #tpu.memory_space<vmem>> -> memref<128x64xf32, #tpu.memory_space<vmem>>
      %dma_wait3A_426 = arith.constant 0 : i32
      %dma_wait3A_427 = tpu.memref_slice %arg7[%sub3A_421, %dma_wait3A_426] : memref<160x128xi32, #tpu.memory_space<vmem>> -> memref<1x128xi32, #tpu.memory_space<vmem>>
      %dma_wait3A_428 = tpu.memref_squeeze %dma_wait3A_427 : memref<1x128xi32, #tpu.memory_space<vmem>> -> memref<128xi32, #tpu.memory_space<vmem>>
      %dma_wait3A_429 = arith.constant 0 : i32
      %dma_wait3A_430 = arith.constant 0 : i32
      %dma_wait3A_431 = tpu.memref_slice %arg9[%dma_wait3A_429, %dma_wait3A_430] : memref<10112x64xf32, #tpu.memory_space<vmem_shared>> -> memref<10112x64xf32, #tpu.memory_space<vmem_shared>>
      tpu.wait_indirect_dma semaphore(%arg14 : memref<!tpu.dma_semaphore, #tpu.memory_space<semaphore_mem>>) src(%dma_wait3A_425 : memref<128x64xf32, #tpu.memory_space<vmem>>) dst(%dma_wait3A_431 : memref<10112x64xf32, #tpu.memory_space<vmem_shared>>)
      %add3A_432 = arith.constant 2 : i32
      %add3A_433 = arith.addi %add3A_396, %add3A_432 : i32
      %dma_start3A_434 = arith.constant 0 : i32
      %dma_start3A_435 = arith.constant 0 : i32
      %dma_start3A_436 = tpu.memref_slice %arg8[%scan3A_137, %dma_start3A_434, %dma_start3A_435] : memref<4x128x64xf32, #tpu.memory_space<vmem>> -> memref<1x128x64xf32, #tpu.memory_space<vmem>>
      %dma_start3A_437 = tpu.memref_squeeze %dma_start3A_436 : memref<1x128x64xf32, #tpu.memory_space<vmem>> -> memref<128x64xf32, #tpu.memory_space<vmem>>
      %dma_start3A_438 = arith.constant 0 : i32
      %dma_start3A_439 = tpu.memref_slice %arg6[%add3A_433, %dma_start3A_438] : memref<160x128xi32, #tpu.memory_space<vmem>> -> memref<1x128xi32, #tpu.memory_space<vmem>>
      %dma_start3A_440 = tpu.memref_squeeze %dma_start3A_439 : memref<1x128xi32, #tpu.memory_space<vmem>> -> memref<128xi32, #tpu.memory_space<vmem>>
      %dma_start3A_441 = arith.constant 0 : i32
      %dma_start3A_442 = arith.constant 0 : i32
      %dma_start3A_443 = tpu.memref_slice %arg2[%arg0, %dma_start3A_441, %dma_start3A_442] : memref<2x10000x64xf32, #tpu.memory_space<hbm>> -> memref<1x10000x64xf32, #tpu.memory_space<hbm>>
      %dma_start3A_444 = tpu.memref_squeeze %dma_start3A_443 : memref<1x10000x64xf32, #tpu.memory_space<hbm>> -> memref<10000x64xf32, #tpu.memory_space<hbm>>
      %dma_start3A_445 = arith.constant 0 : i32
      %dma_start3A_446 = arith.constant 0 : i32
      %dma_start3A_447 = tpu.memref_slice %dma_start3A_444[%dma_start3A_445, %dma_start3A_446] : memref<10000x64xf32, #tpu.memory_space<hbm>> -> memref<10000x64xf32, #tpu.memory_space<hbm>>
      tpu.enqueue_indirect_dma source(%dma_start3A_447 : memref<10000x64xf32, #tpu.memory_space<hbm>>) target(%dma_start3A_437 : memref<128x64xf32, #tpu.memory_space<vmem>>) offsets(%dma_start3A_440 : memref<128xi32, #tpu.memory_space<vmem>>) semaphore(%arg10 : memref<!tpu.dma_semaphore, #tpu.memory_space<semaphore_mem>>)
      %add3A_448 = arith.constant 1 : i32
      %add3A_449 = arith.addi %add3A_394, %add3A_448 : i32
      %dma_wait3A_450 = arith.constant 0 : i32
      %dma_wait3A_451 = arith.constant 0 : i32
      %dma_wait3A_452 = tpu.memref_slice %arg8[%scan3A_138, %dma_wait3A_450, %dma_wait3A_451] : memref<4x128x64xf32, #tpu.memory_space<vmem>> -> memref<1x128x64xf32, #tpu.memory_space<vmem>>
      %dma_wait3A_453 = tpu.memref_squeeze %dma_wait3A_452 : memref<1x128x64xf32, #tpu.memory_space<vmem>> -> memref<128x64xf32, #tpu.memory_space<vmem>>
      %dma_wait3A_454 = arith.constant 0 : i32
      %dma_wait3A_455 = tpu.memref_slice %arg6[%add3A_449, %dma_wait3A_454] : memref<160x128xi32, #tpu.memory_space<vmem>> -> memref<1x128xi32, #tpu.memory_space<vmem>>
      %dma_wait3A_456 = tpu.memref_squeeze %dma_wait3A_455 : memref<1x128xi32, #tpu.memory_space<vmem>> -> memref<128xi32, #tpu.memory_space<vmem>>
      %dma_wait3A_457 = arith.constant 0 : i32
      %dma_wait3A_458 = arith.constant 0 : i32
      %dma_wait3A_459 = tpu.memref_slice %arg2[%arg0, %dma_wait3A_457, %dma_wait3A_458] : memref<2x10000x64xf32, #tpu.memory_space<hbm>> -> memref<1x10000x64xf32, #tpu.memory_space<hbm>>
      %dma_wait3A_460 = tpu.memref_squeeze %dma_wait3A_459 : memref<1x10000x64xf32, #tpu.memory_space<hbm>> -> memref<10000x64xf32, #tpu.memory_space<hbm>>
      %dma_wait3A_461 = arith.constant 0 : i32
      %dma_wait3A_462 = arith.constant 0 : i32
      %dma_wait3A_463 = tpu.memref_slice %dma_wait3A_460[%dma_wait3A_461, %dma_wait3A_462] : memref<10000x64xf32, #tpu.memory_space<hbm>> -> memref<10000x64xf32, #tpu.memory_space<hbm>>
      tpu.wait_indirect_dma semaphore(%arg13 : memref<!tpu.dma_semaphore, #tpu.memory_space<semaphore_mem>>) src(%dma_wait3A_463 : memref<10000x64xf32, #tpu.memory_space<hbm>>) dst(%dma_wait3A_453 : memref<128x64xf32, #tpu.memory_space<vmem>>)
      %dma_start3A_464 = arith.constant 0 : i32
      %dma_start3A_465 = arith.constant 0 : i32
      %dma_start3A_466 = tpu.memref_slice %arg8[%scan3A_138, %dma_start3A_464, %dma_start3A_465] : memref<4x128x64xf32, #tpu.memory_space<vmem>> -> memref<1x128x64xf32, #tpu.memory_space<vmem>>
      %dma_start3A_467 = tpu.memref_squeeze %dma_start3A_466 : memref<1x128x64xf32, #tpu.memory_space<vmem>> -> memref<128x64xf32, #tpu.memory_space<vmem>>
      %dma_start3A_468 = arith.constant 0 : i32
      %dma_start3A_469 = tpu.memref_slice %arg7[%add3A_449, %dma_start3A_468] : memref<160x128xi32, #tpu.memory_space<vmem>> -> memref<1x128xi32, #tpu.memory_space<vmem>>
      %dma_start3A_470 = tpu.memref_squeeze %dma_start3A_469 : memref<1x128xi32, #tpu.memory_space<vmem>> -> memref<128xi32, #tpu.memory_space<vmem>>
      %dma_start3A_471 = arith.constant 0 : i32
      %dma_start3A_472 = arith.constant 0 : i32
      %dma_start3A_473 = tpu.memref_slice %arg9[%dma_start3A_471, %dma_start3A_472] : memref<10112x64xf32, #tpu.memory_space<vmem_shared>> -> memref<10112x64xf32, #tpu.memory_space<vmem_shared>>
      tpu.enqueue_indirect_dma source(%dma_start3A_467 : memref<128x64xf32, #tpu.memory_space<vmem>>) target(%dma_start3A_473 : memref<10112x64xf32, #tpu.memory_space<vmem_shared>>) offsets(%dma_start3A_470 : memref<128xi32, #tpu.memory_space<vmem>>) semaphore(%arg17 : memref<!tpu.dma_semaphore, #tpu.memory_space<semaphore_mem>>) {add = true}
      %sub3A_474 = arith.constant 2 : i32
      %sub3A_475 = arith.subi %add3A_449, %sub3A_474 : i32
      %dma_wait3A_476 = arith.constant 0 : i32
      %dma_wait3A_477 = arith.constant 0 : i32
      %dma_wait3A_478 = tpu.memref_slice %arg8[%scan3A_139, %dma_wait3A_476, %dma_wait3A_477] : memref<4x128x64xf32, #tpu.memory_space<vmem>> -> memref<1x128x64xf32, #tpu.memory_space<vmem>>
      %dma_wait3A_479 = tpu.memref_squeeze %dma_wait3A_478 : memref<1x128x64xf32, #tpu.memory_space<vmem>> -> memref<128x64xf32, #tpu.memory_space<vmem>>
      %dma_wait3A_480 = arith.constant 0 : i32
      %dma_wait3A_481 = tpu.memref_slice %arg7[%sub3A_475, %dma_wait3A_480] : memref<160x128xi32, #tpu.memory_space<vmem>> -> memref<1x128xi32, #tpu.memory_space<vmem>>
      %dma_wait3A_482 = tpu.memref_squeeze %dma_wait3A_481 : memref<1x128xi32, #tpu.memory_space<vmem>> -> memref<128xi32, #tpu.memory_space<vmem>>
      %dma_wait3A_483 = arith.constant 0 : i32
      %dma_wait3A_484 = arith.constant 0 : i32
      %dma_wait3A_485 = tpu.memref_slice %arg9[%dma_wait3A_483, %dma_wait3A_484] : memref<10112x64xf32, #tpu.memory_space<vmem_shared>> -> memref<10112x64xf32, #tpu.memory_space<vmem_shared>>
      tpu.wait_indirect_dma semaphore(%arg15 : memref<!tpu.dma_semaphore, #tpu.memory_space<semaphore_mem>>) src(%dma_wait3A_479 : memref<128x64xf32, #tpu.memory_space<vmem>>) dst(%dma_wait3A_485 : memref<10112x64xf32, #tpu.memory_space<vmem_shared>>)
      %add3A_486 = arith.constant 2 : i32
      %add3A_487 = arith.addi %add3A_449, %add3A_486 : i32
      %dma_start3A_488 = arith.constant 0 : i32
      %dma_start3A_489 = arith.constant 0 : i32
      %dma_start3A_490 = tpu.memref_slice %arg8[%scan3A_139, %dma_start3A_488, %dma_start3A_489] : memref<4x128x64xf32, #tpu.memory_space<vmem>> -> memref<1x128x64xf32, #tpu.memory_space<vmem>>
      %dma_start3A_491 = tpu.memref_squeeze %dma_start3A_490 : memref<1x128x64xf32, #tpu.memory_space<vmem>> -> memref<128x64xf32, #tpu.memory_space<vmem>>
      %dma_start3A_492 = arith.constant 0 : i32
      %dma_start3A_493 = tpu.memref_slice %arg6[%add3A_487, %dma_start3A_492] : memref<160x128xi32, #tpu.memory_space<vmem>> -> memref<1x128xi32, #tpu.memory_space<vmem>>
      %dma_start3A_494 = tpu.memref_squeeze %dma_start3A_493 : memref<1x128xi32, #tpu.memory_space<vmem>> -> memref<128xi32, #tpu.memory_space<vmem>>
      %dma_start3A_495 = arith.constant 0 : i32
      %dma_start3A_496 = arith.constant 0 : i32
      %dma_start3A_497 = tpu.memref_slice %arg2[%arg0, %dma_start3A_495, %dma_start3A_496] : memref<2x10000x64xf32, #tpu.memory_space<hbm>> -> memref<1x10000x64xf32, #tpu.memory_space<hbm>>
      %dma_start3A_498 = tpu.memref_squeeze %dma_start3A_497 : memref<1x10000x64xf32, #tpu.memory_space<hbm>> -> memref<10000x64xf32, #tpu.memory_space<hbm>>
      %dma_start3A_499 = arith.constant 0 : i32
      %dma_start3A_500 = arith.constant 0 : i32
      %dma_start3A_501 = tpu.memref_slice %dma_start3A_498[%dma_start3A_499, %dma_start3A_500] : memref<10000x64xf32, #tpu.memory_space<hbm>> -> memref<10000x64xf32, #tpu.memory_space<hbm>>
      tpu.enqueue_indirect_dma source(%dma_start3A_501 : memref<10000x64xf32, #tpu.memory_space<hbm>>) target(%dma_start3A_491 : memref<128x64xf32, #tpu.memory_space<vmem>>) offsets(%dma_start3A_494 : memref<128xi32, #tpu.memory_space<vmem>>) semaphore(%arg11 : memref<!tpu.dma_semaphore, #tpu.memory_space<semaphore_mem>>)
      %add3A_502 = arith.constant 2 : i32
      %add3A_503 = arith.addi %add3A_394, %add3A_502 : i32
      %dma_wait3A_504 = arith.constant 0 : i32
      %dma_wait3A_505 = arith.constant 0 : i32
      %dma_wait3A_506 = tpu.memref_slice %arg8[%scan3A_137, %dma_wait3A_504, %dma_wait3A_505] : memref<4x128x64xf32, #tpu.memory_space<vmem>> -> memref<1x128x64xf32, #tpu.memory_space<vmem>>
      %dma_wait3A_507 = tpu.memref_squeeze %dma_wait3A_506 : memref<1x128x64xf32, #tpu.memory_space<vmem>> -> memref<128x64xf32, #tpu.memory_space<vmem>>
      %dma_wait3A_508 = arith.constant 0 : i32
      %dma_wait3A_509 = tpu.memref_slice %arg6[%add3A_503, %dma_wait3A_508] : memref<160x128xi32, #tpu.memory_space<vmem>> -> memref<1x128xi32, #tpu.memory_space<vmem>>
      %dma_wait3A_510 = tpu.memref_squeeze %dma_wait3A_509 : memref<1x128xi32, #tpu.memory_space<vmem>> -> memref<128xi32, #tpu.memory_space<vmem>>
      %dma_wait3A_511 = arith.constant 0 : i32
      %dma_wait3A_512 = arith.constant 0 : i32
      %dma_wait3A_513 = tpu.memref_slice %arg2[%arg0, %dma_wait3A_511, %dma_wait3A_512] : memref<2x10000x64xf32, #tpu.memory_space<hbm>> -> memref<1x10000x64xf32, #tpu.memory_space<hbm>>
      %dma_wait3A_514 = tpu.memref_squeeze %dma_wait3A_513 : memref<1x10000x64xf32, #tpu.memory_space<hbm>> -> memref<10000x64xf32, #tpu.memory_space<hbm>>
      %dma_wait3A_515 = arith.constant 0 : i32
      %dma_wait3A_516 = arith.constant 0 : i32
      %dma_wait3A_517 = tpu.memref_slice %dma_wait3A_514[%dma_wait3A_515, %dma_wait3A_516] : memref<10000x64xf32, #tpu.memory_space<hbm>> -> memref<10000x64xf32, #tpu.memory_space<hbm>>
      tpu.wait_indirect_dma semaphore(%arg10 : memref<!tpu.dma_semaphore, #tpu.memory_space<semaphore_mem>>) src(%dma_wait3A_517 : memref<10000x64xf32, #tpu.memory_space<hbm>>) dst(%dma_wait3A_507 : memref<128x64xf32, #tpu.memory_space<vmem>>)
      %dma_start3A_518 = arith.constant 0 : i32
      %dma_start3A_519 = arith.constant 0 : i32
      %dma_start3A_520 = tpu.memref_slice %arg8[%scan3A_137, %dma_start3A_518, %dma_start3A_519] : memref<4x128x64xf32, #tpu.memory_space<vmem>> -> memref<1x128x64xf32, #tpu.memory_space<vmem>>
      %dma_start3A_521 = tpu.memref_squeeze %dma_start3A_520 : memref<1x128x64xf32, #tpu.memory_space<vmem>> -> memref<128x64xf32, #tpu.memory_space<vmem>>
      %dma_start3A_522 = arith.constant 0 : i32
      %dma_start3A_523 = tpu.memref_slice %arg7[%add3A_503, %dma_start3A_522] : memref<160x128xi32, #tpu.memory_space<vmem>> -> memref<1x128xi32, #tpu.memory_space<vmem>>
      %dma_start3A_524 = tpu.memref_squeeze %dma_start3A_523 : memref<1x128xi32, #tpu.memory_space<vmem>> -> memref<128xi32, #tpu.memory_space<vmem>>
      %dma_start3A_525 = arith.constant 0 : i32
      %dma_start3A_526 = arith.constant 0 : i32
      %dma_start3A_527 = tpu.memref_slice %arg9[%dma_start3A_525, %dma_start3A_526] : memref<10112x64xf32, #tpu.memory_space<vmem_shared>> -> memref<10112x64xf32, #tpu.memory_space<vmem_shared>>
      tpu.enqueue_indirect_dma source(%dma_start3A_521 : memref<128x64xf32, #tpu.memory_space<vmem>>) target(%dma_start3A_527 : memref<10112x64xf32, #tpu.memory_space<vmem_shared>>) offsets(%dma_start3A_524 : memref<128xi32, #tpu.memory_space<vmem>>) semaphore(%arg14 : memref<!tpu.dma_semaphore, #tpu.memory_space<semaphore_mem>>) {add = true}
      %sub3A_528 = arith.constant 2 : i32
      %sub3A_529 = arith.subi %add3A_503, %sub3A_528 : i32
      %dma_wait3A_530 = arith.constant 0 : i32
      %dma_wait3A_531 = arith.constant 0 : i32
      %dma_wait3A_532 = tpu.memref_slice %arg8[%scan3A_136, %dma_wait3A_530, %dma_wait3A_531] : memref<4x128x64xf32, #tpu.memory_space<vmem>> -> memref<1x128x64xf32, #tpu.memory_space<vmem>>
      %dma_wait3A_533 = tpu.memref_squeeze %dma_wait3A_532 : memref<1x128x64xf32, #tpu.memory_space<vmem>> -> memref<128x64xf32, #tpu.memory_space<vmem>>
      %dma_wait3A_534 = arith.constant 0 : i32
      %dma_wait3A_535 = tpu.memref_slice %arg7[%sub3A_529, %dma_wait3A_534] : memref<160x128xi32, #tpu.memory_space<vmem>> -> memref<1x128xi32, #tpu.memory_space<vmem>>
      %dma_wait3A_536 = tpu.memref_squeeze %dma_wait3A_535 : memref<1x128xi32, #tpu.memory_space<vmem>> -> memref<128xi32, #tpu.memory_space<vmem>>
      %dma_wait3A_537 = arith.constant 0 : i32
      %dma_wait3A_538 = arith.constant 0 : i32
      %dma_wait3A_539 = tpu.memref_slice %arg9[%dma_wait3A_537, %dma_wait3A_538] : memref<10112x64xf32, #tpu.memory_space<vmem_shared>> -> memref<10112x64xf32, #tpu.memory_space<vmem_shared>>
      tpu.wait_indirect_dma semaphore(%arg16 : memref<!tpu.dma_semaphore, #tpu.memory_space<semaphore_mem>>) src(%dma_wait3A_533 : memref<128x64xf32, #tpu.memory_space<vmem>>) dst(%dma_wait3A_539 : memref<10112x64xf32, #tpu.memory_space<vmem_shared>>)
      %add3A_540 = arith.constant 2 : i32
      %add3A_541 = arith.addi %add3A_503, %add3A_540 : i32
      %dma_start3A_542 = arith.constant 0 : i32
      %dma_start3A_543 = arith.constant 0 : i32
      %dma_start3A_544 = tpu.memref_slice %arg8[%scan3A_136, %dma_start3A_542, %dma_start3A_543] : memref<4x128x64xf32, #tpu.memory_space<vmem>> -> memref<1x128x64xf32, #tpu.memory_space<vmem>>
      %dma_start3A_545 = tpu.memref_squeeze %dma_start3A_544 : memref<1x128x64xf32, #tpu.memory_space<vmem>> -> memref<128x64xf32, #tpu.memory_space<vmem>>
      %dma_start3A_546 = arith.constant 0 : i32
      %dma_start3A_547 = tpu.memref_slice %arg6[%add3A_541, %dma_start3A_546] : memref<160x128xi32, #tpu.memory_space<vmem>> -> memref<1x128xi32, #tpu.memory_space<vmem>>
      %dma_start3A_548 = tpu.memref_squeeze %dma_start3A_547 : memref<1x128xi32, #tpu.memory_space<vmem>> -> memref<128xi32, #tpu.memory_space<vmem>>
      %dma_start3A_549 = arith.constant 0 : i32
      %dma_start3A_550 = arith.constant 0 : i32
      %dma_start3A_551 = tpu.memref_slice %arg2[%arg0, %dma_start3A_549, %dma_start3A_550] : memref<2x10000x64xf32, #tpu.memory_space<hbm>> -> memref<1x10000x64xf32, #tpu.memory_space<hbm>>
      %dma_start3A_552 = tpu.memref_squeeze %dma_start3A_551 : memref<1x10000x64xf32, #tpu.memory_space<hbm>> -> memref<10000x64xf32, #tpu.memory_space<hbm>>
      %dma_start3A_553 = arith.constant 0 : i32
      %dma_start3A_554 = arith.constant 0 : i32
      %dma_start3A_555 = tpu.memref_slice %dma_start3A_552[%dma_start3A_553, %dma_start3A_554] : memref<10000x64xf32, #tpu.memory_space<hbm>> -> memref<10000x64xf32, #tpu.memory_space<hbm>>
      tpu.enqueue_indirect_dma source(%dma_start3A_555 : memref<10000x64xf32, #tpu.memory_space<hbm>>) target(%dma_start3A_545 : memref<128x64xf32, #tpu.memory_space<vmem>>) offsets(%dma_start3A_548 : memref<128xi32, #tpu.memory_space<vmem>>) semaphore(%arg12 : memref<!tpu.dma_semaphore, #tpu.memory_space<semaphore_mem>>)
      %add3A_556 = arith.constant 3 : i32
      %add3A_557 = arith.addi %add3A_394, %add3A_556 : i32
      %dma_wait3A_558 = arith.constant 0 : i32
      %dma_wait3A_559 = arith.constant 0 : i32
      %dma_wait3A_560 = tpu.memref_slice %arg8[%scan3A_139, %dma_wait3A_558, %dma_wait3A_559] : memref<4x128x64xf32, #tpu.memory_space<vmem>> -> memref<1x128x64xf32, #tpu.memory_space<vmem>>
      %dma_wait3A_561 = tpu.memref_squeeze %dma_wait3A_560 : memref<1x128x64xf32, #tpu.memory_space<vmem>> -> memref<128x64xf32, #tpu.memory_space<vmem>>
      %dma_wait3A_562 = arith.constant 0 : i32
      %dma_wait3A_563 = tpu.memref_slice %arg6[%add3A_557, %dma_wait3A_562] : memref<160x128xi32, #tpu.memory_space<vmem>> -> memref<1x128xi32, #tpu.memory_space<vmem>>
      %dma_wait3A_564 = tpu.memref_squeeze %dma_wait3A_563 : memref<1x128xi32, #tpu.memory_space<vmem>> -> memref<128xi32, #tpu.memory_space<vmem>>
      %dma_wait3A_565 = arith.constant 0 : i32
      %dma_wait3A_566 = arith.constant 0 : i32
      %dma_wait3A_567 = tpu.memref_slice %arg2[%arg0, %dma_wait3A_565, %dma_wait3A_566] : memref<2x10000x64xf32, #tpu.memory_space<hbm>> -> memref<1x10000x64xf32, #tpu.memory_space<hbm>>
      %dma_wait3A_568 = tpu.memref_squeeze %dma_wait3A_567 : memref<1x10000x64xf32, #tpu.memory_space<hbm>> -> memref<10000x64xf32, #tpu.memory_space<hbm>>
      %dma_wait3A_569 = arith.constant 0 : i32
      %dma_wait3A_570 = arith.constant 0 : i32
      %dma_wait3A_571 = tpu.memref_slice %dma_wait3A_568[%dma_wait3A_569, %dma_wait3A_570] : memref<10000x64xf32, #tpu.memory_space<hbm>> -> memref<10000x64xf32, #tpu.memory_space<hbm>>
      tpu.wait_indirect_dma semaphore(%arg11 : memref<!tpu.dma_semaphore, #tpu.memory_space<semaphore_mem>>) src(%dma_wait3A_571 : memref<10000x64xf32, #tpu.memory_space<hbm>>) dst(%dma_wait3A_561 : memref<128x64xf32, #tpu.memory_space<vmem>>)
      %dma_start3A_572 = arith.constant 0 : i32
      %dma_start3A_573 = arith.constant 0 : i32
      %dma_start3A_574 = tpu.memref_slice %arg8[%scan3A_139, %dma_start3A_572, %dma_start3A_573] : memref<4x128x64xf32, #tpu.memory_space<vmem>> -> memref<1x128x64xf32, #tpu.memory_space<vmem>>
      %dma_start3A_575 = tpu.memref_squeeze %dma_start3A_574 : memref<1x128x64xf32, #tpu.memory_space<vmem>> -> memref<128x64xf32, #tpu.memory_space<vmem>>
      %dma_start3A_576 = arith.constant 0 : i32
      %dma_start3A_577 = tpu.memref_slice %arg7[%add3A_557, %dma_start3A_576] : memref<160x128xi32, #tpu.memory_space<vmem>> -> memref<1x128xi32, #tpu.memory_space<vmem>>
      %dma_start3A_578 = tpu.memref_squeeze %dma_start3A_577 : memref<1x128xi32, #tpu.memory_space<vmem>> -> memref<128xi32, #tpu.memory_space<vmem>>
      %dma_start3A_579 = arith.constant 0 : i32
      %dma_start3A_580 = arith.constant 0 : i32
      %dma_start3A_581 = tpu.memref_slice %arg9[%dma_start3A_579, %dma_start3A_580] : memref<10112x64xf32, #tpu.memory_space<vmem_shared>> -> memref<10112x64xf32, #tpu.memory_space<vmem_shared>>
      tpu.enqueue_indirect_dma source(%dma_start3A_575 : memref<128x64xf32, #tpu.memory_space<vmem>>) target(%dma_start3A_581 : memref<10112x64xf32, #tpu.memory_space<vmem_shared>>) offsets(%dma_start3A_578 : memref<128xi32, #tpu.memory_space<vmem>>) semaphore(%arg15 : memref<!tpu.dma_semaphore, #tpu.memory_space<semaphore_mem>>) {add = true}
      %sub3A_582 = arith.constant 2 : i32
      %sub3A_583 = arith.subi %add3A_557, %sub3A_582 : i32
      %dma_wait3A_584 = arith.constant 0 : i32
      %dma_wait3A_585 = arith.constant 0 : i32
      %dma_wait3A_586 = tpu.memref_slice %arg8[%scan3A_138, %dma_wait3A_584, %dma_wait3A_585] : memref<4x128x64xf32, #tpu.memory_space<vmem>> -> memref<1x128x64xf32, #tpu.memory_space<vmem>>
      %dma_wait3A_587 = tpu.memref_squeeze %dma_wait3A_586 : memref<1x128x64xf32, #tpu.memory_space<vmem>> -> memref<128x64xf32, #tpu.memory_space<vmem>>
      %dma_wait3A_588 = arith.constant 0 : i32
      %dma_wait3A_589 = tpu.memref_slice %arg7[%sub3A_583, %dma_wait3A_588] : memref<160x128xi32, #tpu.memory_space<vmem>> -> memref<1x128xi32, #tpu.memory_space<vmem>>
      %dma_wait3A_590 = tpu.memref_squeeze %dma_wait3A_589 : memref<1x128xi32, #tpu.memory_space<vmem>> -> memref<128xi32, #tpu.memory_space<vmem>>
      %dma_wait3A_591 = arith.constant 0 : i32
      %dma_wait3A_592 = arith.constant 0 : i32
      %dma_wait3A_593 = tpu.memref_slice %arg9[%dma_wait3A_591, %dma_wait3A_592] : memref<10112x64xf32, #tpu.memory_space<vmem_shared>> -> memref<10112x64xf32, #tpu.memory_space<vmem_shared>>
      tpu.wait_indirect_dma semaphore(%arg17 : memref<!tpu.dma_semaphore, #tpu.memory_space<semaphore_mem>>) src(%dma_wait3A_587 : memref<128x64xf32, #tpu.memory_space<vmem>>) dst(%dma_wait3A_593 : memref<10112x64xf32, #tpu.memory_space<vmem_shared>>)
      %add3A_594 = arith.constant 2 : i32
      %add3A_595 = arith.addi %add3A_557, %add3A_594 : i32
      %dma_start3A_596 = arith.constant 0 : i32
      %dma_start3A_597 = arith.constant 0 : i32
      %dma_start3A_598 = tpu.memref_slice %arg8[%scan3A_138, %dma_start3A_596, %dma_start3A_597] : memref<4x128x64xf32, #tpu.memory_space<vmem>> -> memref<1x128x64xf32, #tpu.memory_space<vmem>>
      %dma_start3A_599 = tpu.memref_squeeze %dma_start3A_598 : memref<1x128x64xf32, #tpu.memory_space<vmem>> -> memref<128x64xf32, #tpu.memory_space<vmem>>
      %dma_start3A_600 = arith.constant 0 : i32
      %dma_start3A_601 = tpu.memref_slice %arg6[%add3A_595, %dma_start3A_600] : memref<160x128xi32, #tpu.memory_space<vmem>> -> memref<1x128xi32, #tpu.memory_space<vmem>>
      %dma_start3A_602 = tpu.memref_squeeze %dma_start3A_601 : memref<1x128xi32, #tpu.memory_space<vmem>> -> memref<128xi32, #tpu.memory_space<vmem>>
      %dma_start3A_603 = arith.constant 0 : i32
      %dma_start3A_604 = arith.constant 0 : i32
      %dma_start3A_605 = tpu.memref_slice %arg2[%arg0, %dma_start3A_603, %dma_start3A_604] : memref<2x10000x64xf32, #tpu.memory_space<hbm>> -> memref<1x10000x64xf32, #tpu.memory_space<hbm>>
      %dma_start3A_606 = tpu.memref_squeeze %dma_start3A_605 : memref<1x10000x64xf32, #tpu.memory_space<hbm>> -> memref<10000x64xf32, #tpu.memory_space<hbm>>
      %dma_start3A_607 = arith.constant 0 : i32
      %dma_start3A_608 = arith.constant 0 : i32
      %dma_start3A_609 = tpu.memref_slice %dma_start3A_606[%dma_start3A_607, %dma_start3A_608] : memref<10000x64xf32, #tpu.memory_space<hbm>> -> memref<10000x64xf32, #tpu.memory_space<hbm>>
      tpu.enqueue_indirect_dma source(%dma_start3A_609 : memref<10000x64xf32, #tpu.memory_space<hbm>>) target(%dma_start3A_599 : memref<128x64xf32, #tpu.memory_space<vmem>>) offsets(%dma_start3A_602 : memref<128xi32, #tpu.memory_space<vmem>>) semaphore(%arg13 : memref<!tpu.dma_semaphore, #tpu.memory_space<semaphore_mem>>)
    }
    %scan3A_144 = arith.constant 39 : i32
    %dma_wait3A_145 = arith.constant 158 : i32
    %dma_wait3A_146 = arith.constant 2 : i32
    %dma_wait3A_147 = arith.constant 0 : i32
    %dma_wait3A_148 = arith.constant 0 : i32
    %dma_wait3A_149 = tpu.memref_slice %arg8[%dma_wait3A_146, %dma_wait3A_147, %dma_wait3A_148] : memref<4x128x64xf32, #tpu.memory_space<vmem>> -> memref<1x128x64xf32, #tpu.memory_space<vmem>>
    %dma_wait3A_150 = tpu.memref_squeeze %dma_wait3A_149 : memref<1x128x64xf32, #tpu.memory_space<vmem>> -> memref<128x64xf32, #tpu.memory_space<vmem>>
    %dma_wait3A_151 = arith.constant 0 : i32
    %dma_wait3A_152 = tpu.memref_slice %arg6[%dma_wait3A_145, %dma_wait3A_151] : memref<160x128xi32, #tpu.memory_space<vmem>> -> memref<1x128xi32, #tpu.memory_space<vmem>>
    %dma_wait3A_153 = tpu.memref_squeeze %dma_wait3A_152 : memref<1x128xi32, #tpu.memory_space<vmem>> -> memref<128xi32, #tpu.memory_space<vmem>>
    %dma_wait3A_154 = arith.constant 0 : i32
    %dma_wait3A_155 = arith.constant 0 : i32
    %dma_wait3A_156 = tpu.memref_slice %arg2[%arg0, %dma_wait3A_154, %dma_wait3A_155] : memref<2x10000x64xf32, #tpu.memory_space<hbm>> -> memref<1x10000x64xf32, #tpu.memory_space<hbm>>
    %dma_wait3A_157 = tpu.memref_squeeze %dma_wait3A_156 : memref<1x10000x64xf32, #tpu.memory_space<hbm>> -> memref<10000x64xf32, #tpu.memory_space<hbm>>
    %dma_wait3A_158 = arith.constant 0 : i32
    %dma_wait3A_159 = arith.constant 0 : i32
    %dma_wait3A_160 = tpu.memref_slice %dma_wait3A_157[%dma_wait3A_158, %dma_wait3A_159] : memref<10000x64xf32, #tpu.memory_space<hbm>> -> memref<10000x64xf32, #tpu.memory_space<hbm>>
    tpu.wait_indirect_dma semaphore(%arg12 : memref<!tpu.dma_semaphore, #tpu.memory_space<semaphore_mem>>) src(%dma_wait3A_160 : memref<10000x64xf32, #tpu.memory_space<hbm>>) dst(%dma_wait3A_150 : memref<128x64xf32, #tpu.memory_space<vmem>>)
    %dma_start3A_161 = arith.constant 2 : i32
    %dma_start3A_162 = arith.constant 158 : i32
    %dma_start3A_163 = arith.constant 0 : i32
    %dma_start3A_164 = arith.constant 0 : i32
    %dma_start3A_165 = tpu.memref_slice %arg8[%dma_start3A_161, %dma_start3A_163, %dma_start3A_164] : memref<4x128x64xf32, #tpu.memory_space<vmem>> -> memref<1x128x64xf32, #tpu.memory_space<vmem>>
    %dma_start3A_166 = tpu.memref_squeeze %dma_start3A_165 : memref<1x128x64xf32, #tpu.memory_space<vmem>> -> memref<128x64xf32, #tpu.memory_space<vmem>>
    %dma_start3A_167 = arith.constant 0 : i32
    %dma_start3A_168 = tpu.memref_slice %arg7[%dma_start3A_162, %dma_start3A_167] : memref<160x128xi32, #tpu.memory_space<vmem>> -> memref<1x128xi32, #tpu.memory_space<vmem>>
    %dma_start3A_169 = tpu.memref_squeeze %dma_start3A_168 : memref<1x128xi32, #tpu.memory_space<vmem>> -> memref<128xi32, #tpu.memory_space<vmem>>
    %dma_start3A_170 = arith.constant 0 : i32
    %dma_start3A_171 = arith.constant 0 : i32
    %dma_start3A_172 = tpu.memref_slice %arg9[%dma_start3A_170, %dma_start3A_171] : memref<10112x64xf32, #tpu.memory_space<vmem_shared>> -> memref<10112x64xf32, #tpu.memory_space<vmem_shared>>
    tpu.enqueue_indirect_dma source(%dma_start3A_166 : memref<128x64xf32, #tpu.memory_space<vmem>>) target(%dma_start3A_172 : memref<10112x64xf32, #tpu.memory_space<vmem_shared>>) offsets(%dma_start3A_169 : memref<128xi32, #tpu.memory_space<vmem>>) semaphore(%arg16 : memref<!tpu.dma_semaphore, #tpu.memory_space<semaphore_mem>>) {add = true}
    %dma_wait3A_173 = arith.constant 159 : i32
    %dma_wait3A_174 = arith.constant 3 : i32
    %dma_wait3A_175 = arith.constant 0 : i32
    %dma_wait3A_176 = arith.constant 0 : i32
    %dma_wait3A_177 = tpu.memref_slice %arg8[%dma_wait3A_174, %dma_wait3A_175, %dma_wait3A_176] : memref<4x128x64xf32, #tpu.memory_space<vmem>> -> memref<1x128x64xf32, #tpu.memory_space<vmem>>
    %dma_wait3A_178 = tpu.memref_squeeze %dma_wait3A_177 : memref<1x128x64xf32, #tpu.memory_space<vmem>> -> memref<128x64xf32, #tpu.memory_space<vmem>>
    %dma_wait3A_179 = arith.constant 0 : i32
    %dma_wait3A_180 = tpu.memref_slice %arg6[%dma_wait3A_173, %dma_wait3A_179] : memref<160x128xi32, #tpu.memory_space<vmem>> -> memref<1x128xi32, #tpu.memory_space<vmem>>
    %dma_wait3A_181 = tpu.memref_squeeze %dma_wait3A_180 : memref<1x128xi32, #tpu.memory_space<vmem>> -> memref<128xi32, #tpu.memory_space<vmem>>
    %dma_wait3A_182 = arith.constant 0 : i32
    %dma_wait3A_183 = arith.constant 0 : i32
    %dma_wait3A_184 = tpu.memref_slice %arg2[%arg0, %dma_wait3A_182, %dma_wait3A_183] : memref<2x10000x64xf32, #tpu.memory_space<hbm>> -> memref<1x10000x64xf32, #tpu.memory_space<hbm>>
    %dma_wait3A_185 = tpu.memref_squeeze %dma_wait3A_184 : memref<1x10000x64xf32, #tpu.memory_space<hbm>> -> memref<10000x64xf32, #tpu.memory_space<hbm>>
    %dma_wait3A_186 = arith.constant 0 : i32
    %dma_wait3A_187 = arith.constant 0 : i32
    %dma_wait3A_188 = tpu.memref_slice %dma_wait3A_185[%dma_wait3A_186, %dma_wait3A_187] : memref<10000x64xf32, #tpu.memory_space<hbm>> -> memref<10000x64xf32, #tpu.memory_space<hbm>>
    tpu.wait_indirect_dma semaphore(%arg13 : memref<!tpu.dma_semaphore, #tpu.memory_space<semaphore_mem>>) src(%dma_wait3A_188 : memref<10000x64xf32, #tpu.memory_space<hbm>>) dst(%dma_wait3A_178 : memref<128x64xf32, #tpu.memory_space<vmem>>)
    %dma_start3A_189 = arith.constant 3 : i32
    %dma_start3A_190 = arith.constant 159 : i32
    %dma_start3A_191 = arith.constant 0 : i32
    %dma_start3A_192 = arith.constant 0 : i32
    %dma_start3A_193 = tpu.memref_slice %arg8[%dma_start3A_189, %dma_start3A_191, %dma_start3A_192] : memref<4x128x64xf32, #tpu.memory_space<vmem>> -> memref<1x128x64xf32, #tpu.memory_space<vmem>>
    %dma_start3A_194 = tpu.memref_squeeze %dma_start3A_193 : memref<1x128x64xf32, #tpu.memory_space<vmem>> -> memref<128x64xf32, #tpu.memory_space<vmem>>
    %dma_start3A_195 = arith.constant 0 : i32
    %dma_start3A_196 = tpu.memref_slice %arg7[%dma_start3A_190, %dma_start3A_195] : memref<160x128xi32, #tpu.memory_space<vmem>> -> memref<1x128xi32, #tpu.memory_space<vmem>>
    %dma_start3A_197 = tpu.memref_squeeze %dma_start3A_196 : memref<1x128xi32, #tpu.memory_space<vmem>> -> memref<128xi32, #tpu.memory_space<vmem>>
    %dma_start3A_198 = arith.constant 0 : i32
    %dma_start3A_199 = arith.constant 0 : i32
    %dma_start3A_200 = tpu.memref_slice %arg9[%dma_start3A_198, %dma_start3A_199] : memref<10112x64xf32, #tpu.memory_space<vmem_shared>> -> memref<10112x64xf32, #tpu.memory_space<vmem_shared>>
    tpu.enqueue_indirect_dma source(%dma_start3A_194 : memref<128x64xf32, #tpu.memory_space<vmem>>) target(%dma_start3A_200 : memref<10112x64xf32, #tpu.memory_space<vmem_shared>>) offsets(%dma_start3A_197 : memref<128xi32, #tpu.memory_space<vmem>>) semaphore(%arg17 : memref<!tpu.dma_semaphore, #tpu.memory_space<semaphore_mem>>) {add = true}
    %dma_wait3A_201 = arith.constant 0 : i32
    %dma_wait3A_202 = arith.constant 156 : i32
    %dma_wait3A_203 = arith.constant 0 : i32
    %dma_wait3A_204 = arith.constant 0 : i32
    %dma_wait3A_205 = tpu.memref_slice %arg8[%dma_wait3A_201, %dma_wait3A_203, %dma_wait3A_204] : memref<4x128x64xf32, #tpu.memory_space<vmem>> -> memref<1x128x64xf32, #tpu.memory_space<vmem>>
    %dma_wait3A_206 = tpu.memref_squeeze %dma_wait3A_205 : memref<1x128x64xf32, #tpu.memory_space<vmem>> -> memref<128x64xf32, #tpu.memory_space<vmem>>
    %dma_wait3A_207 = arith.constant 0 : i32
    %dma_wait3A_208 = tpu.memref_slice %arg7[%dma_wait3A_202, %dma_wait3A_207] : memref<160x128xi32, #tpu.memory_space<vmem>> -> memref<1x128xi32, #tpu.memory_space<vmem>>
    %dma_wait3A_209 = tpu.memref_squeeze %dma_wait3A_208 : memref<1x128xi32, #tpu.memory_space<vmem>> -> memref<128xi32, #tpu.memory_space<vmem>>
    %dma_wait3A_210 = arith.constant 0 : i32
    %dma_wait3A_211 = arith.constant 0 : i32
    %dma_wait3A_212 = tpu.memref_slice %arg9[%dma_wait3A_210, %dma_wait3A_211] : memref<10112x64xf32, #tpu.memory_space<vmem_shared>> -> memref<10112x64xf32, #tpu.memory_space<vmem_shared>>
    tpu.wait_indirect_dma semaphore(%arg14 : memref<!tpu.dma_semaphore, #tpu.memory_space<semaphore_mem>>) src(%dma_wait3A_206 : memref<128x64xf32, #tpu.memory_space<vmem>>) dst(%dma_wait3A_212 : memref<10112x64xf32, #tpu.memory_space<vmem_shared>>)
    %dma_wait3A_213 = arith.constant 1 : i32
    %dma_wait3A_214 = arith.constant 157 : i32
    %dma_wait3A_215 = arith.constant 0 : i32
    %dma_wait3A_216 = arith.constant 0 : i32
    %dma_wait3A_217 = tpu.memref_slice %arg8[%dma_wait3A_213, %dma_wait3A_215, %dma_wait3A_216] : memref<4x128x64xf32, #tpu.memory_space<vmem>> -> memref<1x128x64xf32, #tpu.memory_space<vmem>>
    %dma_wait3A_218 = tpu.memref_squeeze %dma_wait3A_217 : memref<1x128x64xf32, #tpu.memory_space<vmem>> -> memref<128x64xf32, #tpu.memory_space<vmem>>
    %dma_wait3A_219 = arith.constant 0 : i32
    %dma_wait3A_220 = tpu.memref_slice %arg7[%dma_wait3A_214, %dma_wait3A_219] : memref<160x128xi32, #tpu.memory_space<vmem>> -> memref<1x128xi32, #tpu.memory_space<vmem>>
    %dma_wait3A_221 = tpu.memref_squeeze %dma_wait3A_220 : memref<1x128xi32, #tpu.memory_space<vmem>> -> memref<128xi32, #tpu.memory_space<vmem>>
    %dma_wait3A_222 = arith.constant 0 : i32
    %dma_wait3A_223 = arith.constant 0 : i32
    %dma_wait3A_224 = tpu.memref_slice %arg9[%dma_wait3A_222, %dma_wait3A_223] : memref<10112x64xf32, #tpu.memory_space<vmem_shared>> -> memref<10112x64xf32, #tpu.memory_space<vmem_shared>>
    tpu.wait_indirect_dma semaphore(%arg15 : memref<!tpu.dma_semaphore, #tpu.memory_space<semaphore_mem>>) src(%dma_wait3A_218 : memref<128x64xf32, #tpu.memory_space<vmem>>) dst(%dma_wait3A_224 : memref<10112x64xf32, #tpu.memory_space<vmem_shared>>)
    %dma_wait3A_225 = arith.constant 2 : i32
    %dma_wait3A_226 = arith.constant 158 : i32
    %dma_wait3A_227 = arith.constant 0 : i32
    %dma_wait3A_228 = arith.constant 0 : i32
    %dma_wait3A_229 = tpu.memref_slice %arg8[%dma_wait3A_225, %dma_wait3A_227, %dma_wait3A_228] : memref<4x128x64xf32, #tpu.memory_space<vmem>> -> memref<1x128x64xf32, #tpu.memory_space<vmem>>
    %dma_wait3A_230 = tpu.memref_squeeze %dma_wait3A_229 : memref<1x128x64xf32, #tpu.memory_space<vmem>> -> memref<128x64xf32, #tpu.memory_space<vmem>>
    %dma_wait3A_231 = arith.constant 0 : i32
    %dma_wait3A_232 = tpu.memref_slice %arg7[%dma_wait3A_226, %dma_wait3A_231] : memref<160x128xi32, #tpu.memory_space<vmem>> -> memref<1x128xi32, #tpu.memory_space<vmem>>
    %dma_wait3A_233 = tpu.memref_squeeze %dma_wait3A_232 : memref<1x128xi32, #tpu.memory_space<vmem>> -> memref<128xi32, #tpu.memory_space<vmem>>
    %dma_wait3A_234 = arith.constant 0 : i32
    %dma_wait3A_235 = arith.constant 0 : i32
    %dma_wait3A_236 = tpu.memref_slice %arg9[%dma_wait3A_234, %dma_wait3A_235] : memref<10112x64xf32, #tpu.memory_space<vmem_shared>> -> memref<10112x64xf32, #tpu.memory_space<vmem_shared>>
    tpu.wait_indirect_dma semaphore(%arg16 : memref<!tpu.dma_semaphore, #tpu.memory_space<semaphore_mem>>) src(%dma_wait3A_230 : memref<128x64xf32, #tpu.memory_space<vmem>>) dst(%dma_wait3A_236 : memref<10112x64xf32, #tpu.memory_space<vmem_shared>>)
    %dma_wait3A_237 = arith.constant 3 : i32
    %dma_wait3A_238 = arith.constant 159 : i32
    %dma_wait3A_239 = arith.constant 0 : i32
    %dma_wait3A_240 = arith.constant 0 : i32
    %dma_wait3A_241 = tpu.memref_slice %arg8[%dma_wait3A_237, %dma_wait3A_239, %dma_wait3A_240] : memref<4x128x64xf32, #tpu.memory_space<vmem>> -> memref<1x128x64xf32, #tpu.memory_space<vmem>>
    %dma_wait3A_242 = tpu.memref_squeeze %dma_wait3A_241 : memref<1x128x64xf32, #tpu.memory_space<vmem>> -> memref<128x64xf32, #tpu.memory_space<vmem>>
    %dma_wait3A_243 = arith.constant 0 : i32
    %dma_wait3A_244 = tpu.memref_slice %arg7[%dma_wait3A_238, %dma_wait3A_243] : memref<160x128xi32, #tpu.memory_space<vmem>> -> memref<1x128xi32, #tpu.memory_space<vmem>>
    %dma_wait3A_245 = tpu.memref_squeeze %dma_wait3A_244 : memref<1x128xi32, #tpu.memory_space<vmem>> -> memref<128xi32, #tpu.memory_space<vmem>>
    %dma_wait3A_246 = arith.constant 0 : i32
    %dma_wait3A_247 = arith.constant 0 : i32
    %dma_wait3A_248 = tpu.memref_slice %arg9[%dma_wait3A_246, %dma_wait3A_247] : memref<10112x64xf32, #tpu.memory_space<vmem_shared>> -> memref<10112x64xf32, #tpu.memory_space<vmem_shared>>
    tpu.wait_indirect_dma semaphore(%arg17 : memref<!tpu.dma_semaphore, #tpu.memory_space<semaphore_mem>>) src(%dma_wait3A_242 : memref<128x64xf32, #tpu.memory_space<vmem>>) dst(%dma_wait3A_248 : memref<10112x64xf32, #tpu.memory_space<vmem_shared>>)
    %barrier3A_249 = arith.constant 0 : index
    tpu.barrier barrier_id(%barrier3A_249)
    %run_scoped3A_250 = arith.constant 0 : i32
    "tpu.region"() ({
      %run_scoped3A_390 = tpu.sem_alloc : memref<!tpu.dma_semaphore, #tpu.memory_space<semaphore_mem>>
      %dma_start3A_391 = arith.constant 0 : i32
      %dma_start3A_392 = arith.constant 0 : i32
      %dma_start3A_393 = tpu.memref_slice %arg8[%run_scoped3A_250, %dma_start3A_391, %dma_start3A_392] : memref<4x128x64xf32, #tpu.memory_space<vmem>> -> memref<1x128x64xf32, #tpu.memory_space<vmem>>
      %dma_start3A_394 = tpu.memref_squeeze %dma_start3A_393 : memref<1x128x64xf32, #tpu.memory_space<vmem>> -> memref<128x64xf32, #tpu.memory_space<vmem>>
      %dma_start3A_395 = arith.constant 0 : i32
      %dma_start3A_396 = tpu.memref_slice %arg9[%multiple_of3A, %dma_start3A_395] : memref<10112x64xf32, #tpu.memory_space<vmem_shared>> -> memref<128x64xf32, #tpu.memory_space<vmem_shared>>
      %dma_start3A_397 = arith.constant 0 : i32
      %dma_start3A_398 = arith.constant 0 : i32
      %dma_start3A_399 = tpu.memref_slice %arg8[%run_scoped3A_250, %dma_start3A_397, %dma_start3A_398] : memref<4x128x64xf32, #tpu.memory_space<vmem>> -> memref<1x128x64xf32, #tpu.memory_space<vmem>>
      %dma_start3A_400 = tpu.memref_squeeze %dma_start3A_399 : memref<1x128x64xf32, #tpu.memory_space<vmem>> -> memref<128x64xf32, #tpu.memory_space<vmem>>
      %dma_start3A_401 = arith.constant 0 : i32
      %dma_start3A_402 = tpu.memref_slice %arg9[%multiple_of3A, %dma_start3A_401] : memref<10112x64xf32, #tpu.memory_space<vmem_shared>> -> memref<128x64xf32, #tpu.memory_space<vmem_shared>>
      tpu.enqueue_dma source(%dma_start3A_402 : memref<128x64xf32, #tpu.memory_space<vmem_shared>>) target(%dma_start3A_400 : memref<128x64xf32, #tpu.memory_space<vmem>>) target_semaphore(%run_scoped3A_390 : memref<!tpu.dma_semaphore, #tpu.memory_space<semaphore_mem>>)
      %dma_wait3A_403 = arith.constant 0 : i32
      %dma_wait3A_404 = arith.constant 0 : i32
      %dma_wait3A_405 = tpu.memref_slice %arg8[%run_scoped3A_250, %dma_wait3A_403, %dma_wait3A_404] : memref<4x128x64xf32, #tpu.memory_space<vmem>> -> memref<1x128x64xf32, #tpu.memory_space<vmem>>
      %dma_wait3A_406 = tpu.memref_squeeze %dma_wait3A_405 : memref<1x128x64xf32, #tpu.memory_space<vmem>> -> memref<128x64xf32, #tpu.memory_space<vmem>>
      %dma_wait3A_407 = arith.constant 0 : i32
      %dma_wait3A_408 = tpu.memref_slice %arg9[%multiple_of3A, %dma_wait3A_407] : memref<10112x64xf32, #tpu.memory_space<vmem_shared>> -> memref<128x64xf32, #tpu.memory_space<vmem_shared>>
      %dma_wait3A_409 = arith.constant 0 : i32
      %dma_wait3A_410 = arith.constant 0 : i32
      %dma_wait3A_411 = tpu.memref_slice %arg8[%run_scoped3A_250, %dma_wait3A_409, %dma_wait3A_410] : memref<4x128x64xf32, #tpu.memory_space<vmem>> -> memref<1x128x64xf32, #tpu.memory_space<vmem>>
      %dma_wait3A_412 = tpu.memref_squeeze %dma_wait3A_411 : memref<1x128x64xf32, #tpu.memory_space<vmem>> -> memref<128x64xf32, #tpu.memory_space<vmem>>
      %dma_wait3A_413 = arith.constant 0 : i32
      %dma_wait3A_414 = tpu.memref_slice %arg9[%multiple_of3A, %dma_wait3A_413] : memref<10112x64xf32, #tpu.memory_space<vmem_shared>> -> memref<128x64xf32, #tpu.memory_space<vmem_shared>>
      tpu.wait_dma2 semaphore(%run_scoped3A_390 : memref<!tpu.dma_semaphore, #tpu.memory_space<semaphore_mem>>) src(%dma_wait3A_414 : memref<128x64xf32, #tpu.memory_space<vmem_shared>>) dst(%dma_wait3A_412 : memref<128x64xf32, #tpu.memory_space<vmem>>)
      tpu.yield
    }) : () -> ()
    %add3A_251 = arith.constant 128 : i32
    %add3A_252 = arith.addi %multiple_of3A, %add3A_251 : i32
    %dma_start3A_253 = arith.constant 1 : i32
    %dma_start3A_254 = arith.constant 0 : i32
    %dma_start3A_255 = arith.constant 0 : i32
    %dma_start3A_256 = tpu.memref_slice %arg8[%dma_start3A_253, %dma_start3A_254, %dma_start3A_255] : memref<4x128x64xf32, #tpu.memory_space<vmem>> -> memref<1x128x64xf32, #tpu.memory_space<vmem>>
    %dma_start3A_257 = tpu.memref_squeeze %dma_start3A_256 : memref<1x128x64xf32, #tpu.memory_space<vmem>> -> memref<128x64xf32, #tpu.memory_space<vmem>>
    %dma_start3A_258 = arith.constant 0 : i32
    %dma_start3A_259 = tpu.memref_slice %arg9[%add3A_252, %dma_start3A_258] : memref<10112x64xf32, #tpu.memory_space<vmem_shared>> -> memref<128x64xf32, #tpu.memory_space<vmem_shared>>
    %dma_start3A_260 = arith.constant 0 : i32
    %dma_start3A_261 = arith.constant 0 : i32
    %dma_start3A_262 = tpu.memref_slice %arg8[%dma_start3A_253, %dma_start3A_260, %dma_start3A_261] : memref<4x128x64xf32, #tpu.memory_space<vmem>> -> memref<1x128x64xf32, #tpu.memory_space<vmem>>
    %dma_start3A_263 = tpu.memref_squeeze %dma_start3A_262 : memref<1x128x64xf32, #tpu.memory_space<vmem>> -> memref<128x64xf32, #tpu.memory_space<vmem>>
    %dma_start3A_264 = arith.constant 0 : i32
    %dma_start3A_265 = tpu.memref_slice %arg9[%add3A_252, %dma_start3A_264] : memref<10112x64xf32, #tpu.memory_space<vmem_shared>> -> memref<128x64xf32, #tpu.memory_space<vmem_shared>>
    tpu.enqueue_dma source(%dma_start3A_265 : memref<128x64xf32, #tpu.memory_space<vmem_shared>>) target(%dma_start3A_263 : memref<128x64xf32, #tpu.memory_space<vmem>>) target_semaphore(%arg11 : memref<!tpu.dma_semaphore, #tpu.memory_space<semaphore_mem>>)
    %add3A_266 = arith.constant 0 : i32
    %add3A_267 = arith.addi %multiple_of3A, %add3A_266 : i32
    %run_scoped3A_268 = arith.constant 0 : i32
    "tpu.region"() ({
      %run_scoped3A_390 = tpu.sem_alloc : memref<!tpu.dma_semaphore, #tpu.memory_space<semaphore_mem>>
      %dma_start3A_391 = arith.constant 0 : i32
      %dma_start3A_392 = arith.constant 0 : i32
      %dma_start3A_393 = tpu.memref_slice %arg8[%run_scoped3A_268, %dma_start3A_391, %dma_start3A_392] : memref<4x128x64xf32, #tpu.memory_space<vmem>> -> memref<1x128x64xf32, #tpu.memory_space<vmem>>
      %dma_start3A_394 = tpu.memref_squeeze %dma_start3A_393 : memref<1x128x64xf32, #tpu.memory_space<vmem>> -> memref<128x64xf32, #tpu.memory_space<vmem>>
      %dma_start3A_395 = arith.constant 0 : i32
      %dma_start3A_396 = tpu.memref_slice %arg5[%arg0, %add3A_267, %dma_start3A_395] : memref<2x10112x64xf32, #tpu.memory_space<hbm>> -> memref<1x128x64xf32, #tpu.memory_space<hbm>>
      %dma_start3A_397 = tpu.memref_squeeze %dma_start3A_396 : memref<1x128x64xf32, #tpu.memory_space<hbm>> -> memref<128x64xf32, #tpu.memory_space<hbm>>
      %dma_start3A_398 = arith.constant 0 : i32
      %dma_start3A_399 = tpu.memref_slice %arg5[%arg0, %add3A_267, %dma_start3A_398] : memref<2x10112x64xf32, #tpu.memory_space<hbm>> -> memref<1x128x64xf32, #tpu.memory_space<hbm>>
      %dma_start3A_400 = tpu.memref_squeeze %dma_start3A_399 : memref<1x128x64xf32, #tpu.memory_space<hbm>> -> memref<128x64xf32, #tpu.memory_space<hbm>>
      %dma_start3A_401 = arith.constant 0 : i32
      %dma_start3A_402 = arith.constant 0 : i32
      %dma_start3A_403 = tpu.memref_slice %arg8[%run_scoped3A_268, %dma_start3A_401, %dma_start3A_402] : memref<4x128x64xf32, #tpu.memory_space<vmem>> -> memref<1x128x64xf32, #tpu.memory_space<vmem>>
      %dma_start3A_404 = tpu.memref_squeeze %dma_start3A_403 : memref<1x128x64xf32, #tpu.memory_space<vmem>> -> memref<128x64xf32, #tpu.memory_space<vmem>>
      tpu.enqueue_dma source(%dma_start3A_404 : memref<128x64xf32, #tpu.memory_space<vmem>>) target(%dma_start3A_400 : memref<128x64xf32, #tpu.memory_space<hbm>>) target_semaphore(%run_scoped3A_390 : memref<!tpu.dma_semaphore, #tpu.memory_space<semaphore_mem>>)
      %dma_wait3A_405 = arith.constant 0 : i32
      %dma_wait3A_406 = arith.constant 0 : i32
      %dma_wait3A_407 = tpu.memref_slice %arg8[%run_scoped3A_268, %dma_wait3A_405, %dma_wait3A_406] : memref<4x128x64xf32, #tpu.memory_space<vmem>> -> memref<1x128x64xf32, #tpu.memory_space<vmem>>
      %dma_wait3A_408 = tpu.memref_squeeze %dma_wait3A_407 : memref<1x128x64xf32, #tpu.memory_space<vmem>> -> memref<128x64xf32, #tpu.memory_space<vmem>>
      %dma_wait3A_409 = arith.constant 0 : i32
      %dma_wait3A_410 = tpu.memref_slice %arg5[%arg0, %add3A_267, %dma_wait3A_409] : memref<2x10112x64xf32, #tpu.memory_space<hbm>> -> memref<1x128x64xf32, #tpu.memory_space<hbm>>
      %dma_wait3A_411 = tpu.memref_squeeze %dma_wait3A_410 : memref<1x128x64xf32, #tpu.memory_space<hbm>> -> memref<128x64xf32, #tpu.memory_space<hbm>>
      %dma_wait3A_412 = arith.constant 0 : i32
      %dma_wait3A_413 = tpu.memref_slice %arg5[%arg0, %add3A_267, %dma_wait3A_412] : memref<2x10112x64xf32, #tpu.memory_space<hbm>> -> memref<1x128x64xf32, #tpu.memory_space<hbm>>
      %dma_wait3A_414 = tpu.memref_squeeze %dma_wait3A_413 : memref<1x128x64xf32, #tpu.memory_space<hbm>> -> memref<128x64xf32, #tpu.memory_space<hbm>>
      %dma_wait3A_415 = arith.constant 0 : i32
      %dma_wait3A_416 = arith.constant 0 : i32
      %dma_wait3A_417 = tpu.memref_slice %arg8[%run_scoped3A_268, %dma_wait3A_415, %dma_wait3A_416] : memref<4x128x64xf32, #tpu.memory_space<vmem>> -> memref<1x128x64xf32, #tpu.memory_space<vmem>>
      %dma_wait3A_418 = tpu.memref_squeeze %dma_wait3A_417 : memref<1x128x64xf32, #tpu.memory_space<vmem>> -> memref<128x64xf32, #tpu.memory_space<vmem>>
      tpu.wait_dma2 semaphore(%run_scoped3A_390 : memref<!tpu.dma_semaphore, #tpu.memory_space<semaphore_mem>>) src(%dma_wait3A_418 : memref<128x64xf32, #tpu.memory_space<vmem>>) dst(%dma_wait3A_414 : memref<128x64xf32, #tpu.memory_space<hbm>>)
      tpu.yield
    }) : () -> ()
    %dma_wait3A_269 = arith.constant 1 : i32
    %dma_wait3A_270 = arith.constant 0 : i32
    %dma_wait3A_271 = arith.constant 0 : i32
    %dma_wait3A_272 = tpu.memref_slice %arg8[%dma_wait3A_269, %dma_wait3A_270, %dma_wait3A_271] : memref<4x128x64xf32, #tpu.memory_space<vmem>> -> memref<1x128x64xf32, #tpu.memory_space<vmem>>
    %dma_wait3A_273 = tpu.memref_squeeze %dma_wait3A_272 : memref<1x128x64xf32, #tpu.memory_space<vmem>> -> memref<128x64xf32, #tpu.memory_space<vmem>>
    %dma_wait3A_274 = arith.constant 0 : i32
    %dma_wait3A_275 = tpu.memref_slice %arg9[%multiple_of3A, %dma_wait3A_274] : memref<10112x64xf32, #tpu.memory_space<vmem_shared>> -> memref<128x64xf32, #tpu.memory_space<vmem_shared>>
    %dma_wait3A_276 = arith.constant 0 : i32
    %dma_wait3A_277 = arith.constant 0 : i32
    %dma_wait3A_278 = tpu.memref_slice %arg8[%dma_wait3A_269, %dma_wait3A_276, %dma_wait3A_277] : memref<4x128x64xf32, #tpu.memory_space<vmem>> -> memref<1x128x64xf32, #tpu.memory_space<vmem>>
    %dma_wait3A_279 = tpu.memref_squeeze %dma_wait3A_278 : memref<1x128x64xf32, #tpu.memory_space<vmem>> -> memref<128x64xf32, #tpu.memory_space<vmem>>
    %dma_wait3A_280 = arith.constant 0 : i32
    %dma_wait3A_281 = tpu.memref_slice %arg9[%multiple_of3A, %dma_wait3A_280] : memref<10112x64xf32, #tpu.memory_space<vmem_shared>> -> memref<128x64xf32, #tpu.memory_space<vmem_shared>>
    tpu.wait_dma2 semaphore(%arg11 : memref<!tpu.dma_semaphore, #tpu.memory_space<semaphore_mem>>) src(%dma_wait3A_281 : memref<128x64xf32, #tpu.memory_space<vmem_shared>>) dst(%dma_wait3A_279 : memref<128x64xf32, #tpu.memory_space<vmem>>)
    %add3A_282 = arith.constant 256 : i32
    %add3A_283 = arith.addi %multiple_of3A, %add3A_282 : i32
    %dma_start3A_284 = arith.constant 0 : i32
    %dma_start3A_285 = arith.constant 0 : i32
    %dma_start3A_286 = arith.constant 0 : i32
    %dma_start3A_287 = tpu.memref_slice %arg8[%dma_start3A_284, %dma_start3A_285, %dma_start3A_286] : memref<4x128x64xf32, #tpu.memory_space<vmem>> -> memref<1x128x64xf32, #tpu.memory_space<vmem>>
    %dma_start3A_288 = tpu.memref_squeeze %dma_start3A_287 : memref<1x128x64xf32, #tpu.memory_space<vmem>> -> memref<128x64xf32, #tpu.memory_space<vmem>>
    %dma_start3A_289 = arith.constant 0 : i32
    %dma_start3A_290 = tpu.memref_slice %arg9[%add3A_283, %dma_start3A_289] : memref<10112x64xf32, #tpu.memory_space<vmem_shared>> -> memref<128x64xf32, #tpu.memory_space<vmem_shared>>
    %dma_start3A_291 = arith.constant 0 : i32
    %dma_start3A_292 = arith.constant 0 : i32
    %dma_start3A_293 = tpu.memref_slice %arg8[%dma_start3A_284, %dma_start3A_291, %dma_start3A_292] : memref<4x128x64xf32, #tpu.memory_space<vmem>> -> memref<1x128x64xf32, #tpu.memory_space<vmem>>
    %dma_start3A_294 = tpu.memref_squeeze %dma_start3A_293 : memref<1x128x64xf32, #tpu.memory_space<vmem>> -> memref<128x64xf32, #tpu.memory_space<vmem>>
    %dma_start3A_295 = arith.constant 0 : i32
    %dma_start3A_296 = tpu.memref_slice %arg9[%add3A_283, %dma_start3A_295] : memref<10112x64xf32, #tpu.memory_space<vmem_shared>> -> memref<128x64xf32, #tpu.memory_space<vmem_shared>>
    tpu.enqueue_dma source(%dma_start3A_296 : memref<128x64xf32, #tpu.memory_space<vmem_shared>>) target(%dma_start3A_294 : memref<128x64xf32, #tpu.memory_space<vmem>>) target_semaphore(%arg10 : memref<!tpu.dma_semaphore, #tpu.memory_space<semaphore_mem>>)
    %add3A_297 = arith.constant 128 : i32
    %add3A_298 = arith.addi %multiple_of3A, %add3A_297 : i32
    %run_scoped3A_299 = arith.constant 1 : i32
    "tpu.region"() ({
      %run_scoped3A_390 = tpu.sem_alloc : memref<!tpu.dma_semaphore, #tpu.memory_space<semaphore_mem>>
      %dma_start3A_391 = arith.constant 0 : i32
      %dma_start3A_392 = arith.constant 0 : i32
      %dma_start3A_393 = tpu.memref_slice %arg8[%run_scoped3A_299, %dma_start3A_391, %dma_start3A_392] : memref<4x128x64xf32, #tpu.memory_space<vmem>> -> memref<1x128x64xf32, #tpu.memory_space<vmem>>
      %dma_start3A_394 = tpu.memref_squeeze %dma_start3A_393 : memref<1x128x64xf32, #tpu.memory_space<vmem>> -> memref<128x64xf32, #tpu.memory_space<vmem>>
      %dma_start3A_395 = arith.constant 0 : i32
      %dma_start3A_396 = tpu.memref_slice %arg5[%arg0, %add3A_298, %dma_start3A_395] : memref<2x10112x64xf32, #tpu.memory_space<hbm>> -> memref<1x128x64xf32, #tpu.memory_space<hbm>>
      %dma_start3A_397 = tpu.memref_squeeze %dma_start3A_396 : memref<1x128x64xf32, #tpu.memory_space<hbm>> -> memref<128x64xf32, #tpu.memory_space<hbm>>
      %dma_start3A_398 = arith.constant 0 : i32
      %dma_start3A_399 = tpu.memref_slice %arg5[%arg0, %add3A_298, %dma_start3A_398] : memref<2x10112x64xf32, #tpu.memory_space<hbm>> -> memref<1x128x64xf32, #tpu.memory_space<hbm>>
      %dma_start3A_400 = tpu.memref_squeeze %dma_start3A_399 : memref<1x128x64xf32, #tpu.memory_space<hbm>> -> memref<128x64xf32, #tpu.memory_space<hbm>>
      %dma_start3A_401 = arith.constant 0 : i32
      %dma_start3A_402 = arith.constant 0 : i32
      %dma_start3A_403 = tpu.memref_slice %arg8[%run_scoped3A_299, %dma_start3A_401, %dma_start3A_402] : memref<4x128x64xf32, #tpu.memory_space<vmem>> -> memref<1x128x64xf32, #tpu.memory_space<vmem>>
      %dma_start3A_404 = tpu.memref_squeeze %dma_start3A_403 : memref<1x128x64xf32, #tpu.memory_space<vmem>> -> memref<128x64xf32, #tpu.memory_space<vmem>>
      tpu.enqueue_dma source(%dma_start3A_404 : memref<128x64xf32, #tpu.memory_space<vmem>>) target(%dma_start3A_400 : memref<128x64xf32, #tpu.memory_space<hbm>>) target_semaphore(%run_scoped3A_390 : memref<!tpu.dma_semaphore, #tpu.memory_space<semaphore_mem>>)
      %dma_wait3A_405 = arith.constant 0 : i32
      %dma_wait3A_406 = arith.constant 0 : i32
      %dma_wait3A_407 = tpu.memref_slice %arg8[%run_scoped3A_299, %dma_wait3A_405, %dma_wait3A_406] : memref<4x128x64xf32, #tpu.memory_space<vmem>> -> memref<1x128x64xf32, #tpu.memory_space<vmem>>
      %dma_wait3A_408 = tpu.memref_squeeze %dma_wait3A_407 : memref<1x128x64xf32, #tpu.memory_space<vmem>> -> memref<128x64xf32, #tpu.memory_space<vmem>>
      %dma_wait3A_409 = arith.constant 0 : i32
      %dma_wait3A_410 = tpu.memref_slice %arg5[%arg0, %add3A_298, %dma_wait3A_409] : memref<2x10112x64xf32, #tpu.memory_space<hbm>> -> memref<1x128x64xf32, #tpu.memory_space<hbm>>
      %dma_wait3A_411 = tpu.memref_squeeze %dma_wait3A_410 : memref<1x128x64xf32, #tpu.memory_space<hbm>> -> memref<128x64xf32, #tpu.memory_space<hbm>>
      %dma_wait3A_412 = arith.constant 0 : i32
      %dma_wait3A_413 = tpu.memref_slice %arg5[%arg0, %add3A_298, %dma_wait3A_412] : memref<2x10112x64xf32, #tpu.memory_space<hbm>> -> memref<1x128x64xf32, #tpu.memory_space<hbm>>
      %dma_wait3A_414 = tpu.memref_squeeze %dma_wait3A_413 : memref<1x128x64xf32, #tpu.memory_space<hbm>> -> memref<128x64xf32, #tpu.memory_space<hbm>>
      %dma_wait3A_415 = arith.constant 0 : i32
      %dma_wait3A_416 = arith.constant 0 : i32
      %dma_wait3A_417 = tpu.memref_slice %arg8[%run_scoped3A_299, %dma_wait3A_415, %dma_wait3A_416] : memref<4x128x64xf32, #tpu.memory_space<vmem>> -> memref<1x128x64xf32, #tpu.memory_space<vmem>>
      %dma_wait3A_418 = tpu.memref_squeeze %dma_wait3A_417 : memref<1x128x64xf32, #tpu.memory_space<vmem>> -> memref<128x64xf32, #tpu.memory_space<vmem>>
      tpu.wait_dma2 semaphore(%run_scoped3A_390 : memref<!tpu.dma_semaphore, #tpu.memory_space<semaphore_mem>>) src(%dma_wait3A_418 : memref<128x64xf32, #tpu.memory_space<vmem>>) dst(%dma_wait3A_414 : memref<128x64xf32, #tpu.memory_space<hbm>>)
      tpu.yield
    }) : () -> ()
    %dma_wait3A_300 = arith.constant 0 : i32
    %dma_wait3A_301 = arith.constant 0 : i32
    %dma_wait3A_302 = arith.constant 0 : i32
    %dma_wait3A_303 = tpu.memref_slice %arg8[%dma_wait3A_300, %dma_wait3A_301, %dma_wait3A_302] : memref<4x128x64xf32, #tpu.memory_space<vmem>> -> memref<1x128x64xf32, #tpu.memory_space<vmem>>
    %dma_wait3A_304 = tpu.memref_squeeze %dma_wait3A_303 : memref<1x128x64xf32, #tpu.memory_space<vmem>> -> memref<128x64xf32, #tpu.memory_space<vmem>>
    %dma_wait3A_305 = arith.constant 0 : i32
    %dma_wait3A_306 = tpu.memref_slice %arg9[%multiple_of3A, %dma_wait3A_305] : memref<10112x64xf32, #tpu.memory_space<vmem_shared>> -> memref<128x64xf32, #tpu.memory_space<vmem_shared>>
    %dma_wait3A_307 = arith.constant 0 : i32
    %dma_wait3A_308 = arith.constant 0 : i32
    %dma_wait3A_309 = tpu.memref_slice %arg8[%dma_wait3A_300, %dma_wait3A_307, %dma_wait3A_308] : memref<4x128x64xf32, #tpu.memory_space<vmem>> -> memref<1x128x64xf32, #tpu.memory_space<vmem>>
    %dma_wait3A_310 = tpu.memref_squeeze %dma_wait3A_309 : memref<1x128x64xf32, #tpu.memory_space<vmem>> -> memref<128x64xf32, #tpu.memory_space<vmem>>
    %dma_wait3A_311 = arith.constant 0 : i32
    %dma_wait3A_312 = tpu.memref_slice %arg9[%multiple_of3A, %dma_wait3A_311] : memref<10112x64xf32, #tpu.memory_space<vmem_shared>> -> memref<128x64xf32, #tpu.memory_space<vmem_shared>>
    tpu.wait_dma2 semaphore(%arg10 : memref<!tpu.dma_semaphore, #tpu.memory_space<semaphore_mem>>) src(%dma_wait3A_312 : memref<128x64xf32, #tpu.memory_space<vmem_shared>>) dst(%dma_wait3A_310 : memref<128x64xf32, #tpu.memory_space<vmem>>)
    %add3A_313 = arith.constant 384 : i32
    %add3A_314 = arith.addi %multiple_of3A, %add3A_313 : i32
    %dma_start3A_315 = arith.constant 1 : i32
    %dma_start3A_316 = arith.constant 0 : i32
    %dma_start3A_317 = arith.constant 0 : i32
    %dma_start3A_318 = tpu.memref_slice %arg8[%dma_start3A_315, %dma_start3A_316, %dma_start3A_317] : memref<4x128x64xf32, #tpu.memory_space<vmem>> -> memref<1x128x64xf32, #tpu.memory_space<vmem>>
    %dma_start3A_319 = tpu.memref_squeeze %dma_start3A_318 : memref<1x128x64xf32, #tpu.memory_space<vmem>> -> memref<128x64xf32, #tpu.memory_space<vmem>>
    %dma_start3A_320 = arith.constant 0 : i32
    %dma_start3A_321 = tpu.memref_slice %arg9[%add3A_314, %dma_start3A_320] : memref<10112x64xf32, #tpu.memory_space<vmem_shared>> -> memref<128x64xf32, #tpu.memory_space<vmem_shared>>
    %dma_start3A_322 = arith.constant 0 : i32
    %dma_start3A_323 = arith.constant 0 : i32
    %dma_start3A_324 = tpu.memref_slice %arg8[%dma_start3A_315, %dma_start3A_322, %dma_start3A_323] : memref<4x128x64xf32, #tpu.memory_space<vmem>> -> memref<1x128x64xf32, #tpu.memory_space<vmem>>
    %dma_start3A_325 = tpu.memref_squeeze %dma_start3A_324 : memref<1x128x64xf32, #tpu.memory_space<vmem>> -> memref<128x64xf32, #tpu.memory_space<vmem>>
    %dma_start3A_326 = arith.constant 0 : i32
    %dma_start3A_327 = tpu.memref_slice %arg9[%add3A_314, %dma_start3A_326] : memref<10112x64xf32, #tpu.memory_space<vmem_shared>> -> memref<128x64xf32, #tpu.memory_space<vmem_shared>>
    tpu.enqueue_dma source(%dma_start3A_327 : memref<128x64xf32, #tpu.memory_space<vmem_shared>>) target(%dma_start3A_325 : memref<128x64xf32, #tpu.memory_space<vmem>>) target_semaphore(%arg11 : memref<!tpu.dma_semaphore, #tpu.memory_space<semaphore_mem>>)
    %add3A_328 = arith.constant 256 : i32
    %add3A_329 = arith.addi %multiple_of3A, %add3A_328 : i32
    %run_scoped3A_330 = arith.constant 0 : i32
    "tpu.region"() ({
      %run_scoped3A_390 = tpu.sem_alloc : memref<!tpu.dma_semaphore, #tpu.memory_space<semaphore_mem>>
      %dma_start3A_391 = arith.constant 0 : i32
      %dma_start3A_392 = arith.constant 0 : i32
      %dma_start3A_393 = tpu.memref_slice %arg8[%run_scoped3A_330, %dma_start3A_391, %dma_start3A_392] : memref<4x128x64xf32, #tpu.memory_space<vmem>> -> memref<1x128x64xf32, #tpu.memory_space<vmem>>
      %dma_start3A_394 = tpu.memref_squeeze %dma_start3A_393 : memref<1x128x64xf32, #tpu.memory_space<vmem>> -> memref<128x64xf32, #tpu.memory_space<vmem>>
      %dma_start3A_395 = arith.constant 0 : i32
      %dma_start3A_396 = tpu.memref_slice %arg5[%arg0, %add3A_329, %dma_start3A_395] : memref<2x10112x64xf32, #tpu.memory_space<hbm>> -> memref<1x128x64xf32, #tpu.memory_space<hbm>>
      %dma_start3A_397 = tpu.memref_squeeze %dma_start3A_396 : memref<1x128x64xf32, #tpu.memory_space<hbm>> -> memref<128x64xf32, #tpu.memory_space<hbm>>
      %dma_start3A_398 = arith.constant 0 : i32
      %dma_start3A_399 = tpu.memref_slice %arg5[%arg0, %add3A_329, %dma_start3A_398] : memref<2x10112x64xf32, #tpu.memory_space<hbm>> -> memref<1x128x64xf32, #tpu.memory_space<hbm>>
      %dma_start3A_400 = tpu.memref_squeeze %dma_start3A_399 : memref<1x128x64xf32, #tpu.memory_space<hbm>> -> memref<128x64xf32, #tpu.memory_space<hbm>>
      %dma_start3A_401 = arith.constant 0 : i32
      %dma_start3A_402 = arith.constant 0 : i32
      %dma_start3A_403 = tpu.memref_slice %arg8[%run_scoped3A_330, %dma_start3A_401, %dma_start3A_402] : memref<4x128x64xf32, #tpu.memory_space<vmem>> -> memref<1x128x64xf32, #tpu.memory_space<vmem>>
      %dma_start3A_404 = tpu.memref_squeeze %dma_start3A_403 : memref<1x128x64xf32, #tpu.memory_space<vmem>> -> memref<128x64xf32, #tpu.memory_space<vmem>>
      tpu.enqueue_dma source(%dma_start3A_404 : memref<128x64xf32, #tpu.memory_space<vmem>>) target(%dma_start3A_400 : memref<128x64xf32, #tpu.memory_space<hbm>>) target_semaphore(%run_scoped3A_390 : memref<!tpu.dma_semaphore, #tpu.memory_space<semaphore_mem>>)
      %dma_wait3A_405 = arith.constant 0 : i32
      %dma_wait3A_406 = arith.constant 0 : i32
      %dma_wait3A_407 = tpu.memref_slice %arg8[%run_scoped3A_330, %dma_wait3A_405, %dma_wait3A_406] : memref<4x128x64xf32, #tpu.memory_space<vmem>> -> memref<1x128x64xf32, #tpu.memory_space<vmem>>
      %dma_wait3A_408 = tpu.memref_squeeze %dma_wait3A_407 : memref<1x128x64xf32, #tpu.memory_space<vmem>> -> memref<128x64xf32, #tpu.memory_space<vmem>>
      %dma_wait3A_409 = arith.constant 0 : i32
      %dma_wait3A_410 = tpu.memref_slice %arg5[%arg0, %add3A_329, %dma_wait3A_409] : memref<2x10112x64xf32, #tpu.memory_space<hbm>> -> memref<1x128x64xf32, #tpu.memory_space<hbm>>
      %dma_wait3A_411 = tpu.memref_squeeze %dma_wait3A_410 : memref<1x128x64xf32, #tpu.memory_space<hbm>> -> memref<128x64xf32, #tpu.memory_space<hbm>>
      %dma_wait3A_412 = arith.constant 0 : i32
      %dma_wait3A_413 = tpu.memref_slice %arg5[%arg0, %add3A_329, %dma_wait3A_412] : memref<2x10112x64xf32, #tpu.memory_space<hbm>> -> memref<1x128x64xf32, #tpu.memory_space<hbm>>
      %dma_wait3A_414 = tpu.memref_squeeze %dma_wait3A_413 : memref<1x128x64xf32, #tpu.memory_space<hbm>> -> memref<128x64xf32, #tpu.memory_space<hbm>>
      %dma_wait3A_415 = arith.constant 0 : i32
      %dma_wait3A_416 = arith.constant 0 : i32
      %dma_wait3A_417 = tpu.memref_slice %arg8[%run_scoped3A_330, %dma_wait3A_415, %dma_wait3A_416] : memref<4x128x64xf32, #tpu.memory_space<vmem>> -> memref<1x128x64xf32, #tpu.memory_space<vmem>>
      %dma_wait3A_418 = tpu.memref_squeeze %dma_wait3A_417 : memref<1x128x64xf32, #tpu.memory_space<vmem>> -> memref<128x64xf32, #tpu.memory_space<vmem>>
      tpu.wait_dma2 semaphore(%run_scoped3A_390 : memref<!tpu.dma_semaphore, #tpu.memory_space<semaphore_mem>>) src(%dma_wait3A_418 : memref<128x64xf32, #tpu.memory_space<vmem>>) dst(%dma_wait3A_414 : memref<128x64xf32, #tpu.memory_space<hbm>>)
      tpu.yield
    }) : () -> ()
    %dma_wait3A_331 = arith.constant 1 : i32
    %dma_wait3A_332 = arith.constant 0 : i32
    %dma_wait3A_333 = arith.constant 0 : i32
    %dma_wait3A_334 = tpu.memref_slice %arg8[%dma_wait3A_331, %dma_wait3A_332, %dma_wait3A_333] : memref<4x128x64xf32, #tpu.memory_space<vmem>> -> memref<1x128x64xf32, #tpu.memory_space<vmem>>
    %dma_wait3A_335 = tpu.memref_squeeze %dma_wait3A_334 : memref<1x128x64xf32, #tpu.memory_space<vmem>> -> memref<128x64xf32, #tpu.memory_space<vmem>>
    %dma_wait3A_336 = arith.constant 0 : i32
    %dma_wait3A_337 = tpu.memref_slice %arg9[%multiple_of3A, %dma_wait3A_336] : memref<10112x64xf32, #tpu.memory_space<vmem_shared>> -> memref<128x64xf32, #tpu.memory_space<vmem_shared>>
    %dma_wait3A_338 = arith.constant 0 : i32
    %dma_wait3A_339 = arith.constant 0 : i32
    %dma_wait3A_340 = tpu.memref_slice %arg8[%dma_wait3A_331, %dma_wait3A_338, %dma_wait3A_339] : memref<4x128x64xf32, #tpu.memory_space<vmem>> -> memref<1x128x64xf32, #tpu.memory_space<vmem>>
    %dma_wait3A_341 = tpu.memref_squeeze %dma_wait3A_340 : memref<1x128x64xf32, #tpu.memory_space<vmem>> -> memref<128x64xf32, #tpu.memory_space<vmem>>
    %dma_wait3A_342 = arith.constant 0 : i32
    %dma_wait3A_343 = tpu.memref_slice %arg9[%multiple_of3A, %dma_wait3A_342] : memref<10112x64xf32, #tpu.memory_space<vmem_shared>> -> memref<128x64xf32, #tpu.memory_space<vmem_shared>>
    tpu.wait_dma2 semaphore(%arg11 : memref<!tpu.dma_semaphore, #tpu.memory_space<semaphore_mem>>) src(%dma_wait3A_343 : memref<128x64xf32, #tpu.memory_space<vmem_shared>>) dst(%dma_wait3A_341 : memref<128x64xf32, #tpu.memory_space<vmem>>)
    %add3A_344 = arith.constant 512 : i32
    %add3A_345 = arith.addi %multiple_of3A, %add3A_344 : i32
    %dma_start3A_346 = arith.constant 0 : i32
    %dma_start3A_347 = arith.constant 0 : i32
    %dma_start3A_348 = arith.constant 0 : i32
    %dma_start3A_349 = tpu.memref_slice %arg8[%dma_start3A_346, %dma_start3A_347, %dma_start3A_348] : memref<4x128x64xf32, #tpu.memory_space<vmem>> -> memref<1x128x64xf32, #tpu.memory_space<vmem>>
    %dma_start3A_350 = tpu.memref_squeeze %dma_start3A_349 : memref<1x128x64xf32, #tpu.memory_space<vmem>> -> memref<128x64xf32, #tpu.memory_space<vmem>>
    %dma_start3A_351 = arith.constant 0 : i32
    %dma_start3A_352 = arith.constant 0 : i32
    %dma_start3A_353 = tpu.memref_slice %dma_start3A_350[%dma_start3A_351, %dma_start3A_352] : memref<128x64xf32, #tpu.memory_space<vmem>> -> memref<120x64xf32, #tpu.memory_space<vmem>>
    %dma_start3A_354 = arith.constant 0 : i32
    %dma_start3A_355 = tpu.memref_slice %arg9[%add3A_345, %dma_start3A_354] : memref<10112x64xf32, #tpu.memory_space<vmem_shared>> -> memref<120x64xf32, #tpu.memory_space<vmem_shared>>
    %dma_start3A_356 = arith.constant 0 : i32
    %dma_start3A_357 = arith.constant 0 : i32
    %dma_start3A_358 = tpu.memref_slice %arg8[%dma_start3A_346, %dma_start3A_356, %dma_start3A_357] : memref<4x128x64xf32, #tpu.memory_space<vmem>> -> memref<1x128x64xf32, #tpu.memory_space<vmem>>
    %dma_start3A_359 = tpu.memref_squeeze %dma_start3A_358 : memref<1x128x64xf32, #tpu.memory_space<vmem>> -> memref<128x64xf32, #tpu.memory_space<vmem>>
    %dma_start3A_360 = arith.constant 0 : i32
    %dma_start3A_361 = arith.constant 0 : i32
    %dma_start3A_362 = tpu.memref_slice %dma_start3A_359[%dma_start3A_360, %dma_start3A_361] : memref<128x64xf32, #tpu.memory_space<vmem>> -> memref<120x64xf32, #tpu.memory_space<vmem>>
    %dma_start3A_363 = arith.constant 0 : i32
    %dma_start3A_364 = tpu.memref_slice %arg9[%add3A_345, %dma_start3A_363] : memref<10112x64xf32, #tpu.memory_space<vmem_shared>> -> memref<120x64xf32, #tpu.memory_space<vmem_shared>>
    tpu.enqueue_dma source(%dma_start3A_364 : memref<120x64xf32, #tpu.memory_space<vmem_shared>>) target(%dma_start3A_362 : memref<120x64xf32, #tpu.memory_space<vmem>>) target_semaphore(%arg10 : memref<!tpu.dma_semaphore, #tpu.memory_space<semaphore_mem>>)
    %add3A_365 = arith.constant 384 : i32
    %add3A_366 = arith.addi %multiple_of3A, %add3A_365 : i32
    %run_scoped3A_367 = arith.constant 1 : i32
    "tpu.region"() ({
      %run_scoped3A_390 = tpu.sem_alloc : memref<!tpu.dma_semaphore, #tpu.memory_space<semaphore_mem>>
      %dma_start3A_391 = arith.constant 0 : i32
      %dma_start3A_392 = arith.constant 0 : i32
      %dma_start3A_393 = tpu.memref_slice %arg8[%run_scoped3A_367, %dma_start3A_391, %dma_start3A_392] : memref<4x128x64xf32, #tpu.memory_space<vmem>> -> memref<1x128x64xf32, #tpu.memory_space<vmem>>
      %dma_start3A_394 = tpu.memref_squeeze %dma_start3A_393 : memref<1x128x64xf32, #tpu.memory_space<vmem>> -> memref<128x64xf32, #tpu.memory_space<vmem>>
      %dma_start3A_395 = arith.constant 0 : i32
      %dma_start3A_396 = tpu.memref_slice %arg5[%arg0, %add3A_366, %dma_start3A_395] : memref<2x10112x64xf32, #tpu.memory_space<hbm>> -> memref<1x128x64xf32, #tpu.memory_space<hbm>>
      %dma_start3A_397 = tpu.memref_squeeze %dma_start3A_396 : memref<1x128x64xf32, #tpu.memory_space<hbm>> -> memref<128x64xf32, #tpu.memory_space<hbm>>
      %dma_start3A_398 = arith.constant 0 : i32
      %dma_start3A_399 = tpu.memref_slice %arg5[%arg0, %add3A_366, %dma_start3A_398] : memref<2x10112x64xf32, #tpu.memory_space<hbm>> -> memref<1x128x64xf32, #tpu.memory_space<hbm>>
      %dma_start3A_400 = tpu.memref_squeeze %dma_start3A_399 : memref<1x128x64xf32, #tpu.memory_space<hbm>> -> memref<128x64xf32, #tpu.memory_space<hbm>>
      %dma_start3A_401 = arith.constant 0 : i32
      %dma_start3A_402 = arith.constant 0 : i32
      %dma_start3A_403 = tpu.memref_slice %arg8[%run_scoped3A_367, %dma_start3A_401, %dma_start3A_402] : memref<4x128x64xf32, #tpu.memory_space<vmem>> -> memref<1x128x64xf32, #tpu.memory_space<vmem>>
      %dma_start3A_404 = tpu.memref_squeeze %dma_start3A_403 : memref<1x128x64xf32, #tpu.memory_space<vmem>> -> memref<128x64xf32, #tpu.memory_space<vmem>>
      tpu.enqueue_dma source(%dma_start3A_404 : memref<128x64xf32, #tpu.memory_space<vmem>>) target(%dma_start3A_400 : memref<128x64xf32, #tpu.memory_space<hbm>>) target_semaphore(%run_scoped3A_390 : memref<!tpu.dma_semaphore, #tpu.memory_space<semaphore_mem>>)
      %dma_wait3A_405 = arith.constant 0 : i32
      %dma_wait3A_406 = arith.constant 0 : i32
      %dma_wait3A_407 = tpu.memref_slice %arg8[%run_scoped3A_367, %dma_wait3A_405, %dma_wait3A_406] : memref<4x128x64xf32, #tpu.memory_space<vmem>> -> memref<1x128x64xf32, #tpu.memory_space<vmem>>
      %dma_wait3A_408 = tpu.memref_squeeze %dma_wait3A_407 : memref<1x128x64xf32, #tpu.memory_space<vmem>> -> memref<128x64xf32, #tpu.memory_space<vmem>>
      %dma_wait3A_409 = arith.constant 0 : i32
      %dma_wait3A_410 = tpu.memref_slice %arg5[%arg0, %add3A_366, %dma_wait3A_409] : memref<2x10112x64xf32, #tpu.memory_space<hbm>> -> memref<1x128x64xf32, #tpu.memory_space<hbm>>
      %dma_wait3A_411 = tpu.memref_squeeze %dma_wait3A_410 : memref<1x128x64xf32, #tpu.memory_space<hbm>> -> memref<128x64xf32, #tpu.memory_space<hbm>>
      %dma_wait3A_412 = arith.constant 0 : i32
      %dma_wait3A_413 = tpu.memref_slice %arg5[%arg0, %add3A_366, %dma_wait3A_412] : memref<2x10112x64xf32, #tpu.memory_space<hbm>> -> memref<1x128x64xf32, #tpu.memory_space<hbm>>
      %dma_wait3A_414 = tpu.memref_squeeze %dma_wait3A_413 : memref<1x128x64xf32, #tpu.memory_space<hbm>> -> memref<128x64xf32, #tpu.memory_space<hbm>>
      %dma_wait3A_415 = arith.constant 0 : i32
      %dma_wait3A_416 = arith.constant 0 : i32
      %dma_wait3A_417 = tpu.memref_slice %arg8[%run_scoped3A_367, %dma_wait3A_415, %dma_wait3A_416] : memref<4x128x64xf32, #tpu.memory_space<vmem>> -> memref<1x128x64xf32, #tpu.memory_space<vmem>>
      %dma_wait3A_418 = tpu.memref_squeeze %dma_wait3A_417 : memref<1x128x64xf32, #tpu.memory_space<vmem>> -> memref<128x64xf32, #tpu.memory_space<vmem>>
      tpu.wait_dma2 semaphore(%run_scoped3A_390 : memref<!tpu.dma_semaphore, #tpu.memory_space<semaphore_mem>>) src(%dma_wait3A_418 : memref<128x64xf32, #tpu.memory_space<vmem>>) dst(%dma_wait3A_414 : memref<128x64xf32, #tpu.memory_space<hbm>>)
      tpu.yield
    }) : () -> ()
    %dma_wait3A_368 = arith.constant 0 : i32
    %dma_wait3A_369 = arith.constant 0 : i32
    %dma_wait3A_370 = arith.constant 0 : i32
    %dma_wait3A_371 = tpu.memref_slice %arg8[%dma_wait3A_368, %dma_wait3A_369, %dma_wait3A_370] : memref<4x128x64xf32, #tpu.memory_space<vmem>> -> memref<1x128x64xf32, #tpu.memory_space<vmem>>
    %dma_wait3A_372 = tpu.memref_squeeze %dma_wait3A_371 : memref<1x128x64xf32, #tpu.memory_space<vmem>> -> memref<128x64xf32, #tpu.memory_space<vmem>>
    %dma_wait3A_373 = arith.constant 0 : i32
    %dma_wait3A_374 = arith.constant 0 : i32
    %dma_wait3A_375 = tpu.memref_slice %dma_wait3A_372[%dma_wait3A_373, %dma_wait3A_374] : memref<128x64xf32, #tpu.memory_space<vmem>> -> memref<120x64xf32, #tpu.memory_space<vmem>>
    %dma_wait3A_376 = arith.constant 0 : i32
    %dma_wait3A_377 = tpu.memref_slice %arg9[%multiple_of3A, %dma_wait3A_376] : memref<10112x64xf32, #tpu.memory_space<vmem_shared>> -> memref<120x64xf32, #tpu.memory_space<vmem_shared>>
    %dma_wait3A_378 = arith.constant 0 : i32
    %dma_wait3A_379 = arith.constant 0 : i32
    %dma_wait3A_380 = tpu.memref_slice %arg8[%dma_wait3A_368, %dma_wait3A_378, %dma_wait3A_379] : memref<4x128x64xf32, #tpu.memory_space<vmem>> -> memref<1x128x64xf32, #tpu.memory_space<vmem>>
    %dma_wait3A_381 = tpu.memref_squeeze %dma_wait3A_380 : memref<1x128x64xf32, #tpu.memory_space<vmem>> -> memref<128x64xf32, #tpu.memory_space<vmem>>
    %dma_wait3A_382 = arith.constant 0 : i32
    %dma_wait3A_383 = arith.constant 0 : i32
    %dma_wait3A_384 = tpu.memref_slice %dma_wait3A_381[%dma_wait3A_382, %dma_wait3A_383] : memref<128x64xf32, #tpu.memory_space<vmem>> -> memref<120x64xf32, #tpu.memory_space<vmem>>
    %dma_wait3A_385 = arith.constant 0 : i32
    %dma_wait3A_386 = tpu.memref_slice %arg9[%multiple_of3A, %dma_wait3A_385] : memref<10112x64xf32, #tpu.memory_space<vmem_shared>> -> memref<120x64xf32, #tpu.memory_space<vmem_shared>>
    tpu.wait_dma2 semaphore(%arg10 : memref<!tpu.dma_semaphore, #tpu.memory_space<semaphore_mem>>) src(%dma_wait3A_386 : memref<120x64xf32, #tpu.memory_space<vmem_shared>>) dst(%dma_wait3A_384 : memref<120x64xf32, #tpu.memory_space<vmem>>)
    %add3A_387 = arith.constant 512 : i32
    %add3A_388 = arith.addi %multiple_of3A, %add3A_387 : i32
    %run_scoped3A_389 = arith.constant 0 : i32
    "tpu.region"() ({
      %run_scoped3A_390 = tpu.sem_alloc : memref<!tpu.dma_semaphore, #tpu.memory_space<semaphore_mem>>
      %dma_start3A_391 = arith.constant 0 : i32
      %dma_start3A_392 = arith.constant 0 : i32
      %dma_start3A_393 = tpu.memref_slice %arg8[%run_scoped3A_389, %dma_start3A_391, %dma_start3A_392] : memref<4x128x64xf32, #tpu.memory_space<vmem>> -> memref<1x128x64xf32, #tpu.memory_space<vmem>>
      %dma_start3A_394 = tpu.memref_squeeze %dma_start3A_393 : memref<1x128x64xf32, #tpu.memory_space<vmem>> -> memref<128x64xf32, #tpu.memory_space<vmem>>
      %dma_start3A_395 = arith.constant 0 : i32
      %dma_start3A_396 = arith.constant 0 : i32
      %dma_start3A_397 = tpu.memref_slice %dma_start3A_394[%dma_start3A_395, %dma_start3A_396] : memref<128x64xf32, #tpu.memory_space<vmem>> -> memref<120x64xf32, #tpu.memory_space<vmem>>
      %dma_start3A_398 = arith.constant 0 : i32
      %dma_start3A_399 = tpu.memref_slice %arg5[%arg0, %add3A_388, %dma_start3A_398] : memref<2x10112x64xf32, #tpu.memory_space<hbm>> -> memref<1x120x64xf32, #tpu.memory_space<hbm>>
      %dma_start3A_400 = tpu.memref_squeeze %dma_start3A_399 : memref<1x120x64xf32, #tpu.memory_space<hbm>> -> memref<120x64xf32, #tpu.memory_space<hbm>>
      %dma_start3A_401 = arith.constant 0 : i32
      %dma_start3A_402 = tpu.memref_slice %arg5[%arg0, %add3A_388, %dma_start3A_401] : memref<2x10112x64xf32, #tpu.memory_space<hbm>> -> memref<1x120x64xf32, #tpu.memory_space<hbm>>
      %dma_start3A_403 = tpu.memref_squeeze %dma_start3A_402 : memref<1x120x64xf32, #tpu.memory_space<hbm>> -> memref<120x64xf32, #tpu.memory_space<hbm>>
      %dma_start3A_404 = arith.constant 0 : i32
      %dma_start3A_405 = arith.constant 0 : i32
      %dma_start3A_406 = tpu.memref_slice %arg8[%run_scoped3A_389, %dma_start3A_404, %dma_start3A_405] : memref<4x128x64xf32, #tpu.memory_space<vmem>> -> memref<1x128x64xf32, #tpu.memory_space<vmem>>
      %dma_start3A_407 = tpu.memref_squeeze %dma_start3A_406 : memref<1x128x64xf32, #tpu.memory_space<vmem>> -> memref<128x64xf32, #tpu.memory_space<vmem>>
      %dma_start3A_408 = arith.constant 0 : i32
      %dma_start3A_409 = arith.constant 0 : i32
      %dma_start3A_410 = tpu.memref_slice %dma_start3A_407[%dma_start3A_408, %dma_start3A_409] : memref<128x64xf32, #tpu.memory_space<vmem>> -> memref<120x64xf32, #tpu.memory_space<vmem>>
      tpu.enqueue_dma source(%dma_start3A_410 : memref<120x64xf32, #tpu.memory_space<vmem>>) target(%dma_start3A_403 : memref<120x64xf32, #tpu.memory_space<hbm>>) target_semaphore(%run_scoped3A_390 : memref<!tpu.dma_semaphore, #tpu.memory_space<semaphore_mem>>)
      %dma_wait3A_411 = arith.constant 0 : i32
      %dma_wait3A_412 = arith.constant 0 : i32
      %dma_wait3A_413 = tpu.memref_slice %arg8[%run_scoped3A_389, %dma_wait3A_411, %dma_wait3A_412] : memref<4x128x64xf32, #tpu.memory_space<vmem>> -> memref<1x128x64xf32, #tpu.memory_space<vmem>>
      %dma_wait3A_414 = tpu.memref_squeeze %dma_wait3A_413 : memref<1x128x64xf32, #tpu.memory_space<vmem>> -> memref<128x64xf32, #tpu.memory_space<vmem>>
      %dma_wait3A_415 = arith.constant 0 : i32
      %dma_wait3A_416 = arith.constant 0 : i32
      %dma_wait3A_417 = tpu.memref_slice %dma_wait3A_414[%dma_wait3A_415, %dma_wait3A_416] : memref<128x64xf32, #tpu.memory_space<vmem>> -> memref<120x64xf32, #tpu.memory_space<vmem>>
      %dma_wait3A_418 = arith.constant 0 : i32
      %dma_wait3A_419 = tpu.memref_slice %arg5[%arg0, %add3A_388, %dma_wait3A_418] : memref<2x10112x64xf32, #tpu.memory_space<hbm>> -> memref<1x120x64xf32, #tpu.memory_space<hbm>>
      %dma_wait3A_420 = tpu.memref_squeeze %dma_wait3A_419 : memref<1x120x64xf32, #tpu.memory_space<hbm>> -> memref<120x64xf32, #tpu.memory_space<hbm>>
      %dma_wait3A_421 = arith.constant 0 : i32
      %dma_wait3A_422 = tpu.memref_slice %arg5[%arg0, %add3A_388, %dma_wait3A_421] : memref<2x10112x64xf32, #tpu.memory_space<hbm>> -> memref<1x120x64xf32, #tpu.memory_space<hbm>>
      %dma_wait3A_423 = tpu.memref_squeeze %dma_wait3A_422 : memref<1x120x64xf32, #tpu.memory_space<hbm>> -> memref<120x64xf32, #tpu.memory_space<hbm>>
      %dma_wait3A_424 = arith.constant 0 : i32
      %dma_wait3A_425 = arith.constant 0 : i32
      %dma_wait3A_426 = tpu.memref_slice %arg8[%run_scoped3A_389, %dma_wait3A_424, %dma_wait3A_425] : memref<4x128x64xf32, #tpu.memory_space<vmem>> -> memref<1x128x64xf32, #tpu.memory_space<vmem>>
      %dma_wait3A_427 = tpu.memref_squeeze %dma_wait3A_426 : memref<1x128x64xf32, #tpu.memory_space<vmem>> -> memref<128x64xf32, #tpu.memory_space<vmem>>
      %dma_wait3A_428 = arith.constant 0 : i32
      %dma_wait3A_429 = arith.constant 0 : i32
      %dma_wait3A_430 = tpu.memref_slice %dma_wait3A_427[%dma_wait3A_428, %dma_wait3A_429] : memref<128x64xf32, #tpu.memory_space<vmem>> -> memref<120x64xf32, #tpu.memory_space<vmem>>
      tpu.wait_dma2 semaphore(%run_scoped3A_390 : memref<!tpu.dma_semaphore, #tpu.memory_space<semaphore_mem>>) src(%dma_wait3A_430 : memref<120x64xf32, #tpu.memory_space<vmem>>) dst(%dma_wait3A_423 : memref<120x64xf32, #tpu.memory_space<hbm>>)
      tpu.yield
    }) : () -> ()
    return
  }
}

module attributes {stable_mosaic.version = 14 : i64} {
  func.func @body(%arg0: memref<10000x128xf32, #tpu.memory_space<vmem>>, %arg1: memref<128x128xf32, #tpu.memory_space<vmem>>, %arg2: memref<2x10000x1xf32, #tpu.memory_space<vmem>>, %arg3: memref<10000x128xf32, #tpu.memory_space<vmem>>, %arg4: memref<2x10000x64xf32, #tpu.memory_space<vmem>>, %arg5: memref<10000x1xf32, #tpu.memory_space<vmem>>) attributes {dimension_semantics = [], scalar_prefetch = 0 : i64, scratch_operands = 0 : i64, tpu.core_type = #tpu.core_type<tc>} {
    %get3A = arith.constant 0 : index
    %get3A_0 = arith.constant 0 : index
    %get3A_1 = arith.constant 0 : index
    %get3A_2 = vector.load %arg2[%get3A, %get3A_0, %get3A_1] : memref<2x10000x1xf32, #tpu.memory_space<vmem>>, vector<1x10000x1xf32>
    %get3A_3 = vector.shape_cast %get3A_2 : vector<1x10000x1xf32> to vector<10000x1xf32>
    %get3A_4 = arith.constant 1 : index
    %get3A_5 = arith.constant 0 : index
    %get3A_6 = arith.constant 0 : index
    %get3A_7 = vector.load %arg2[%get3A_4, %get3A_5, %get3A_6] : memref<2x10000x1xf32, #tpu.memory_space<vmem>>, vector<1x10000x1xf32>
    %get3A_8 = vector.shape_cast %get3A_7 : vector<1x10000x1xf32> to vector<10000x1xf32>
    %add3A = arith.addf %get3A_3, %get3A_8 : vector<10000x1xf32>
    %add3A_9 = arith.constant 1.000000e+00 : f32
    %add3A_10 = vector.broadcast %add3A_9 : f32 to vector<10000x1xf32>
    %add3A_11 = arith.addf %add3A, %add3A_10 : vector<10000x1xf32>
    %rsqrt3A = math.rsqrt %add3A_11 : vector<10000x1xf32>
    %get3A_12 = arith.constant 0 : index
    %get3A_13 = arith.constant 0 : index
    %get3A_14 = vector.load %arg0[%get3A_12, %get3A_13] : memref<10000x128xf32, #tpu.memory_space<vmem>>, vector<10000x128xf32>
    %get3A_15 = arith.constant 0 : index
    %get3A_16 = arith.constant 0 : index
    %get3A_17 = vector.load %arg1[%get3A_15, %get3A_16] : memref<128x128xf32, #tpu.memory_space<vmem>>, vector<128x128xf32>
    %dot_general3A = arith.constant dense<0.000000e+00> : vector<10000x128xf32>
    %dot_general3A_18 = tpu.matmul %get3A_14, %get3A_17, %dot_general3A {dimension_numbers = #tpu.dot_dimension_numbers<[1], [0], [0], [1], [0, 0, 1, 1], [], []>, precision = #tpu.contract_precision<fp32>, transpose_lhs_hint = false} : vector<10000x128xf32>, vector<128x128xf32>, vector<10000x128xf32> -> vector<10000x128xf32>
    %swap3A = arith.constant 0 : index
    %swap3A_19 = arith.constant 0 : index
    %swap3A_20 = vector.load %arg3[%swap3A, %swap3A_19] : memref<10000x128xf32, #tpu.memory_space<vmem>>, vector<10000x128xf32>
    tpu.vector_store %arg3[%swap3A, %swap3A_19], %dot_general3A_18 {strides = array<i32>} : memref<10000x128xf32, #tpu.memory_space<vmem>>, vector<10000x128xf32>,
    %mul3A = vector.broadcast %rsqrt3A : vector<10000x1xf32> to vector<10000x128xf32>
    %mul3A_21 = arith.mulf %dot_general3A_18, %mul3A : vector<10000x128xf32>
    %slice3A = vector.extract_strided_slice %mul3A_21 {offsets = [0, 0], sizes = [10000, 64], strides = [1, 1]} : vector<10000x128xf32> to vector<10000x64xf32>
    %swap3A_22 = arith.constant 0 : index
    %swap3A_23 = arith.constant 0 : index
    %swap3A_24 = arith.constant 0 : index
    %swap3A_25 = vector.load %arg4[%swap3A_22, %swap3A_23, %swap3A_24] : memref<2x10000x64xf32, #tpu.memory_space<vmem>>, vector<1x10000x64xf32>
    %swap3A_26 = vector.shape_cast %swap3A_25 : vector<1x10000x64xf32> to vector<10000x64xf32>
    %swap3A_27 = vector.shape_cast %slice3A : vector<10000x64xf32> to vector<1x10000x64xf32>
    tpu.vector_store %arg4[%swap3A_22, %swap3A_23, %swap3A_24], %swap3A_27 {strides = array<i32>} : memref<2x10000x64xf32, #tpu.memory_space<vmem>>, vector<1x10000x64xf32>,
    %slice3A_28 = vector.extract_strided_slice %mul3A_21 {offsets = [0, 64], sizes = [10000, 64], strides = [1, 1]} : vector<10000x128xf32> to vector<10000x64xf32>
    %swap3A_29 = arith.constant 1 : index
    %swap3A_30 = arith.constant 0 : index
    %swap3A_31 = arith.constant 0 : index
    %swap3A_32 = vector.load %arg4[%swap3A_29, %swap3A_30, %swap3A_31] : memref<2x10000x64xf32, #tpu.memory_space<vmem>>, vector<1x10000x64xf32>
    %swap3A_33 = vector.shape_cast %swap3A_32 : vector<1x10000x64xf32> to vector<10000x64xf32>
    %swap3A_34 = vector.shape_cast %slice3A_28 : vector<10000x64xf32> to vector<1x10000x64xf32>
    tpu.vector_store %arg4[%swap3A_29, %swap3A_30, %swap3A_31], %swap3A_34 {strides = array<i32>} : memref<2x10000x64xf32, #tpu.memory_space<vmem>>, vector<1x10000x64xf32>,
    %swap3A_35 = arith.constant 0 : index
    %swap3A_36 = arith.constant 0 : index
    %swap3A_37 = vector.load %arg5[%swap3A_35, %swap3A_36] : memref<10000x1xf32, #tpu.memory_space<vmem>>, vector<10000x1xf32>
    tpu.vector_store %arg5[%swap3A_35, %swap3A_36], %rsqrt3A {strides = array<i32>} : memref<10000x1xf32, #tpu.memory_space<vmem>>, vector<10000x1xf32>,
    return
  }
}

module attributes {stable_mosaic.version = 14 : i64} {
  func.func @body(%arg0: memref<2x10112x64xf32, #tpu.memory_space<vmem>>, %arg1: memref<10000x128xf32, #tpu.memory_space<vmem>>, %arg2: memref<10000x1xf32, #tpu.memory_space<vmem>>, %arg3: memref<1x128xf32, #tpu.memory_space<vmem>>, %arg4: memref<1x128xf32, #tpu.memory_space<vmem>>, %arg5: memref<1x128xf32, #tpu.memory_space<vmem>>, %arg6: memref<128x128xf32, #tpu.memory_space<vmem>>, %arg7: memref<10000x128xf32, #tpu.memory_space<vmem>>, %arg8: memref<2x10000x64xf32, #tpu.memory_space<vmem>>) attributes {dimension_semantics = [], scalar_prefetch = 0 : i64, scratch_operands = 0 : i64, tpu.core_type = #tpu.core_type<tc>} {
    %get3A = arith.constant 0 : index
    %get3A_0 = arith.constant 0 : index
    %get3A_1 = vector.load %arg2[%get3A, %get3A_0] : memref<10000x1xf32, #tpu.memory_space<vmem>>, vector<10000x1xf32>
    %get3A_2 = arith.constant 0 : index
    %get3A_3 = arith.constant 0 : index
    %get3A_4 = arith.constant 0 : index
    %get3A_5 = vector.load %arg0[%get3A_2, %get3A_3, %get3A_4] : memref<2x10112x64xf32, #tpu.memory_space<vmem>>, vector<1x10000x64xf32>
    %get3A_6 = vector.shape_cast %get3A_5 : vector<1x10000x64xf32> to vector<10000x64xf32>
    %get3A_7 = arith.constant 1 : index
    %get3A_8 = arith.constant 0 : index
    %get3A_9 = arith.constant 0 : index
    %get3A_10 = vector.load %arg0[%get3A_7, %get3A_8, %get3A_9] : memref<2x10112x64xf32, #tpu.memory_space<vmem>>, vector<1x10000x64xf32>
    %get3A_11 = vector.shape_cast %get3A_10 : vector<1x10000x64xf32> to vector<10000x64xf32>
    %concatenate3A = tpu.concatenate %get3A_6, %get3A_11 in 1 : vector<10000x64xf32>, vector<10000x64xf32> -> vector<10000x128xf32>
    %mul3A = vector.broadcast %get3A_1 : vector<10000x1xf32> to vector<10000x128xf32>
    %mul3A_12 = arith.mulf %concatenate3A, %mul3A : vector<10000x128xf32>
    %get3A_13 = arith.constant 0 : index
    %get3A_14 = arith.constant 0 : index
    %get3A_15 = vector.load %arg1[%get3A_13, %get3A_14] : memref<10000x128xf32, #tpu.memory_space<vmem>>, vector<10000x128xf32>
    %mul3A_16 = arith.mulf %get3A_1, %get3A_1 : vector<10000x1xf32>
    %mul3A_17 = vector.broadcast %mul3A_16 : vector<10000x1xf32> to vector<10000x128xf32>
    %mul3A_18 = arith.mulf %get3A_15, %mul3A_17 : vector<10000x128xf32>
    %add3A = arith.addf %mul3A_12, %mul3A_18 : vector<10000x128xf32>
    %get3A_19 = arith.constant 0 : index
    %get3A_20 = arith.constant 0 : index
    %get3A_21 = vector.load %arg3[%get3A_19, %get3A_20] : memref<1x128xf32, #tpu.memory_space<vmem>>, vector<1x128xf32>
    %add3A_22 = vector.broadcast %get3A_21 : vector<1x128xf32> to vector<10000x128xf32>
    %add3A_23 = arith.addf %add3A, %add3A_22 : vector<10000x128xf32>
    %reduce_sum3A = arith.constant dense<0.000000e+00> : vector<128xf32>
    %reduce_sum3A_24 = vector.multi_reduction <add>, %add3A_23, %reduce_sum3A [0] : vector<10000x128xf32> to vector<128xf32>
    %broadcast_in_dim3A = vector.shape_cast %reduce_sum3A_24 : vector<128xf32> to vector<1x128xf32>
    %div3A = arith.constant 1.000000e+04 : f32
    %div3A_25 = vector.broadcast %div3A : f32 to vector<1x128xf32>
    %div3A_26 = arith.divf %broadcast_in_dim3A, %div3A_25 : vector<1x128xf32>
    %sub3A = vector.broadcast %div3A_26 : vector<1x128xf32> to vector<10000x128xf32>
    %sub3A_27 = arith.subf %add3A_23, %sub3A : vector<10000x128xf32>
    %integer_pow3A = arith.mulf %sub3A_27, %sub3A_27 : vector<10000x128xf32>
    %reduce_sum3A_28 = arith.constant dense<0.000000e+00> : vector<128xf32>
    %reduce_sum3A_29 = vector.multi_reduction <add>, %integer_pow3A, %reduce_sum3A_28 [0] : vector<10000x128xf32> to vector<128xf32>
    %broadcast_in_dim3A_30 = vector.shape_cast %reduce_sum3A_29 : vector<128xf32> to vector<1x128xf32>
    %div3A_31 = arith.constant 1.000000e+04 : f32
    %div3A_32 = vector.broadcast %div3A_31 : f32 to vector<1x128xf32>
    %div3A_33 = arith.divf %broadcast_in_dim3A_30, %div3A_32 : vector<1x128xf32>
    %sub3A_34 = vector.broadcast %div3A_26 : vector<1x128xf32> to vector<10000x128xf32>
    %sub3A_35 = arith.subf %add3A_23, %sub3A_34 : vector<10000x128xf32>
    %add3A_36 = arith.constant 9.99999974E-6 : f32
    %add3A_37 = vector.broadcast %add3A_36 : f32 to vector<1x128xf32>
    %add3A_38 = arith.addf %div3A_33, %add3A_37 : vector<1x128xf32>
    %rsqrt3A = math.rsqrt %add3A_38 : vector<1x128xf32>
    %mul3A_39 = vector.broadcast %rsqrt3A : vector<1x128xf32> to vector<10000x128xf32>
    %mul3A_40 = arith.mulf %sub3A_35, %mul3A_39 : vector<10000x128xf32>
    %get3A_41 = arith.constant 0 : index
    %get3A_42 = arith.constant 0 : index
    %get3A_43 = vector.load %arg4[%get3A_41, %get3A_42] : memref<1x128xf32, #tpu.memory_space<vmem>>, vector<1x128xf32>
    %mul3A_44 = vector.broadcast %get3A_43 : vector<1x128xf32> to vector<10000x128xf32>
    %mul3A_45 = arith.mulf %mul3A_40, %mul3A_44 : vector<10000x128xf32>
    %get3A_46 = arith.constant 0 : index
    %get3A_47 = arith.constant 0 : index
    %get3A_48 = vector.load %arg5[%get3A_46, %get3A_47] : memref<1x128xf32, #tpu.memory_space<vmem>>, vector<1x128xf32>
    %add3A_49 = vector.broadcast %get3A_48 : vector<1x128xf32> to vector<10000x128xf32>
    %add3A_50 = arith.addf %mul3A_45, %add3A_49 : vector<10000x128xf32>
    %max3A = arith.constant 0.000000e+00 : f32
    %max3A_51 = vector.broadcast %max3A : f32 to vector<10000x128xf32>
    %max3A_52 = arith.maximumf %add3A_50, %max3A_51 : vector<10000x128xf32>
    %get3A_53 = arith.constant 0 : index
    %get3A_54 = arith.constant 0 : index
    %get3A_55 = vector.load %arg6[%get3A_53, %get3A_54] : memref<128x128xf32, #tpu.memory_space<vmem>>, vector<128x128xf32>
    %dot_general3A = arith.constant dense<0.000000e+00> : vector<10000x128xf32>
    %dot_general3A_56 = tpu.matmul %max3A_52, %get3A_55, %dot_general3A {dimension_numbers = #tpu.dot_dimension_numbers<[1], [0], [0], [1], [0, 0, 1, 1], [], []>, precision = #tpu.contract_precision<fp32>, transpose_lhs_hint = false} : vector<10000x128xf32>, vector<128x128xf32>, vector<10000x128xf32> -> vector<10000x128xf32>
    %swap3A = arith.constant 0 : index
    %swap3A_57 = arith.constant 0 : index
    %swap3A_58 = vector.load %arg7[%swap3A, %swap3A_57] : memref<10000x128xf32, #tpu.memory_space<vmem>>, vector<10000x128xf32>
    tpu.vector_store %arg7[%swap3A, %swap3A_57], %dot_general3A_56 {strides = array<i32>} : memref<10000x128xf32, #tpu.memory_space<vmem>>, vector<10000x128xf32>,
    %mul3A_59 = vector.broadcast %get3A_1 : vector<10000x1xf32> to vector<10000x128xf32>
    %mul3A_60 = arith.mulf %dot_general3A_56, %mul3A_59 : vector<10000x128xf32>
    %slice3A = vector.extract_strided_slice %mul3A_60 {offsets = [0, 0], sizes = [10000, 64], strides = [1, 1]} : vector<10000x128xf32> to vector<10000x64xf32>
    %swap3A_61 = arith.constant 0 : index
    %swap3A_62 = arith.constant 0 : index
    %swap3A_63 = arith.constant 0 : index
    %swap3A_64 = vector.load %arg8[%swap3A_61, %swap3A_62, %swap3A_63] : memref<2x10000x64xf32, #tpu.memory_space<vmem>>, vector<1x10000x64xf32>
    %swap3A_65 = vector.shape_cast %swap3A_64 : vector<1x10000x64xf32> to vector<10000x64xf32>
    %swap3A_66 = vector.shape_cast %slice3A : vector<10000x64xf32> to vector<1x10000x64xf32>
    tpu.vector_store %arg8[%swap3A_61, %swap3A_62, %swap3A_63], %swap3A_66 {strides = array<i32>} : memref<2x10000x64xf32, #tpu.memory_space<vmem>>, vector<1x10000x64xf32>,
    %slice3A_67 = vector.extract_strided_slice %mul3A_60 {offsets = [0, 64], sizes = [10000, 64], strides = [1, 1]} : vector<10000x128xf32> to vector<10000x64xf32>
    %swap3A_68 = arith.constant 1 : index
    %swap3A_69 = arith.constant 0 : index
    %swap3A_70 = arith.constant 0 : index
    %swap3A_71 = vector.load %arg8[%swap3A_68, %swap3A_69, %swap3A_70] : memref<2x10000x64xf32, #tpu.memory_space<vmem>>, vector<1x10000x64xf32>
    %swap3A_72 = vector.shape_cast %swap3A_71 : vector<1x10000x64xf32> to vector<10000x64xf32>
    %swap3A_73 = vector.shape_cast %slice3A_67 : vector<10000x64xf32> to vector<1x10000x64xf32>
    tpu.vector_store %arg8[%swap3A_68, %swap3A_69, %swap3A_70], %swap3A_73 {strides = array<i32>} : memref<2x10000x64xf32, #tpu.memory_space<vmem>>, vector<1x10000x64xf32>,
    return
  }
}

module attributes {stable_mosaic.version = 14 : i64} {
  func.func @body(%arg0: memref<2x10112x64xf32, #tpu.memory_space<vmem>>, %arg1: memref<10000x128xf32, #tpu.memory_space<vmem>>, %arg2: memref<10000x1xf32, #tpu.memory_space<vmem>>, %arg3: memref<1x128xf32, #tpu.memory_space<vmem>>, %arg4: memref<1x128xf32, #tpu.memory_space<vmem>>, %arg5: memref<1x128xf32, #tpu.memory_space<vmem>>, %arg6: memref<1x10000xi32, #tpu.memory_space<vmem>>, %arg7: memref<128x64xf32, #tpu.memory_space<vmem>>, %arg8: memref<1x64xf32, #tpu.memory_space<vmem>>, %arg9: memref<64x64xf32, #tpu.memory_space<vmem>>) attributes {dimension_semantics = [], scalar_prefetch = 0 : i64, scratch_operands = 0 : i64, tpu.core_type = #tpu.core_type<tc>} {
    %get3A = arith.constant 0 : index
    %get3A_0 = arith.constant 0 : index
    %get3A_1 = vector.load %arg2[%get3A, %get3A_0] : memref<10000x1xf32, #tpu.memory_space<vmem>>, vector<10000x1xf32>
    %get3A_2 = arith.constant 0 : index
    %get3A_3 = arith.constant 0 : index
    %get3A_4 = arith.constant 0 : index
    %get3A_5 = vector.load %arg0[%get3A_2, %get3A_3, %get3A_4] : memref<2x10112x64xf32, #tpu.memory_space<vmem>>, vector<1x10000x64xf32>
    %get3A_6 = vector.shape_cast %get3A_5 : vector<1x10000x64xf32> to vector<10000x64xf32>
    %get3A_7 = arith.constant 1 : index
    %get3A_8 = arith.constant 0 : index
    %get3A_9 = arith.constant 0 : index
    %get3A_10 = vector.load %arg0[%get3A_7, %get3A_8, %get3A_9] : memref<2x10112x64xf32, #tpu.memory_space<vmem>>, vector<1x10000x64xf32>
    %get3A_11 = vector.shape_cast %get3A_10 : vector<1x10000x64xf32> to vector<10000x64xf32>
    %concatenate3A = tpu.concatenate %get3A_6, %get3A_11 in 1 : vector<10000x64xf32>, vector<10000x64xf32> -> vector<10000x128xf32>
    %mul3A = vector.broadcast %get3A_1 : vector<10000x1xf32> to vector<10000x128xf32>
    %mul3A_12 = arith.mulf %concatenate3A, %mul3A : vector<10000x128xf32>
    %get3A_13 = arith.constant 0 : index
    %get3A_14 = arith.constant 0 : index
    %get3A_15 = vector.load %arg1[%get3A_13, %get3A_14] : memref<10000x128xf32, #tpu.memory_space<vmem>>, vector<10000x128xf32>
    %mul3A_16 = arith.mulf %get3A_1, %get3A_1 : vector<10000x1xf32>
    %mul3A_17 = vector.broadcast %mul3A_16 : vector<10000x1xf32> to vector<10000x128xf32>
    %mul3A_18 = arith.mulf %get3A_15, %mul3A_17 : vector<10000x128xf32>
    %add3A = arith.addf %mul3A_12, %mul3A_18 : vector<10000x128xf32>
    %get3A_19 = arith.constant 0 : index
    %get3A_20 = arith.constant 0 : index
    %get3A_21 = vector.load %arg3[%get3A_19, %get3A_20] : memref<1x128xf32, #tpu.memory_space<vmem>>, vector<1x128xf32>
    %add3A_22 = vector.broadcast %get3A_21 : vector<1x128xf32> to vector<10000x128xf32>
    %add3A_23 = arith.addf %add3A, %add3A_22 : vector<10000x128xf32>
    %reduce_sum3A = arith.constant dense<0.000000e+00> : vector<128xf32>
    %reduce_sum3A_24 = vector.multi_reduction <add>, %add3A_23, %reduce_sum3A [0] : vector<10000x128xf32> to vector<128xf32>
    %broadcast_in_dim3A = vector.shape_cast %reduce_sum3A_24 : vector<128xf32> to vector<1x128xf32>
    %div3A = arith.constant 1.000000e+04 : f32
    %div3A_25 = vector.broadcast %div3A : f32 to vector<1x128xf32>
    %div3A_26 = arith.divf %broadcast_in_dim3A, %div3A_25 : vector<1x128xf32>
    %sub3A = vector.broadcast %div3A_26 : vector<1x128xf32> to vector<10000x128xf32>
    %sub3A_27 = arith.subf %add3A_23, %sub3A : vector<10000x128xf32>
    %integer_pow3A = arith.mulf %sub3A_27, %sub3A_27 : vector<10000x128xf32>
    %reduce_sum3A_28 = arith.constant dense<0.000000e+00> : vector<128xf32>
    %reduce_sum3A_29 = vector.multi_reduction <add>, %integer_pow3A, %reduce_sum3A_28 [0] : vector<10000x128xf32> to vector<128xf32>
    %broadcast_in_dim3A_30 = vector.shape_cast %reduce_sum3A_29 : vector<128xf32> to vector<1x128xf32>
    %div3A_31 = arith.constant 1.000000e+04 : f32
    %div3A_32 = vector.broadcast %div3A_31 : f32 to vector<1x128xf32>
    %div3A_33 = arith.divf %broadcast_in_dim3A_30, %div3A_32 : vector<1x128xf32>
    %sub3A_34 = vector.broadcast %div3A_26 : vector<1x128xf32> to vector<10000x128xf32>
    %sub3A_35 = arith.subf %add3A_23, %sub3A_34 : vector<10000x128xf32>
    %add3A_36 = arith.constant 9.99999974E-6 : f32
    %add3A_37 = vector.broadcast %add3A_36 : f32 to vector<1x128xf32>
    %add3A_38 = arith.addf %div3A_33, %add3A_37 : vector<1x128xf32>
    %rsqrt3A = math.rsqrt %add3A_38 : vector<1x128xf32>
    %mul3A_39 = vector.broadcast %rsqrt3A : vector<1x128xf32> to vector<10000x128xf32>
    %mul3A_40 = arith.mulf %sub3A_35, %mul3A_39 : vector<10000x128xf32>
    %get3A_41 = arith.constant 0 : index
    %get3A_42 = arith.constant 0 : index
    %get3A_43 = vector.load %arg4[%get3A_41, %get3A_42] : memref<1x128xf32, #tpu.memory_space<vmem>>, vector<1x128xf32>
    %mul3A_44 = vector.broadcast %get3A_43 : vector<1x128xf32> to vector<10000x128xf32>
    %mul3A_45 = arith.mulf %mul3A_40, %mul3A_44 : vector<10000x128xf32>
    %get3A_46 = arith.constant 0 : index
    %get3A_47 = arith.constant 0 : index
    %get3A_48 = vector.load %arg5[%get3A_46, %get3A_47] : memref<1x128xf32, #tpu.memory_space<vmem>>, vector<1x128xf32>
    %add3A_49 = vector.broadcast %get3A_48 : vector<1x128xf32> to vector<10000x128xf32>
    %add3A_50 = arith.addf %mul3A_45, %add3A_49 : vector<10000x128xf32>
    %max3A = arith.constant 0.000000e+00 : f32
    %max3A_51 = vector.broadcast %max3A : f32 to vector<10000x128xf32>
    %max3A_52 = arith.maximumf %add3A_50, %max3A_51 : vector<10000x128xf32>
    %iota3A = tpu.iota {dimensions = array<i32: 0>} : vector<64x10000xi32>
    %get3A_53 = arith.constant 0 : index
    %get3A_54 = arith.constant 0 : index
    %get3A_55 = vector.load %arg6[%get3A_53, %get3A_54] : memref<1x10000xi32, #tpu.memory_space<vmem>>, vector<1x10000xi32>
    %eq3A = vector.broadcast %get3A_55 : vector<1x10000xi32> to vector<64x10000xi32>
    %eq3A_56 = arith.cmpi eq, %iota3A, %eq3A : vector<64x10000xi32>
    %convert_element_type3A = arith.extui %eq3A_56 : vector<64x10000xi1> to vector<64x10000xi32>
    %convert_element_type3A_57 = arith.sitofp %convert_element_type3A : vector<64x10000xi32> to vector<64x10000xf32>
    %dot_general3A = arith.constant dense<0.000000e+00> : vector<64x128xf32>
    %dot_general3A_58 = tpu.matmul %convert_element_type3A_57, %max3A_52, %dot_general3A {dimension_numbers = #tpu.dot_dimension_numbers<[1], [0], [0], [1], [0, 0, 1, 1], [], []>, precision = #tpu.contract_precision<fp32>, transpose_lhs_hint = false} : vector<64x10000xf32>, vector<10000x128xf32>, vector<64x128xf32> -> vector<64x128xf32>
    %reduce_sum3A_59 = arith.constant dense<0.000000e+00> : vector<64xf32>
    %reduce_sum3A_60 = vector.multi_reduction <add>, %convert_element_type3A_57, %reduce_sum3A_59 [1] : vector<64x10000xf32> to vector<64xf32>
    %broadcast_in_dim3A_61 = vector.shape_cast %reduce_sum3A_60 : vector<64xf32> to vector<64x1xf32>
    %max3A_62 = arith.constant 1.000000e+00 : f32
    %max3A_63 = vector.broadcast %max3A_62 : f32 to vector<64x1xf32>
    %max3A_64 = arith.maximumf %broadcast_in_dim3A_61, %max3A_63 : vector<64x1xf32>
    %div3A_65 = vector.broadcast %max3A_64 : vector<64x1xf32> to vector<64x128xf32>
    %div3A_66 = arith.divf %dot_general3A_58, %div3A_65 : vector<64x128xf32>
    %get3A_67 = arith.constant 0 : index
    %get3A_68 = arith.constant 0 : index
    %get3A_69 = vector.load %arg7[%get3A_67, %get3A_68] : memref<128x64xf32, #tpu.memory_space<vmem>>, vector<128x64xf32>
    %dot_general3A_70 = arith.constant dense<0.000000e+00> : vector<64x64xf32>
    %dot_general3A_71 = tpu.matmul %div3A_66, %get3A_69, %dot_general3A_70 {dimension_numbers = #tpu.dot_dimension_numbers<[1], [0], [0], [1], [0, 0, 1, 1], [], []>, precision = #tpu.contract_precision<fp32>, transpose_lhs_hint = false} : vector<64x128xf32>, vector<128x64xf32>, vector<64x64xf32> -> vector<64x64xf32>
    %get3A_72 = arith.constant 0 : index
    %get3A_73 = arith.constant 0 : index
    %get3A_74 = vector.load %arg8[%get3A_72, %get3A_73] : memref<1x64xf32, #tpu.memory_space<vmem>>, vector<1x64xf32>
    %add3A_75 = vector.broadcast %get3A_74 : vector<1x64xf32> to vector<64x64xf32>
    %add3A_76 = arith.addf %dot_general3A_71, %add3A_75 : vector<64x64xf32>
    %swap3A = arith.constant 0 : index
    %swap3A_77 = arith.constant 0 : index
    %swap3A_78 = vector.load %arg9[%swap3A, %swap3A_77] : memref<64x64xf32, #tpu.memory_space<vmem>>, vector<64x64xf32>
    tpu.vector_store %arg9[%swap3A, %swap3A_77], %add3A_76 {strides = array<i32>} : memref<64x64xf32, #tpu.memory_space<vmem>>, vector<64x64xf32>,
    return
  }
}

</mosaic_0001>

<sc_bundles>
// kernel: kernel.11.cloned.1.call-start
scs
__scs_entry_jumppad:
0x0: {  	(pc) =	sbr.rel $0x88, $3  }
0x1: {  	(tag) =	ssettag $0x0;
	lr =	simm.s32 $0x1  }
0x2: {  	[smem:$0x3F94] =	sst lr;
	_ =	strace $0xD0000000  }
0x3: {  	_ = 	snop  }
0x4: {  	_ = 	snop  }
0x5: {  	_ = 	snop  }
0x6: {  	_ = 	snop  }
0x7: {  	_ = 	snop  }
__scs_overlays_trampoline_lowered:
0x8: {  	[smem:$0x3FA3] =	sst s0  }
0x9: {  	[smem:$0x3FA4] =	sst s1  }
0xa: {  	[smem:$0x3FA5] =	sst s2  }
0xb: {  	[smem:$0x3FA6] =	sst s3  }
0xc: {  	[smem:$0x3FA7] =	sst s4  }
0xd: {  	[smem:$0x3FA8] =	sst s5  }
0xe: {  	[smem:$0x3FA9] =	sst s6  }
0xf: {  	[smem:$0x3FAA] =	sst s7  }
0x10: {  	[smem:$0x3FAB] =	sst s8  }
0x11: {  	[smem:$0x3FAC] =	sst s9;
	s0 =	simm.s32 @!p0 $0x0  }
0x12: {  	s1 =	sld [smem:$0x3F92];
	s0 =	simm.s32 @p0 $0x1  }
0x13: {  	[smem:$0x3FAD] =	sst s0;
	s0 =	simm.s32 @!p1 $0x0  }
0x14: {  	s2 =	sld [smem:$0x3F91];
	s0 =	simm.s32 @p1 $0x1  }
0x15: {  	[smem:$0x3FAE] =	sst s0;
	s0 =	simm.s32 @!p2 $0x0  }
0x16: {  	s3 =	sld [smem:$0x3FDB];
	s0 =	simm.s32 @p2 $0x1  }
0x17: {  	s4 =	simm.s32 $0x1BF5;
	[smem:$0x3FB0] =	sst s0  }
0x18: {  	s0 =	sld [smem:$0x3F93];
	_ =	swait.ge [sflag:s4], $0x0  }
0x19: {  	s7 =	sld [smem:$0x3F94]  }
0x1a: {  	s8 =	sadd.s32 $0xFFFFE003, lr  }
0x1b: {  	s9 =	sadd.s32 $0xFFFFFEF7, lr;
	s5 =	simm.s32 $0xFFFFFFFF;
	p2 =	slt.u32 s8, $0xFFFFF086  }
0x1c: {  	p1 =	slt.u32 s9, $0xF7A;
	s5 =	simm.s32 @!p2 $0x0  }
0x1d: {  	s5 =	simm.s32 @p1 $0x1;
	p0 =	seq.s32 s7, s2  }
0x1e: {  	s7 =	smul.u32 @!p0 $0xF7A, s2;
	p2 =	seq.s32 @!p0 s5, $0x0  }
0x1f: {  	s9 =	smul.u32 $0xF7A, s1;
	s8 =	simm.s32 @!p0 $0x1BF5;
	p2 =	por !p2, p0  }
0x20: {  	[sflag:s8] =	ssyncset.s32 @!p0 $0xFFFFF086;
	s6 =	sadd.s32 @!p0 s3, s7;
	s7 =	simm.s32 @!p0 $0x108  }
0x21: {  	s3 =	sadd.s32 s3, s9;
	s6 =	sadd.s32 @!p0 $0x88, s6;
	s7 =	simm.s32 @p2 $0x1082  }
0x22: {  	[simem:s7], [sflag:s8] =	dma.local @!p0 [hbm:s6], $0xF7A  }
0x23: {  	s9 =	sor.u32 $0xD0000000, s2;
	s6 =	simm.s32 $0x108;
	_ =	swait.ge @!p0 [sflag:s8], $0x0  }
0x24: {  	s3 =	sadd.s32 $0x88, s3;
	s6 =	simm.s32 @!p1 $0x1082;
	[sflag:s4] =	ssyncset.s32 $0xFFFFF086  }
0x25: {  	[simem:s6], [sflag:s4] =	dma.local [hbm:s3], $0xF7A  }
0x26: {  	[smem:$0x3F94] =	sst s1;
	(tag) =	ssettag s2;
	_ =	strace s9  }
0x27: {  	s1 =	sld [smem:$0x3FA4]  }
0x28: {  	s2 =	sld [smem:$0x3FA5]  }
0x29: {  	s4 =	sld [smem:$0x3FA7]  }
0x2a: {  	p0 =	seq.s32 s5, $0x0;
	s5 =	sld [smem:$0x3FA8]  }
0x2b: {  	s6 =	sld [smem:$0x3FA9]  }
0x2c: {  	s7 =	sld [smem:$0x3FAA]  }
0x2d: {  	s3 =	simm.s32 $0x108;
	s8 =	sld [smem:$0x3FAB]  }
0x2e: {  	s3 =	simm.s32 @!p0 $0x1082;
	s9 =	sld [smem:$0x3FAC]  }
0x2f: {  	lr =	sadd.s32 s0, s3;
	s0 =	sld [smem:$0x3FA3]  }
0x30: {  	s3 =	sld [smem:$0x3FA6]  }
0x31: {  	[smem:$0x3FAF] =	sst s10  }
0x32: {  	s10 =	sld [smem:$0x3FAD];
	_ =	sdelay $0x3  }
0x33: {  	p0 =	seq.s32 s10, $0x1;
	s10 =	sld [smem:$0x3FAF];
	_ =	sdelay $0x3  }
0x34: {  	[smem:$0x3FAF] =	sst s10  }
0x35: {  	s10 =	sld [smem:$0x3FAE];
	_ =	sdelay $0x3  }
0x36: {  	p1 =	seq.s32 s10, $0x1;
	s10 =	sld [smem:$0x3FAF];
	_ =	sdelay $0x3  }
0x37: {  	[smem:$0x3FAF] =	sst s10  }
0x38: {  	s10 =	sld [smem:$0x3FB0]  }
0x39: {  	_ = 	snop;
	(pc) =	sbr.ind lr, $3  }
0x3a: {  	_ = 	snop  }
0x3b: {  	_ = 	snop  }
0x3c: {  	p2 =	seq.s32 s10, $0x1;
	s10 =	sld [smem:$0x3FAF]  }
0x3d: {  	_ =	shalt  }
0x3e: {  	_ =	shalt  }
0x3f: {  	_ =	shalt  }
0x40: {  	_ =	shalt  }
0x41: {  	_ =	shalt  }
0x42: {  	_ =	shalt  }
0x43: {  	_ =	shalt  }
0x44: {  	_ =	shalt  }
0x45: {  	_ =	shalt  }
0x46: {  	_ =	shalt  }
0x47: {  	_ =	shalt  }
0x48: {  	_ =	shalt  }
0x49: {  	_ =	shalt  }
0x4a: {  	_ =	shalt  }
0x4b: {  	_ =	shalt  }
0x4c: {  	_ =	shalt  }
0x4d: {  	_ =	shalt  }
0x4e: {  	_ =	shalt  }
0x4f: {  	_ =	shalt  }
0x50: {  	_ =	shalt  }
0x51: {  	_ =	shalt  }
0x52: {  	_ =	shalt  }
0x53: {  	_ =	shalt  }
0x54: {  	_ =	shalt  }
0x55: {  	_ =	shalt  }
0x56: {  	_ =	shalt  }
0x57: {  	_ =	shalt  }
0x58: {  	_ =	shalt  }
0x59: {  	_ =	shalt  }
0x5a: {  	_ =	shalt  }
0x5b: {  	_ =	shalt  }
0x5c: {  	_ =	shalt  }
0x5d: {  	_ =	shalt  }
0x5e: {  	_ =	shalt  }
0x5f: {  	_ =	shalt  }
0x60: {  	_ =	shalt  }
0x61: {  	_ =	shalt  }
0x62: {  	_ =	shalt  }
0x63: {  	_ =	shalt  }
0x64: {  	_ =	shalt  }
0x65: {  	_ =	shalt  }
0x66: {  	_ =	shalt  }
0x67: {  	_ =	shalt  }
0x68: {  	_ =	shalt  }
0x69: {  	_ =	shalt  }
0x6a: {  	_ =	shalt  }
0x6b: {  	_ =	shalt  }
0x6c: {  	_ =	shalt  }
0x6d: {  	_ =	shalt  }
0x6e: {  	_ =	shalt  }
0x6f: {  	_ =	shalt  }
0x70: {  	_ =	shalt  }
0x71: {  	_ =	shalt  }
0x72: {  	_ =	shalt  }
0x73: {  	_ =	shalt  }
0x74: {  	_ =	shalt  }
0x75: {  	_ =	shalt  }
0x76: {  	_ =	shalt  }
0x77: {  	_ =	shalt  }
0x78: {  	_ =	shalt  }
0x79: {  	_ =	shalt  }
0x7a: {  	_ =	shalt  }
0x7b: {  	_ =	shalt  }
0x7c: {  	_ =	shalt  }
0x7d: {  	_ =	shalt  }
0x7e: {  	_ =	shalt  }
0x7f: {  	_ =	shalt  }
0x80: {  	_ =	shalt  }
0x81: {  	_ =	shalt  }
0x82: {  	_ =	shalt  }
0x83: {  	_ =	shalt  }
0x84: {  	_ =	shalt  }
0x85: {  	_ =	shalt  }
0x86: {  	_ =	shalt  }
0x87: {  	_ =	shalt  }
.Lfunc_end0:
.L_simem_size_0:
called_computation.1_lowered:
.L_overlay_start_0:
0x88: {  	s2 =	sld [smem:$0x3FD9]  }
0x89: {  	s3 =	sld [smem:$0x3FFE];
	_ =	sdelay $0x1  }
0x8a: {  	s1 =	srdreg.scid  }
0x8b: {  	s0 =	sand.u32 $0x1, s1  }
0x8c: {  	s16 =	sshll.u32 s0, $0xA;
	s2 =	sadd.s32 s3, s2  }
0x8d: {  	s2 =	sadd.s32 s2, s16  }
0x8e: {  	[smem:$0x3FBB] =	sst s2  }
0x8f: {  	_ = 	snop  }
0x90: {  	(tm) =	ssettm $0x1  }
0x91: {  	s17 =	sld [smem:$0x3FFB];
	_ =	sdelay $0x3  }
0x92: {  	_ =	strace s17  }
0x93: {  	s2 =	sld [smem:$0x3FFC];
	_ =	sdelay $0x3  }
0x94: {  	_ =	strace s2  }
0x95: {  	s2 =	sld [smem:$0x3FFD];
	_ =	sdelay $0x3  }
0x96: {  	_ =	strace s2  }
0x97: {  	_ =	strace $0x8FFFFFFF  }
0x98: {  	s18 =	sld [smem:$0x3FDB];
	_ =	sdelay $0x1  }
0x99: {  	s19 =	simm.s32 $_scs_section_size  }
0x9a: {  	s4 =	simm.s32 $_size__tile_overlayer_lowered;
	s5 =	simm.s32 $_tile_overlayer_lowered  }
0x9b: {  	s22 =	simm.s32 $0x1BFF;
	s21 =	sshll.u32 s5, $0x1;
	s2 =	sadd.s32 s19, s18  }
0x9c: {  	s6 =	simm.s32 $0x0;
	s20 =	sshll.u32 s4, $0x1;
	s4 =	sadd.s32 s21, s2  }
0x9d: {  	[timem:s6], [sflag:s22] =	dma.local [hbm:s4], s20  }
0x9e: {  	_ =	swait.ge [sflag:s22], s20  }
0x9f: {  	s3 =	ssub.s32 $0x0, s20;
	[sflag:s22] =	ssyncset.done $0x0  }
0xa0: {  	[sflag:s22] =	ssyncadd.s32 s3;
	_ =	sdelay $0x1  }
0xa1: {  	s23 =	simm.s32 $0x1B8B  }
0xa2: {  	_ =	swait.ge [sflag:s23], $0x1  }
0xa3: {  	[sflag:s23] =	ssyncset.done $0x0  }
0xa4: {  	s25 =	simm.s32 $0x1B8E;
	s24 =	sld [smem:$0x3FFE];
	[sflag:s23] =	ssyncadd.s32 $0xFFFFFFFF  }
0xa5: {  	s26 =	simm.s32 $execute0_lowered;
	[smem:$0x3FD2] =	sst s25  }
0xa6: {  	s4 =	sshll.u32 s26, $0x1;
	_ =	strace $0x80000049;
	[dreg:$0x1] =	wrdreg $0xFFFFFFFF  }
0xa7: {  	s28 =	simm.s32 $_size_execute0_lowered;
	s2 =	sadd.s32 s2, s4;
	[dreg:$0x0] =	wrdreg $0x0  }
0xa8: {  	s4 =	sshll.u32 s28, $0x1;
	[dreg:$0x2] =	wrdreg s2  }
0xa9: {  	[dreg:$0x3] =	wrdreg s4  }
0xaa: {  	[dreg:$0x4] =	wrdreg $0xC0  }
0xab: {  	_ =	task [dreg:s6], $0x5FFFF  }
0xac: {  	[dreg:$0x1] =	wrdreg $0xFFFFFFFF  }
0xad: {  	[dreg:$0x0] =	wrdreg $0x60  }
0xae: {  	[dreg:$0x2] =	wrdreg s24  }
0xaf: {  	[dreg:$0x3] =	wrdreg $0x120000  }
0xb0: {  	[dreg:$0x4] =	wrdreg $0x9  }
0xb1: {  	_ =	task.clear_ibuf [dreg:s6], $0x5FFFF;
	_ =	strace $0x90000049  }
0xb2: {  	s29 =	simm.s32 $0x9;
	_ =	strace $0x8000004B  }
0xb3: {  	_ =	swait.ge [sflag:s29], $0x1  }
0xb4: {  	[sflag:s29] =	ssyncadd.s32 $0xFFFFFFFF  }
0xb5: {  	_ =	strace $0x9000004B  }
0xb6: {  	_ =	sfence  }
0xb7: {  	s30 =	sld [smem:$0x0];
	_ =	sdelay $0x2  }
0xb8: {  	s31 =	sshll.u32 s1, $0xD;
	s1 =	sshrl.u32 s1, $0x2  }
0xb9: {  	s3 =	sand.u32 $0x4000, s31;
	s1 =	sadd.s32 s1, s30  }
0xba: {  	s0 =	sor.u32 s3, s0;
	s1 =	sshll.u32 s1, $0x11  }
0xbb: {  	s0 =	sor.u32 s1, s0  }
0xbc: {  	s0 =	sadd.s32 $0x8F2B, s0  }
0xbd: {  	[sflag:s0] =	ssyncadd.remote.s32 $0x1  }
0xbe: {  	_ =	sfence.sel $0xFFFF  }
0xbf: {  	[dreg:$0x0] =	wrdreg $0xFFFFFFFF;
	(pc) =	sbr.abs _section_cstart, $3  }
0xc0: {  	[dreg:$0x1] =	wrdreg $0xFFFFFFFF  }
0xc1: {  	_ =	task.clear_ibuf [dreg:s6], $0x2FFFF;
	_ =	strace $0x9FFFFFFF  }
0xc2: {  	(tm) =	ssettm $0x7FFFFFFF  }
0xc3: {  	_ =	shalt  }
tec
execute0_lowered:
.L_overlay_start_1:
0x0: {  	(tag) =	ssettag $0x1  }
0x1: {  	s0 =	rddreg [dreg:$0x0]  }
0x2: {  	s1 =	rddreg [dreg:$0x1];
	s2 =	simm.s32 $0x0  }
0x3: {  	s3 =	srdreg.scid;
	s6 =	stileid.u32;
	s18 =	simm.s32 $0xA000  }
0x4: {  	s30 =	simm.s32 $0x10000;
	s31 =	simm.s32 $0x3;
	s5 =	smul.u32 $0xA00, s6  }
0x5: {  	s28 =	simm.s32 $0x7;
	s3 =	sand.u32 $0x1, s3;
	s10 =	smul.u32 $0x9E00, s6  }
0x6: {  	s29 =	simm.s32 $0x8;
	[smem:$0x7FF] =	sst s2;
	s4 =	smul.u32 $0x13880, s3  }
0x7: {  	_ =	strace $0x8000004A;
	s19 =	ssub.s32 $0x2, s3;
	s3 =	smul.u32 $0x9E000, s3  }
0x8: {  	s11 =	sadd.s32 s5, s0;
	s20 =	sshrl.u32 s19, $0x1;
	s13 =	sadd.s32 $0x2000, s10  }
0x9: {  	s14 =	sadd.s32 $0x4000, s10;
	s15 =	sadd.s32 $0x6000, s10;
	s16 =	sadd.s32 $0x8000, s10  }
0xa: {  	s9 =	sadd.s32 s4, s0;
	s0 =	sadd.s32 $0x3C000, s0;
	s12 =	ssub.s32 s19, s20  }
0xb: {  	s4 =	sadd.s32 s10, s1;
	s5 =	sadd.s32 s13, s1;
	s6 =	sadd.s32 s14, s1  }
0xc: {  	s7 =	sadd.s32 s15, s1;
	s8 =	sadd.s32 s16, s1;
	s17 =	sadd.s32 $0xAE00, s11  }
0xd: {  	s11 =	sadd.s32 $0xE00, s11;
	s10 =	sadd.s32 s10, s3;
	s13 =	sadd.s32 s3, s13  }
0xe: {  	s24 =	sadd.s32 s3, s14;
	s25 =	sadd.s32 s3, s15;
	s3 =	sadd.s32 s3, s16  }
0xf: {  	s19 =	simm.s32 $0x9;
	s20 =	simm.s32 $0x5000;
	[dreg:$0x3] =	wrdreg s17  }
0x10: {  	[dreg:$0x4] =	wrdreg s11;
	s11 =	sadd.s32 $0x14E00, s9;
	s21 =	sshrl.u32 s10, $0x3  }
0x11: {  	s22 =	sshrl.u32 s13, $0x3;
	s26 =	sshrl.u32 s25, $0x3;
	s3 =	sshrl.u32 s3, $0x3  }
0x12: {  	s17 =	smax.u32 s12, $0x1;
	s25 =	simm.s32 $0xE000;
	s9 =	sadd.s32 s0, s21  }
0x13: {  	s23 =	sadd.s32 s0, s22;
	s15 =	sadd.s32 s0, s26;
	s16 =	sadd.s32 s0, s3  }
0x14: {  	s21 =	simm.s32 $0x80;
	s22 =	simm.s32 $0xC000;
	[dreg:$0x5] =	wrdreg s9  }
0x15: {  	s26 =	simm.s32 $0x2;
	s3 =	simm.s32 $0x4;
	[dreg:$0x6] =	wrdreg s23  }
0x16: {  	s9 =	sshrl.u32 s24, $0x3;
	s23 =	simm.s32 $0x1;
	s24 =	simm.s32 $0x6  }
0x17: {  	v0 =	vimm.f32 $0.0e+00;
	s14 =	sadd.s32 s0, s9;
	s0 =	simm.s32 $0x5;
	s9 =	simm.s32 $0x0  }
.LBB2_1:
0x18: {  	s12 =	simm.s32 $0x100;
	s10 =	simm.s32 $0x0  }
.LBB2_2:
0x19: {  	p0 =	sne.s32 s12, $0x7F00;
	[tilespmem:s10+$0xA030] =	vst v0;
	s13 =	smov.u32 s12;
	s12 =	sadd.s32 $0x100, s12  }
.Ltmp0:
0x1a: {  	[tilespmem:s10+$0xA020] =	vst v0;
	(pc) =	sbr.rel @p0 .LBB2_2-.Ltmp0, $3  }
0x1b: {  	[tilespmem:s10+$0xA000] =	vst v0  }
0x1c: {  	[tilespmem:s10+$0xA010] =	vst v0;
	_ =	sdelay $0x1  }
0x1d: {  	s10 =	sshra.s32 s13, $0x2  }
0x1e: {  	[tilespmem:s10+$0xA030] =	vst v0  }
0x1f: {  	[tilespmem:s10+$0xA020] =	vst v0  }
0x20: {  	[tilespmem:s10+$0xA000] =	vst v0  }
0x21: {  	[tilespmem:s10+$0xA010] =	vst v0  }
0x22: {  	[spmem:s4] =	stream.linear.scatter [tilespmem:s18], [sflag:$0x9], $0x2000, $0x38;
	[tilespmem:$0x1BE00] =	vst v63  }
0x23: {  	_ =	swait.ge [sflag:s19], $0x2000  }
0x24: {  	[sflag:s19] =	ssyncset.done $0x0  }
0x25: {  	[sflag:s19] =	ssyncadd.s32 $0xFFFFE000  }
0x26: {  	[spmem:s5] =	stream.linear.scatter [tilespmem:s18], [sflag:$0x9], $0x2000, $0x38;
	[tilespmem:$0x1BE00] =	vst v63  }
0x27: {  	_ =	swait.ge [sflag:s19], $0x2000  }
0x28: {  	[sflag:s19] =	ssyncset.done $0x0  }
0x29: {  	[sflag:s19] =	ssyncadd.s32 $0xFFFFE000  }
0x2a: {  	[spmem:s6] =	stream.linear.scatter [tilespmem:s18], [sflag:$0x9], $0x2000, $0x38;
	[tilespmem:$0x1BE00] =	vst v63  }
0x2b: {  	_ =	swait.ge [sflag:s19], $0x2000  }
0x2c: {  	[sflag:s19] =	ssyncset.done $0x0  }
0x2d: {  	[sflag:s19] =	ssyncadd.s32 $0xFFFFE000  }
0x2e: {  	[spmem:s7] =	stream.linear.scatter [tilespmem:s18], [sflag:$0x9], $0x2000, $0x38;
	[tilespmem:$0x1BE00] =	vst v63  }
0x2f: {  	_ =	swait.ge [sflag:s19], $0x2000  }
0x30: {  	[sflag:s19] =	ssyncset.done $0x0  }
0x31: {  	[sflag:s19] =	ssyncadd.s32 $0xFFFFE000  }
0x32: {  	[spmem:s8] =	stream.linear.scatter [tilespmem:s18], [sflag:$0x9], $0x1E00, $0x38;
	[tilespmem:$0x1BE00] =	vst v63  }
0x33: {  	_ =	swait.ge [sflag:s19], $0x1E00  }
0x34: {  	[sflag:s19] =	ssyncset.done $0x0  }
0x35: {  	s10 =	simm.s32 $0x0;
	s12 =	rddreg [dreg:$0x3];
	[sflag:s19] =	ssyncadd.s32 $0xFFFFE200  }
0x36: {  	[tilespmem:s10], [sflag:$0x9] =	stream.linear.gather [hbm4b:s12+s10], $0x5000, $0x38;
	[tilespmem:$0x1BE00] =	vst v63  }
0x37: {  	_ =	swait.ge [sflag:s19], $0x5000  }
0x38: {  	[sflag:s19] =	ssyncset.done $0x0  }
0x39: {  	s13 =	rddreg [dreg:$0x4];
	[sflag:s19] =	ssyncadd.s32 $0xFFFFB000  }
0x3a: {  	[tilespmem:s20], [sflag:$0x9] =	stream.linear.gather [hbm4b:s13+s10], $0x5000, $0x38;
	[tilespmem:$0x1BE00] =	vst v63  }
0x3b: {  	_ =	swait.ge [sflag:s19], $0x5000  }
0x3c: {  	[sflag:s19] =	ssyncset.done $0x0  }
0x3d: {  	[sflag:s19] =	ssyncadd.s32 $0xFFFFB000  }
0x3e: {  	[bflag:$0x0] =	sbarrier.arrive $0xFFFF  }
0x3f: {  	[tilespmem:s18], [sflag:$0x1] =	stream.indirect.gather [hbm4b:s11+s21], $0x40, s10, s21, $0xb8;
	[tilespmem:$0x1BE00] =	vst v63  }
0x40: {  	_ = 	snop  }
0x41: {  	[tilespmem:s22], [sflag:$0x2] =	stream.indirect.gather [hbm4b:s11+s21], $0x40, s21, s21, $0xb8;
	[tilespmem:$0x1BE00] =	vst v63  }
0x42: {  	_ =	swait.ge [sflag:s23], $0x2000  }
0x43: {  	[sflag:s23] =	ssyncset.done $0x0  }
0x44: {  	[sflag:s23] =	ssyncadd.s32 $0xFFFFE000  }
0x45: {  	[spmem:s1] =	stream.indirect.scatter.add.f32 [tilespmem:s18], [sflag:$0x5], $0x40, s20, s21, $0xb8;
	[tilespmem:$0x1BE00] =	vst v63  }
0x46: {  	s12 =	simm.s32 $0x100  }
0x47: {  	[tilespmem:s25], [sflag:$0x3] =	stream.indirect.gather [hbm4b:s11+s21], $0x40, s12, s21, $0xb8;
	[tilespmem:$0x1BE00] =	vst v63  }
0x48: {  	_ =	swait.ge [sflag:s26], $0x2000  }
0x49: {  	[sflag:s26] =	ssyncset.done $0x0  }
0x4a: {  	s13 =	simm.s32 $0x5080;
	[sflag:s26] =	ssyncadd.s32 $0xFFFFE000  }
0x4b: {  	[spmem:s1] =	stream.indirect.scatter.add.f32 [tilespmem:s22], [sflag:$0x6], $0x40, s13, s21, $0xb8;
	[tilespmem:$0x1BE00] =	vst v63  }
0x4c: {  	s12 =	simm.s32 $0x180  }
0x4d: {  	[tilespmem:s30], [sflag:$0x4] =	stream.indirect.gather [hbm4b:s11+s21], $0x40, s12, s21, $0xb8;
	[tilespmem:$0x1BE00] =	vst v63  }
0x4e: {  	_ =	swait.ge [sflag:s31], $0x2000  }
0x4f: {  	[sflag:s31] =	ssyncset.done $0x0  }
0x50: {  	s13 =	simm.s32 $0x5100;
	[sflag:s31] =	ssyncadd.s32 $0xFFFFE000  }
0x51: {  	[spmem:s1] =	stream.indirect.scatter.add.f32 [tilespmem:s25], [sflag:$0x7], $0x40, s13, s21, $0xb8;
	[tilespmem:$0x1BE00] =	vst v63  }
0x52: {  	_ =	swait.ge [sflag:s0], $0x2000  }
0x53: {  	[sflag:s0] =	ssyncset.done $0x0  }
0x54: {  	s12 =	simm.s32 $0x200;
	[sflag:s0] =	ssyncadd.s32 $0xFFFFE000  }
0x55: {  	[tilespmem:s18], [sflag:$0x1] =	stream.indirect.gather [hbm4b:s11+s21], $0x40, s12, s21, $0xb8;
	[tilespmem:$0x1BE00] =	vst v63  }
0x56: {  	_ =	swait.ge [sflag:s3], $0x2000  }
0x57: {  	[sflag:s3] =	ssyncset.done $0x0  }
0x58: {  	s13 =	simm.s32 $0x5180;
	[sflag:s3] =	ssyncadd.s32 $0xFFFFE000  }
0x59: {  	[spmem:s1] =	stream.indirect.scatter.add.f32 [tilespmem:s30], [sflag:$0x8], $0x40, s13, s21, $0xb8;
	[tilespmem:$0x1BE00] =	vst v63  }
0x5a: {  	_ =	swait.ge [sflag:s24], $0x2000  }
0x5b: {  	[sflag:s24] =	ssyncset.done $0x0  }
0x5c: {  	s12 =	simm.s32 $0x280;
	[sflag:s24] =	ssyncadd.s32 $0xFFFFE000  }
0x5d: {  	[tilespmem:s22], [sflag:$0x2] =	stream.indirect.gather [hbm4b:s11+s21], $0x40, s12, s21, $0xb8;
	[tilespmem:$0x1BE00] =	vst v63  }
0x5e: {  	_ =	swait.ge [sflag:s23], $0x2000  }
0x5f: {  	[sflag:s23] =	ssyncset.done $0x0  }
0x60: {  	s13 =	simm.s32 $0x5200;
	[sflag:s23] =	ssyncadd.s32 $0xFFFFE000  }
0x61: {  	[spmem:s1] =	stream.indirect.scatter.add.f32 [tilespmem:s18], [sflag:$0x5], $0x40, s13, s21, $0xb8;
	[tilespmem:$0x1BE00] =	vst v63  }
0x62: {  	_ =	swait.ge [sflag:s28], $0x2000  }
0x63: {  	[sflag:s28] =	ssyncset.done $0x0  }
0x64: {  	s12 =	simm.s32 $0x300;
	[sflag:s28] =	ssyncadd.s32 $0xFFFFE000  }
0x65: {  	[tilespmem:s25], [sflag:$0x3] =	stream.indirect.gather [hbm4b:s11+s21], $0x40, s12, s21, $0xb8;
	[tilespmem:$0x1BE00] =	vst v63  }
0x66: {  	_ =	swait.ge [sflag:s26], $0x2000  }
0x67: {  	[sflag:s26] =	ssyncset.done $0x0  }
0x68: {  	s13 =	simm.s32 $0x5280;
	[sflag:s26] =	ssyncadd.s32 $0xFFFFE000  }
0x69: {  	[spmem:s1] =	stream.indirect.scatter.add.f32 [tilespmem:s22], [sflag:$0x6], $0x40, s13, s21, $0xb8;
	[tilespmem:$0x1BE00] =	vst v63  }
0x6a: {  	_ =	swait.ge [sflag:s29], $0x2000  }
0x6b: {  	[sflag:s29] =	ssyncset.done $0x0  }
0x6c: {  	s10 =	simm.s32 $0x800;
	s12 =	simm.s32 $0x380;
	[sflag:s29] =	ssyncadd.s32 $0xFFFFE000  }
.LBB2_4:
0x6d: {  	[tilespmem:s30], [sflag:$0x4] =	stream.indirect.gather [hbm4b:s11+s21], $0x40, s12, s21, $0xb8;
	[tilespmem:$0x1BE00] =	vst v63  }
0x6e: {  	s12 =	smov.u32 s10  }
0x6f: {  	p0 =	sne.s32 s10, $0x13000;
	s10 =	sadd.s32 $0x800, s10;
	_ =	swait.ge [sflag:s31], $0x2000  }
0x70: {  	s12 =	sshra.s32 s12, $0x2;
	[sflag:s31] =	ssyncset.done $0x0  }
0x71: {  	s13 =	sadd.s32 $0x5100, s12;
	[sflag:s31] =	ssyncadd.s32 $0xFFFFE000  }
0x72: {  	[spmem:s1] =	stream.indirect.scatter.add.f32 [tilespmem:s25], [sflag:$0x7], $0x40, s13, s21, $0xb8;
	[tilespmem:$0x1BE00] =	vst v63  }
0x73: {  	_ =	swait.ge [sflag:s0], $0x2000  }
0x74: {  	[sflag:s0] =	ssyncset.done $0x0  }
0x75: {  	s13 =	sadd.s32 $0x200, s12;
	[sflag:s0] =	ssyncadd.s32 $0xFFFFE000  }
0x76: {  	[tilespmem:s18], [sflag:$0x1] =	stream.indirect.gather [hbm4b:s11+s21], $0x40, s13, s21, $0xb8;
	[tilespmem:$0x1BE00] =	vst v63  }
0x77: {  	_ =	swait.ge [sflag:s3], $0x2000  }
0x78: {  	[sflag:s3] =	ssyncset.done $0x0  }
0x79: {  	s13 =	sadd.s32 $0x5180, s12;
	[sflag:s3] =	ssyncadd.s32 $0xFFFFE000  }
0x7a: {  	[spmem:s1] =	stream.indirect.scatter.add.f32 [tilespmem:s30], [sflag:$0x8], $0x40, s13, s21, $0xb8;
	[tilespmem:$0x1BE00] =	vst v63  }
0x7b: {  	_ =	swait.ge [sflag:s24], $0x2000  }
0x7c: {  	[sflag:s24] =	ssyncset.done $0x0  }
0x7d: {  	s13 =	sadd.s32 $0x280, s12;
	[sflag:s24] =	ssyncadd.s32 $0xFFFFE000  }
0x7e: {  	[tilespmem:s22], [sflag:$0x2] =	stream.indirect.gather [hbm4b:s11+s21], $0x40, s13, s21, $0xb8;
	[tilespmem:$0x1BE00] =	vst v63  }
0x7f: {  	_ =	swait.ge [sflag:s23], $0x2000  }
0x80: {  	[sflag:s23] =	ssyncset.done $0x0  }
0x81: {  	s13 =	sadd.s32 $0x5200, s12;
	[sflag:s23] =	ssyncadd.s32 $0xFFFFE000  }
0x82: {  	[spmem:s1] =	stream.indirect.scatter.add.f32 [tilespmem:s18], [sflag:$0x5], $0x40, s13, s21, $0xb8;
	[tilespmem:$0x1BE00] =	vst v63  }
0x83: {  	_ =	swait.ge [sflag:s28], $0x2000  }
0x84: {  	[sflag:s28] =	ssyncset.done $0x0  }
0x85: {  	s13 =	sadd.s32 $0x300, s12;
	[sflag:s28] =	ssyncadd.s32 $0xFFFFE000  }
0x86: {  	[tilespmem:s25], [sflag:$0x3] =	stream.indirect.gather [hbm4b:s11+s21], $0x40, s13, s21, $0xb8;
	[tilespmem:$0x1BE00] =	vst v63  }
0x87: {  	_ =	swait.ge [sflag:s26], $0x2000  }
0x88: {  	[sflag:s26] =	ssyncset.done $0x0  }
.Ltmp1:
0x89: {  	s13 =	sadd.s32 $0x5280, s12;
	[sflag:s26] =	ssyncadd.s32 $0xFFFFE000;
	(pc) =	sbr.rel @p0 .LBB2_4-.Ltmp1, $4  }
0x8a: {  	[spmem:s1] =	stream.indirect.scatter.add.f32 [tilespmem:s22], [sflag:$0x6], $0x40, s13, s21, $0xb8;
	[tilespmem:$0x1BE00] =	vst v63  }
0x8b: {  	_ =	swait.ge [sflag:s29], $0x2000  }
0x8c: {  	[sflag:s29] =	ssyncset.done $0x0  }
0x8d: {  	s12 =	sadd.s32 $0x380, s12;
	[sflag:s29] =	ssyncadd.s32 $0xFFFFE000  }
0x8e: {  	[tilespmem:s30], [sflag:$0x4] =	stream.indirect.gather [hbm4b:s11+s21], $0x40, s12, s21, $0xb8;
	[tilespmem:$0x1BE00] =	vst v63  }
0x8f: {  	_ =	swait.ge [sflag:s31], $0x2000  }
0x90: {  	[sflag:s31] =	ssyncset.done $0x0  }
0x91: {  	s10 =	simm.s32 $0x9F00;
	[sflag:s31] =	ssyncadd.s32 $0xFFFFE000  }
0x92: {  	[spmem:s1] =	stream.indirect.scatter.add.f32 [tilespmem:s25], [sflag:$0x7], $0x40, s10, s21, $0xb8;
	[tilespmem:$0x1BE00] =	vst v63  }
0x93: {  	_ =	swait.ge [sflag:s3], $0x2000  }
0x94: {  	[sflag:s3] =	ssyncset.done $0x0  }
0x95: {  	s13 =	simm.s32 $0x9F80;
	[sflag:s3] =	ssyncadd.s32 $0xFFFFE000  }
0x96: {  	[spmem:s1] =	stream.indirect.scatter.add.f32 [tilespmem:s30], [sflag:$0x8], $0x40, s13, s21, $0xb8;
	[tilespmem:$0x1BE00] =	vst v63  }
0x97: {  	_ =	swait.ge [sflag:s0], $0x2000  }
0x98: {  	[sflag:s0] =	ssyncset.done $0x0  }
0x99: {  	[sflag:s0] =	ssyncadd.s32 $0xFFFFE000  }
0x9a: {  	_ =	swait.ge [sflag:s24], $0x2000  }
0x9b: {  	[sflag:s24] =	ssyncset.done $0x0  }
0x9c: {  	[sflag:s24] =	ssyncadd.s32 $0xFFFFE000  }
0x9d: {  	_ =	swait.ge [sflag:s28], $0x2000  }
0x9e: {  	[sflag:s28] =	ssyncset.done $0x0  }
0x9f: {  	[sflag:s28] =	ssyncadd.s32 $0xFFFFE000  }
0xa0: {  	_ =	swait.ge [sflag:s29], $0x2000  }
0xa1: {  	[sflag:s29] =	ssyncset.done $0x0  }
0xa2: {  	[sflag:s29] =	ssyncadd.s32 $0xFFFFE000  }
0xa3: {  	[bflag:$0x0] =	sbarrier.arrive $0xFFFF  }
0xa4: {  	[tilespmem:s18], [sflag:$0x9] =	stream.linear.gather [spmem:s4], $0x2000, $0x38;
	[tilespmem:$0x1BE00] =	vst v63  }
0xa5: {  	_ =	swait.ge [sflag:s19], $0x2000  }
0xa6: {  	[sflag:s19] =	ssyncset.done $0x0  }
0xa7: {  	[sflag:s19] =	ssyncadd.s32 $0xFFFFE000  }
0xa8: {  	[tilespmem:s22], [sflag:$0x2] =	stream.linear.gather [spmem:s5], $0x2000, $0x38;
	[tilespmem:$0x1BE00] =	vst v63  }
0xa9: {  	s12 =	rddreg [dreg:$0x5]  }
0xaa: {  	[hbm4b:s12+s2] =	stream.linear.scatter [tilespmem:s18], [sflag:$0x9], $0x2000, $0x38;
	[tilespmem:$0x1BE00] =	vst v63  }
0xab: {  	_ =	swait.ge [sflag:s19], $0x2000  }
0xac: {  	[sflag:s19] =	ssyncset.done $0x0  }
0xad: {  	[sflag:s19] =	ssyncadd.s32 $0xFFFFE000  }
0xae: {  	_ =	swait.ge [sflag:s26], $0x2000  }
0xaf: {  	[sflag:s26] =	ssyncset.done $0x0  }
0xb0: {  	[sflag:s26] =	ssyncadd.s32 $0xFFFFE000  }
0xb1: {  	[tilespmem:s18], [sflag:$0x1] =	stream.linear.gather [spmem:s6], $0x2000, $0x38;
	[tilespmem:$0x1BE00] =	vst v63  }
0xb2: {  	s13 =	rddreg [dreg:$0x6]  }
0xb3: {  	[hbm4b:s13+s2] =	stream.linear.scatter [tilespmem:s22], [sflag:$0x9], $0x2000, $0x38;
	[tilespmem:$0x1BE00] =	vst v63  }
0xb4: {  	_ =	swait.ge [sflag:s19], $0x2000  }
0xb5: {  	[sflag:s19] =	ssyncset.done $0x0  }
0xb6: {  	[sflag:s19] =	ssyncadd.s32 $0xFFFFE000  }
0xb7: {  	_ =	swait.ge [sflag:s23], $0x2000  }
0xb8: {  	[sflag:s23] =	ssyncset.done $0x0  }
0xb9: {  	[sflag:s23] =	ssyncadd.s32 $0xFFFFE000  }
0xba: {  	[tilespmem:s22], [sflag:$0x2] =	stream.linear.gather [spmem:s7], $0x2000, $0x38;
	[tilespmem:$0x1BE00] =	vst v63  }
0xbb: {  	_ = 	snop  }
0xbc: {  	[hbm4b:s14+s2] =	stream.linear.scatter [tilespmem:s18], [sflag:$0x9], $0x2000, $0x38;
	[tilespmem:$0x1BE00] =	vst v63  }
0xbd: {  	_ =	swait.ge [sflag:s19], $0x2000  }
0xbe: {  	[sflag:s19] =	ssyncset.done $0x0  }
0xbf: {  	[sflag:s19] =	ssyncadd.s32 $0xFFFFE000  }
0xc0: {  	_ =	swait.ge [sflag:s26], $0x2000  }
0xc1: {  	[sflag:s26] =	ssyncset.done $0x0  }
0xc2: {  	[sflag:s26] =	ssyncadd.s32 $0xFFFFE000  }
0xc3: {  	[tilespmem:s18], [sflag:$0x1] =	stream.linear.gather [spmem:s8], $0x1E00, $0x38;
	[tilespmem:$0x1BE00] =	vst v63  }
0xc4: {  	_ = 	snop  }
0xc5: {  	[hbm4b:s15+s2] =	stream.linear.scatter [tilespmem:s22], [sflag:$0x9], $0x2000, $0x38;
	[tilespmem:$0x1BE00] =	vst v63  }
0xc6: {  	_ =	swait.ge [sflag:s19], $0x2000  }
0xc7: {  	[sflag:s19] =	ssyncset.done $0x0  }
0xc8: {  	[sflag:s19] =	ssyncadd.s32 $0xFFFFE000  }
0xc9: {  	s9 =	sadd.s32 $0x1, s9;
	_ =	swait.ge [sflag:s23], $0x1E00  }
0xca: {  	p0 =	sne.s32 s9, s17;
	[sflag:s23] =	ssyncset.done $0x0  }
.Ltmp2:
0xcb: {  	[sflag:s23] =	ssyncadd.s32 $0xFFFFE200;
	(pc) =	sbr.rel @p0 .LBB2_1-.Ltmp2, $4  }
0xcc: {  	[hbm4b:s16+s2] =	stream.linear.scatter [tilespmem:s18], [sflag:$0x9], $0x1E00, $0x38;
	[tilespmem:$0x1BE00] =	vst v63  }
0xcd: {  	_ =	swait.ge [sflag:s19], $0x1E00  }
0xce: {  	[sflag:s19] =	ssyncset.done $0x0  }
0xcf: {  	[sflag:s19] =	ssyncadd.s32 $0xFFFFE200  }
0xd0: {  	_ =	sfence.sel $0x180000  }
0xd1: {  	[bflag:$0x0] =	sbarrier.arrive $0xFFFF  }
0xd2: {  	_ =	strace $0x9000004A  }
0xd3: {  	s0 =	stileid.u32;
	[bflag:$0x2] =	sbarrier.arrive $0xFFFF  }
0xd4: {  	p0 =	sne.s32 s0, $0x0;
	s0 =	rddreg [dreg:$0x2]  }
0xd5: {  	s0 =	sadd.s32 @!p0 $0x100000, s0  }
0xd6: {  	[sflag:s0] =	ssyncadd.tile.s32 @!p0 $0x1;
	_ =	shalt  }
.Lfunc_end2:
_tile_overlayer_lowered:
.L_overlay_start_2:
0xd7: {  	(tag) =	ssettag $0x2  }
0xd8: {  	s0 =	rddreg [dreg:$0x0];
	s2 =	stileid.u32  }
0xd9: {  	s1 =	rddreg [dreg:$0x1];
	p0 =	sne.s32 s2, $0x0  }
0xda: {  	s3 =	rddreg [dreg:$0x2];
	[bflag:$0x3] =	sbarrier.arrive $0xFFFF;
	s2 =	simm.s32 @!p0 $0x1C09  }
0xdb: {  	[timem:s3], [sflag:s2] =	dma.local @!p0 [hbm:s0], s1  }
0xdc: {  	s0 =	simm.s32 @!p0 $0x9  }
0xdd: {  	_ =	swait.ge @!p0 [sflag:s0], s1  }
0xde: {  	s1 =	ssub.s32 @!p0 $0x0, s1;
	[sflag:s0] =	ssyncset.done @!p0 $0x0  }
0xdf: {  	[sflag:s0] =	ssyncadd.s32 @!p0 s1  }
0xe0: {  	[bflag:$0x3] =	sbarrier.arrive $0xFFFF  }
0xe1: {  	_ =	shalt  }

// kernel: kernel.14.cloned.1.call-start
scs
__scs_entry_jumppad:
0x0: {  	(pc) =	sbr.rel $0x88, $3  }
0x1: {  	(tag) =	ssettag $0x0;
	lr =	simm.s32 $0x1  }
0x2: {  	[smem:$0x3F94] =	sst lr;
	_ =	strace $0xD0000000  }
0x3: {  	_ = 	snop  }
0x4: {  	_ = 	snop  }
0x5: {  	_ = 	snop  }
0x6: {  	_ = 	snop  }
0x7: {  	_ = 	snop  }
__scs_overlays_trampoline_lowered:
0x8: {  	[smem:$0x3FA3] =	sst s0  }
0x9: {  	[smem:$0x3FA4] =	sst s1  }
0xa: {  	[smem:$0x3FA5] =	sst s2  }
0xb: {  	[smem:$0x3FA6] =	sst s3  }
0xc: {  	[smem:$0x3FA7] =	sst s4  }
0xd: {  	[smem:$0x3FA8] =	sst s5  }
0xe: {  	[smem:$0x3FA9] =	sst s6  }
0xf: {  	[smem:$0x3FAA] =	sst s7  }
0x10: {  	[smem:$0x3FAB] =	sst s8  }
0x11: {  	[smem:$0x3FAC] =	sst s9;
	s0 =	simm.s32 @!p0 $0x0  }
0x12: {  	s1 =	sld [smem:$0x3F92];
	s0 =	simm.s32 @p0 $0x1  }
0x13: {  	[smem:$0x3FAD] =	sst s0;
	s0 =	simm.s32 @!p1 $0x0  }
0x14: {  	s2 =	sld [smem:$0x3F91];
	s0 =	simm.s32 @p1 $0x1  }
0x15: {  	[smem:$0x3FAE] =	sst s0;
	s0 =	simm.s32 @!p2 $0x0  }
0x16: {  	s3 =	sld [smem:$0x3FDB];
	s0 =	simm.s32 @p2 $0x1  }
0x17: {  	s4 =	simm.s32 $0x1BF5;
	[smem:$0x3FB0] =	sst s0  }
0x18: {  	s0 =	sld [smem:$0x3F93];
	_ =	swait.ge [sflag:s4], $0x0  }
0x19: {  	s7 =	sld [smem:$0x3F94]  }
0x1a: {  	s8 =	sadd.s32 $0xFFFFE003, lr  }
0x1b: {  	s9 =	sadd.s32 $0xFFFFFEF7, lr;
	s5 =	simm.s32 $0xFFFFFFFF;
	p2 =	slt.u32 s8, $0xFFFFF086  }
0x1c: {  	p1 =	slt.u32 s9, $0xF7A;
	s5 =	simm.s32 @!p2 $0x0  }
0x1d: {  	s5 =	simm.s32 @p1 $0x1;
	p0 =	seq.s32 s7, s2  }
0x1e: {  	s7 =	smul.u32 @!p0 $0xF7A, s2;
	p2 =	seq.s32 @!p0 s5, $0x0  }
0x1f: {  	s9 =	smul.u32 $0xF7A, s1;
	s8 =	simm.s32 @!p0 $0x1BF5;
	p2 =	por !p2, p0  }
0x20: {  	[sflag:s8] =	ssyncset.s32 @!p0 $0xFFFFF086;
	s6 =	sadd.s32 @!p0 s3, s7;
	s7 =	simm.s32 @!p0 $0x108  }
0x21: {  	s3 =	sadd.s32 s3, s9;
	s6 =	sadd.s32 @!p0 $0x88, s6;
	s7 =	simm.s32 @p2 $0x1082  }
0x22: {  	[simem:s7], [sflag:s8] =	dma.local @!p0 [hbm:s6], $0xF7A  }
0x23: {  	s9 =	sor.u32 $0xD0000000, s2;
	s6 =	simm.s32 $0x108;
	_ =	swait.ge @!p0 [sflag:s8], $0x0  }
0x24: {  	s3 =	sadd.s32 $0x88, s3;
	s6 =	simm.s32 @!p1 $0x1082;
	[sflag:s4] =	ssyncset.s32 $0xFFFFF086  }
0x25: {  	[simem:s6], [sflag:s4] =	dma.local [hbm:s3], $0xF7A  }
0x26: {  	[smem:$0x3F94] =	sst s1;
	(tag) =	ssettag s2;
	_ =	strace s9  }
0x27: {  	s1 =	sld [smem:$0x3FA4]  }
0x28: {  	s2 =	sld [smem:$0x3FA5]  }
0x29: {  	s4 =	sld [smem:$0x3FA7]  }
0x2a: {  	p0 =	seq.s32 s5, $0x0;
	s5 =	sld [smem:$0x3FA8]  }
0x2b: {  	s6 =	sld [smem:$0x3FA9]  }
0x2c: {  	s7 =	sld [smem:$0x3FAA]  }
0x2d: {  	s3 =	simm.s32 $0x108;
	s8 =	sld [smem:$0x3FAB]  }
0x2e: {  	s3 =	simm.s32 @!p0 $0x1082;
	s9 =	sld [smem:$0x3FAC]  }
0x2f: {  	lr =	sadd.s32 s0, s3;
	s0 =	sld [smem:$0x3FA3]  }
0x30: {  	s3 =	sld [smem:$0x3FA6]  }
0x31: {  	[smem:$0x3FAF] =	sst s10  }
0x32: {  	s10 =	sld [smem:$0x3FAD];
	_ =	sdelay $0x3  }
0x33: {  	p0 =	seq.s32 s10, $0x1;
	s10 =	sld [smem:$0x3FAF];
	_ =	sdelay $0x3  }
0x34: {  	[smem:$0x3FAF] =	sst s10  }
0x35: {  	s10 =	sld [smem:$0x3FAE];
	_ =	sdelay $0x3  }
0x36: {  	p1 =	seq.s32 s10, $0x1;
	s10 =	sld [smem:$0x3FAF];
	_ =	sdelay $0x3  }
0x37: {  	[smem:$0x3FAF] =	sst s10  }
0x38: {  	s10 =	sld [smem:$0x3FB0]  }
0x39: {  	_ = 	snop;
	(pc) =	sbr.ind lr, $3  }
0x3a: {  	_ = 	snop  }
0x3b: {  	_ = 	snop  }
0x3c: {  	p2 =	seq.s32 s10, $0x1;
	s10 =	sld [smem:$0x3FAF]  }
0x3d: {  	_ =	shalt  }
0x3e: {  	_ =	shalt  }
0x3f: {  	_ =	shalt  }
0x40: {  	_ =	shalt  }
0x41: {  	_ =	shalt  }
0x42: {  	_ =	shalt  }
0x43: {  	_ =	shalt  }
0x44: {  	_ =	shalt  }
0x45: {  	_ =	shalt  }
0x46: {  	_ =	shalt  }
0x47: {  	_ =	shalt  }
0x48: {  	_ =	shalt  }
0x49: {  	_ =	shalt  }
0x4a: {  	_ =	shalt  }
0x4b: {  	_ =	shalt  }
0x4c: {  	_ =	shalt  }
0x4d: {  	_ =	shalt  }
0x4e: {  	_ =	shalt  }
0x4f: {  	_ =	shalt  }
0x50: {  	_ =	shalt  }
0x51: {  	_ =	shalt  }
0x52: {  	_ =	shalt  }
0x53: {  	_ =	shalt  }
0x54: {  	_ =	shalt  }
0x55: {  	_ =	shalt  }
0x56: {  	_ =	shalt  }
0x57: {  	_ =	shalt  }
0x58: {  	_ =	shalt  }
0x59: {  	_ =	shalt  }
0x5a: {  	_ =	shalt  }
0x5b: {  	_ =	shalt  }
0x5c: {  	_ =	shalt  }
0x5d: {  	_ =	shalt  }
0x5e: {  	_ =	shalt  }
0x5f: {  	_ =	shalt  }
0x60: {  	_ =	shalt  }
0x61: {  	_ =	shalt  }
0x62: {  	_ =	shalt  }
0x63: {  	_ =	shalt  }
0x64: {  	_ =	shalt  }
0x65: {  	_ =	shalt  }
0x66: {  	_ =	shalt  }
0x67: {  	_ =	shalt  }
0x68: {  	_ =	shalt  }
0x69: {  	_ =	shalt  }
0x6a: {  	_ =	shalt  }
0x6b: {  	_ =	shalt  }
0x6c: {  	_ =	shalt  }
0x6d: {  	_ =	shalt  }
0x6e: {  	_ =	shalt  }
0x6f: {  	_ =	shalt  }
0x70: {  	_ =	shalt  }
0x71: {  	_ =	shalt  }
0x72: {  	_ =	shalt  }
0x73: {  	_ =	shalt  }
0x74: {  	_ =	shalt  }
0x75: {  	_ =	shalt  }
0x76: {  	_ =	shalt  }
0x77: {  	_ =	shalt  }
0x78: {  	_ =	shalt  }
0x79: {  	_ =	shalt  }
0x7a: {  	_ =	shalt  }
0x7b: {  	_ =	shalt  }
0x7c: {  	_ =	shalt  }
0x7d: {  	_ =	shalt  }
0x7e: {  	_ =	shalt  }
0x7f: {  	_ =	shalt  }
0x80: {  	_ =	shalt  }
0x81: {  	_ =	shalt  }
0x82: {  	_ =	shalt  }
0x83: {  	_ =	shalt  }
0x84: {  	_ =	shalt  }
0x85: {  	_ =	shalt  }
0x86: {  	_ =	shalt  }
0x87: {  	_ =	shalt  }
.Lfunc_end0:
.L_simem_size_0:
called_computation.2_lowered:
.L_overlay_start_0:
0x88: {  	s2 =	sld [smem:$0x3FD9]  }
0x89: {  	s3 =	sld [smem:$0x3FFE];
	_ =	sdelay $0x1  }
0x8a: {  	s1 =	srdreg.scid  }
0x8b: {  	s0 =	sand.u32 $0x1, s1  }
0x8c: {  	s16 =	sshll.u32 s0, $0xA;
	s2 =	sadd.s32 s3, s2  }
0x8d: {  	s2 =	sadd.s32 s2, s16  }
0x8e: {  	[smem:$0x3FBB] =	sst s2  }
0x8f: {  	_ = 	snop  }
0x90: {  	(tm) =	ssettm $0x1  }
0x91: {  	s17 =	sld [smem:$0x3FFB];
	_ =	sdelay $0x3  }
0x92: {  	_ =	strace s17  }
0x93: {  	s2 =	sld [smem:$0x3FFC];
	_ =	sdelay $0x3  }
0x94: {  	_ =	strace s2  }
0x95: {  	s2 =	sld [smem:$0x3FFD];
	_ =	sdelay $0x3  }
0x96: {  	_ =	strace s2  }
0x97: {  	_ =	strace $0x8FFFFFFF  }
0x98: {  	s18 =	sld [smem:$0x3FDB];
	_ =	sdelay $0x1  }
0x99: {  	s19 =	simm.s32 $_scs_section_size  }
0x9a: {  	s4 =	simm.s32 $_size__tile_overlayer_lowered;
	s5 =	simm.s32 $_tile_overlayer_lowered  }
0x9b: {  	s22 =	simm.s32 $0x1BFF;
	s21 =	sshll.u32 s5, $0x1;
	s2 =	sadd.s32 s19, s18  }
0x9c: {  	s6 =	simm.s32 $0x0;
	s20 =	sshll.u32 s4, $0x1;
	s4 =	sadd.s32 s21, s2  }
0x9d: {  	[timem:s6], [sflag:s22] =	dma.local [hbm:s4], s20  }
0x9e: {  	_ =	swait.ge [sflag:s22], s20  }
0x9f: {  	s3 =	ssub.s32 $0x0, s20;
	[sflag:s22] =	ssyncset.done $0x0  }
0xa0: {  	[sflag:s22] =	ssyncadd.s32 s3;
	_ =	sdelay $0x1  }
0xa1: {  	s23 =	simm.s32 $0x1B8B  }
0xa2: {  	_ =	swait.ge [sflag:s23], $0x1  }
0xa3: {  	[sflag:s23] =	ssyncset.done $0x0  }
0xa4: {  	s25 =	simm.s32 $0x1B8E;
	s24 =	sld [smem:$0x3FFE];
	[sflag:s23] =	ssyncadd.s32 $0xFFFFFFFF  }
0xa5: {  	s26 =	simm.s32 $execute0_lowered;
	[smem:$0x3FD2] =	sst s25  }
0xa6: {  	s4 =	sshll.u32 s26, $0x1;
	_ =	strace $0x8000004C;
	[dreg:$0x1] =	wrdreg $0xFFFFFFFF  }
0xa7: {  	s28 =	simm.s32 $_size_execute0_lowered;
	s2 =	sadd.s32 s2, s4;
	[dreg:$0x0] =	wrdreg $0x0  }
0xa8: {  	s4 =	sshll.u32 s28, $0x1;
	[dreg:$0x2] =	wrdreg s2  }
0xa9: {  	[dreg:$0x3] =	wrdreg s4  }
0xaa: {  	[dreg:$0x4] =	wrdreg $0xC0  }
0xab: {  	_ =	task [dreg:s6], $0x5FFFF  }
0xac: {  	[dreg:$0x1] =	wrdreg $0xFFFFFFFF  }
0xad: {  	[dreg:$0x0] =	wrdreg $0x60  }
0xae: {  	[dreg:$0x2] =	wrdreg s24  }
0xaf: {  	[dreg:$0x3] =	wrdreg $0x120000  }
0xb0: {  	[dreg:$0x4] =	wrdreg $0x9  }
0xb1: {  	_ =	task.clear_ibuf [dreg:s6], $0x5FFFF;
	_ =	strace $0x9000004C  }
0xb2: {  	s29 =	simm.s32 $0x9;
	_ =	strace $0x8000004E  }
0xb3: {  	_ =	swait.ge [sflag:s29], $0x1  }
0xb4: {  	[sflag:s29] =	ssyncadd.s32 $0xFFFFFFFF  }
0xb5: {  	_ =	strace $0x9000004E  }
0xb6: {  	_ =	sfence  }
0xb7: {  	s30 =	sld [smem:$0x0];
	_ =	sdelay $0x2  }
0xb8: {  	s31 =	sshll.u32 s1, $0xD;
	s1 =	sshrl.u32 s1, $0x2  }
0xb9: {  	s3 =	sand.u32 $0x4000, s31;
	s1 =	sadd.s32 s1, s30  }
0xba: {  	s0 =	sor.u32 s3, s0;
	s1 =	sshll.u32 s1, $0x11  }
0xbb: {  	s0 =	sor.u32 s1, s0  }
0xbc: {  	s0 =	sadd.s32 $0x8F2B, s0  }
0xbd: {  	[sflag:s0] =	ssyncadd.remote.s32 $0x1  }
0xbe: {  	_ =	sfence.sel $0xFFFF  }
0xbf: {  	[dreg:$0x0] =	wrdreg $0xFFFFFFFF;
	(pc) =	sbr.abs _section_cstart, $3  }
0xc0: {  	[dreg:$0x1] =	wrdreg $0xFFFFFFFF  }
0xc1: {  	_ =	task.clear_ibuf [dreg:s6], $0x2FFFF;
	_ =	strace $0x9FFFFFFF  }
0xc2: {  	(tm) =	ssettm $0x7FFFFFFF  }
0xc3: {  	_ =	shalt  }
tec
execute0_lowered:
.L_overlay_start_1:
0x0: {  	(tag) =	ssettag $0x1  }
0x1: {  	s0 =	rddreg [dreg:$0x0]  }
0x2: {  	s1 =	rddreg [dreg:$0x1];
	s2 =	simm.s32 $0x0  }
0x3: {  	s3 =	srdreg.scid;
	s6 =	stileid.u32;
	s18 =	simm.s32 $0xA000  }
0x4: {  	s30 =	simm.s32 $0x10000;
	s31 =	simm.s32 $0x3;
	s5 =	smul.u32 $0xA00, s6  }
0x5: {  	s28 =	simm.s32 $0x7;
	s3 =	sand.u32 $0x1, s3;
	s10 =	smul.u32 $0x9E00, s6  }
0x6: {  	s29 =	simm.s32 $0x8;
	[smem:$0x7FF] =	sst s2;
	s4 =	smul.u32 $0x13880, s3  }
0x7: {  	_ =	strace $0x8000004D;
	s19 =	ssub.s32 $0x2, s3;
	s3 =	smul.u32 $0x9E000, s3  }
0x8: {  	s11 =	sadd.s32 s5, s0;
	s20 =	sshrl.u32 s19, $0x1;
	s13 =	sadd.s32 $0x2000, s10  }
0x9: {  	s14 =	sadd.s32 $0x4000, s10;
	s15 =	sadd.s32 $0x6000, s10;
	s16 =	sadd.s32 $0x8000, s10  }
0xa: {  	s9 =	sadd.s32 s4, s0;
	s0 =	sadd.s32 $0x14E00, s0;
	s12 =	ssub.s32 s19, s20  }
0xb: {  	s4 =	sadd.s32 s10, s1;
	s5 =	sadd.s32 s13, s1;
	s6 =	sadd.s32 s14, s1  }
0xc: {  	s7 =	sadd.s32 s15, s1;
	s8 =	sadd.s32 s16, s1;
	s17 =	sadd.s32 $0xAE00, s11  }
0xd: {  	s11 =	sadd.s32 $0xE00, s11;
	s10 =	sadd.s32 s10, s3;
	s13 =	sadd.s32 s3, s13  }
0xe: {  	s24 =	sadd.s32 s3, s14;
	s25 =	sadd.s32 s3, s15;
	s3 =	sadd.s32 s3, s16  }
0xf: {  	s19 =	simm.s32 $0x9;
	s20 =	simm.s32 $0x5000;
	[dreg:$0x3] =	wrdreg s17  }
0x10: {  	[dreg:$0x4] =	wrdreg s11;
	s11 =	sadd.s32 $0x8A200, s9;
	s21 =	sshrl.u32 s10, $0x3  }
0x11: {  	s22 =	sshrl.u32 s13, $0x3;
	s26 =	sshrl.u32 s25, $0x3;
	s3 =	sshrl.u32 s3, $0x3  }
0x12: {  	s17 =	smax.u32 s12, $0x1;
	s25 =	simm.s32 $0xE000;
	s9 =	sadd.s32 s0, s21  }
0x13: {  	s23 =	sadd.s32 s0, s22;
	s15 =	sadd.s32 s0, s26;
	s16 =	sadd.s32 s0, s3  }
0x14: {  	s21 =	simm.s32 $0x80;
	s22 =	simm.s32 $0xC000;
	[dreg:$0x5] =	wrdreg s9  }
0x15: {  	s26 =	simm.s32 $0x2;
	s3 =	simm.s32 $0x4;
	[dreg:$0x6] =	wrdreg s23  }
0x16: {  	s9 =	sshrl.u32 s24, $0x3;
	s23 =	simm.s32 $0x1;
	s24 =	simm.s32 $0x6  }
0x17: {  	v0 =	vimm.f32 $0.0e+00;
	s14 =	sadd.s32 s0, s9;
	s0 =	simm.s32 $0x5;
	s9 =	simm.s32 $0x0  }
.LBB2_1:
0x18: {  	s12 =	simm.s32 $0x100;
	s10 =	simm.s32 $0x0  }
.LBB2_2:
0x19: {  	p0 =	sne.s32 s12, $0x7F00;
	[tilespmem:s10+$0xA030] =	vst v0;
	s13 =	smov.u32 s12;
	s12 =	sadd.s32 $0x100, s12  }
.Ltmp0:
0x1a: {  	[tilespmem:s10+$0xA020] =	vst v0;
	(pc) =	sbr.rel @p0 .LBB2_2-.Ltmp0, $3  }
0x1b: {  	[tilespmem:s10+$0xA000] =	vst v0  }
0x1c: {  	[tilespmem:s10+$0xA010] =	vst v0;
	_ =	sdelay $0x1  }
0x1d: {  	s10 =	sshra.s32 s13, $0x2  }
0x1e: {  	[tilespmem:s10+$0xA030] =	vst v0  }
0x1f: {  	[tilespmem:s10+$0xA020] =	vst v0  }
0x20: {  	[tilespmem:s10+$0xA000] =	vst v0  }
0x21: {  	[tilespmem:s10+$0xA010] =	vst v0  }
0x22: {  	[spmem:s4] =	stream.linear.scatter [tilespmem:s18], [sflag:$0x9], $0x2000, $0x38;
	[tilespmem:$0x1BE00] =	vst v63  }
0x23: {  	_ =	swait.ge [sflag:s19], $0x2000  }
0x24: {  	[sflag:s19] =	ssyncset.done $0x0  }
0x25: {  	[sflag:s19] =	ssyncadd.s32 $0xFFFFE000  }
0x26: {  	[spmem:s5] =	stream.linear.scatter [tilespmem:s18], [sflag:$0x9], $0x2000, $0x38;
	[tilespmem:$0x1BE00] =	vst v63  }
0x27: {  	_ =	swait.ge [sflag:s19], $0x2000  }
0x28: {  	[sflag:s19] =	ssyncset.done $0x0  }
0x29: {  	[sflag:s19] =	ssyncadd.s32 $0xFFFFE000  }
0x2a: {  	[spmem:s6] =	stream.linear.scatter [tilespmem:s18], [sflag:$0x9], $0x2000, $0x38;
	[tilespmem:$0x1BE00] =	vst v63  }
0x2b: {  	_ =	swait.ge [sflag:s19], $0x2000  }
0x2c: {  	[sflag:s19] =	ssyncset.done $0x0  }
0x2d: {  	[sflag:s19] =	ssyncadd.s32 $0xFFFFE000  }
0x2e: {  	[spmem:s7] =	stream.linear.scatter [tilespmem:s18], [sflag:$0x9], $0x2000, $0x38;
	[tilespmem:$0x1BE00] =	vst v63  }
0x2f: {  	_ =	swait.ge [sflag:s19], $0x2000  }
0x30: {  	[sflag:s19] =	ssyncset.done $0x0  }
0x31: {  	[sflag:s19] =	ssyncadd.s32 $0xFFFFE000  }
0x32: {  	[spmem:s8] =	stream.linear.scatter [tilespmem:s18], [sflag:$0x9], $0x1E00, $0x38;
	[tilespmem:$0x1BE00] =	vst v63  }
0x33: {  	_ =	swait.ge [sflag:s19], $0x1E00  }
0x34: {  	[sflag:s19] =	ssyncset.done $0x0  }
0x35: {  	s10 =	simm.s32 $0x0;
	s12 =	rddreg [dreg:$0x3];
	[sflag:s19] =	ssyncadd.s32 $0xFFFFE200  }
0x36: {  	[tilespmem:s10], [sflag:$0x9] =	stream.linear.gather [hbm4b:s12+s10], $0x5000, $0x38;
	[tilespmem:$0x1BE00] =	vst v63  }
0x37: {  	_ =	swait.ge [sflag:s19], $0x5000  }
0x38: {  	[sflag:s19] =	ssyncset.done $0x0  }
0x39: {  	s13 =	rddreg [dreg:$0x4];
	[sflag:s19] =	ssyncadd.s32 $0xFFFFB000  }
0x3a: {  	[tilespmem:s20], [sflag:$0x9] =	stream.linear.gather [hbm4b:s13+s10], $0x5000, $0x38;
	[tilespmem:$0x1BE00] =	vst v63  }
0x3b: {  	_ =	swait.ge [sflag:s19], $0x5000  }
0x3c: {  	[sflag:s19] =	ssyncset.done $0x0  }
0x3d: {  	[sflag:s19] =	ssyncadd.s32 $0xFFFFB000  }
0x3e: {  	[bflag:$0x0] =	sbarrier.arrive $0xFFFF  }
0x3f: {  	[tilespmem:s18], [sflag:$0x1] =	stream.indirect.gather [hbm4b:s11+s21], $0x40, s10, s21, $0xb8;
	[tilespmem:$0x1BE00] =	vst v63  }
0x40: {  	_ = 	snop  }
0x41: {  	[tilespmem:s22], [sflag:$0x2] =	stream.indirect.gather [hbm4b:s11+s21], $0x40, s21, s21, $0xb8;
	[tilespmem:$0x1BE00] =	vst v63  }
0x42: {  	_ =	swait.ge [sflag:s23], $0x2000  }
0x43: {  	[sflag:s23] =	ssyncset.done $0x0  }
0x44: {  	[sflag:s23] =	ssyncadd.s32 $0xFFFFE000  }
0x45: {  	[spmem:s1] =	stream.indirect.scatter.add.f32 [tilespmem:s18], [sflag:$0x5], $0x40, s20, s21, $0xb8;
	[tilespmem:$0x1BE00] =	vst v63  }
0x46: {  	s12 =	simm.s32 $0x100  }
0x47: {  	[tilespmem:s25], [sflag:$0x3] =	stream.indirect.gather [hbm4b:s11+s21], $0x40, s12, s21, $0xb8;
	[tilespmem:$0x1BE00] =	vst v63  }
0x48: {  	_ =	swait.ge [sflag:s26], $0x2000  }
0x49: {  	[sflag:s26] =	ssyncset.done $0x0  }
0x4a: {  	s13 =	simm.s32 $0x5080;
	[sflag:s26] =	ssyncadd.s32 $0xFFFFE000  }
0x4b: {  	[spmem:s1] =	stream.indirect.scatter.add.f32 [tilespmem:s22], [sflag:$0x6], $0x40, s13, s21, $0xb8;
	[tilespmem:$0x1BE00] =	vst v63  }
0x4c: {  	s12 =	simm.s32 $0x180  }
0x4d: {  	[tilespmem:s30], [sflag:$0x4] =	stream.indirect.gather [hbm4b:s11+s21], $0x40, s12, s21, $0xb8;
	[tilespmem:$0x1BE00] =	vst v63  }
0x4e: {  	_ =	swait.ge [sflag:s31], $0x2000  }
0x4f: {  	[sflag:s31] =	ssyncset.done $0x0  }
0x50: {  	s13 =	simm.s32 $0x5100;
	[sflag:s31] =	ssyncadd.s32 $0xFFFFE000  }
0x51: {  	[spmem:s1] =	stream.indirect.scatter.add.f32 [tilespmem:s25], [sflag:$0x7], $0x40, s13, s21, $0xb8;
	[tilespmem:$0x1BE00] =	vst v63  }
0x52: {  	_ =	swait.ge [sflag:s0], $0x2000  }
0x53: {  	[sflag:s0] =	ssyncset.done $0x0  }
0x54: {  	s12 =	simm.s32 $0x200;
	[sflag:s0] =	ssyncadd.s32 $0xFFFFE000  }
0x55: {  	[tilespmem:s18], [sflag:$0x1] =	stream.indirect.gather [hbm4b:s11+s21], $0x40, s12, s21, $0xb8;
	[tilespmem:$0x1BE00] =	vst v63  }
0x56: {  	_ =	swait.ge [sflag:s3], $0x2000  }
0x57: {  	[sflag:s3] =	ssyncset.done $0x0  }
0x58: {  	s13 =	simm.s32 $0x5180;
	[sflag:s3] =	ssyncadd.s32 $0xFFFFE000  }
0x59: {  	[spmem:s1] =	stream.indirect.scatter.add.f32 [tilespmem:s30], [sflag:$0x8], $0x40, s13, s21, $0xb8;
	[tilespmem:$0x1BE00] =	vst v63  }
0x5a: {  	_ =	swait.ge [sflag:s24], $0x2000  }
0x5b: {  	[sflag:s24] =	ssyncset.done $0x0  }
0x5c: {  	s12 =	simm.s32 $0x280;
	[sflag:s24] =	ssyncadd.s32 $0xFFFFE000  }
0x5d: {  	[tilespmem:s22], [sflag:$0x2] =	stream.indirect.gather [hbm4b:s11+s21], $0x40, s12, s21, $0xb8;
	[tilespmem:$0x1BE00] =	vst v63  }
0x5e: {  	_ =	swait.ge [sflag:s23], $0x2000  }
0x5f: {  	[sflag:s23] =	ssyncset.done $0x0  }
0x60: {  	s13 =	simm.s32 $0x5200;
	[sflag:s23] =	ssyncadd.s32 $0xFFFFE000  }
0x61: {  	[spmem:s1] =	stream.indirect.scatter.add.f32 [tilespmem:s18], [sflag:$0x5], $0x40, s13, s21, $0xb8;
	[tilespmem:$0x1BE00] =	vst v63  }
0x62: {  	_ =	swait.ge [sflag:s28], $0x2000  }
0x63: {  	[sflag:s28] =	ssyncset.done $0x0  }
0x64: {  	s12 =	simm.s32 $0x300;
	[sflag:s28] =	ssyncadd.s32 $0xFFFFE000  }
0x65: {  	[tilespmem:s25], [sflag:$0x3] =	stream.indirect.gather [hbm4b:s11+s21], $0x40, s12, s21, $0xb8;
	[tilespmem:$0x1BE00] =	vst v63  }
0x66: {  	_ =	swait.ge [sflag:s26], $0x2000  }
0x67: {  	[sflag:s26] =	ssyncset.done $0x0  }
0x68: {  	s13 =	simm.s32 $0x5280;
	[sflag:s26] =	ssyncadd.s32 $0xFFFFE000  }
0x69: {  	[spmem:s1] =	stream.indirect.scatter.add.f32 [tilespmem:s22], [sflag:$0x6], $0x40, s13, s21, $0xb8;
	[tilespmem:$0x1BE00] =	vst v63  }
0x6a: {  	_ =	swait.ge [sflag:s29], $0x2000  }
0x6b: {  	[sflag:s29] =	ssyncset.done $0x0  }
0x6c: {  	s10 =	simm.s32 $0x800;
	s12 =	simm.s32 $0x380;
	[sflag:s29] =	ssyncadd.s32 $0xFFFFE000  }
.LBB2_4:
0x6d: {  	[tilespmem:s30], [sflag:$0x4] =	stream.indirect.gather [hbm4b:s11+s21], $0x40, s12, s21, $0xb8;
	[tilespmem:$0x1BE00] =	vst v63  }
0x6e: {  	s12 =	smov.u32 s10  }
0x6f: {  	p0 =	sne.s32 s10, $0x13000;
	s10 =	sadd.s32 $0x800, s10;
	_ =	swait.ge [sflag:s31], $0x2000  }
0x70: {  	s12 =	sshra.s32 s12, $0x2;
	[sflag:s31] =	ssyncset.done $0x0  }
0x71: {  	s13 =	sadd.s32 $0x5100, s12;
	[sflag:s31] =	ssyncadd.s32 $0xFFFFE000  }
0x72: {  	[spmem:s1] =	stream.indirect.scatter.add.f32 [tilespmem:s25], [sflag:$0x7], $0x40, s13, s21, $0xb8;
	[tilespmem:$0x1BE00] =	vst v63  }
0x73: {  	_ =	swait.ge [sflag:s0], $0x2000  }
0x74: {  	[sflag:s0] =	ssyncset.done $0x0  }
0x75: {  	s13 =	sadd.s32 $0x200, s12;
	[sflag:s0] =	ssyncadd.s32 $0xFFFFE000  }
0x76: {  	[tilespmem:s18], [sflag:$0x1] =	stream.indirect.gather [hbm4b:s11+s21], $0x40, s13, s21, $0xb8;
	[tilespmem:$0x1BE00] =	vst v63  }
0x77: {  	_ =	swait.ge [sflag:s3], $0x2000  }
0x78: {  	[sflag:s3] =	ssyncset.done $0x0  }
0x79: {  	s13 =	sadd.s32 $0x5180, s12;
	[sflag:s3] =	ssyncadd.s32 $0xFFFFE000  }
0x7a: {  	[spmem:s1] =	stream.indirect.scatter.add.f32 [tilespmem:s30], [sflag:$0x8], $0x40, s13, s21, $0xb8;
	[tilespmem:$0x1BE00] =	vst v63  }
0x7b: {  	_ =	swait.ge [sflag:s24], $0x2000  }
0x7c: {  	[sflag:s24] =	ssyncset.done $0x0  }
0x7d: {  	s13 =	sadd.s32 $0x280, s12;
	[sflag:s24] =	ssyncadd.s32 $0xFFFFE000  }
0x7e: {  	[tilespmem:s22], [sflag:$0x2] =	stream.indirect.gather [hbm4b:s11+s21], $0x40, s13, s21, $0xb8;
	[tilespmem:$0x1BE00] =	vst v63  }
0x7f: {  	_ =	swait.ge [sflag:s23], $0x2000  }
0x80: {  	[sflag:s23] =	ssyncset.done $0x0  }
0x81: {  	s13 =	sadd.s32 $0x5200, s12;
	[sflag:s23] =	ssyncadd.s32 $0xFFFFE000  }
0x82: {  	[spmem:s1] =	stream.indirect.scatter.add.f32 [tilespmem:s18], [sflag:$0x5], $0x40, s13, s21, $0xb8;
	[tilespmem:$0x1BE00] =	vst v63  }
0x83: {  	_ =	swait.ge [sflag:s28], $0x2000  }
0x84: {  	[sflag:s28] =	ssyncset.done $0x0  }
0x85: {  	s13 =	sadd.s32 $0x300, s12;
	[sflag:s28] =	ssyncadd.s32 $0xFFFFE000  }
0x86: {  	[tilespmem:s25], [sflag:$0x3] =	stream.indirect.gather [hbm4b:s11+s21], $0x40, s13, s21, $0xb8;
	[tilespmem:$0x1BE00] =	vst v63  }
0x87: {  	_ =	swait.ge [sflag:s26], $0x2000  }
0x88: {  	[sflag:s26] =	ssyncset.done $0x0  }
.Ltmp1:
0x89: {  	s13 =	sadd.s32 $0x5280, s12;
	[sflag:s26] =	ssyncadd.s32 $0xFFFFE000;
	(pc) =	sbr.rel @p0 .LBB2_4-.Ltmp1, $4  }
0x8a: {  	[spmem:s1] =	stream.indirect.scatter.add.f32 [tilespmem:s22], [sflag:$0x6], $0x40, s13, s21, $0xb8;
	[tilespmem:$0x1BE00] =	vst v63  }
0x8b: {  	_ =	swait.ge [sflag:s29], $0x2000  }
0x8c: {  	[sflag:s29] =	ssyncset.done $0x0  }
0x8d: {  	s12 =	sadd.s32 $0x380, s12;
	[sflag:s29] =	ssyncadd.s32 $0xFFFFE000  }
0x8e: {  	[tilespmem:s30], [sflag:$0x4] =	stream.indirect.gather [hbm4b:s11+s21], $0x40, s12, s21, $0xb8;
	[tilespmem:$0x1BE00] =	vst v63  }
0x8f: {  	_ =	swait.ge [sflag:s31], $0x2000  }
0x90: {  	[sflag:s31] =	ssyncset.done $0x0  }
0x91: {  	s10 =	simm.s32 $0x9F00;
	[sflag:s31] =	ssyncadd.s32 $0xFFFFE000  }
0x92: {  	[spmem:s1] =	stream.indirect.scatter.add.f32 [tilespmem:s25], [sflag:$0x7], $0x40, s10, s21, $0xb8;
	[tilespmem:$0x1BE00] =	vst v63  }
0x93: {  	_ =	swait.ge [sflag:s3], $0x2000  }
0x94: {  	[sflag:s3] =	ssyncset.done $0x0  }
0x95: {  	s13 =	simm.s32 $0x9F80;
	[sflag:s3] =	ssyncadd.s32 $0xFFFFE000  }
0x96: {  	[spmem:s1] =	stream.indirect.scatter.add.f32 [tilespmem:s30], [sflag:$0x8], $0x40, s13, s21, $0xb8;
	[tilespmem:$0x1BE00] =	vst v63  }
0x97: {  	_ =	swait.ge [sflag:s0], $0x2000  }
0x98: {  	[sflag:s0] =	ssyncset.done $0x0  }
0x99: {  	[sflag:s0] =	ssyncadd.s32 $0xFFFFE000  }
0x9a: {  	_ =	swait.ge [sflag:s24], $0x2000  }
0x9b: {  	[sflag:s24] =	ssyncset.done $0x0  }
0x9c: {  	[sflag:s24] =	ssyncadd.s32 $0xFFFFE000  }
0x9d: {  	_ =	swait.ge [sflag:s28], $0x2000  }
0x9e: {  	[sflag:s28] =	ssyncset.done $0x0  }
0x9f: {  	[sflag:s28] =	ssyncadd.s32 $0xFFFFE000  }
0xa0: {  	_ =	swait.ge [sflag:s29], $0x2000  }
0xa1: {  	[sflag:s29] =	ssyncset.done $0x0  }
0xa2: {  	[sflag:s29] =	ssyncadd.s32 $0xFFFFE000  }
0xa3: {  	[bflag:$0x0] =	sbarrier.arrive $0xFFFF  }
0xa4: {  	[tilespmem:s18], [sflag:$0x9] =	stream.linear.gather [spmem:s4], $0x2000, $0x38;
	[tilespmem:$0x1BE00] =	vst v63  }
0xa5: {  	_ =	swait.ge [sflag:s19], $0x2000  }
0xa6: {  	[sflag:s19] =	ssyncset.done $0x0  }
0xa7: {  	[sflag:s19] =	ssyncadd.s32 $0xFFFFE000  }
0xa8: {  	[tilespmem:s22], [sflag:$0x2] =	stream.linear.gather [spmem:s5], $0x2000, $0x38;
	[tilespmem:$0x1BE00] =	vst v63  }
0xa9: {  	s12 =	rddreg [dreg:$0x5]  }
0xaa: {  	[hbm4b:s12+s2] =	stream.linear.scatter [tilespmem:s18], [sflag:$0x9], $0x2000, $0x38;
	[tilespmem:$0x1BE00] =	vst v63  }
0xab: {  	_ =	swait.ge [sflag:s19], $0x2000  }
0xac: {  	[sflag:s19] =	ssyncset.done $0x0  }
0xad: {  	[sflag:s19] =	ssyncadd.s32 $0xFFFFE000  }
0xae: {  	_ =	swait.ge [sflag:s26], $0x2000  }
0xaf: {  	[sflag:s26] =	ssyncset.done $0x0  }
0xb0: {  	[sflag:s26] =	ssyncadd.s32 $0xFFFFE000  }
0xb1: {  	[tilespmem:s18], [sflag:$0x1] =	stream.linear.gather [spmem:s6], $0x2000, $0x38;
	[tilespmem:$0x1BE00] =	vst v63  }
0xb2: {  	s13 =	rddreg [dreg:$0x6]  }
0xb3: {  	[hbm4b:s13+s2] =	stream.linear.scatter [tilespmem:s22], [sflag:$0x9], $0x2000, $0x38;
	[tilespmem:$0x1BE00] =	vst v63  }
0xb4: {  	_ =	swait.ge [sflag:s19], $0x2000  }
0xb5: {  	[sflag:s19] =	ssyncset.done $0x0  }
0xb6: {  	[sflag:s19] =	ssyncadd.s32 $0xFFFFE000  }
0xb7: {  	_ =	swait.ge [sflag:s23], $0x2000  }
0xb8: {  	[sflag:s23] =	ssyncset.done $0x0  }
0xb9: {  	[sflag:s23] =	ssyncadd.s32 $0xFFFFE000  }
0xba: {  	[tilespmem:s22], [sflag:$0x2] =	stream.linear.gather [spmem:s7], $0x2000, $0x38;
	[tilespmem:$0x1BE00] =	vst v63  }
0xbb: {  	_ = 	snop  }
0xbc: {  	[hbm4b:s14+s2] =	stream.linear.scatter [tilespmem:s18], [sflag:$0x9], $0x2000, $0x38;
	[tilespmem:$0x1BE00] =	vst v63  }
0xbd: {  	_ =	swait.ge [sflag:s19], $0x2000  }
0xbe: {  	[sflag:s19] =	ssyncset.done $0x0  }
0xbf: {  	[sflag:s19] =	ssyncadd.s32 $0xFFFFE000  }
0xc0: {  	_ =	swait.ge [sflag:s26], $0x2000  }
0xc1: {  	[sflag:s26] =	ssyncset.done $0x0  }
0xc2: {  	[sflag:s26] =	ssyncadd.s32 $0xFFFFE000  }
0xc3: {  	[tilespmem:s18], [sflag:$0x1] =	stream.linear.gather [spmem:s8], $0x1E00, $0x38;
	[tilespmem:$0x1BE00] =	vst v63  }
0xc4: {  	_ = 	snop  }
0xc5: {  	[hbm4b:s15+s2] =	stream.linear.scatter [tilespmem:s22], [sflag:$0x9], $0x2000, $0x38;
	[tilespmem:$0x1BE00] =	vst v63  }
0xc6: {  	_ =	swait.ge [sflag:s19], $0x2000  }
0xc7: {  	[sflag:s19] =	ssyncset.done $0x0  }
0xc8: {  	[sflag:s19] =	ssyncadd.s32 $0xFFFFE000  }
0xc9: {  	s9 =	sadd.s32 $0x1, s9;
	_ =	swait.ge [sflag:s23], $0x1E00  }
0xca: {  	p0 =	sne.s32 s9, s17;
	[sflag:s23] =	ssyncset.done $0x0  }
.Ltmp2:
0xcb: {  	[sflag:s23] =	ssyncadd.s32 $0xFFFFE200;
	(pc) =	sbr.rel @p0 .LBB2_1-.Ltmp2, $4  }
0xcc: {  	[hbm4b:s16+s2] =	stream.linear.scatter [tilespmem:s18], [sflag:$0x9], $0x1E00, $0x38;
	[tilespmem:$0x1BE00] =	vst v63  }
0xcd: {  	_ =	swait.ge [sflag:s19], $0x1E00  }
0xce: {  	[sflag:s19] =	ssyncset.done $0x0  }
0xcf: {  	[sflag:s19] =	ssyncadd.s32 $0xFFFFE200  }
0xd0: {  	_ =	sfence.sel $0x180000  }
0xd1: {  	[bflag:$0x0] =	sbarrier.arrive $0xFFFF  }
0xd2: {  	_ =	strace $0x9000004D  }
0xd3: {  	s0 =	stileid.u32;
	[bflag:$0x2] =	sbarrier.arrive $0xFFFF  }
0xd4: {  	p0 =	sne.s32 s0, $0x0;
	s0 =	rddreg [dreg:$0x2]  }
0xd5: {  	s0 =	sadd.s32 @!p0 $0x100000, s0  }
0xd6: {  	[sflag:s0] =	ssyncadd.tile.s32 @!p0 $0x1;
	_ =	shalt  }
.Lfunc_end2:
_tile_overlayer_lowered:
.L_overlay_start_2:
0xd7: {  	(tag) =	ssettag $0x2  }
0xd8: {  	s0 =	rddreg [dreg:$0x0];
	s2 =	stileid.u32  }
0xd9: {  	s1 =	rddreg [dreg:$0x1];
	p0 =	sne.s32 s2, $0x0  }
0xda: {  	s3 =	rddreg [dreg:$0x2];
	[bflag:$0x3] =	sbarrier.arrive $0xFFFF;
	s2 =	simm.s32 @!p0 $0x1C09  }
0xdb: {  	[timem:s3], [sflag:s2] =	dma.local @!p0 [hbm:s0], s1  }
0xdc: {  	s0 =	simm.s32 @!p0 $0x9  }
0xdd: {  	_ =	swait.ge @!p0 [sflag:s0], s1  }
0xde: {  	s1 =	ssub.s32 @!p0 $0x0, s1;
	[sflag:s0] =	ssyncset.done @!p0 $0x0  }
0xdf: {  	[sflag:s0] =	ssyncadd.s32 @!p0 s1  }
0xe0: {  	[bflag:$0x3] =	sbarrier.arrive $0xFFFF  }
0xe1: {  	_ =	shalt  }

// kernel: kernel.8.cloned.1.call-start
scs
__scs_entry_jumppad:
0x0: {  	(pc) =	sbr.rel $0x88, $3  }
0x1: {  	(tag) =	ssettag $0x0;
	lr =	simm.s32 $0x1  }
0x2: {  	[smem:$0x3F94] =	sst lr;
	_ =	strace $0xD0000000  }
0x3: {  	_ = 	snop  }
0x4: {  	_ = 	snop  }
0x5: {  	_ = 	snop  }
0x6: {  	_ = 	snop  }
0x7: {  	_ = 	snop  }
__scs_overlays_trampoline_lowered:
0x8: {  	[smem:$0x3FA3] =	sst s0  }
0x9: {  	[smem:$0x3FA4] =	sst s1  }
0xa: {  	[smem:$0x3FA5] =	sst s2  }
0xb: {  	[smem:$0x3FA6] =	sst s3  }
0xc: {  	[smem:$0x3FA7] =	sst s4  }
0xd: {  	[smem:$0x3FA8] =	sst s5  }
0xe: {  	[smem:$0x3FA9] =	sst s6  }
0xf: {  	[smem:$0x3FAA] =	sst s7  }
0x10: {  	[smem:$0x3FAB] =	sst s8  }
0x11: {  	[smem:$0x3FAC] =	sst s9;
	s0 =	simm.s32 @!p0 $0x0  }
0x12: {  	s1 =	sld [smem:$0x3F92];
	s0 =	simm.s32 @p0 $0x1  }
0x13: {  	[smem:$0x3FAD] =	sst s0;
	s0 =	simm.s32 @!p1 $0x0  }
0x14: {  	s2 =	sld [smem:$0x3F91];
	s0 =	simm.s32 @p1 $0x1  }
0x15: {  	[smem:$0x3FAE] =	sst s0;
	s0 =	simm.s32 @!p2 $0x0  }
0x16: {  	s3 =	sld [smem:$0x3FDB];
	s0 =	simm.s32 @p2 $0x1  }
0x17: {  	s4 =	simm.s32 $0x1BF5;
	[smem:$0x3FB0] =	sst s0  }
0x18: {  	s0 =	sld [smem:$0x3F93];
	_ =	swait.ge [sflag:s4], $0x0  }
0x19: {  	s7 =	sld [smem:$0x3F94]  }
0x1a: {  	s8 =	sadd.s32 $0xFFFFE003, lr  }
0x1b: {  	s9 =	sadd.s32 $0xFFFFFEF7, lr;
	s5 =	simm.s32 $0xFFFFFFFF;
	p2 =	slt.u32 s8, $0xFFFFF086  }
0x1c: {  	p1 =	slt.u32 s9, $0xF7A;
	s5 =	simm.s32 @!p2 $0x0  }
0x1d: {  	s5 =	simm.s32 @p1 $0x1;
	p0 =	seq.s32 s7, s2  }
0x1e: {  	s7 =	smul.u32 @!p0 $0xF7A, s2;
	p2 =	seq.s32 @!p0 s5, $0x0  }
0x1f: {  	s9 =	smul.u32 $0xF7A, s1;
	s8 =	simm.s32 @!p0 $0x1BF5;
	p2 =	por !p2, p0  }
0x20: {  	[sflag:s8] =	ssyncset.s32 @!p0 $0xFFFFF086;
	s6 =	sadd.s32 @!p0 s3, s7;
	s7 =	simm.s32 @!p0 $0x108  }
0x21: {  	s3 =	sadd.s32 s3, s9;
	s6 =	sadd.s32 @!p0 $0x88, s6;
	s7 =	simm.s32 @p2 $0x1082  }
0x22: {  	[simem:s7], [sflag:s8] =	dma.local @!p0 [hbm:s6], $0xF7A  }
0x23: {  	s9 =	sor.u32 $0xD0000000, s2;
	s6 =	simm.s32 $0x108;
	_ =	swait.ge @!p0 [sflag:s8], $0x0  }
0x24: {  	s3 =	sadd.s32 $0x88, s3;
	s6 =	simm.s32 @!p1 $0x1082;
	[sflag:s4] =	ssyncset.s32 $0xFFFFF086  }
0x25: {  	[simem:s6], [sflag:s4] =	dma.local [hbm:s3], $0xF7A  }
0x26: {  	[smem:$0x3F94] =	sst s1;
	(tag) =	ssettag s2;
	_ =	strace s9  }
0x27: {  	s1 =	sld [smem:$0x3FA4]  }
0x28: {  	s2 =	sld [smem:$0x3FA5]  }
0x29: {  	s4 =	sld [smem:$0x3FA7]  }
0x2a: {  	p0 =	seq.s32 s5, $0x0;
	s5 =	sld [smem:$0x3FA8]  }
0x2b: {  	s6 =	sld [smem:$0x3FA9]  }
0x2c: {  	s7 =	sld [smem:$0x3FAA]  }
0x2d: {  	s3 =	simm.s32 $0x108;
	s8 =	sld [smem:$0x3FAB]  }
0x2e: {  	s3 =	simm.s32 @!p0 $0x1082;
	s9 =	sld [smem:$0x3FAC]  }
0x2f: {  	lr =	sadd.s32 s0, s3;
	s0 =	sld [smem:$0x3FA3]  }
0x30: {  	s3 =	sld [smem:$0x3FA6]  }
0x31: {  	[smem:$0x3FAF] =	sst s10  }
0x32: {  	s10 =	sld [smem:$0x3FAD];
	_ =	sdelay $0x3  }
0x33: {  	p0 =	seq.s32 s10, $0x1;
	s10 =	sld [smem:$0x3FAF];
	_ =	sdelay $0x3  }
0x34: {  	[smem:$0x3FAF] =	sst s10  }
0x35: {  	s10 =	sld [smem:$0x3FAE];
	_ =	sdelay $0x3  }
0x36: {  	p1 =	seq.s32 s10, $0x1;
	s10 =	sld [smem:$0x3FAF];
	_ =	sdelay $0x3  }
0x37: {  	[smem:$0x3FAF] =	sst s10  }
0x38: {  	s10 =	sld [smem:$0x3FB0]  }
0x39: {  	_ = 	snop;
	(pc) =	sbr.ind lr, $3  }
0x3a: {  	_ = 	snop  }
0x3b: {  	_ = 	snop  }
0x3c: {  	p2 =	seq.s32 s10, $0x1;
	s10 =	sld [smem:$0x3FAF]  }
0x3d: {  	_ =	shalt  }
0x3e: {  	_ =	shalt  }
0x3f: {  	_ =	shalt  }
0x40: {  	_ =	shalt  }
0x41: {  	_ =	shalt  }
0x42: {  	_ =	shalt  }
0x43: {  	_ =	shalt  }
0x44: {  	_ =	shalt  }
0x45: {  	_ =	shalt  }
0x46: {  	_ =	shalt  }
0x47: {  	_ =	shalt  }
0x48: {  	_ =	shalt  }
0x49: {  	_ =	shalt  }
0x4a: {  	_ =	shalt  }
0x4b: {  	_ =	shalt  }
0x4c: {  	_ =	shalt  }
0x4d: {  	_ =	shalt  }
0x4e: {  	_ =	shalt  }
0x4f: {  	_ =	shalt  }
0x50: {  	_ =	shalt  }
0x51: {  	_ =	shalt  }
0x52: {  	_ =	shalt  }
0x53: {  	_ =	shalt  }
0x54: {  	_ =	shalt  }
0x55: {  	_ =	shalt  }
0x56: {  	_ =	shalt  }
0x57: {  	_ =	shalt  }
0x58: {  	_ =	shalt  }
0x59: {  	_ =	shalt  }
0x5a: {  	_ =	shalt  }
0x5b: {  	_ =	shalt  }
0x5c: {  	_ =	shalt  }
0x5d: {  	_ =	shalt  }
0x5e: {  	_ =	shalt  }
0x5f: {  	_ =	shalt  }
0x60: {  	_ =	shalt  }
0x61: {  	_ =	shalt  }
0x62: {  	_ =	shalt  }
0x63: {  	_ =	shalt  }
0x64: {  	_ =	shalt  }
0x65: {  	_ =	shalt  }
0x66: {  	_ =	shalt  }
0x67: {  	_ =	shalt  }
0x68: {  	_ =	shalt  }
0x69: {  	_ =	shalt  }
0x6a: {  	_ =	shalt  }
0x6b: {  	_ =	shalt  }
0x6c: {  	_ =	shalt  }
0x6d: {  	_ =	shalt  }
0x6e: {  	_ =	shalt  }
0x6f: {  	_ =	shalt  }
0x70: {  	_ =	shalt  }
0x71: {  	_ =	shalt  }
0x72: {  	_ =	shalt  }
0x73: {  	_ =	shalt  }
0x74: {  	_ =	shalt  }
0x75: {  	_ =	shalt  }
0x76: {  	_ =	shalt  }
0x77: {  	_ =	shalt  }
0x78: {  	_ =	shalt  }
0x79: {  	_ =	shalt  }
0x7a: {  	_ =	shalt  }
0x7b: {  	_ =	shalt  }
0x7c: {  	_ =	shalt  }
0x7d: {  	_ =	shalt  }
0x7e: {  	_ =	shalt  }
0x7f: {  	_ =	shalt  }
0x80: {  	_ =	shalt  }
0x81: {  	_ =	shalt  }
0x82: {  	_ =	shalt  }
0x83: {  	_ =	shalt  }
0x84: {  	_ =	shalt  }
0x85: {  	_ =	shalt  }
0x86: {  	_ =	shalt  }
0x87: {  	_ =	shalt  }
.Lfunc_end0:
.L_simem_size_0:
called_computation_lowered:
.L_overlay_start_0:
0x88: {  	s2 =	sld [smem:$0x3FD9]  }
0x89: {  	s3 =	sld [smem:$0x3FFE];
	_ =	sdelay $0x1  }
0x8a: {  	s1 =	srdreg.scid  }
0x8b: {  	s0 =	sand.u32 $0x1, s1  }
0x8c: {  	s16 =	sshll.u32 s0, $0xA;
	s2 =	sadd.s32 s3, s2  }
0x8d: {  	s2 =	sadd.s32 s2, s16  }
0x8e: {  	[smem:$0x3FBB] =	sst s2  }
0x8f: {  	_ = 	snop  }
0x90: {  	(tm) =	ssettm $0x1  }
0x91: {  	s17 =	sld [smem:$0x3FFB];
	_ =	sdelay $0x3  }
0x92: {  	_ =	strace s17  }
0x93: {  	s2 =	sld [smem:$0x3FFC];
	_ =	sdelay $0x3  }
0x94: {  	_ =	strace s2  }
0x95: {  	s2 =	sld [smem:$0x3FFD];
	_ =	sdelay $0x3  }
0x96: {  	_ =	strace s2  }
0x97: {  	_ =	strace $0x8FFFFFFF  }
0x98: {  	s18 =	sld [smem:$0x3FDB];
	_ =	sdelay $0x1  }
0x99: {  	s19 =	simm.s32 $_scs_section_size  }
0x9a: {  	s4 =	simm.s32 $_size__tile_overlayer_lowered;
	s5 =	simm.s32 $_tile_overlayer_lowered  }
0x9b: {  	s22 =	simm.s32 $0x1BFF;
	s21 =	sshll.u32 s5, $0x1;
	s2 =	sadd.s32 s19, s18  }
0x9c: {  	s6 =	simm.s32 $0x0;
	s20 =	sshll.u32 s4, $0x1;
	s4 =	sadd.s32 s21, s2  }
0x9d: {  	[timem:s6], [sflag:s22] =	dma.local [hbm:s4], s20  }
0x9e: {  	_ =	swait.ge [sflag:s22], s20  }
0x9f: {  	s3 =	ssub.s32 $0x0, s20;
	[sflag:s22] =	ssyncset.done $0x0  }
0xa0: {  	[sflag:s22] =	ssyncadd.s32 s3;
	_ =	sdelay $0x1  }
0xa1: {  	s23 =	simm.s32 $0x1B8B  }
0xa2: {  	_ =	swait.ge [sflag:s23], $0x1  }
0xa3: {  	[sflag:s23] =	ssyncset.done $0x0  }
0xa4: {  	s25 =	simm.s32 $0x1B8E;
	s24 =	sld [smem:$0x3FFE];
	[sflag:s23] =	ssyncadd.s32 $0xFFFFFFFF  }
0xa5: {  	s26 =	simm.s32 $execute0_lowered;
	[smem:$0x3FD2] =	sst s25  }
0xa6: {  	s4 =	sshll.u32 s26, $0x1;
	_ =	strace $0x80000046;
	[dreg:$0x1] =	wrdreg $0xFFFFFFFF  }
0xa7: {  	s28 =	simm.s32 $_size_execute0_lowered;
	s2 =	sadd.s32 s2, s4;
	[dreg:$0x0] =	wrdreg $0x0  }
0xa8: {  	s4 =	sshll.u32 s28, $0x1;
	[dreg:$0x2] =	wrdreg s2  }
0xa9: {  	[dreg:$0x3] =	wrdreg s4  }
0xaa: {  	[dreg:$0x4] =	wrdreg $0xC0  }
0xab: {  	_ =	task [dreg:s6], $0x5FFFF  }
0xac: {  	[dreg:$0x1] =	wrdreg $0xFFFFFFFF  }
0xad: {  	[dreg:$0x0] =	wrdreg $0x60  }
0xae: {  	[dreg:$0x2] =	wrdreg s24  }
0xaf: {  	[dreg:$0x3] =	wrdreg $0x2B000  }
0xb0: {  	[dreg:$0x4] =	wrdreg $0x9  }
0xb1: {  	_ =	task.clear_ibuf [dreg:s6], $0x5FFFF;
	_ =	strace $0x90000046  }
0xb2: {  	s29 =	simm.s32 $0x9;
	_ =	strace $0x80000048  }
0xb3: {  	_ =	swait.ge [sflag:s29], $0x1  }
0xb4: {  	[sflag:s29] =	ssyncadd.s32 $0xFFFFFFFF  }
0xb5: {  	_ =	strace $0x90000048  }
0xb6: {  	_ =	sfence  }
0xb7: {  	s30 =	sld [smem:$0x0];
	_ =	sdelay $0x2  }
0xb8: {  	s31 =	sshll.u32 s1, $0xD;
	s1 =	sshrl.u32 s1, $0x2  }
0xb9: {  	s3 =	sand.u32 $0x4000, s31;
	s1 =	sadd.s32 s1, s30  }
0xba: {  	s0 =	sor.u32 s3, s0;
	s1 =	sshll.u32 s1, $0x11  }
0xbb: {  	s0 =	sor.u32 s1, s0  }
0xbc: {  	s0 =	sadd.s32 $0x8F2B, s0  }
0xbd: {  	[sflag:s0] =	ssyncadd.remote.s32 $0x1  }
0xbe: {  	_ =	sfence.sel $0xFFFF  }
0xbf: {  	[dreg:$0x0] =	wrdreg $0xFFFFFFFF;
	(pc) =	sbr.abs _section_cstart, $3  }
0xc0: {  	[dreg:$0x1] =	wrdreg $0xFFFFFFFF  }
0xc1: {  	_ =	task.clear_ibuf [dreg:s6], $0x2FFFF;
	_ =	strace $0x9FFFFFFF  }
0xc2: {  	(tm) =	ssettm $0x7FFFFFFF  }
0xc3: {  	_ =	shalt  }
tec
execute0_lowered:
.L_overlay_start_1:
0x0: {  	(tag) =	ssettag $0x1  }
0x1: {  	s1 =	srdreg.scid  }
0x2: {  	s0 =	stileid.u32;
	s4 =	rddreg [dreg:$0x0]  }
0x3: {  	s2 =	rddreg [dreg:$0x1];
	s6 =	smul.u32 $0x5000, s0  }
0x4: {  	s3 =	simm.s32 $0x0;
	s5 =	sand.u32 $0x1, s1;
	s8 =	smul.u32 $0x278, s0  }
0x5: {  	s10 =	simm.s32 $0x80;
	s11 =	simm.s32 $0x2800;
	s7 =	smul.u32 $0x2800, s5  }
0x6: {  	s12 =	simm.s32 $0x1;
	[smem:$0x7FF] =	sst s3;
	s9 =	smul.u32 $0x2780, s5  }
0x7: {  	s13 =	simm.s32 $0x0;
	s1 =	rddreg [dreg:$0x2];
	_ =	strace $0x80000047  }
0x8: {  	s5 =	ssub.s32 $0x2, s5;
	s6 =	sadd.s32 s7, s6;
	s30 =	sadd.s32 s8, s9  }
0x9: {  	s31 =	sshrl.u32 s5, $0x1;
	s6 =	sshrl.u32 s6, $0x3;
	s7 =	sshrl.u32 s30, $0x3  }
0xa: {  	s9 =	ssub.s32 s5, s31;
	s6 =	sadd.s32 s6, s4;
	s7 =	sadd.s32 s7, s4  }
0xb: {  	s4 =	sadd.s32 s8, s2;
	s8 =	simm.s32 $0x2880;
	s5 =	sadd.s32 $0xE00, s6  }
0xc: {  	v0 =	vimm.f32 $0.0e+00;
	v1 =	vimm.f32 $1.000000000e+00;
	s6 =	sadd.s32 $0x14E00, s7;
	s7 =	smax.u32 s9, $0x1;
	s9 =	simm.s32 $0x2  }
.LBB2_1:
0xd: {  	[tilespmem:$0x2880] =	vst v0  }
0xe: {  	[tilespmem:$0x2890] =	vst v0  }
0xf: {  	[tilespmem:$0x28A0] =	vst v0  }
0x10: {  	[tilespmem:$0x28B0] =	vst v0  }
0x11: {  	[tilespmem:$0x28C0] =	vst v0  }
0x12: {  	[tilespmem:$0x28D0] =	vst v0  }
0x13: {  	[tilespmem:$0x28E0] =	vst v0  }
0x14: {  	[tilespmem:$0x28F0] =	vst v0  }
0x15: {  	[tilespmem:$0x2900] =	vst v0  }
0x16: {  	[tilespmem:$0x2910] =	vst v0  }
0x17: {  	[tilespmem:$0x2920] =	vst v0  }
0x18: {  	[tilespmem:$0x2930] =	vst v0  }
0x19: {  	[tilespmem:$0x2940] =	vst v0  }
0x1a: {  	[tilespmem:$0x2950] =	vst v0  }
0x1b: {  	[tilespmem:$0x2960] =	vst v0  }
0x1c: {  	[tilespmem:$0x2970] =	vst v0  }
0x1d: {  	[tilespmem:$0x2980] =	vst v0  }
0x1e: {  	[tilespmem:$0x2990] =	vst v0  }
0x1f: {  	[tilespmem:$0x29A0] =	vst v0  }
0x20: {  	[tilespmem:$0x29B0] =	vst v0  }
0x21: {  	[tilespmem:$0x29C0] =	vst v0  }
0x22: {  	[tilespmem:$0x29D0] =	vst v0  }
0x23: {  	[tilespmem:$0x29E0] =	vst v0  }
0x24: {  	[tilespmem:$0x29F0] =	vst v0  }
0x25: {  	[tilespmem:$0x2A00] =	vst v0  }
0x26: {  	[tilespmem:$0x2A10] =	vst v0  }
0x27: {  	[tilespmem:$0x2A20] =	vst v0  }
0x28: {  	[tilespmem:$0x2A30] =	vst v0  }
0x29: {  	[tilespmem:$0x2A40] =	vst v0  }
0x2a: {  	[tilespmem:$0x2A50] =	vst v0  }
0x2b: {  	[tilespmem:$0x2A60] =	vst v0  }
0x2c: {  	[tilespmem:$0x2A70] =	vst v0  }
0x2d: {  	[tilespmem:$0x2A80] =	vst v0  }
0x2e: {  	[tilespmem:$0x2A90] =	vst v0  }
0x2f: {  	[tilespmem:$0x2AA0] =	vst v0  }
0x30: {  	[tilespmem:$0x2AB0] =	vst v0  }
0x31: {  	[tilespmem:$0x2AC0] =	vst v0  }
0x32: {  	[tilespmem:$0x2AD0] =	vst v0  }
0x33: {  	[tilespmem:$0x2AE0] =	vst v0  }
0x34: {  	[tilespmem:$0x2AF0] =	vst v0  }
0x35: {  	[tilespmem:$0x2800] =	vst v1  }
0x36: {  	[tilespmem:$0x2810] =	vst v1  }
0x37: {  	[tilespmem:$0x2820] =	vst v1  }
0x38: {  	[tilespmem:$0x2830] =	vst v1  }
0x39: {  	[tilespmem:$0x2840] =	vst v1  }
0x3a: {  	[tilespmem:$0x2850] =	vst v1  }
0x3b: {  	[tilespmem:$0x2860] =	vst v1  }
0x3c: {  	[tilespmem:$0x2870] =	vst v1  }
0x3d: {  	[spmem:s4] =	stream.linear.scatter [tilespmem:s8], [sflag:$0x2], $0x278, $0x38;
	[tilespmem:$0x2D78] =	vst v63  }
0x3e: {  	_ =	swait.ge [sflag:s9], $0x278  }
0x3f: {  	[sflag:s9] =	ssyncset.done $0x0  }
0x40: {  	[sflag:s9] =	ssyncadd.s32 $0xFFFFFD88  }
0x41: {  	[tilespmem:s3], [sflag:$0x2] =	stream.linear.gather [hbm4b:s5+s3], $0x2800, $0x38;
	[tilespmem:$0x2D78] =	vst v63  }
0x42: {  	_ =	swait.ge [sflag:s9], $0x2800  }
0x43: {  	[sflag:s9] =	ssyncset.done $0x0  }
0x44: {  	[sflag:s9] =	ssyncadd.s32 $0xFFFFD800  }
0x45: {  	s14 =	simm.s32 $0x0;
	[bflag:$0x0] =	sbarrier.arrive $0xFFFF  }
0x46: {  	[spmem:s2] =	stream.indirect.scatter.add.f32 [tilespmem:s11], [sflag:$0x1], $0x1, s14, s10, $0xb8;
	[tilespmem:$0x2D78] =	vst v63  }
0x47: {  	s24 =	simm.s32 $0x80  }
0x48: {  	[spmem:s2] =	stream.indirect.scatter.add.f32 [tilespmem:s11], [sflag:$0x1], $0x1, s24, s10, $0xb8;
	[tilespmem:$0x2D78] =	vst v63  }
0x49: {  	s25 =	simm.s32 $0x100  }
0x4a: {  	[spmem:s2] =	stream.indirect.scatter.add.f32 [tilespmem:s11], [sflag:$0x1], $0x1, s25, s10, $0xb8;
	[tilespmem:$0x2D78] =	vst v63  }
0x4b: {  	s26 =	simm.s32 $0x180  }
0x4c: {  	[spmem:s2] =	stream.indirect.scatter.add.f32 [tilespmem:s11], [sflag:$0x1], $0x1, s26, s10, $0xb8;
	[tilespmem:$0x2D78] =	vst v63  }
0x4d: {  	s28 =	simm.s32 $0x200  }
0x4e: {  	[spmem:s2] =	stream.indirect.scatter.add.f32 [tilespmem:s11], [sflag:$0x1], $0x1, s28, s10, $0xb8;
	[tilespmem:$0x2D78] =	vst v63  }
0x4f: {  	s29 =	simm.s32 $0x280  }
0x50: {  	[spmem:s2] =	stream.indirect.scatter.add.f32 [tilespmem:s11], [sflag:$0x1], $0x1, s29, s10, $0xb8;
	[tilespmem:$0x2D78] =	vst v63  }
0x51: {  	s30 =	simm.s32 $0x300  }
0x52: {  	[spmem:s2] =	stream.indirect.scatter.add.f32 [tilespmem:s11], [sflag:$0x1], $0x1, s30, s10, $0xb8;
	[tilespmem:$0x2D78] =	vst v63  }
0x53: {  	s31 =	simm.s32 $0x380  }
0x54: {  	[spmem:s2] =	stream.indirect.scatter.add.f32 [tilespmem:s11], [sflag:$0x1], $0x1, s31, s10, $0xb8;
	[tilespmem:$0x2D78] =	vst v63  }
0x55: {  	_ =	swait.ge [sflag:s12], $0x80  }
0x56: {  	[sflag:s12] =	ssyncset.done $0x0  }
0x57: {  	[sflag:s12] =	ssyncadd.s32 $0xFFFFFF80  }
0x58: {  	_ =	swait.ge [sflag:s12], $0x80  }
0x59: {  	[sflag:s12] =	ssyncset.done $0x0  }
0x5a: {  	[sflag:s12] =	ssyncadd.s32 $0xFFFFFF80  }
0x5b: {  	_ =	swait.ge [sflag:s12], $0x80  }
0x5c: {  	[sflag:s12] =	ssyncset.done $0x0  }
0x5d: {  	[sflag:s12] =	ssyncadd.s32 $0xFFFFFF80  }
0x5e: {  	_ =	swait.ge [sflag:s12], $0x80  }
0x5f: {  	[sflag:s12] =	ssyncset.done $0x0  }
0x60: {  	[sflag:s12] =	ssyncadd.s32 $0xFFFFFF80  }
0x61: {  	_ =	swait.ge [sflag:s12], $0x80  }
0x62: {  	[sflag:s12] =	ssyncset.done $0x0  }
0x63: {  	[sflag:s12] =	ssyncadd.s32 $0xFFFFFF80  }
0x64: {  	_ =	swait.ge [sflag:s12], $0x80  }
0x65: {  	[sflag:s12] =	ssyncset.done $0x0  }
0x66: {  	[sflag:s12] =	ssyncadd.s32 $0xFFFFFF80  }
0x67: {  	_ =	swait.ge [sflag:s12], $0x80  }
0x68: {  	[sflag:s12] =	ssyncset.done $0x0  }
0x69: {  	[sflag:s12] =	ssyncadd.s32 $0xFFFFFF80  }
0x6a: {  	_ =	swait.ge [sflag:s12], $0x80  }
0x6b: {  	s16 =	simm.s32 $0x2000;
	s14 =	simm.s32 $0x1000;
	[sflag:s12] =	ssyncset.done $0x0  }
.LBB2_2:
0x6c: {  	s17 =	sshra.s32 s14, $0x2  }
0x6d: {  	[sflag:s12] =	ssyncadd.s32 $0xFFFFFF80;
	s14 =	smov.u32 s16;
	s15 =	sadd.s32 $0x1000, s16  }
0x6e: {  	[spmem:s2] =	stream.indirect.scatter.add.f32 [tilespmem:s11], [sflag:$0x1], $0x1, s17, s10, $0xb8;
	[tilespmem:$0x2D78] =	vst v63  }
0x6f: {  	p0 =	sne.s32 s16, $0x9000;
	s16 =	sadd.s32 $0x80, s17  }
0x70: {  	[spmem:s2] =	stream.indirect.scatter.add.f32 [tilespmem:s11], [sflag:$0x1], $0x1, s16, s10, $0xb8;
	[tilespmem:$0x2D78] =	vst v63  }
0x71: {  	s16 =	sadd.s32 $0x100, s17  }
0x72: {  	[spmem:s2] =	stream.indirect.scatter.add.f32 [tilespmem:s11], [sflag:$0x1], $0x1, s16, s10, $0xb8;
	[tilespmem:$0x2D78] =	vst v63  }
0x73: {  	s16 =	sadd.s32 $0x180, s17  }
0x74: {  	[spmem:s2] =	stream.indirect.scatter.add.f32 [tilespmem:s11], [sflag:$0x1], $0x1, s16, s10, $0xb8;
	[tilespmem:$0x2D78] =	vst v63  }
0x75: {  	s16 =	sadd.s32 $0x200, s17  }
0x76: {  	[spmem:s2] =	stream.indirect.scatter.add.f32 [tilespmem:s11], [sflag:$0x1], $0x1, s16, s10, $0xb8;
	[tilespmem:$0x2D78] =	vst v63  }
0x77: {  	s16 =	sadd.s32 $0x280, s17  }
0x78: {  	[spmem:s2] =	stream.indirect.scatter.add.f32 [tilespmem:s11], [sflag:$0x1], $0x1, s16, s10, $0xb8;
	[tilespmem:$0x2D78] =	vst v63  }
0x79: {  	s16 =	sadd.s32 $0x300, s17  }
0x7a: {  	[spmem:s2] =	stream.indirect.scatter.add.f32 [tilespmem:s11], [sflag:$0x1], $0x1, s16, s10, $0xb8;
	[tilespmem:$0x2D78] =	vst v63  }
0x7b: {  	s16 =	sadd.s32 $0x380, s17  }
0x7c: {  	[spmem:s2] =	stream.indirect.scatter.add.f32 [tilespmem:s11], [sflag:$0x1], $0x1, s16, s10, $0xb8;
	[tilespmem:$0x2D78] =	vst v63  }
0x7d: {  	_ =	swait.ge [sflag:s12], $0x80  }
0x7e: {  	[sflag:s12] =	ssyncset.done $0x0  }
0x7f: {  	[sflag:s12] =	ssyncadd.s32 $0xFFFFFF80  }
0x80: {  	_ =	swait.ge [sflag:s12], $0x80  }
0x81: {  	[sflag:s12] =	ssyncset.done $0x0  }
0x82: {  	[sflag:s12] =	ssyncadd.s32 $0xFFFFFF80  }
0x83: {  	_ =	swait.ge [sflag:s12], $0x80  }
0x84: {  	[sflag:s12] =	ssyncset.done $0x0  }
0x85: {  	[sflag:s12] =	ssyncadd.s32 $0xFFFFFF80  }
0x86: {  	_ =	swait.ge [sflag:s12], $0x80  }
0x87: {  	[sflag:s12] =	ssyncset.done $0x0  }
0x88: {  	[sflag:s12] =	ssyncadd.s32 $0xFFFFFF80  }
0x89: {  	_ =	swait.ge [sflag:s12], $0x80  }
0x8a: {  	[sflag:s12] =	ssyncset.done $0x0  }
0x8b: {  	[sflag:s12] =	ssyncadd.s32 $0xFFFFFF80  }
0x8c: {  	_ =	swait.ge [sflag:s12], $0x80  }
0x8d: {  	[sflag:s12] =	ssyncset.done $0x0  }
0x8e: {  	[sflag:s12] =	ssyncadd.s32 $0xFFFFFF80  }
.Ltmp0:
0x8f: {  	_ =	swait.ge [sflag:s12], $0x80;
	(pc) =	sbr.rel @p0 .LBB2_2-.Ltmp0, $4  }
0x90: {  	[sflag:s12] =	ssyncset.done $0x0  }
0x91: {  	[sflag:s12] =	ssyncadd.s32 $0xFFFFFF80  }
0x92: {  	_ =	swait.ge [sflag:s12], $0x80  }
0x93: {  	s16 =	smov.u32 s15;
	[sflag:s12] =	ssyncset.done $0x0  }
0x94: {  	s14 =	sshra.s32 s14, $0x2;
	[sflag:s12] =	ssyncadd.s32 $0xFFFFFF80  }
0x95: {  	[spmem:s2] =	stream.indirect.scatter.add.f32 [tilespmem:s11], [sflag:$0x1], $0x1, s14, s10, $0xb8;
	[tilespmem:$0x2D78] =	vst v63  }
0x96: {  	s15 =	sadd.s32 $0x80, s14  }
0x97: {  	[spmem:s2] =	stream.indirect.scatter.add.f32 [tilespmem:s11], [sflag:$0x1], $0x1, s15, s10, $0xb8;
	[tilespmem:$0x2D78] =	vst v63  }
0x98: {  	s26 =	sadd.s32 $0x100, s14  }
0x99: {  	[spmem:s2] =	stream.indirect.scatter.add.f32 [tilespmem:s11], [sflag:$0x1], $0x1, s26, s10, $0xb8;
	[tilespmem:$0x2D78] =	vst v63  }
0x9a: {  	s28 =	sadd.s32 $0x180, s14  }
0x9b: {  	[spmem:s2] =	stream.indirect.scatter.add.f32 [tilespmem:s11], [sflag:$0x1], $0x1, s28, s10, $0xb8;
	[tilespmem:$0x2D78] =	vst v63  }
0x9c: {  	s29 =	sadd.s32 $0x200, s14  }
0x9d: {  	[spmem:s2] =	stream.indirect.scatter.add.f32 [tilespmem:s11], [sflag:$0x1], $0x1, s29, s10, $0xb8;
	[tilespmem:$0x2D78] =	vst v63  }
0x9e: {  	s30 =	sadd.s32 $0x280, s14  }
0x9f: {  	[spmem:s2] =	stream.indirect.scatter.add.f32 [tilespmem:s11], [sflag:$0x1], $0x1, s30, s10, $0xb8;
	[tilespmem:$0x2D78] =	vst v63  }
0xa0: {  	s31 =	sadd.s32 $0x300, s14  }
0xa1: {  	[spmem:s2] =	stream.indirect.scatter.add.f32 [tilespmem:s11], [sflag:$0x1], $0x1, s31, s10, $0xb8;
	[tilespmem:$0x2D78] =	vst v63  }
0xa2: {  	s14 =	sadd.s32 $0x380, s14  }
0xa3: {  	[spmem:s2] =	stream.indirect.scatter.add.f32 [tilespmem:s11], [sflag:$0x1], $0x1, s14, s10, $0xb8;
	[tilespmem:$0x2D78] =	vst v63  }
0xa4: {  	_ =	swait.ge [sflag:s12], $0x80  }
0xa5: {  	[sflag:s12] =	ssyncset.done $0x0  }
0xa6: {  	[sflag:s12] =	ssyncadd.s32 $0xFFFFFF80  }
0xa7: {  	_ =	swait.ge [sflag:s12], $0x80  }
0xa8: {  	[sflag:s12] =	ssyncset.done $0x0  }
0xa9: {  	[sflag:s12] =	ssyncadd.s32 $0xFFFFFF80  }
0xaa: {  	_ =	swait.ge [sflag:s12], $0x80  }
0xab: {  	[sflag:s12] =	ssyncset.done $0x0  }
0xac: {  	[sflag:s12] =	ssyncadd.s32 $0xFFFFFF80  }
0xad: {  	_ =	swait.ge [sflag:s12], $0x80  }
0xae: {  	[sflag:s12] =	ssyncset.done $0x0  }
0xaf: {  	[sflag:s12] =	ssyncadd.s32 $0xFFFFFF80  }
0xb0: {  	_ =	swait.ge [sflag:s12], $0x80  }
0xb1: {  	[sflag:s12] =	ssyncset.done $0x0  }
0xb2: {  	[sflag:s12] =	ssyncadd.s32 $0xFFFFFF80  }
0xb3: {  	_ =	swait.ge [sflag:s12], $0x80  }
0xb4: {  	[sflag:s12] =	ssyncset.done $0x0  }
0xb5: {  	[sflag:s12] =	ssyncadd.s32 $0xFFFFFF80  }
0xb6: {  	_ =	swait.ge [sflag:s12], $0x80  }
0xb7: {  	[sflag:s12] =	ssyncset.done $0x0  }
0xb8: {  	[sflag:s12] =	ssyncadd.s32 $0xFFFFFF80  }
0xb9: {  	_ =	swait.ge [sflag:s12], $0x80  }
0xba: {  	[sflag:s12] =	ssyncset.done $0x0  }
0xbb: {  	[sflag:s12] =	ssyncadd.s32 $0xFFFFFF80  }
0xbc: {  	[bflag:$0x0] =	sbarrier.arrive $0xFFFF  }
0xbd: {  	[tilespmem:s8], [sflag:$0x2] =	stream.linear.gather [spmem:s4], $0x278, $0x38;
	[tilespmem:$0x2D78] =	vst v63  }
0xbe: {  	s13 =	sadd.s32 $0x1, s13;
	_ =	swait.ge [sflag:s9], $0x278  }
0xbf: {  	p0 =	sne.s32 s13, s7;
	[sflag:s9] =	ssyncset.done $0x0  }
.Ltmp1:
0xc0: {  	[sflag:s9] =	ssyncadd.s32 $0xFFFFFD88;
	(pc) =	sbr.rel @p0 .LBB2_1-.Ltmp1, $4  }
0xc1: {  	[hbm4b:s6+s3] =	stream.linear.scatter [tilespmem:s8], [sflag:$0x2], $0x278, $0x38;
	[tilespmem:$0x2D78] =	vst v63  }
0xc2: {  	_ =	swait.ge [sflag:s9], $0x278  }
0xc3: {  	[sflag:s9] =	ssyncset.done $0x0  }
0xc4: {  	[sflag:s9] =	ssyncadd.s32 $0xFFFFFD88  }
0xc5: {  	_ =	sfence.sel $0x180000  }
0xc6: {  	[bflag:$0x0] =	sbarrier.arrive $0xFFFF  }
0xc7: {  	p0 =	sne.s32 s0, $0x0;
	_ =	strace $0x90000047  }
0xc8: {  	s0 =	sadd.s32 @!p0 $0x100000, s1;
	[bflag:$0x2] =	sbarrier.arrive $0xFFFF  }
0xc9: {  	[sflag:s0] =	ssyncadd.tile.s32 @!p0 $0x1;
	_ =	shalt  }
.Lfunc_end2:
_tile_overlayer_lowered:
.L_overlay_start_2:
0xca: {  	(tag) =	ssettag $0x2  }
0xcb: {  	s0 =	rddreg [dreg:$0x0];
	s2 =	stileid.u32  }
0xcc: {  	s1 =	rddreg [dreg:$0x1];
	p0 =	sne.s32 s2, $0x0  }
0xcd: {  	s3 =	rddreg [dreg:$0x2];
	[bflag:$0x3] =	sbarrier.arrive $0xFFFF;
	s2 =	simm.s32 @!p0 $0x1C02  }
0xce: {  	[timem:s3], [sflag:s2] =	dma.local @!p0 [hbm:s0], s1  }
0xcf: {  	s0 =	simm.s32 @!p0 $0x2  }
0xd0: {  	_ =	swait.ge @!p0 [sflag:s0], s1  }
0xd1: {  	s1 =	ssub.s32 @!p0 $0x0, s1;
	[sflag:s0] =	ssyncset.done @!p0 $0x0  }
0xd2: {  	[sflag:s0] =	ssyncadd.s32 @!p0 s1  }
0xd3: {  	[bflag:$0x3] =	sbarrier.arrive $0xFFFF  }
0xd4: {  	_ =	shalt  }

</sc_bundles>
